<compile_context>
chip_gen: v7x
topology: tpu7x:2x2x1
jax: 0.10.2.dev20260603
libtpu: 0.0.44.dev20260713+nightly
codegen_flags: <defaults>
</compile_context>

<pallas_src>
import jax
import jax.numpy as jnp
from jax import lax
from jax.experimental import pallas as pl
from jax.experimental.pallas import tpu as pltpu
from jax.experimental.pallas import tpu_sc as plsc

_NC, _NS, _L = 2, 16, 16
_NW = _NC * _NS
_BATCH = 16
_STREAMS = 8
_CHAN = 2
_T = 65536
_SEGS = _BATCH * _STREAMS * _CHAN
_SEG_PER_W = _SEGS // _NW
_NBUF = 3
_CH = 32768
_CPS = _T // _CH
_N = _SEG_PER_W * _CPS
_ZN = 4096
_ZPC = _CH // _ZN
_GLEAD = 1


def _body(audio_hbm, src_hbm, out_hbm, src_v, zbuf, shbuf, *rest):
    gsems = rest[:_NBUF]
    ssems = rest[_NBUF:2 * _NBUF]
    zsem = rest[2 * _NBUF]
    sid = lax.axis_index("s")
    wid = sid * _NC + lax.axis_index("c")
    bufs = [shbuf.at[pl.ds((sid * _NBUF + i) * _CH, _CH)] for i in range(_NBUF)]

    pltpu.sync_copy(src_hbm, src_v)

    flags = []
    coords = []
    for j in range(_SEG_PER_W):
        seg = wid * _SEG_PER_W + j
        b = seg // (_STREAMS * _CHAN)
        s = (seg // _CHAN) % _STREAMS
        c = seg % _CHAN
        coords.append((b, s, c))
        src_b = plsc.load_gather(src_v, [jnp.full((_L,), b, jnp.int32)])
        flags.append(src_b[0] == s)

    def pred(k):
        return flags[k // _CPS]

    def dst_slice(k, off, size):
        b, s, c = coords[k // _CPS]
        return out_hbm.at[b, s, c, pl.ds((k % _CPS) * _CH + off, size)]

    def gdesc(k):
        b, s, c = coords[k // _CPS]
        return (audio_hbm.at[b, s, c, pl.ds((k % _CPS) * _CH, _CH)],
                bufs[k % _NBUF], gsems[k % _NBUF])

    def sdesc(k):
        return (bufs[k % _NBUF], dst_slice(k, 0, _CH), ssems[k % _NBUF])

    for k in range(_GLEAD):

        @pl.when(jnp.logical_not(pred(k)))
        def _(k=k):
            pltpu.async_copy(*gdesc(k))

    zero = jnp.zeros((_L,), jnp.float32)

    def _zfill(i, carry):
        for u in range(16):
            zbuf[pl.ds((i * 16 + u) * _L, _L)] = zero
        return carry

    lax.fori_loop(0, _ZN // (_L * 16), _zfill, 0)

    for k in range(_N):
        q = k + _GLEAD
        if _GLEAD <= q < _N:
            if q - _NBUF >= 0:

                @pl.when(jnp.logical_not(pred(q - _NBUF)))
                def _(q=q):
                    pltpu.make_async_copy(*sdesc(q - _NBUF)).wait()

            @pl.when(jnp.logical_not(pred(q)))
            def _(q=q):
                pltpu.async_copy(*gdesc(q))

        @pl.when(pred(k))
        def _(k=k):
            for h in range(_ZPC):
                pltpu.async_copy(zbuf, dst_slice(k, h * _ZN, _ZN), zsem)

        @pl.when(jnp.logical_not(pred(k)))
        def _(k=k):
            pltpu.make_async_copy(*gdesc(k)).wait()
            pltpu.async_copy(*sdesc(k))

    for k in range(max(0, _N - _NBUF), _N):

        @pl.when(jnp.logical_not(pred(k)))
        def _(k=k):
            pltpu.make_async_copy(*sdesc(k)).wait()

    for k in range(_N):

        @pl.when(pred(k))
        def _(k=k):
            for h in range(_ZPC):
                pltpu.make_async_copy(zbuf, dst_slice(k, h * _ZN, _ZN),
                                      zsem).wait()


def kernel(audio, source_to_zero):
    mesh = plsc.VectorSubcoreMesh(core_axis_name="c", subcore_axis_name="s")
    out = pl.kernel(
        _body,
        out_type=jax.ShapeDtypeStruct(audio.shape, audio.dtype),
        mesh=mesh,
        scratch_types=[
            pltpu.VMEM((_BATCH,), jnp.int32),
            pltpu.VMEM((_ZN,), jnp.float32),
            pltpu.VMEM_SHARED((_NS * _NBUF * _CH,), jnp.float32),
        ] + [pltpu.SemaphoreType.DMA] * (2 * _NBUF + 1),
        compiler_params=pltpu.CompilerParams(needs_layout_passes=False),
    )(audio, source_to_zero)
    return out

# --- scband reference (transcript-rebuilt; emitter-appended) ---
"""Pipeline reference for scband-zero-random-source-36790689857971 (READ-ONLY COPY).

The authoritative reference and input builder live on the scoring server;
editing this copy changes nothing except your own understanding.
"""

import jax, jax.numpy as jnp
import numpy as np


def setup_inputs(seed: int = 0) -> dict:
    key = jax.random.key(seed)
    k1, k2 = jax.random.split(key)
    batch, streams, channels, time = 16, 8, 2, 65536
    audio = jax.random.normal(k1, (batch, streams, channels, time), dtype=jnp.float32)
    # Deterministic stand-in for torch.randint(streams, (batch,)) with p=1.0 (always apply)
    source_to_zero = jax.random.randint(k2, (batch,), 0, streams, dtype=jnp.int32)
    return {"audio": audio, "source_to_zero": source_to_zero}


def reference(audio, source_to_zero):
    # Faithful translation of the p=1.0 branch: for each batch element b,
    # overwrite audio[b, source_to_zero[b], :, :] with zeros.
    batch = audio.shape[0]
    out = audio.at[jnp.arange(batch), source_to_zero].set(0.0)
    return out

if __name__ == "__main__":
    import jax
    _d = setup_inputs()
    print(jax.jit(kernel)(*tuple(_d.values())))

</pallas_src>

<mosaic_0001>
#map = affine_map<(d0, d1) -> (0, 0, 0, 0)>
#map1 = affine_map<(d0, d1) -> (0)>
module attributes {stable_mosaic.version = 14 : i64} {
  func.func @_body(%arg0: i32, %arg1: i32, %arg2: memref<16x8x2x65536xf32, #tpu.memory_space<hbm>>, %arg3: memref<16xi32, #tpu.memory_space<hbm>>, %arg4: memref<16x8x2x65536xf32, #tpu.memory_space<hbm>>, %arg5: memref<16xi32, #tpu.memory_space<vmem>>, %arg6: memref<4096xf32, #tpu.memory_space<vmem>>, %arg7: memref<1572864xf32, #tpu.memory_space<vmem_shared>>, %arg8: memref<!tpu.dma_semaphore, #tpu.memory_space<semaphore_mem>>, %arg9: memref<!tpu.dma_semaphore, #tpu.memory_space<semaphore_mem>>, %arg10: memref<!tpu.dma_semaphore, #tpu.memory_space<semaphore_mem>>, %arg11: memref<!tpu.dma_semaphore, #tpu.memory_space<semaphore_mem>>, %arg12: memref<!tpu.dma_semaphore, #tpu.memory_space<semaphore_mem>>, %arg13: memref<!tpu.dma_semaphore, #tpu.memory_space<semaphore_mem>>, %arg14: memref<!tpu.dma_semaphore, #tpu.memory_space<semaphore_mem>>) attributes {dimension_semantics = [#tpu.dimension_semantics<core_parallel>, #tpu.dimension_semantics<subcore_parallel>], iteration_bounds = array<i64: 2, 16>, scalar_prefetch = 0 : i64, scratch_operands = 10 : i64, tpu.core_type = #tpu.core_type<sc_vector_subcore>, window_params = [{transform_indices = #map}, {transform_indices = #map1}, {transform_indices = #map}]} {
    %mul3A = arith.constant 2 : i32
    %mul3A_0 = arith.muli %arg1, %mul3A : i32
    %add3A = arith.addi %mul3A_0, %arg0 : i32
    %mul3A_1 = arith.constant 3 : i32
    %mul3A_2 = arith.muli %arg1, %mul3A_1 : i32
    %add3A_3 = arith.constant 0 : i32
    %add3A_4 = arith.addi %mul3A_2, %add3A_3 : i32
    %mul3A_5 = arith.constant 32768 : i32
    %mul3A_6 = arith.muli %add3A_4, %mul3A_5 : i32
    %mul3A_7 = arith.constant 3 : i32
    %mul3A_8 = arith.muli %arg1, %mul3A_7 : i32
    %add3A_9 = arith.constant 1 : i32
    %add3A_10 = arith.addi %mul3A_8, %add3A_9 : i32
    %mul3A_11 = arith.constant 32768 : i32
    %mul3A_12 = arith.muli %add3A_10, %mul3A_11 : i32
    %mul3A_13 = arith.constant 3 : i32
    %mul3A_14 = arith.muli %arg1, %mul3A_13 : i32
    %add3A_15 = arith.constant 2 : i32
    %add3A_16 = arith.addi %mul3A_14, %add3A_15 : i32
    %mul3A_17 = arith.constant 32768 : i32
    %mul3A_18 = arith.muli %add3A_16, %mul3A_17 : i32
    "tpu.region"() ({
      %run_scoped3A = tpu.sem_alloc : memref<!tpu.dma_semaphore, #tpu.memory_space<semaphore_mem>>
      tpu.enqueue_dma source(%arg3 : memref<16xi32, #tpu.memory_space<hbm>>) target(%arg5 : memref<16xi32, #tpu.memory_space<vmem>>) target_semaphore(%run_scoped3A : memref<!tpu.dma_semaphore, #tpu.memory_space<semaphore_mem>>)
      tpu.wait_dma2 semaphore(%run_scoped3A : memref<!tpu.dma_semaphore, #tpu.memory_space<semaphore_mem>>) src(%arg3 : memref<16xi32, #tpu.memory_space<hbm>>) dst(%arg5 : memref<16xi32, #tpu.memory_space<vmem>>)
      tpu.yield
    }) : () -> ()
    %mul3A_19 = arith.constant 8 : i32
    %mul3A_20 = arith.muli %add3A, %mul3A_19 : i32
    %add3A_21 = arith.constant 0 : i32
    %add3A_22 = arith.addi %mul3A_20, %add3A_21 : i32
    %jit3A = arith.constant 16 : i32
    %div3A = arith.divsi %add3A_22, %jit3A : i32
    %sign3A = arith.constant 0 : i32
    %sign3A_23 = arith.cmpi sgt, %add3A_22, %sign3A : i32
    %sign3A_24 = arith.extui %sign3A_23 : i1 to i32
    %sign3A_25 = arith.constant 0 : i32
    %sign3A_26 = arith.cmpi slt, %add3A_22, %sign3A_25 : i32
    %sign3A_27 = arith.extui %sign3A_26 : i1 to i32
    %sign3A_28 = arith.subi %sign3A_24, %sign3A_27 : i32
    %sign3A_29 = arith.constant 0 : i32
    %sign3A_30 = arith.cmpi sgt, %jit3A, %sign3A_29 : i32
    %sign3A_31 = arith.extui %sign3A_30 : i1 to i32
    %sign3A_32 = arith.constant 0 : i32
    %sign3A_33 = arith.cmpi slt, %jit3A, %sign3A_32 : i32
    %sign3A_34 = arith.extui %sign3A_33 : i1 to i32
    %sign3A_35 = arith.subi %sign3A_31, %sign3A_34 : i32
    %ne3A = arith.cmpi ne, %sign3A_28, %sign3A_35 : i32
    %rem3A = arith.remsi %add3A_22, %jit3A : i32
    %ne3A_36 = arith.constant 0 : i32
    %ne3A_37 = arith.cmpi ne, %rem3A, %ne3A_36 : i32
    %and3A = arith.andi %ne3A, %ne3A_37 : i1
    %sub3A = arith.constant 1 : i32
    %sub3A_38 = arith.subi %div3A, %sub3A : i32
    %select_n3A = arith.select %and3A, %sub3A_38, %div3A : i32
    %jit3A_39 = arith.constant 2 : i32
    %div3A_40 = arith.divsi %add3A_22, %jit3A_39 : i32
    %sign3A_41 = arith.constant 0 : i32
    %sign3A_42 = arith.cmpi sgt, %add3A_22, %sign3A_41 : i32
    %sign3A_43 = arith.extui %sign3A_42 : i1 to i32
    %sign3A_44 = arith.constant 0 : i32
    %sign3A_45 = arith.cmpi slt, %add3A_22, %sign3A_44 : i32
    %sign3A_46 = arith.extui %sign3A_45 : i1 to i32
    %sign3A_47 = arith.subi %sign3A_43, %sign3A_46 : i32
    %sign3A_48 = arith.constant 0 : i32
    %sign3A_49 = arith.cmpi sgt, %jit3A_39, %sign3A_48 : i32
    %sign3A_50 = arith.extui %sign3A_49 : i1 to i32
    %sign3A_51 = arith.constant 0 : i32
    %sign3A_52 = arith.cmpi slt, %jit3A_39, %sign3A_51 : i32
    %sign3A_53 = arith.extui %sign3A_52 : i1 to i32
    %sign3A_54 = arith.subi %sign3A_50, %sign3A_53 : i32
    %ne3A_55 = arith.cmpi ne, %sign3A_47, %sign3A_54 : i32
    %rem3A_56 = arith.remsi %add3A_22, %jit3A_39 : i32
    %ne3A_57 = arith.constant 0 : i32
    %ne3A_58 = arith.cmpi ne, %rem3A_56, %ne3A_57 : i32
    %and3A_59 = arith.andi %ne3A_55, %ne3A_58 : i1
    %sub3A_60 = arith.constant 1 : i32
    %sub3A_61 = arith.subi %div3A_40, %sub3A_60 : i32
    %select_n3A_62 = arith.select %and3A_59, %sub3A_61, %div3A_40 : i32
    %jit3A_63 = arith.constant 8 : i32
    %eq3A = arith.constant 0 : i32
    %eq3A_64 = arith.cmpi eq, %jit3A_63, %eq3A : i32
    %jit3A_65 = arith.constant 1 : i32
    %select_n3A_66 = arith.select %eq3A_64, %jit3A_65, %jit3A_63 : i32
    %rem3A_67 = arith.remsi %select_n3A_62, %select_n3A_66 : i32
    %ne3A_68 = arith.constant 0 : i32
    %ne3A_69 = arith.cmpi ne, %rem3A_67, %ne3A_68 : i32
    %lt3A = arith.constant 0 : i32
    %lt3A_70 = arith.cmpi slt, %rem3A_67, %lt3A : i32
    %lt3A_71 = arith.constant 0 : i32
    %lt3A_72 = arith.cmpi slt, %select_n3A_66, %lt3A_71 : i32
    %ne3A_73 = arith.xori %lt3A_70, %lt3A_72 : i1
    %and3A_74 = arith.andi %ne3A_73, %ne3A_69 : i1
    %add3A_75 = arith.addi %rem3A_67, %select_n3A_66 : i32
    %select_n3A_76 = arith.select %and3A_74, %add3A_75, %rem3A_67 : i32
    %jit3A_77 = arith.constant 2 : i32
    %eq3A_78 = arith.constant 0 : i32
    %eq3A_79 = arith.cmpi eq, %jit3A_77, %eq3A_78 : i32
    %jit3A_80 = arith.constant 1 : i32
    %select_n3A_81 = arith.select %eq3A_79, %jit3A_80, %jit3A_77 : i32
    %rem3A_82 = arith.remsi %add3A_22, %select_n3A_81 : i32
    %ne3A_83 = arith.constant 0 : i32
    %ne3A_84 = arith.cmpi ne, %rem3A_82, %ne3A_83 : i32
    %lt3A_85 = arith.constant 0 : i32
    %lt3A_86 = arith.cmpi slt, %rem3A_82, %lt3A_85 : i32
    %lt3A_87 = arith.constant 0 : i32
    %lt3A_88 = arith.cmpi slt, %select_n3A_81, %lt3A_87 : i32
    %ne3A_89 = arith.xori %lt3A_86, %lt3A_88 : i1
    %and3A_90 = arith.andi %ne3A_89, %ne3A_84 : i1
    %add3A_91 = arith.addi %rem3A_82, %select_n3A_81 : i32
    %select_n3A_92 = arith.select %and3A_90, %add3A_91, %rem3A_82 : i32
    %broadcast_in_dim3A = vector.broadcast %select_n3A : i32 to vector<16xi32>
    %gather3A = tpu.vector_load_idx %arg5[%broadcast_in_dim3A] : memref<16xi32, #tpu.memory_space<vmem>>[vector<16xi32>], vector<16xi32>,
    %slice3A = vector.extract_strided_slice %gather3A {offsets = [0], sizes = [1], strides = [1]} : vector<16xi32> to vector<1xi32>
    %squeeze3A = vector.extract %slice3A[0] : i32 from vector<1xi32>
    %eq3A_93 = arith.cmpi eq, %squeeze3A, %select_n3A_76 : i32
    %mul3A_94 = arith.constant 8 : i32
    %mul3A_95 = arith.muli %add3A, %mul3A_94 : i32
    %add3A_96 = arith.constant 1 : i32
    %add3A_97 = arith.addi %mul3A_95, %add3A_96 : i32
    %jit3A_98 = arith.constant 16 : i32
    %div3A_99 = arith.divsi %add3A_97, %jit3A_98 : i32
    %sign3A_100 = arith.constant 0 : i32
    %sign3A_101 = arith.cmpi sgt, %add3A_97, %sign3A_100 : i32
    %sign3A_102 = arith.extui %sign3A_101 : i1 to i32
    %sign3A_103 = arith.constant 0 : i32
    %sign3A_104 = arith.cmpi slt, %add3A_97, %sign3A_103 : i32
    %sign3A_105 = arith.extui %sign3A_104 : i1 to i32
    %sign3A_106 = arith.subi %sign3A_102, %sign3A_105 : i32
    %sign3A_107 = arith.constant 0 : i32
    %sign3A_108 = arith.cmpi sgt, %jit3A_98, %sign3A_107 : i32
    %sign3A_109 = arith.extui %sign3A_108 : i1 to i32
    %sign3A_110 = arith.constant 0 : i32
    %sign3A_111 = arith.cmpi slt, %jit3A_98, %sign3A_110 : i32
    %sign3A_112 = arith.extui %sign3A_111 : i1 to i32
    %sign3A_113 = arith.subi %sign3A_109, %sign3A_112 : i32
    %ne3A_114 = arith.cmpi ne, %sign3A_106, %sign3A_113 : i32
    %rem3A_115 = arith.remsi %add3A_97, %jit3A_98 : i32
    %ne3A_116 = arith.constant 0 : i32
    %ne3A_117 = arith.cmpi ne, %rem3A_115, %ne3A_116 : i32
    %and3A_118 = arith.andi %ne3A_114, %ne3A_117 : i1
    %sub3A_119 = arith.constant 1 : i32
    %sub3A_120 = arith.subi %div3A_99, %sub3A_119 : i32
    %select_n3A_121 = arith.select %and3A_118, %sub3A_120, %div3A_99 : i32
    %jit3A_122 = arith.constant 2 : i32
    %div3A_123 = arith.divsi %add3A_97, %jit3A_122 : i32
    %sign3A_124 = arith.constant 0 : i32
    %sign3A_125 = arith.cmpi sgt, %add3A_97, %sign3A_124 : i32
    %sign3A_126 = arith.extui %sign3A_125 : i1 to i32
    %sign3A_127 = arith.constant 0 : i32
    %sign3A_128 = arith.cmpi slt, %add3A_97, %sign3A_127 : i32
    %sign3A_129 = arith.extui %sign3A_128 : i1 to i32
    %sign3A_130 = arith.subi %sign3A_126, %sign3A_129 : i32
    %sign3A_131 = arith.constant 0 : i32
    %sign3A_132 = arith.cmpi sgt, %jit3A_122, %sign3A_131 : i32
    %sign3A_133 = arith.extui %sign3A_132 : i1 to i32
    %sign3A_134 = arith.constant 0 : i32
    %sign3A_135 = arith.cmpi slt, %jit3A_122, %sign3A_134 : i32
    %sign3A_136 = arith.extui %sign3A_135 : i1 to i32
    %sign3A_137 = arith.subi %sign3A_133, %sign3A_136 : i32
    %ne3A_138 = arith.cmpi ne, %sign3A_130, %sign3A_137 : i32
    %rem3A_139 = arith.remsi %add3A_97, %jit3A_122 : i32
    %ne3A_140 = arith.constant 0 : i32
    %ne3A_141 = arith.cmpi ne, %rem3A_139, %ne3A_140 : i32
    %and3A_142 = arith.andi %ne3A_138, %ne3A_141 : i1
    %sub3A_143 = arith.constant 1 : i32
    %sub3A_144 = arith.subi %div3A_123, %sub3A_143 : i32
    %select_n3A_145 = arith.select %and3A_142, %sub3A_144, %div3A_123 : i32
    %jit3A_146 = arith.constant 8 : i32
    %eq3A_147 = arith.constant 0 : i32
    %eq3A_148 = arith.cmpi eq, %jit3A_146, %eq3A_147 : i32
    %jit3A_149 = arith.constant 1 : i32
    %select_n3A_150 = arith.select %eq3A_148, %jit3A_149, %jit3A_146 : i32
    %rem3A_151 = arith.remsi %select_n3A_145, %select_n3A_150 : i32
    %ne3A_152 = arith.constant 0 : i32
    %ne3A_153 = arith.cmpi ne, %rem3A_151, %ne3A_152 : i32
    %lt3A_154 = arith.constant 0 : i32
    %lt3A_155 = arith.cmpi slt, %rem3A_151, %lt3A_154 : i32
    %lt3A_156 = arith.constant 0 : i32
    %lt3A_157 = arith.cmpi slt, %select_n3A_150, %lt3A_156 : i32
    %ne3A_158 = arith.xori %lt3A_155, %lt3A_157 : i1
    %and3A_159 = arith.andi %ne3A_158, %ne3A_153 : i1
    %add3A_160 = arith.addi %rem3A_151, %select_n3A_150 : i32
    %select_n3A_161 = arith.select %and3A_159, %add3A_160, %rem3A_151 : i32
    %jit3A_162 = arith.constant 2 : i32
    %eq3A_163 = arith.constant 0 : i32
    %eq3A_164 = arith.cmpi eq, %jit3A_162, %eq3A_163 : i32
    %jit3A_165 = arith.constant 1 : i32
    %select_n3A_166 = arith.select %eq3A_164, %jit3A_165, %jit3A_162 : i32
    %rem3A_167 = arith.remsi %add3A_97, %select_n3A_166 : i32
    %ne3A_168 = arith.constant 0 : i32
    %ne3A_169 = arith.cmpi ne, %rem3A_167, %ne3A_168 : i32
    %lt3A_170 = arith.constant 0 : i32
    %lt3A_171 = arith.cmpi slt, %rem3A_167, %lt3A_170 : i32
    %lt3A_172 = arith.constant 0 : i32
    %lt3A_173 = arith.cmpi slt, %select_n3A_166, %lt3A_172 : i32
    %ne3A_174 = arith.xori %lt3A_171, %lt3A_173 : i1
    %and3A_175 = arith.andi %ne3A_174, %ne3A_169 : i1
    %add3A_176 = arith.addi %rem3A_167, %select_n3A_166 : i32
    %select_n3A_177 = arith.select %and3A_175, %add3A_176, %rem3A_167 : i32
    %broadcast_in_dim3A_178 = vector.broadcast %select_n3A_121 : i32 to vector<16xi32>
    %gather3A_179 = tpu.vector_load_idx %arg5[%broadcast_in_dim3A_178] : memref<16xi32, #tpu.memory_space<vmem>>[vector<16xi32>], vector<16xi32>,
    %slice3A_180 = vector.extract_strided_slice %gather3A_179 {offsets = [0], sizes = [1], strides = [1]} : vector<16xi32> to vector<1xi32>
    %squeeze3A_181 = vector.extract %slice3A_180[0] : i32 from vector<1xi32>
    %eq3A_182 = arith.cmpi eq, %squeeze3A_181, %select_n3A_161 : i32
    %mul3A_183 = arith.constant 8 : i32
    %mul3A_184 = arith.muli %add3A, %mul3A_183 : i32
    %add3A_185 = arith.constant 2 : i32
    %add3A_186 = arith.addi %mul3A_184, %add3A_185 : i32
    %jit3A_187 = arith.constant 16 : i32
    %div3A_188 = arith.divsi %add3A_186, %jit3A_187 : i32
    %sign3A_189 = arith.constant 0 : i32
    %sign3A_190 = arith.cmpi sgt, %add3A_186, %sign3A_189 : i32
    %sign3A_191 = arith.extui %sign3A_190 : i1 to i32
    %sign3A_192 = arith.constant 0 : i32
    %sign3A_193 = arith.cmpi slt, %add3A_186, %sign3A_192 : i32
    %sign3A_194 = arith.extui %sign3A_193 : i1 to i32
    %sign3A_195 = arith.subi %sign3A_191, %sign3A_194 : i32
    %sign3A_196 = arith.constant 0 : i32
    %sign3A_197 = arith.cmpi sgt, %jit3A_187, %sign3A_196 : i32
    %sign3A_198 = arith.extui %sign3A_197 : i1 to i32
    %sign3A_199 = arith.constant 0 : i32
    %sign3A_200 = arith.cmpi slt, %jit3A_187, %sign3A_199 : i32
    %sign3A_201 = arith.extui %sign3A_200 : i1 to i32
    %sign3A_202 = arith.subi %sign3A_198, %sign3A_201 : i32
    %ne3A_203 = arith.cmpi ne, %sign3A_195, %sign3A_202 : i32
    %rem3A_204 = arith.remsi %add3A_186, %jit3A_187 : i32
    %ne3A_205 = arith.constant 0 : i32
    %ne3A_206 = arith.cmpi ne, %rem3A_204, %ne3A_205 : i32
    %and3A_207 = arith.andi %ne3A_203, %ne3A_206 : i1
    %sub3A_208 = arith.constant 1 : i32
    %sub3A_209 = arith.subi %div3A_188, %sub3A_208 : i32
    %select_n3A_210 = arith.select %and3A_207, %sub3A_209, %div3A_188 : i32
    %jit3A_211 = arith.constant 2 : i32
    %div3A_212 = arith.divsi %add3A_186, %jit3A_211 : i32
    %sign3A_213 = arith.constant 0 : i32
    %sign3A_214 = arith.cmpi sgt, %add3A_186, %sign3A_213 : i32
    %sign3A_215 = arith.extui %sign3A_214 : i1 to i32
    %sign3A_216 = arith.constant 0 : i32
    %sign3A_217 = arith.cmpi slt, %add3A_186, %sign3A_216 : i32
    %sign3A_218 = arith.extui %sign3A_217 : i1 to i32
    %sign3A_219 = arith.subi %sign3A_215, %sign3A_218 : i32
    %sign3A_220 = arith.constant 0 : i32
    %sign3A_221 = arith.cmpi sgt, %jit3A_211, %sign3A_220 : i32
    %sign3A_222 = arith.extui %sign3A_221 : i1 to i32
    %sign3A_223 = arith.constant 0 : i32
    %sign3A_224 = arith.cmpi slt, %jit3A_211, %sign3A_223 : i32
    %sign3A_225 = arith.extui %sign3A_224 : i1 to i32
    %sign3A_226 = arith.subi %sign3A_222, %sign3A_225 : i32
    %ne3A_227 = arith.cmpi ne, %sign3A_219, %sign3A_226 : i32
    %rem3A_228 = arith.remsi %add3A_186, %jit3A_211 : i32
    %ne3A_229 = arith.constant 0 : i32
    %ne3A_230 = arith.cmpi ne, %rem3A_228, %ne3A_229 : i32
    %and3A_231 = arith.andi %ne3A_227, %ne3A_230 : i1
    %sub3A_232 = arith.constant 1 : i32
    %sub3A_233 = arith.subi %div3A_212, %sub3A_232 : i32
    %select_n3A_234 = arith.select %and3A_231, %sub3A_233, %div3A_212 : i32
    %jit3A_235 = arith.constant 8 : i32
    %eq3A_236 = arith.constant 0 : i32
    %eq3A_237 = arith.cmpi eq, %jit3A_235, %eq3A_236 : i32
    %jit3A_238 = arith.constant 1 : i32
    %select_n3A_239 = arith.select %eq3A_237, %jit3A_238, %jit3A_235 : i32
    %rem3A_240 = arith.remsi %select_n3A_234, %select_n3A_239 : i32
    %ne3A_241 = arith.constant 0 : i32
    %ne3A_242 = arith.cmpi ne, %rem3A_240, %ne3A_241 : i32
    %lt3A_243 = arith.constant 0 : i32
    %lt3A_244 = arith.cmpi slt, %rem3A_240, %lt3A_243 : i32
    %lt3A_245 = arith.constant 0 : i32
    %lt3A_246 = arith.cmpi slt, %select_n3A_239, %lt3A_245 : i32
    %ne3A_247 = arith.xori %lt3A_244, %lt3A_246 : i1
    %and3A_248 = arith.andi %ne3A_247, %ne3A_242 : i1
    %add3A_249 = arith.addi %rem3A_240, %select_n3A_239 : i32
    %select_n3A_250 = arith.select %and3A_248, %add3A_249, %rem3A_240 : i32
    %jit3A_251 = arith.constant 2 : i32
    %eq3A_252 = arith.constant 0 : i32
    %eq3A_253 = arith.cmpi eq, %jit3A_251, %eq3A_252 : i32
    %jit3A_254 = arith.constant 1 : i32
    %select_n3A_255 = arith.select %eq3A_253, %jit3A_254, %jit3A_251 : i32
    %rem3A_256 = arith.remsi %add3A_186, %select_n3A_255 : i32
    %ne3A_257 = arith.constant 0 : i32
    %ne3A_258 = arith.cmpi ne, %rem3A_256, %ne3A_257 : i32
    %lt3A_259 = arith.constant 0 : i32
    %lt3A_260 = arith.cmpi slt, %rem3A_256, %lt3A_259 : i32
    %lt3A_261 = arith.constant 0 : i32
    %lt3A_262 = arith.cmpi slt, %select_n3A_255, %lt3A_261 : i32
    %ne3A_263 = arith.xori %lt3A_260, %lt3A_262 : i1
    %and3A_264 = arith.andi %ne3A_263, %ne3A_258 : i1
    %add3A_265 = arith.addi %rem3A_256, %select_n3A_255 : i32
    %select_n3A_266 = arith.select %and3A_264, %add3A_265, %rem3A_256 : i32
    %broadcast_in_dim3A_267 = vector.broadcast %select_n3A_210 : i32 to vector<16xi32>
    %gather3A_268 = tpu.vector_load_idx %arg5[%broadcast_in_dim3A_267] : memref<16xi32, #tpu.memory_space<vmem>>[vector<16xi32>], vector<16xi32>,
    %slice3A_269 = vector.extract_strided_slice %gather3A_268 {offsets = [0], sizes = [1], strides = [1]} : vector<16xi32> to vector<1xi32>
    %squeeze3A_270 = vector.extract %slice3A_269[0] : i32 from vector<1xi32>
    %eq3A_271 = arith.cmpi eq, %squeeze3A_270, %select_n3A_250 : i32
    %mul3A_272 = arith.constant 8 : i32
    %mul3A_273 = arith.muli %add3A, %mul3A_272 : i32
    %add3A_274 = arith.constant 3 : i32
    %add3A_275 = arith.addi %mul3A_273, %add3A_274 : i32
    %jit3A_276 = arith.constant 16 : i32
    %div3A_277 = arith.divsi %add3A_275, %jit3A_276 : i32
    %sign3A_278 = arith.constant 0 : i32
    %sign3A_279 = arith.cmpi sgt, %add3A_275, %sign3A_278 : i32
    %sign3A_280 = arith.extui %sign3A_279 : i1 to i32
    %sign3A_281 = arith.constant 0 : i32
    %sign3A_282 = arith.cmpi slt, %add3A_275, %sign3A_281 : i32
    %sign3A_283 = arith.extui %sign3A_282 : i1 to i32
    %sign3A_284 = arith.subi %sign3A_280, %sign3A_283 : i32
    %sign3A_285 = arith.constant 0 : i32
    %sign3A_286 = arith.cmpi sgt, %jit3A_276, %sign3A_285 : i32
    %sign3A_287 = arith.extui %sign3A_286 : i1 to i32
    %sign3A_288 = arith.constant 0 : i32
    %sign3A_289 = arith.cmpi slt, %jit3A_276, %sign3A_288 : i32
    %sign3A_290 = arith.extui %sign3A_289 : i1 to i32
    %sign3A_291 = arith.subi %sign3A_287, %sign3A_290 : i32
    %ne3A_292 = arith.cmpi ne, %sign3A_284, %sign3A_291 : i32
    %rem3A_293 = arith.remsi %add3A_275, %jit3A_276 : i32
    %ne3A_294 = arith.constant 0 : i32
    %ne3A_295 = arith.cmpi ne, %rem3A_293, %ne3A_294 : i32
    %and3A_296 = arith.andi %ne3A_292, %ne3A_295 : i1
    %sub3A_297 = arith.constant 1 : i32
    %sub3A_298 = arith.subi %div3A_277, %sub3A_297 : i32
    %select_n3A_299 = arith.select %and3A_296, %sub3A_298, %div3A_277 : i32
    %jit3A_300 = arith.constant 2 : i32
    %div3A_301 = arith.divsi %add3A_275, %jit3A_300 : i32
    %sign3A_302 = arith.constant 0 : i32
    %sign3A_303 = arith.cmpi sgt, %add3A_275, %sign3A_302 : i32
    %sign3A_304 = arith.extui %sign3A_303 : i1 to i32
    %sign3A_305 = arith.constant 0 : i32
    %sign3A_306 = arith.cmpi slt, %add3A_275, %sign3A_305 : i32
    %sign3A_307 = arith.extui %sign3A_306 : i1 to i32
    %sign3A_308 = arith.subi %sign3A_304, %sign3A_307 : i32
    %sign3A_309 = arith.constant 0 : i32
    %sign3A_310 = arith.cmpi sgt, %jit3A_300, %sign3A_309 : i32
    %sign3A_311 = arith.extui %sign3A_310 : i1 to i32
    %sign3A_312 = arith.constant 0 : i32
    %sign3A_313 = arith.cmpi slt, %jit3A_300, %sign3A_312 : i32
    %sign3A_314 = arith.extui %sign3A_313 : i1 to i32
    %sign3A_315 = arith.subi %sign3A_311, %sign3A_314 : i32
    %ne3A_316 = arith.cmpi ne, %sign3A_308, %sign3A_315 : i32
    %rem3A_317 = arith.remsi %add3A_275, %jit3A_300 : i32
    %ne3A_318 = arith.constant 0 : i32
    %ne3A_319 = arith.cmpi ne, %rem3A_317, %ne3A_318 : i32
    %and3A_320 = arith.andi %ne3A_316, %ne3A_319 : i1
    %sub3A_321 = arith.constant 1 : i32
    %sub3A_322 = arith.subi %div3A_301, %sub3A_321 : i32
    %select_n3A_323 = arith.select %and3A_320, %sub3A_322, %div3A_301 : i32
    %jit3A_324 = arith.constant 8 : i32
    %eq3A_325 = arith.constant 0 : i32
    %eq3A_326 = arith.cmpi eq, %jit3A_324, %eq3A_325 : i32
    %jit3A_327 = arith.constant 1 : i32
    %select_n3A_328 = arith.select %eq3A_326, %jit3A_327, %jit3A_324 : i32
    %rem3A_329 = arith.remsi %select_n3A_323, %select_n3A_328 : i32
    %ne3A_330 = arith.constant 0 : i32
    %ne3A_331 = arith.cmpi ne, %rem3A_329, %ne3A_330 : i32
    %lt3A_332 = arith.constant 0 : i32
    %lt3A_333 = arith.cmpi slt, %rem3A_329, %lt3A_332 : i32
    %lt3A_334 = arith.constant 0 : i32
    %lt3A_335 = arith.cmpi slt, %select_n3A_328, %lt3A_334 : i32
    %ne3A_336 = arith.xori %lt3A_333, %lt3A_335 : i1
    %and3A_337 = arith.andi %ne3A_336, %ne3A_331 : i1
    %add3A_338 = arith.addi %rem3A_329, %select_n3A_328 : i32
    %select_n3A_339 = arith.select %and3A_337, %add3A_338, %rem3A_329 : i32
    %jit3A_340 = arith.constant 2 : i32
    %eq3A_341 = arith.constant 0 : i32
    %eq3A_342 = arith.cmpi eq, %jit3A_340, %eq3A_341 : i32
    %jit3A_343 = arith.constant 1 : i32
    %select_n3A_344 = arith.select %eq3A_342, %jit3A_343, %jit3A_340 : i32
    %rem3A_345 = arith.remsi %add3A_275, %select_n3A_344 : i32
    %ne3A_346 = arith.constant 0 : i32
    %ne3A_347 = arith.cmpi ne, %rem3A_345, %ne3A_346 : i32
    %lt3A_348 = arith.constant 0 : i32
    %lt3A_349 = arith.cmpi slt, %rem3A_345, %lt3A_348 : i32
    %lt3A_350 = arith.constant 0 : i32
    %lt3A_351 = arith.cmpi slt, %select_n3A_344, %lt3A_350 : i32
    %ne3A_352 = arith.xori %lt3A_349, %lt3A_351 : i1
    %and3A_353 = arith.andi %ne3A_352, %ne3A_347 : i1
    %add3A_354 = arith.addi %rem3A_345, %select_n3A_344 : i32
    %select_n3A_355 = arith.select %and3A_353, %add3A_354, %rem3A_345 : i32
    %broadcast_in_dim3A_356 = vector.broadcast %select_n3A_299 : i32 to vector<16xi32>
    %gather3A_357 = tpu.vector_load_idx %arg5[%broadcast_in_dim3A_356] : memref<16xi32, #tpu.memory_space<vmem>>[vector<16xi32>], vector<16xi32>,
    %slice3A_358 = vector.extract_strided_slice %gather3A_357 {offsets = [0], sizes = [1], strides = [1]} : vector<16xi32> to vector<1xi32>
    %squeeze3A_359 = vector.extract %slice3A_358[0] : i32 from vector<1xi32>
    %eq3A_360 = arith.cmpi eq, %squeeze3A_359, %select_n3A_339 : i32
    %mul3A_361 = arith.constant 8 : i32
    %mul3A_362 = arith.muli %add3A, %mul3A_361 : i32
    %add3A_363 = arith.constant 4 : i32
    %add3A_364 = arith.addi %mul3A_362, %add3A_363 : i32
    %jit3A_365 = arith.constant 16 : i32
    %div3A_366 = arith.divsi %add3A_364, %jit3A_365 : i32
    %sign3A_367 = arith.constant 0 : i32
    %sign3A_368 = arith.cmpi sgt, %add3A_364, %sign3A_367 : i32
    %sign3A_369 = arith.extui %sign3A_368 : i1 to i32
    %sign3A_370 = arith.constant 0 : i32
    %sign3A_371 = arith.cmpi slt, %add3A_364, %sign3A_370 : i32
    %sign3A_372 = arith.extui %sign3A_371 : i1 to i32
    %sign3A_373 = arith.subi %sign3A_369, %sign3A_372 : i32
    %sign3A_374 = arith.constant 0 : i32
    %sign3A_375 = arith.cmpi sgt, %jit3A_365, %sign3A_374 : i32
    %sign3A_376 = arith.extui %sign3A_375 : i1 to i32
    %sign3A_377 = arith.constant 0 : i32
    %sign3A_378 = arith.cmpi slt, %jit3A_365, %sign3A_377 : i32
    %sign3A_379 = arith.extui %sign3A_378 : i1 to i32
    %sign3A_380 = arith.subi %sign3A_376, %sign3A_379 : i32
    %ne3A_381 = arith.cmpi ne, %sign3A_373, %sign3A_380 : i32
    %rem3A_382 = arith.remsi %add3A_364, %jit3A_365 : i32
    %ne3A_383 = arith.constant 0 : i32
    %ne3A_384 = arith.cmpi ne, %rem3A_382, %ne3A_383 : i32
    %and3A_385 = arith.andi %ne3A_381, %ne3A_384 : i1
    %sub3A_386 = arith.constant 1 : i32
    %sub3A_387 = arith.subi %div3A_366, %sub3A_386 : i32
    %select_n3A_388 = arith.select %and3A_385, %sub3A_387, %div3A_366 : i32
    %jit3A_389 = arith.constant 2 : i32
    %div3A_390 = arith.divsi %add3A_364, %jit3A_389 : i32
    %sign3A_391 = arith.constant 0 : i32
    %sign3A_392 = arith.cmpi sgt, %add3A_364, %sign3A_391 : i32
    %sign3A_393 = arith.extui %sign3A_392 : i1 to i32
    %sign3A_394 = arith.constant 0 : i32
    %sign3A_395 = arith.cmpi slt, %add3A_364, %sign3A_394 : i32
    %sign3A_396 = arith.extui %sign3A_395 : i1 to i32
    %sign3A_397 = arith.subi %sign3A_393, %sign3A_396 : i32
    %sign3A_398 = arith.constant 0 : i32
    %sign3A_399 = arith.cmpi sgt, %jit3A_389, %sign3A_398 : i32
    %sign3A_400 = arith.extui %sign3A_399 : i1 to i32
    %sign3A_401 = arith.constant 0 : i32
    %sign3A_402 = arith.cmpi slt, %jit3A_389, %sign3A_401 : i32
    %sign3A_403 = arith.extui %sign3A_402 : i1 to i32
    %sign3A_404 = arith.subi %sign3A_400, %sign3A_403 : i32
    %ne3A_405 = arith.cmpi ne, %sign3A_397, %sign3A_404 : i32
    %rem3A_406 = arith.remsi %add3A_364, %jit3A_389 : i32
    %ne3A_407 = arith.constant 0 : i32
    %ne3A_408 = arith.cmpi ne, %rem3A_406, %ne3A_407 : i32
    %and3A_409 = arith.andi %ne3A_405, %ne3A_408 : i1
    %sub3A_410 = arith.constant 1 : i32
    %sub3A_411 = arith.subi %div3A_390, %sub3A_410 : i32
    %select_n3A_412 = arith.select %and3A_409, %sub3A_411, %div3A_390 : i32
    %jit3A_413 = arith.constant 8 : i32
    %eq3A_414 = arith.constant 0 : i32
    %eq3A_415 = arith.cmpi eq, %jit3A_413, %eq3A_414 : i32
    %jit3A_416 = arith.constant 1 : i32
    %select_n3A_417 = arith.select %eq3A_415, %jit3A_416, %jit3A_413 : i32
    %rem3A_418 = arith.remsi %select_n3A_412, %select_n3A_417 : i32
    %ne3A_419 = arith.constant 0 : i32
    %ne3A_420 = arith.cmpi ne, %rem3A_418, %ne3A_419 : i32
    %lt3A_421 = arith.constant 0 : i32
    %lt3A_422 = arith.cmpi slt, %rem3A_418, %lt3A_421 : i32
    %lt3A_423 = arith.constant 0 : i32
    %lt3A_424 = arith.cmpi slt, %select_n3A_417, %lt3A_423 : i32
    %ne3A_425 = arith.xori %lt3A_422, %lt3A_424 : i1
    %and3A_426 = arith.andi %ne3A_425, %ne3A_420 : i1
    %add3A_427 = arith.addi %rem3A_418, %select_n3A_417 : i32
    %select_n3A_428 = arith.select %and3A_426, %add3A_427, %rem3A_418 : i32
    %jit3A_429 = arith.constant 2 : i32
    %eq3A_430 = arith.constant 0 : i32
    %eq3A_431 = arith.cmpi eq, %jit3A_429, %eq3A_430 : i32
    %jit3A_432 = arith.constant 1 : i32
    %select_n3A_433 = arith.select %eq3A_431, %jit3A_432, %jit3A_429 : i32
    %rem3A_434 = arith.remsi %add3A_364, %select_n3A_433 : i32
    %ne3A_435 = arith.constant 0 : i32
    %ne3A_436 = arith.cmpi ne, %rem3A_434, %ne3A_435 : i32
    %lt3A_437 = arith.constant 0 : i32
    %lt3A_438 = arith.cmpi slt, %rem3A_434, %lt3A_437 : i32
    %lt3A_439 = arith.constant 0 : i32
    %lt3A_440 = arith.cmpi slt, %select_n3A_433, %lt3A_439 : i32
    %ne3A_441 = arith.xori %lt3A_438, %lt3A_440 : i1
    %and3A_442 = arith.andi %ne3A_441, %ne3A_436 : i1
    %add3A_443 = arith.addi %rem3A_434, %select_n3A_433 : i32
    %select_n3A_444 = arith.select %and3A_442, %add3A_443, %rem3A_434 : i32
    %broadcast_in_dim3A_445 = vector.broadcast %select_n3A_388 : i32 to vector<16xi32>
    %gather3A_446 = tpu.vector_load_idx %arg5[%broadcast_in_dim3A_445] : memref<16xi32, #tpu.memory_space<vmem>>[vector<16xi32>], vector<16xi32>,
    %slice3A_447 = vector.extract_strided_slice %gather3A_446 {offsets = [0], sizes = [1], strides = [1]} : vector<16xi32> to vector<1xi32>
    %squeeze3A_448 = vector.extract %slice3A_447[0] : i32 from vector<1xi32>
    %eq3A_449 = arith.cmpi eq, %squeeze3A_448, %select_n3A_428 : i32
    %mul3A_450 = arith.constant 8 : i32
    %mul3A_451 = arith.muli %add3A, %mul3A_450 : i32
    %add3A_452 = arith.constant 5 : i32
    %add3A_453 = arith.addi %mul3A_451, %add3A_452 : i32
    %jit3A_454 = arith.constant 16 : i32
    %div3A_455 = arith.divsi %add3A_453, %jit3A_454 : i32
    %sign3A_456 = arith.constant 0 : i32
    %sign3A_457 = arith.cmpi sgt, %add3A_453, %sign3A_456 : i32
    %sign3A_458 = arith.extui %sign3A_457 : i1 to i32
    %sign3A_459 = arith.constant 0 : i32
    %sign3A_460 = arith.cmpi slt, %add3A_453, %sign3A_459 : i32
    %sign3A_461 = arith.extui %sign3A_460 : i1 to i32
    %sign3A_462 = arith.subi %sign3A_458, %sign3A_461 : i32
    %sign3A_463 = arith.constant 0 : i32
    %sign3A_464 = arith.cmpi sgt, %jit3A_454, %sign3A_463 : i32
    %sign3A_465 = arith.extui %sign3A_464 : i1 to i32
    %sign3A_466 = arith.constant 0 : i32
    %sign3A_467 = arith.cmpi slt, %jit3A_454, %sign3A_466 : i32
    %sign3A_468 = arith.extui %sign3A_467 : i1 to i32
    %sign3A_469 = arith.subi %sign3A_465, %sign3A_468 : i32
    %ne3A_470 = arith.cmpi ne, %sign3A_462, %sign3A_469 : i32
    %rem3A_471 = arith.remsi %add3A_453, %jit3A_454 : i32
    %ne3A_472 = arith.constant 0 : i32
    %ne3A_473 = arith.cmpi ne, %rem3A_471, %ne3A_472 : i32
    %and3A_474 = arith.andi %ne3A_470, %ne3A_473 : i1
    %sub3A_475 = arith.constant 1 : i32
    %sub3A_476 = arith.subi %div3A_455, %sub3A_475 : i32
    %select_n3A_477 = arith.select %and3A_474, %sub3A_476, %div3A_455 : i32
    %jit3A_478 = arith.constant 2 : i32
    %div3A_479 = arith.divsi %add3A_453, %jit3A_478 : i32
    %sign3A_480 = arith.constant 0 : i32
    %sign3A_481 = arith.cmpi sgt, %add3A_453, %sign3A_480 : i32
    %sign3A_482 = arith.extui %sign3A_481 : i1 to i32
    %sign3A_483 = arith.constant 0 : i32
    %sign3A_484 = arith.cmpi slt, %add3A_453, %sign3A_483 : i32
    %sign3A_485 = arith.extui %sign3A_484 : i1 to i32
    %sign3A_486 = arith.subi %sign3A_482, %sign3A_485 : i32
    %sign3A_487 = arith.constant 0 : i32
    %sign3A_488 = arith.cmpi sgt, %jit3A_478, %sign3A_487 : i32
    %sign3A_489 = arith.extui %sign3A_488 : i1 to i32
    %sign3A_490 = arith.constant 0 : i32
    %sign3A_491 = arith.cmpi slt, %jit3A_478, %sign3A_490 : i32
    %sign3A_492 = arith.extui %sign3A_491 : i1 to i32
    %sign3A_493 = arith.subi %sign3A_489, %sign3A_492 : i32
    %ne3A_494 = arith.cmpi ne, %sign3A_486, %sign3A_493 : i32
    %rem3A_495 = arith.remsi %add3A_453, %jit3A_478 : i32
    %ne3A_496 = arith.constant 0 : i32
    %ne3A_497 = arith.cmpi ne, %rem3A_495, %ne3A_496 : i32
    %and3A_498 = arith.andi %ne3A_494, %ne3A_497 : i1
    %sub3A_499 = arith.constant 1 : i32
    %sub3A_500 = arith.subi %div3A_479, %sub3A_499 : i32
    %select_n3A_501 = arith.select %and3A_498, %sub3A_500, %div3A_479 : i32
    %jit3A_502 = arith.constant 8 : i32
    %eq3A_503 = arith.constant 0 : i32
    %eq3A_504 = arith.cmpi eq, %jit3A_502, %eq3A_503 : i32
    %jit3A_505 = arith.constant 1 : i32
    %select_n3A_506 = arith.select %eq3A_504, %jit3A_505, %jit3A_502 : i32
    %rem3A_507 = arith.remsi %select_n3A_501, %select_n3A_506 : i32
    %ne3A_508 = arith.constant 0 : i32
    %ne3A_509 = arith.cmpi ne, %rem3A_507, %ne3A_508 : i32
    %lt3A_510 = arith.constant 0 : i32
    %lt3A_511 = arith.cmpi slt, %rem3A_507, %lt3A_510 : i32
    %lt3A_512 = arith.constant 0 : i32
    %lt3A_513 = arith.cmpi slt, %select_n3A_506, %lt3A_512 : i32
    %ne3A_514 = arith.xori %lt3A_511, %lt3A_513 : i1
    %and3A_515 = arith.andi %ne3A_514, %ne3A_509 : i1
    %add3A_516 = arith.addi %rem3A_507, %select_n3A_506 : i32
    %select_n3A_517 = arith.select %and3A_515, %add3A_516, %rem3A_507 : i32
    %jit3A_518 = arith.constant 2 : i32
    %eq3A_519 = arith.constant 0 : i32
    %eq3A_520 = arith.cmpi eq, %jit3A_518, %eq3A_519 : i32
    %jit3A_521 = arith.constant 1 : i32
    %select_n3A_522 = arith.select %eq3A_520, %jit3A_521, %jit3A_518 : i32
    %rem3A_523 = arith.remsi %add3A_453, %select_n3A_522 : i32
    %ne3A_524 = arith.constant 0 : i32
    %ne3A_525 = arith.cmpi ne, %rem3A_523, %ne3A_524 : i32
    %lt3A_526 = arith.constant 0 : i32
    %lt3A_527 = arith.cmpi slt, %rem3A_523, %lt3A_526 : i32
    %lt3A_528 = arith.constant 0 : i32
    %lt3A_529 = arith.cmpi slt, %select_n3A_522, %lt3A_528 : i32
    %ne3A_530 = arith.xori %lt3A_527, %lt3A_529 : i1
    %and3A_531 = arith.andi %ne3A_530, %ne3A_525 : i1
    %add3A_532 = arith.addi %rem3A_523, %select_n3A_522 : i32
    %select_n3A_533 = arith.select %and3A_531, %add3A_532, %rem3A_523 : i32
    %broadcast_in_dim3A_534 = vector.broadcast %select_n3A_477 : i32 to vector<16xi32>
    %gather3A_535 = tpu.vector_load_idx %arg5[%broadcast_in_dim3A_534] : memref<16xi32, #tpu.memory_space<vmem>>[vector<16xi32>], vector<16xi32>,
    %slice3A_536 = vector.extract_strided_slice %gather3A_535 {offsets = [0], sizes = [1], strides = [1]} : vector<16xi32> to vector<1xi32>
    %squeeze3A_537 = vector.extract %slice3A_536[0] : i32 from vector<1xi32>
    %eq3A_538 = arith.cmpi eq, %squeeze3A_537, %select_n3A_517 : i32
    %mul3A_539 = arith.constant 8 : i32
    %mul3A_540 = arith.muli %add3A, %mul3A_539 : i32
    %add3A_541 = arith.constant 6 : i32
    %add3A_542 = arith.addi %mul3A_540, %add3A_541 : i32
    %jit3A_543 = arith.constant 16 : i32
    %div3A_544 = arith.divsi %add3A_542, %jit3A_543 : i32
    %sign3A_545 = arith.constant 0 : i32
    %sign3A_546 = arith.cmpi sgt, %add3A_542, %sign3A_545 : i32
    %sign3A_547 = arith.extui %sign3A_546 : i1 to i32
    %sign3A_548 = arith.constant 0 : i32
    %sign3A_549 = arith.cmpi slt, %add3A_542, %sign3A_548 : i32
    %sign3A_550 = arith.extui %sign3A_549 : i1 to i32
    %sign3A_551 = arith.subi %sign3A_547, %sign3A_550 : i32
    %sign3A_552 = arith.constant 0 : i32
    %sign3A_553 = arith.cmpi sgt, %jit3A_543, %sign3A_552 : i32
    %sign3A_554 = arith.extui %sign3A_553 : i1 to i32
    %sign3A_555 = arith.constant 0 : i32
    %sign3A_556 = arith.cmpi slt, %jit3A_543, %sign3A_555 : i32
    %sign3A_557 = arith.extui %sign3A_556 : i1 to i32
    %sign3A_558 = arith.subi %sign3A_554, %sign3A_557 : i32
    %ne3A_559 = arith.cmpi ne, %sign3A_551, %sign3A_558 : i32
    %rem3A_560 = arith.remsi %add3A_542, %jit3A_543 : i32
    %ne3A_561 = arith.constant 0 : i32
    %ne3A_562 = arith.cmpi ne, %rem3A_560, %ne3A_561 : i32
    %and3A_563 = arith.andi %ne3A_559, %ne3A_562 : i1
    %sub3A_564 = arith.constant 1 : i32
    %sub3A_565 = arith.subi %div3A_544, %sub3A_564 : i32
    %select_n3A_566 = arith.select %and3A_563, %sub3A_565, %div3A_544 : i32
    %jit3A_567 = arith.constant 2 : i32
    %div3A_568 = arith.divsi %add3A_542, %jit3A_567 : i32
    %sign3A_569 = arith.constant 0 : i32
    %sign3A_570 = arith.cmpi sgt, %add3A_542, %sign3A_569 : i32
    %sign3A_571 = arith.extui %sign3A_570 : i1 to i32
    %sign3A_572 = arith.constant 0 : i32
    %sign3A_573 = arith.cmpi slt, %add3A_542, %sign3A_572 : i32
    %sign3A_574 = arith.extui %sign3A_573 : i1 to i32
    %sign3A_575 = arith.subi %sign3A_571, %sign3A_574 : i32
    %sign3A_576 = arith.constant 0 : i32
    %sign3A_577 = arith.cmpi sgt, %jit3A_567, %sign3A_576 : i32
    %sign3A_578 = arith.extui %sign3A_577 : i1 to i32
    %sign3A_579 = arith.constant 0 : i32
    %sign3A_580 = arith.cmpi slt, %jit3A_567, %sign3A_579 : i32
    %sign3A_581 = arith.extui %sign3A_580 : i1 to i32
    %sign3A_582 = arith.subi %sign3A_578, %sign3A_581 : i32
    %ne3A_583 = arith.cmpi ne, %sign3A_575, %sign3A_582 : i32
    %rem3A_584 = arith.remsi %add3A_542, %jit3A_567 : i32
    %ne3A_585 = arith.constant 0 : i32
    %ne3A_586 = arith.cmpi ne, %rem3A_584, %ne3A_585 : i32
    %and3A_587 = arith.andi %ne3A_583, %ne3A_586 : i1
    %sub3A_588 = arith.constant 1 : i32
    %sub3A_589 = arith.subi %div3A_568, %sub3A_588 : i32
    %select_n3A_590 = arith.select %and3A_587, %sub3A_589, %div3A_568 : i32
    %jit3A_591 = arith.constant 8 : i32
    %eq3A_592 = arith.constant 0 : i32
    %eq3A_593 = arith.cmpi eq, %jit3A_591, %eq3A_592 : i32
    %jit3A_594 = arith.constant 1 : i32
    %select_n3A_595 = arith.select %eq3A_593, %jit3A_594, %jit3A_591 : i32
    %rem3A_596 = arith.remsi %select_n3A_590, %select_n3A_595 : i32
    %ne3A_597 = arith.constant 0 : i32
    %ne3A_598 = arith.cmpi ne, %rem3A_596, %ne3A_597 : i32
    %lt3A_599 = arith.constant 0 : i32
    %lt3A_600 = arith.cmpi slt, %rem3A_596, %lt3A_599 : i32
    %lt3A_601 = arith.constant 0 : i32
    %lt3A_602 = arith.cmpi slt, %select_n3A_595, %lt3A_601 : i32
    %ne3A_603 = arith.xori %lt3A_600, %lt3A_602 : i1
    %and3A_604 = arith.andi %ne3A_603, %ne3A_598 : i1
    %add3A_605 = arith.addi %rem3A_596, %select_n3A_595 : i32
    %select_n3A_606 = arith.select %and3A_604, %add3A_605, %rem3A_596 : i32
    %jit3A_607 = arith.constant 2 : i32
    %eq3A_608 = arith.constant 0 : i32
    %eq3A_609 = arith.cmpi eq, %jit3A_607, %eq3A_608 : i32
    %jit3A_610 = arith.constant 1 : i32
    %select_n3A_611 = arith.select %eq3A_609, %jit3A_610, %jit3A_607 : i32
    %rem3A_612 = arith.remsi %add3A_542, %select_n3A_611 : i32
    %ne3A_613 = arith.constant 0 : i32
    %ne3A_614 = arith.cmpi ne, %rem3A_612, %ne3A_613 : i32
    %lt3A_615 = arith.constant 0 : i32
    %lt3A_616 = arith.cmpi slt, %rem3A_612, %lt3A_615 : i32
    %lt3A_617 = arith.constant 0 : i32
    %lt3A_618 = arith.cmpi slt, %select_n3A_611, %lt3A_617 : i32
    %ne3A_619 = arith.xori %lt3A_616, %lt3A_618 : i1
    %and3A_620 = arith.andi %ne3A_619, %ne3A_614 : i1
    %add3A_621 = arith.addi %rem3A_612, %select_n3A_611 : i32
    %select_n3A_622 = arith.select %and3A_620, %add3A_621, %rem3A_612 : i32
    %broadcast_in_dim3A_623 = vector.broadcast %select_n3A_566 : i32 to vector<16xi32>
    %gather3A_624 = tpu.vector_load_idx %arg5[%broadcast_in_dim3A_623] : memref<16xi32, #tpu.memory_space<vmem>>[vector<16xi32>], vector<16xi32>,
    %slice3A_625 = vector.extract_strided_slice %gather3A_624 {offsets = [0], sizes = [1], strides = [1]} : vector<16xi32> to vector<1xi32>
    %squeeze3A_626 = vector.extract %slice3A_625[0] : i32 from vector<1xi32>
    %eq3A_627 = arith.cmpi eq, %squeeze3A_626, %select_n3A_606 : i32
    %mul3A_628 = arith.constant 8 : i32
    %mul3A_629 = arith.muli %add3A, %mul3A_628 : i32
    %add3A_630 = arith.constant 7 : i32
    %add3A_631 = arith.addi %mul3A_629, %add3A_630 : i32
    %jit3A_632 = arith.constant 16 : i32
    %div3A_633 = arith.divsi %add3A_631, %jit3A_632 : i32
    %sign3A_634 = arith.constant 0 : i32
    %sign3A_635 = arith.cmpi sgt, %add3A_631, %sign3A_634 : i32
    %sign3A_636 = arith.extui %sign3A_635 : i1 to i32
    %sign3A_637 = arith.constant 0 : i32
    %sign3A_638 = arith.cmpi slt, %add3A_631, %sign3A_637 : i32
    %sign3A_639 = arith.extui %sign3A_638 : i1 to i32
    %sign3A_640 = arith.subi %sign3A_636, %sign3A_639 : i32
    %sign3A_641 = arith.constant 0 : i32
    %sign3A_642 = arith.cmpi sgt, %jit3A_632, %sign3A_641 : i32
    %sign3A_643 = arith.extui %sign3A_642 : i1 to i32
    %sign3A_644 = arith.constant 0 : i32
    %sign3A_645 = arith.cmpi slt, %jit3A_632, %sign3A_644 : i32
    %sign3A_646 = arith.extui %sign3A_645 : i1 to i32
    %sign3A_647 = arith.subi %sign3A_643, %sign3A_646 : i32
    %ne3A_648 = arith.cmpi ne, %sign3A_640, %sign3A_647 : i32
    %rem3A_649 = arith.remsi %add3A_631, %jit3A_632 : i32
    %ne3A_650 = arith.constant 0 : i32
    %ne3A_651 = arith.cmpi ne, %rem3A_649, %ne3A_650 : i32
    %and3A_652 = arith.andi %ne3A_648, %ne3A_651 : i1
    %sub3A_653 = arith.constant 1 : i32
    %sub3A_654 = arith.subi %div3A_633, %sub3A_653 : i32
    %select_n3A_655 = arith.select %and3A_652, %sub3A_654, %div3A_633 : i32
    %jit3A_656 = arith.constant 2 : i32
    %div3A_657 = arith.divsi %add3A_631, %jit3A_656 : i32
    %sign3A_658 = arith.constant 0 : i32
    %sign3A_659 = arith.cmpi sgt, %add3A_631, %sign3A_658 : i32
    %sign3A_660 = arith.extui %sign3A_659 : i1 to i32
    %sign3A_661 = arith.constant 0 : i32
    %sign3A_662 = arith.cmpi slt, %add3A_631, %sign3A_661 : i32
    %sign3A_663 = arith.extui %sign3A_662 : i1 to i32
    %sign3A_664 = arith.subi %sign3A_660, %sign3A_663 : i32
    %sign3A_665 = arith.constant 0 : i32
    %sign3A_666 = arith.cmpi sgt, %jit3A_656, %sign3A_665 : i32
    %sign3A_667 = arith.extui %sign3A_666 : i1 to i32
    %sign3A_668 = arith.constant 0 : i32
    %sign3A_669 = arith.cmpi slt, %jit3A_656, %sign3A_668 : i32
    %sign3A_670 = arith.extui %sign3A_669 : i1 to i32
    %sign3A_671 = arith.subi %sign3A_667, %sign3A_670 : i32
    %ne3A_672 = arith.cmpi ne, %sign3A_664, %sign3A_671 : i32
    %rem3A_673 = arith.remsi %add3A_631, %jit3A_656 : i32
    %ne3A_674 = arith.constant 0 : i32
    %ne3A_675 = arith.cmpi ne, %rem3A_673, %ne3A_674 : i32
    %and3A_676 = arith.andi %ne3A_672, %ne3A_675 : i1
    %sub3A_677 = arith.constant 1 : i32
    %sub3A_678 = arith.subi %div3A_657, %sub3A_677 : i32
    %select_n3A_679 = arith.select %and3A_676, %sub3A_678, %div3A_657 : i32
    %jit3A_680 = arith.constant 8 : i32
    %eq3A_681 = arith.constant 0 : i32
    %eq3A_682 = arith.cmpi eq, %jit3A_680, %eq3A_681 : i32
    %jit3A_683 = arith.constant 1 : i32
    %select_n3A_684 = arith.select %eq3A_682, %jit3A_683, %jit3A_680 : i32
    %rem3A_685 = arith.remsi %select_n3A_679, %select_n3A_684 : i32
    %ne3A_686 = arith.constant 0 : i32
    %ne3A_687 = arith.cmpi ne, %rem3A_685, %ne3A_686 : i32
    %lt3A_688 = arith.constant 0 : i32
    %lt3A_689 = arith.cmpi slt, %rem3A_685, %lt3A_688 : i32
    %lt3A_690 = arith.constant 0 : i32
    %lt3A_691 = arith.cmpi slt, %select_n3A_684, %lt3A_690 : i32
    %ne3A_692 = arith.xori %lt3A_689, %lt3A_691 : i1
    %and3A_693 = arith.andi %ne3A_692, %ne3A_687 : i1
    %add3A_694 = arith.addi %rem3A_685, %select_n3A_684 : i32
    %select_n3A_695 = arith.select %and3A_693, %add3A_694, %rem3A_685 : i32
    %jit3A_696 = arith.constant 2 : i32
    %eq3A_697 = arith.constant 0 : i32
    %eq3A_698 = arith.cmpi eq, %jit3A_696, %eq3A_697 : i32
    %jit3A_699 = arith.constant 1 : i32
    %select_n3A_700 = arith.select %eq3A_698, %jit3A_699, %jit3A_696 : i32
    %rem3A_701 = arith.remsi %add3A_631, %select_n3A_700 : i32
    %ne3A_702 = arith.constant 0 : i32
    %ne3A_703 = arith.cmpi ne, %rem3A_701, %ne3A_702 : i32
    %lt3A_704 = arith.constant 0 : i32
    %lt3A_705 = arith.cmpi slt, %rem3A_701, %lt3A_704 : i32
    %lt3A_706 = arith.constant 0 : i32
    %lt3A_707 = arith.cmpi slt, %select_n3A_700, %lt3A_706 : i32
    %ne3A_708 = arith.xori %lt3A_705, %lt3A_707 : i1
    %and3A_709 = arith.andi %ne3A_708, %ne3A_703 : i1
    %add3A_710 = arith.addi %rem3A_701, %select_n3A_700 : i32
    %select_n3A_711 = arith.select %and3A_709, %add3A_710, %rem3A_701 : i32
    %broadcast_in_dim3A_712 = vector.broadcast %select_n3A_655 : i32 to vector<16xi32>
    %gather3A_713 = tpu.vector_load_idx %arg5[%broadcast_in_dim3A_712] : memref<16xi32, #tpu.memory_space<vmem>>[vector<16xi32>], vector<16xi32>,
    %slice3A_714 = vector.extract_strided_slice %gather3A_713 {offsets = [0], sizes = [1], strides = [1]} : vector<16xi32> to vector<1xi32>
    %squeeze3A_715 = vector.extract %slice3A_714[0] : i32 from vector<1xi32>
    %eq3A_716 = arith.cmpi eq, %squeeze3A_715, %select_n3A_695 : i32
    %not3A = arith.constant true
    %not3A_717 = arith.xori %eq3A_93, %not3A : i1
    %convert_element_type3A = arith.extui %not3A_717 : i1 to i32
    %cond3A = arith.constant 0 : i32
    %cond3A_718 = arith.cmpi ne, %convert_element_type3A, %cond3A : i32
    scf.if %cond3A_718 {
      %dma_start3A = tpu.memref_slice %arg7[%mul3A_6] : memref<1572864xf32, #tpu.memory_space<vmem_shared>> -> memref<32768xf32, #tpu.memory_space<vmem_shared>>
      %dma_start3A_1057 = arith.constant 0 : i32
      %dma_start3A_1058 = tpu.memref_slice %arg2[%select_n3A, %select_n3A_76, %select_n3A_92, %dma_start3A_1057] : memref<16x8x2x65536xf32, #tpu.memory_space<hbm>> -> memref<1x1x1x32768xf32, #tpu.memory_space<hbm>>
      %dma_start3A_1059 = tpu.memref_squeeze %dma_start3A_1058 : memref<1x1x1x32768xf32, #tpu.memory_space<hbm>> -> memref<32768xf32, #tpu.memory_space<hbm>>
      tpu.enqueue_dma source(%dma_start3A_1059 : memref<32768xf32, #tpu.memory_space<hbm>>) target(%dma_start3A : memref<32768xf32, #tpu.memory_space<vmem_shared>>) target_semaphore(%arg8 : memref<!tpu.dma_semaphore, #tpu.memory_space<semaphore_mem>>)
    } else {
    }
    %broadcast_in_dim3A_719 = arith.constant 0.000000e+00 : f32
    %broadcast_in_dim3A_720 = vector.broadcast %broadcast_in_dim3A_719 : f32 to vector<16xf32>
    %scan3A = arith.constant 0 : i32
    %scan3A_721 = arith.constant 0 : i32
    %scan3A_722 = arith.constant 16 : i32
    %scan3A_723 = arith.addi %scan3A_721, %scan3A_722 : i32
    %scan3A_724 = arith.constant 1 : i32
    scf.for %scan3A_1057 = %scan3A_721 to %scan3A_723 step %scan3A_724  : i32 {
      %mul3A_1058 = arith.constant 16 : i32
      %mul3A_1059 = arith.muli %scan3A_1057, %mul3A_1058 : i32
      %add3A_1060 = arith.constant 0 : i32
      %add3A_1061 = arith.addi %mul3A_1059, %add3A_1060 : i32
      %mul3A_1062 = arith.constant 16 : i32
      %mul3A_1063 = arith.muli %add3A_1061, %mul3A_1062 : i32
      %swap3A = arith.index_cast %mul3A_1063 : i32 to index
      %swap3A_1064 = tpu.vector_load %arg6[%swap3A] {strides = array<i32>} : memref<4096xf32, #tpu.memory_space<vmem>>, vector<16xf32>,
      tpu.vector_store %arg6[%swap3A], %broadcast_in_dim3A_720 {strides = array<i32>} : memref<4096xf32, #tpu.memory_space<vmem>>, vector<16xf32>,
      %mul3A_1065 = arith.constant 16 : i32
      %mul3A_1066 = arith.muli %scan3A_1057, %mul3A_1065 : i32
      %add3A_1067 = arith.constant 1 : i32
      %add3A_1068 = arith.addi %mul3A_1066, %add3A_1067 : i32
      %mul3A_1069 = arith.constant 16 : i32
      %mul3A_1070 = arith.muli %add3A_1068, %mul3A_1069 : i32
      %swap3A_1071 = arith.index_cast %mul3A_1070 : i32 to index
      %swap3A_1072 = tpu.vector_load %arg6[%swap3A_1071] {strides = array<i32>} : memref<4096xf32, #tpu.memory_space<vmem>>, vector<16xf32>,
      tpu.vector_store %arg6[%swap3A_1071], %broadcast_in_dim3A_720 {strides = array<i32>} : memref<4096xf32, #tpu.memory_space<vmem>>, vector<16xf32>,
      %mul3A_1073 = arith.constant 16 : i32
      %mul3A_1074 = arith.muli %scan3A_1057, %mul3A_1073 : i32
      %add3A_1075 = arith.constant 2 : i32
      %add3A_1076 = arith.addi %mul3A_1074, %add3A_1075 : i32
      %mul3A_1077 = arith.constant 16 : i32
      %mul3A_1078 = arith.muli %add3A_1076, %mul3A_1077 : i32
      %swap3A_1079 = arith.index_cast %mul3A_1078 : i32 to index
      %swap3A_1080 = tpu.vector_load %arg6[%swap3A_1079] {strides = array<i32>} : memref<4096xf32, #tpu.memory_space<vmem>>, vector<16xf32>,
      tpu.vector_store %arg6[%swap3A_1079], %broadcast_in_dim3A_720 {strides = array<i32>} : memref<4096xf32, #tpu.memory_space<vmem>>, vector<16xf32>,
      %mul3A_1081 = arith.constant 16 : i32
      %mul3A_1082 = arith.muli %scan3A_1057, %mul3A_1081 : i32
      %add3A_1083 = arith.constant 3 : i32
      %add3A_1084 = arith.addi %mul3A_1082, %add3A_1083 : i32
      %mul3A_1085 = arith.constant 16 : i32
      %mul3A_1086 = arith.muli %add3A_1084, %mul3A_1085 : i32
      %swap3A_1087 = arith.index_cast %mul3A_1086 : i32 to index
      %swap3A_1088 = tpu.vector_load %arg6[%swap3A_1087] {strides = array<i32>} : memref<4096xf32, #tpu.memory_space<vmem>>, vector<16xf32>,
      tpu.vector_store %arg6[%swap3A_1087], %broadcast_in_dim3A_720 {strides = array<i32>} : memref<4096xf32, #tpu.memory_space<vmem>>, vector<16xf32>,
      %mul3A_1089 = arith.constant 16 : i32
      %mul3A_1090 = arith.muli %scan3A_1057, %mul3A_1089 : i32
      %add3A_1091 = arith.constant 4 : i32
      %add3A_1092 = arith.addi %mul3A_1090, %add3A_1091 : i32
      %mul3A_1093 = arith.constant 16 : i32
      %mul3A_1094 = arith.muli %add3A_1092, %mul3A_1093 : i32
      %swap3A_1095 = arith.index_cast %mul3A_1094 : i32 to index
      %swap3A_1096 = tpu.vector_load %arg6[%swap3A_1095] {strides = array<i32>} : memref<4096xf32, #tpu.memory_space<vmem>>, vector<16xf32>,
      tpu.vector_store %arg6[%swap3A_1095], %broadcast_in_dim3A_720 {strides = array<i32>} : memref<4096xf32, #tpu.memory_space<vmem>>, vector<16xf32>,
      %mul3A_1097 = arith.constant 16 : i32
      %mul3A_1098 = arith.muli %scan3A_1057, %mul3A_1097 : i32
      %add3A_1099 = arith.constant 5 : i32
      %add3A_1100 = arith.addi %mul3A_1098, %add3A_1099 : i32
      %mul3A_1101 = arith.constant 16 : i32
      %mul3A_1102 = arith.muli %add3A_1100, %mul3A_1101 : i32
      %swap3A_1103 = arith.index_cast %mul3A_1102 : i32 to index
      %swap3A_1104 = tpu.vector_load %arg6[%swap3A_1103] {strides = array<i32>} : memref<4096xf32, #tpu.memory_space<vmem>>, vector<16xf32>,
      tpu.vector_store %arg6[%swap3A_1103], %broadcast_in_dim3A_720 {strides = array<i32>} : memref<4096xf32, #tpu.memory_space<vmem>>, vector<16xf32>,
      %mul3A_1105 = arith.constant 16 : i32
      %mul3A_1106 = arith.muli %scan3A_1057, %mul3A_1105 : i32
      %add3A_1107 = arith.constant 6 : i32
      %add3A_1108 = arith.addi %mul3A_1106, %add3A_1107 : i32
      %mul3A_1109 = arith.constant 16 : i32
      %mul3A_1110 = arith.muli %add3A_1108, %mul3A_1109 : i32
      %swap3A_1111 = arith.index_cast %mul3A_1110 : i32 to index
      %swap3A_1112 = tpu.vector_load %arg6[%swap3A_1111] {strides = array<i32>} : memref<4096xf32, #tpu.memory_space<vmem>>, vector<16xf32>,
      tpu.vector_store %arg6[%swap3A_1111], %broadcast_in_dim3A_720 {strides = array<i32>} : memref<4096xf32, #tpu.memory_space<vmem>>, vector<16xf32>,
      %mul3A_1113 = arith.constant 16 : i32
      %mul3A_1114 = arith.muli %scan3A_1057, %mul3A_1113 : i32
      %add3A_1115 = arith.constant 7 : i32
      %add3A_1116 = arith.addi %mul3A_1114, %add3A_1115 : i32
      %mul3A_1117 = arith.constant 16 : i32
      %mul3A_1118 = arith.muli %add3A_1116, %mul3A_1117 : i32
      %swap3A_1119 = arith.index_cast %mul3A_1118 : i32 to index
      %swap3A_1120 = tpu.vector_load %arg6[%swap3A_1119] {strides = array<i32>} : memref<4096xf32, #tpu.memory_space<vmem>>, vector<16xf32>,
      tpu.vector_store %arg6[%swap3A_1119], %broadcast_in_dim3A_720 {strides = array<i32>} : memref<4096xf32, #tpu.memory_space<vmem>>, vector<16xf32>,
      %mul3A_1121 = arith.constant 16 : i32
      %mul3A_1122 = arith.muli %scan3A_1057, %mul3A_1121 : i32
      %add3A_1123 = arith.constant 8 : i32
      %add3A_1124 = arith.addi %mul3A_1122, %add3A_1123 : i32
      %mul3A_1125 = arith.constant 16 : i32
      %mul3A_1126 = arith.muli %add3A_1124, %mul3A_1125 : i32
      %swap3A_1127 = arith.index_cast %mul3A_1126 : i32 to index
      %swap3A_1128 = tpu.vector_load %arg6[%swap3A_1127] {strides = array<i32>} : memref<4096xf32, #tpu.memory_space<vmem>>, vector<16xf32>,
      tpu.vector_store %arg6[%swap3A_1127], %broadcast_in_dim3A_720 {strides = array<i32>} : memref<4096xf32, #tpu.memory_space<vmem>>, vector<16xf32>,
      %mul3A_1129 = arith.constant 16 : i32
      %mul3A_1130 = arith.muli %scan3A_1057, %mul3A_1129 : i32
      %add3A_1131 = arith.constant 9 : i32
      %add3A_1132 = arith.addi %mul3A_1130, %add3A_1131 : i32
      %mul3A_1133 = arith.constant 16 : i32
      %mul3A_1134 = arith.muli %add3A_1132, %mul3A_1133 : i32
      %swap3A_1135 = arith.index_cast %mul3A_1134 : i32 to index
      %swap3A_1136 = tpu.vector_load %arg6[%swap3A_1135] {strides = array<i32>} : memref<4096xf32, #tpu.memory_space<vmem>>, vector<16xf32>,
      tpu.vector_store %arg6[%swap3A_1135], %broadcast_in_dim3A_720 {strides = array<i32>} : memref<4096xf32, #tpu.memory_space<vmem>>, vector<16xf32>,
      %mul3A_1137 = arith.constant 16 : i32
      %mul3A_1138 = arith.muli %scan3A_1057, %mul3A_1137 : i32
      %add3A_1139 = arith.constant 10 : i32
      %add3A_1140 = arith.addi %mul3A_1138, %add3A_1139 : i32
      %mul3A_1141 = arith.constant 16 : i32
      %mul3A_1142 = arith.muli %add3A_1140, %mul3A_1141 : i32
      %swap3A_1143 = arith.index_cast %mul3A_1142 : i32 to index
      %swap3A_1144 = tpu.vector_load %arg6[%swap3A_1143] {strides = array<i32>} : memref<4096xf32, #tpu.memory_space<vmem>>, vector<16xf32>,
      tpu.vector_store %arg6[%swap3A_1143], %broadcast_in_dim3A_720 {strides = array<i32>} : memref<4096xf32, #tpu.memory_space<vmem>>, vector<16xf32>,
      %mul3A_1145 = arith.constant 16 : i32
      %mul3A_1146 = arith.muli %scan3A_1057, %mul3A_1145 : i32
      %add3A_1147 = arith.constant 11 : i32
      %add3A_1148 = arith.addi %mul3A_1146, %add3A_1147 : i32
      %mul3A_1149 = arith.constant 16 : i32
      %mul3A_1150 = arith.muli %add3A_1148, %mul3A_1149 : i32
      %swap3A_1151 = arith.index_cast %mul3A_1150 : i32 to index
      %swap3A_1152 = tpu.vector_load %arg6[%swap3A_1151] {strides = array<i32>} : memref<4096xf32, #tpu.memory_space<vmem>>, vector<16xf32>,
      tpu.vector_store %arg6[%swap3A_1151], %broadcast_in_dim3A_720 {strides = array<i32>} : memref<4096xf32, #tpu.memory_space<vmem>>, vector<16xf32>,
      %mul3A_1153 = arith.constant 16 : i32
      %mul3A_1154 = arith.muli %scan3A_1057, %mul3A_1153 : i32
      %add3A_1155 = arith.constant 12 : i32
      %add3A_1156 = arith.addi %mul3A_1154, %add3A_1155 : i32
      %mul3A_1157 = arith.constant 16 : i32
      %mul3A_1158 = arith.muli %add3A_1156, %mul3A_1157 : i32
      %swap3A_1159 = arith.index_cast %mul3A_1158 : i32 to index
      %swap3A_1160 = tpu.vector_load %arg6[%swap3A_1159] {strides = array<i32>} : memref<4096xf32, #tpu.memory_space<vmem>>, vector<16xf32>,
      tpu.vector_store %arg6[%swap3A_1159], %broadcast_in_dim3A_720 {strides = array<i32>} : memref<4096xf32, #tpu.memory_space<vmem>>, vector<16xf32>,
      %mul3A_1161 = arith.constant 16 : i32
      %mul3A_1162 = arith.muli %scan3A_1057, %mul3A_1161 : i32
      %add3A_1163 = arith.constant 13 : i32
      %add3A_1164 = arith.addi %mul3A_1162, %add3A_1163 : i32
      %mul3A_1165 = arith.constant 16 : i32
      %mul3A_1166 = arith.muli %add3A_1164, %mul3A_1165 : i32
      %swap3A_1167 = arith.index_cast %mul3A_1166 : i32 to index
      %swap3A_1168 = tpu.vector_load %arg6[%swap3A_1167] {strides = array<i32>} : memref<4096xf32, #tpu.memory_space<vmem>>, vector<16xf32>,
      tpu.vector_store %arg6[%swap3A_1167], %broadcast_in_dim3A_720 {strides = array<i32>} : memref<4096xf32, #tpu.memory_space<vmem>>, vector<16xf32>,
      %mul3A_1169 = arith.constant 16 : i32
      %mul3A_1170 = arith.muli %scan3A_1057, %mul3A_1169 : i32
      %add3A_1171 = arith.constant 14 : i32
      %add3A_1172 = arith.addi %mul3A_1170, %add3A_1171 : i32
      %mul3A_1173 = arith.constant 16 : i32
      %mul3A_1174 = arith.muli %add3A_1172, %mul3A_1173 : i32
      %swap3A_1175 = arith.index_cast %mul3A_1174 : i32 to index
      %swap3A_1176 = tpu.vector_load %arg6[%swap3A_1175] {strides = array<i32>} : memref<4096xf32, #tpu.memory_space<vmem>>, vector<16xf32>,
      tpu.vector_store %arg6[%swap3A_1175], %broadcast_in_dim3A_720 {strides = array<i32>} : memref<4096xf32, #tpu.memory_space<vmem>>, vector<16xf32>,
      %mul3A_1177 = arith.constant 16 : i32
      %mul3A_1178 = arith.muli %scan3A_1057, %mul3A_1177 : i32
      %add3A_1179 = arith.constant 15 : i32
      %add3A_1180 = arith.addi %mul3A_1178, %add3A_1179 : i32
      %mul3A_1181 = arith.constant 16 : i32
      %mul3A_1182 = arith.muli %add3A_1180, %mul3A_1181 : i32
      %swap3A_1183 = arith.index_cast %mul3A_1182 : i32 to index
      %swap3A_1184 = tpu.vector_load %arg6[%swap3A_1183] {strides = array<i32>} : memref<4096xf32, #tpu.memory_space<vmem>>, vector<16xf32>,
      tpu.vector_store %arg6[%swap3A_1183], %broadcast_in_dim3A_720 {strides = array<i32>} : memref<4096xf32, #tpu.memory_space<vmem>>, vector<16xf32>,
    }
    %scan3A_725 = arith.constant 16 : i32
    %not3A_726 = arith.constant true
    %not3A_727 = arith.xori %eq3A_93, %not3A_726 : i1
    %convert_element_type3A_728 = arith.extui %not3A_727 : i1 to i32
    %cond3A_729 = arith.constant 0 : i32
    %cond3A_730 = arith.cmpi ne, %convert_element_type3A_728, %cond3A_729 : i32
    scf.if %cond3A_730 {
      %dma_start3A = tpu.memref_slice %arg7[%mul3A_12] : memref<1572864xf32, #tpu.memory_space<vmem_shared>> -> memref<32768xf32, #tpu.memory_space<vmem_shared>>
      %dma_start3A_1057 = arith.constant 32768 : i32
      %dma_start3A_1058 = tpu.memref_slice %arg2[%select_n3A, %select_n3A_76, %select_n3A_92, %dma_start3A_1057] : memref<16x8x2x65536xf32, #tpu.memory_space<hbm>> -> memref<1x1x1x32768xf32, #tpu.memory_space<hbm>>
      %dma_start3A_1059 = tpu.memref_squeeze %dma_start3A_1058 : memref<1x1x1x32768xf32, #tpu.memory_space<hbm>> -> memref<32768xf32, #tpu.memory_space<hbm>>
      tpu.enqueue_dma source(%dma_start3A_1059 : memref<32768xf32, #tpu.memory_space<hbm>>) target(%dma_start3A : memref<32768xf32, #tpu.memory_space<vmem_shared>>) target_semaphore(%arg9 : memref<!tpu.dma_semaphore, #tpu.memory_space<semaphore_mem>>)
    } else {
    }
    %convert_element_type3A_731 = arith.extui %eq3A_93 : i1 to i32
    %cond3A_732 = arith.constant 0 : i32
    %cond3A_733 = arith.cmpi ne, %convert_element_type3A_731, %cond3A_732 : i32
    scf.if %cond3A_733 {
      %dma_start3A = arith.constant 0 : i32
      %dma_start3A_1057 = tpu.memref_slice %arg4[%select_n3A, %select_n3A_76, %select_n3A_92, %dma_start3A] : memref<16x8x2x65536xf32, #tpu.memory_space<hbm>> -> memref<1x1x1x4096xf32, #tpu.memory_space<hbm>>
      %dma_start3A_1058 = tpu.memref_squeeze %dma_start3A_1057 : memref<1x1x1x4096xf32, #tpu.memory_space<hbm>> -> memref<4096xf32, #tpu.memory_space<hbm>>
      %dma_start3A_1059 = arith.constant 0 : i32
      %dma_start3A_1060 = tpu.memref_slice %arg4[%select_n3A, %select_n3A_76, %select_n3A_92, %dma_start3A_1059] : memref<16x8x2x65536xf32, #tpu.memory_space<hbm>> -> memref<1x1x1x4096xf32, #tpu.memory_space<hbm>>
      %dma_start3A_1061 = tpu.memref_squeeze %dma_start3A_1060 : memref<1x1x1x4096xf32, #tpu.memory_space<hbm>> -> memref<4096xf32, #tpu.memory_space<hbm>>
      tpu.enqueue_dma source(%arg6 : memref<4096xf32, #tpu.memory_space<vmem>>) target(%dma_start3A_1061 : memref<4096xf32, #tpu.memory_space<hbm>>) target_semaphore(%arg14 : memref<!tpu.dma_semaphore, #tpu.memory_space<semaphore_mem>>)
      %dma_start3A_1062 = arith.constant 4096 : i32
      %dma_start3A_1063 = tpu.memref_slice %arg4[%select_n3A, %select_n3A_76, %select_n3A_92, %dma_start3A_1062] : memref<16x8x2x65536xf32, #tpu.memory_space<hbm>> -> memref<1x1x1x4096xf32, #tpu.memory_space<hbm>>
      %dma_start3A_1064 = tpu.memref_squeeze %dma_start3A_1063 : memref<1x1x1x4096xf32, #tpu.memory_space<hbm>> -> memref<4096xf32, #tpu.memory_space<hbm>>
      %dma_start3A_1065 = arith.constant 4096 : i32
      %dma_start3A_1066 = tpu.memref_slice %arg4[%select_n3A, %select_n3A_76, %select_n3A_92, %dma_start3A_1065] : memref<16x8x2x65536xf32, #tpu.memory_space<hbm>> -> memref<1x1x1x4096xf32, #tpu.memory_space<hbm>>
      %dma_start3A_1067 = tpu.memref_squeeze %dma_start3A_1066 : memref<1x1x1x4096xf32, #tpu.memory_space<hbm>> -> memref<4096xf32, #tpu.memory_space<hbm>>
      tpu.enqueue_dma source(%arg6 : memref<4096xf32, #tpu.memory_space<vmem>>) target(%dma_start3A_1067 : memref<4096xf32, #tpu.memory_space<hbm>>) target_semaphore(%arg14 : memref<!tpu.dma_semaphore, #tpu.memory_space<semaphore_mem>>)
      %dma_start3A_1068 = arith.constant 8192 : i32
      %dma_start3A_1069 = tpu.memref_slice %arg4[%select_n3A, %select_n3A_76, %select_n3A_92, %dma_start3A_1068] : memref<16x8x2x65536xf32, #tpu.memory_space<hbm>> -> memref<1x1x1x4096xf32, #tpu.memory_space<hbm>>
      %dma_start3A_1070 = tpu.memref_squeeze %dma_start3A_1069 : memref<1x1x1x4096xf32, #tpu.memory_space<hbm>> -> memref<4096xf32, #tpu.memory_space<hbm>>
      %dma_start3A_1071 = arith.constant 8192 : i32
      %dma_start3A_1072 = tpu.memref_slice %arg4[%select_n3A, %select_n3A_76, %select_n3A_92, %dma_start3A_1071] : memref<16x8x2x65536xf32, #tpu.memory_space<hbm>> -> memref<1x1x1x4096xf32, #tpu.memory_space<hbm>>
      %dma_start3A_1073 = tpu.memref_squeeze %dma_start3A_1072 : memref<1x1x1x4096xf32, #tpu.memory_space<hbm>> -> memref<4096xf32, #tpu.memory_space<hbm>>
      tpu.enqueue_dma source(%arg6 : memref<4096xf32, #tpu.memory_space<vmem>>) target(%dma_start3A_1073 : memref<4096xf32, #tpu.memory_space<hbm>>) target_semaphore(%arg14 : memref<!tpu.dma_semaphore, #tpu.memory_space<semaphore_mem>>)
      %dma_start3A_1074 = arith.constant 12288 : i32
      %dma_start3A_1075 = tpu.memref_slice %arg4[%select_n3A, %select_n3A_76, %select_n3A_92, %dma_start3A_1074] : memref<16x8x2x65536xf32, #tpu.memory_space<hbm>> -> memref<1x1x1x4096xf32, #tpu.memory_space<hbm>>
      %dma_start3A_1076 = tpu.memref_squeeze %dma_start3A_1075 : memref<1x1x1x4096xf32, #tpu.memory_space<hbm>> -> memref<4096xf32, #tpu.memory_space<hbm>>
      %dma_start3A_1077 = arith.constant 12288 : i32
      %dma_start3A_1078 = tpu.memref_slice %arg4[%select_n3A, %select_n3A_76, %select_n3A_92, %dma_start3A_1077] : memref<16x8x2x65536xf32, #tpu.memory_space<hbm>> -> memref<1x1x1x4096xf32, #tpu.memory_space<hbm>>
      %dma_start3A_1079 = tpu.memref_squeeze %dma_start3A_1078 : memref<1x1x1x4096xf32, #tpu.memory_space<hbm>> -> memref<4096xf32, #tpu.memory_space<hbm>>
      tpu.enqueue_dma source(%arg6 : memref<4096xf32, #tpu.memory_space<vmem>>) target(%dma_start3A_1079 : memref<4096xf32, #tpu.memory_space<hbm>>) target_semaphore(%arg14 : memref<!tpu.dma_semaphore, #tpu.memory_space<semaphore_mem>>)
      %dma_start3A_1080 = arith.constant 16384 : i32
      %dma_start3A_1081 = tpu.memref_slice %arg4[%select_n3A, %select_n3A_76, %select_n3A_92, %dma_start3A_1080] : memref<16x8x2x65536xf32, #tpu.memory_space<hbm>> -> memref<1x1x1x4096xf32, #tpu.memory_space<hbm>>
      %dma_start3A_1082 = tpu.memref_squeeze %dma_start3A_1081 : memref<1x1x1x4096xf32, #tpu.memory_space<hbm>> -> memref<4096xf32, #tpu.memory_space<hbm>>
      %dma_start3A_1083 = arith.constant 16384 : i32
      %dma_start3A_1084 = tpu.memref_slice %arg4[%select_n3A, %select_n3A_76, %select_n3A_92, %dma_start3A_1083] : memref<16x8x2x65536xf32, #tpu.memory_space<hbm>> -> memref<1x1x1x4096xf32, #tpu.memory_space<hbm>>
      %dma_start3A_1085 = tpu.memref_squeeze %dma_start3A_1084 : memref<1x1x1x4096xf32, #tpu.memory_space<hbm>> -> memref<4096xf32, #tpu.memory_space<hbm>>
      tpu.enqueue_dma source(%arg6 : memref<4096xf32, #tpu.memory_space<vmem>>) target(%dma_start3A_1085 : memref<4096xf32, #tpu.memory_space<hbm>>) target_semaphore(%arg14 : memref<!tpu.dma_semaphore, #tpu.memory_space<semaphore_mem>>)
      %dma_start3A_1086 = arith.constant 20480 : i32
      %dma_start3A_1087 = tpu.memref_slice %arg4[%select_n3A, %select_n3A_76, %select_n3A_92, %dma_start3A_1086] : memref<16x8x2x65536xf32, #tpu.memory_space<hbm>> -> memref<1x1x1x4096xf32, #tpu.memory_space<hbm>>
      %dma_start3A_1088 = tpu.memref_squeeze %dma_start3A_1087 : memref<1x1x1x4096xf32, #tpu.memory_space<hbm>> -> memref<4096xf32, #tpu.memory_space<hbm>>
      %dma_start3A_1089 = arith.constant 20480 : i32
      %dma_start3A_1090 = tpu.memref_slice %arg4[%select_n3A, %select_n3A_76, %select_n3A_92, %dma_start3A_1089] : memref<16x8x2x65536xf32, #tpu.memory_space<hbm>> -> memref<1x1x1x4096xf32, #tpu.memory_space<hbm>>
      %dma_start3A_1091 = tpu.memref_squeeze %dma_start3A_1090 : memref<1x1x1x4096xf32, #tpu.memory_space<hbm>> -> memref<4096xf32, #tpu.memory_space<hbm>>
      tpu.enqueue_dma source(%arg6 : memref<4096xf32, #tpu.memory_space<vmem>>) target(%dma_start3A_1091 : memref<4096xf32, #tpu.memory_space<hbm>>) target_semaphore(%arg14 : memref<!tpu.dma_semaphore, #tpu.memory_space<semaphore_mem>>)
      %dma_start3A_1092 = arith.constant 24576 : i32
      %dma_start3A_1093 = tpu.memref_slice %arg4[%select_n3A, %select_n3A_76, %select_n3A_92, %dma_start3A_1092] : memref<16x8x2x65536xf32, #tpu.memory_space<hbm>> -> memref<1x1x1x4096xf32, #tpu.memory_space<hbm>>
      %dma_start3A_1094 = tpu.memref_squeeze %dma_start3A_1093 : memref<1x1x1x4096xf32, #tpu.memory_space<hbm>> -> memref<4096xf32, #tpu.memory_space<hbm>>
      %dma_start3A_1095 = arith.constant 24576 : i32
      %dma_start3A_1096 = tpu.memref_slice %arg4[%select_n3A, %select_n3A_76, %select_n3A_92, %dma_start3A_1095] : memref<16x8x2x65536xf32, #tpu.memory_space<hbm>> -> memref<1x1x1x4096xf32, #tpu.memory_space<hbm>>
      %dma_start3A_1097 = tpu.memref_squeeze %dma_start3A_1096 : memref<1x1x1x4096xf32, #tpu.memory_space<hbm>> -> memref<4096xf32, #tpu.memory_space<hbm>>
      tpu.enqueue_dma source(%arg6 : memref<4096xf32, #tpu.memory_space<vmem>>) target(%dma_start3A_1097 : memref<4096xf32, #tpu.memory_space<hbm>>) target_semaphore(%arg14 : memref<!tpu.dma_semaphore, #tpu.memory_space<semaphore_mem>>)
      %dma_start3A_1098 = arith.constant 28672 : i32
      %dma_start3A_1099 = tpu.memref_slice %arg4[%select_n3A, %select_n3A_76, %select_n3A_92, %dma_start3A_1098] : memref<16x8x2x65536xf32, #tpu.memory_space<hbm>> -> memref<1x1x1x4096xf32, #tpu.memory_space<hbm>>
      %dma_start3A_1100 = tpu.memref_squeeze %dma_start3A_1099 : memref<1x1x1x4096xf32, #tpu.memory_space<hbm>> -> memref<4096xf32, #tpu.memory_space<hbm>>
      %dma_start3A_1101 = arith.constant 28672 : i32
      %dma_start3A_1102 = tpu.memref_slice %arg4[%select_n3A, %select_n3A_76, %select_n3A_92, %dma_start3A_1101] : memref<16x8x2x65536xf32, #tpu.memory_space<hbm>> -> memref<1x1x1x4096xf32, #tpu.memory_space<hbm>>
      %dma_start3A_1103 = tpu.memref_squeeze %dma_start3A_1102 : memref<1x1x1x4096xf32, #tpu.memory_space<hbm>> -> memref<4096xf32, #tpu.memory_space<hbm>>
      tpu.enqueue_dma source(%arg6 : memref<4096xf32, #tpu.memory_space<vmem>>) target(%dma_start3A_1103 : memref<4096xf32, #tpu.memory_space<hbm>>) target_semaphore(%arg14 : memref<!tpu.dma_semaphore, #tpu.memory_space<semaphore_mem>>)
    } else {
    }
    %not3A_734 = arith.constant true
    %not3A_735 = arith.xori %eq3A_93, %not3A_734 : i1
    %convert_element_type3A_736 = arith.extui %not3A_735 : i1 to i32
    %cond3A_737 = arith.constant 0 : i32
    %cond3A_738 = arith.cmpi ne, %convert_element_type3A_736, %cond3A_737 : i32
    scf.if %cond3A_738 {
      %dma_wait3A = tpu.memref_slice %arg7[%mul3A_6] : memref<1572864xf32, #tpu.memory_space<vmem_shared>> -> memref<32768xf32, #tpu.memory_space<vmem_shared>>
      %dma_wait3A_1057 = arith.constant 0 : i32
      %dma_wait3A_1058 = tpu.memref_slice %arg2[%select_n3A, %select_n3A_76, %select_n3A_92, %dma_wait3A_1057] : memref<16x8x2x65536xf32, #tpu.memory_space<hbm>> -> memref<1x1x1x32768xf32, #tpu.memory_space<hbm>>
      %dma_wait3A_1059 = tpu.memref_squeeze %dma_wait3A_1058 : memref<1x1x1x32768xf32, #tpu.memory_space<hbm>> -> memref<32768xf32, #tpu.memory_space<hbm>>
      tpu.wait_dma2 semaphore(%arg8 : memref<!tpu.dma_semaphore, #tpu.memory_space<semaphore_mem>>) src(%dma_wait3A_1059 : memref<32768xf32, #tpu.memory_space<hbm>>) dst(%dma_wait3A : memref<32768xf32, #tpu.memory_space<vmem_shared>>)
      %dma_start3A = arith.constant 0 : i32
      %dma_start3A_1060 = tpu.memref_slice %arg4[%select_n3A, %select_n3A_76, %select_n3A_92, %dma_start3A] : memref<16x8x2x65536xf32, #tpu.memory_space<hbm>> -> memref<1x1x1x32768xf32, #tpu.memory_space<hbm>>
      %dma_start3A_1061 = tpu.memref_squeeze %dma_start3A_1060 : memref<1x1x1x32768xf32, #tpu.memory_space<hbm>> -> memref<32768xf32, #tpu.memory_space<hbm>>
      %dma_start3A_1062 = tpu.memref_slice %arg7[%mul3A_6] : memref<1572864xf32, #tpu.memory_space<vmem_shared>> -> memref<32768xf32, #tpu.memory_space<vmem_shared>>
      tpu.enqueue_dma source(%dma_start3A_1062 : memref<32768xf32, #tpu.memory_space<vmem_shared>>) target(%dma_start3A_1061 : memref<32768xf32, #tpu.memory_space<hbm>>) target_semaphore(%arg11 : memref<!tpu.dma_semaphore, #tpu.memory_space<semaphore_mem>>)
    } else {
    }
    %not3A_739 = arith.constant true
    %not3A_740 = arith.xori %eq3A_182, %not3A_739 : i1
    %convert_element_type3A_741 = arith.extui %not3A_740 : i1 to i32
    %cond3A_742 = arith.constant 0 : i32
    %cond3A_743 = arith.cmpi ne, %convert_element_type3A_741, %cond3A_742 : i32
    scf.if %cond3A_743 {
      %dma_start3A = tpu.memref_slice %arg7[%mul3A_18] : memref<1572864xf32, #tpu.memory_space<vmem_shared>> -> memref<32768xf32, #tpu.memory_space<vmem_shared>>
      %dma_start3A_1057 = arith.constant 0 : i32
      %dma_start3A_1058 = tpu.memref_slice %arg2[%select_n3A_121, %select_n3A_161, %select_n3A_177, %dma_start3A_1057] : memref<16x8x2x65536xf32, #tpu.memory_space<hbm>> -> memref<1x1x1x32768xf32, #tpu.memory_space<hbm>>
      %dma_start3A_1059 = tpu.memref_squeeze %dma_start3A_1058 : memref<1x1x1x32768xf32, #tpu.memory_space<hbm>> -> memref<32768xf32, #tpu.memory_space<hbm>>
      tpu.enqueue_dma source(%dma_start3A_1059 : memref<32768xf32, #tpu.memory_space<hbm>>) target(%dma_start3A : memref<32768xf32, #tpu.memory_space<vmem_shared>>) target_semaphore(%arg10 : memref<!tpu.dma_semaphore, #tpu.memory_space<semaphore_mem>>)
    } else {
    }
    %convert_element_type3A_744 = arith.extui %eq3A_93 : i1 to i32
    %cond3A_745 = arith.constant 0 : i32
    %cond3A_746 = arith.cmpi ne, %convert_element_type3A_744, %cond3A_745 : i32
    scf.if %cond3A_746 {
      %dma_start3A = arith.constant 32768 : i32
      %dma_start3A_1057 = tpu.memref_slice %arg4[%select_n3A, %select_n3A_76, %select_n3A_92, %dma_start3A] : memref<16x8x2x65536xf32, #tpu.memory_space<hbm>> -> memref<1x1x1x4096xf32, #tpu.memory_space<hbm>>
      %dma_start3A_1058 = tpu.memref_squeeze %dma_start3A_1057 : memref<1x1x1x4096xf32, #tpu.memory_space<hbm>> -> memref<4096xf32, #tpu.memory_space<hbm>>
      %dma_start3A_1059 = arith.constant 32768 : i32
      %dma_start3A_1060 = tpu.memref_slice %arg4[%select_n3A, %select_n3A_76, %select_n3A_92, %dma_start3A_1059] : memref<16x8x2x65536xf32, #tpu.memory_space<hbm>> -> memref<1x1x1x4096xf32, #tpu.memory_space<hbm>>
      %dma_start3A_1061 = tpu.memref_squeeze %dma_start3A_1060 : memref<1x1x1x4096xf32, #tpu.memory_space<hbm>> -> memref<4096xf32, #tpu.memory_space<hbm>>
      tpu.enqueue_dma source(%arg6 : memref<4096xf32, #tpu.memory_space<vmem>>) target(%dma_start3A_1061 : memref<4096xf32, #tpu.memory_space<hbm>>) target_semaphore(%arg14 : memref<!tpu.dma_semaphore, #tpu.memory_space<semaphore_mem>>)
      %dma_start3A_1062 = arith.constant 36864 : i32
      %dma_start3A_1063 = tpu.memref_slice %arg4[%select_n3A, %select_n3A_76, %select_n3A_92, %dma_start3A_1062] : memref<16x8x2x65536xf32, #tpu.memory_space<hbm>> -> memref<1x1x1x4096xf32, #tpu.memory_space<hbm>>
      %dma_start3A_1064 = tpu.memref_squeeze %dma_start3A_1063 : memref<1x1x1x4096xf32, #tpu.memory_space<hbm>> -> memref<4096xf32, #tpu.memory_space<hbm>>
      %dma_start3A_1065 = arith.constant 36864 : i32
      %dma_start3A_1066 = tpu.memref_slice %arg4[%select_n3A, %select_n3A_76, %select_n3A_92, %dma_start3A_1065] : memref<16x8x2x65536xf32, #tpu.memory_space<hbm>> -> memref<1x1x1x4096xf32, #tpu.memory_space<hbm>>
      %dma_start3A_1067 = tpu.memref_squeeze %dma_start3A_1066 : memref<1x1x1x4096xf32, #tpu.memory_space<hbm>> -> memref<4096xf32, #tpu.memory_space<hbm>>
      tpu.enqueue_dma source(%arg6 : memref<4096xf32, #tpu.memory_space<vmem>>) target(%dma_start3A_1067 : memref<4096xf32, #tpu.memory_space<hbm>>) target_semaphore(%arg14 : memref<!tpu.dma_semaphore, #tpu.memory_space<semaphore_mem>>)
      %dma_start3A_1068 = arith.constant 40960 : i32
      %dma_start3A_1069 = tpu.memref_slice %arg4[%select_n3A, %select_n3A_76, %select_n3A_92, %dma_start3A_1068] : memref<16x8x2x65536xf32, #tpu.memory_space<hbm>> -> memref<1x1x1x4096xf32, #tpu.memory_space<hbm>>
      %dma_start3A_1070 = tpu.memref_squeeze %dma_start3A_1069 : memref<1x1x1x4096xf32, #tpu.memory_space<hbm>> -> memref<4096xf32, #tpu.memory_space<hbm>>
      %dma_start3A_1071 = arith.constant 40960 : i32
      %dma_start3A_1072 = tpu.memref_slice %arg4[%select_n3A, %select_n3A_76, %select_n3A_92, %dma_start3A_1071] : memref<16x8x2x65536xf32, #tpu.memory_space<hbm>> -> memref<1x1x1x4096xf32, #tpu.memory_space<hbm>>
      %dma_start3A_1073 = tpu.memref_squeeze %dma_start3A_1072 : memref<1x1x1x4096xf32, #tpu.memory_space<hbm>> -> memref<4096xf32, #tpu.memory_space<hbm>>
      tpu.enqueue_dma source(%arg6 : memref<4096xf32, #tpu.memory_space<vmem>>) target(%dma_start3A_1073 : memref<4096xf32, #tpu.memory_space<hbm>>) target_semaphore(%arg14 : memref<!tpu.dma_semaphore, #tpu.memory_space<semaphore_mem>>)
      %dma_start3A_1074 = arith.constant 45056 : i32
      %dma_start3A_1075 = tpu.memref_slice %arg4[%select_n3A, %select_n3A_76, %select_n3A_92, %dma_start3A_1074] : memref<16x8x2x65536xf32, #tpu.memory_space<hbm>> -> memref<1x1x1x4096xf32, #tpu.memory_space<hbm>>
      %dma_start3A_1076 = tpu.memref_squeeze %dma_start3A_1075 : memref<1x1x1x4096xf32, #tpu.memory_space<hbm>> -> memref<4096xf32, #tpu.memory_space<hbm>>
      %dma_start3A_1077 = arith.constant 45056 : i32
      %dma_start3A_1078 = tpu.memref_slice %arg4[%select_n3A, %select_n3A_76, %select_n3A_92, %dma_start3A_1077] : memref<16x8x2x65536xf32, #tpu.memory_space<hbm>> -> memref<1x1x1x4096xf32, #tpu.memory_space<hbm>>
      %dma_start3A_1079 = tpu.memref_squeeze %dma_start3A_1078 : memref<1x1x1x4096xf32, #tpu.memory_space<hbm>> -> memref<4096xf32, #tpu.memory_space<hbm>>
      tpu.enqueue_dma source(%arg6 : memref<4096xf32, #tpu.memory_space<vmem>>) target(%dma_start3A_1079 : memref<4096xf32, #tpu.memory_space<hbm>>) target_semaphore(%arg14 : memref<!tpu.dma_semaphore, #tpu.memory_space<semaphore_mem>>)
      %dma_start3A_1080 = arith.constant 49152 : i32
      %dma_start3A_1081 = tpu.memref_slice %arg4[%select_n3A, %select_n3A_76, %select_n3A_92, %dma_start3A_1080] : memref<16x8x2x65536xf32, #tpu.memory_space<hbm>> -> memref<1x1x1x4096xf32, #tpu.memory_space<hbm>>
      %dma_start3A_1082 = tpu.memref_squeeze %dma_start3A_1081 : memref<1x1x1x4096xf32, #tpu.memory_space<hbm>> -> memref<4096xf32, #tpu.memory_space<hbm>>
      %dma_start3A_1083 = arith.constant 49152 : i32
      %dma_start3A_1084 = tpu.memref_slice %arg4[%select_n3A, %select_n3A_76, %select_n3A_92, %dma_start3A_1083] : memref<16x8x2x65536xf32, #tpu.memory_space<hbm>> -> memref<1x1x1x4096xf32, #tpu.memory_space<hbm>>
      %dma_start3A_1085 = tpu.memref_squeeze %dma_start3A_1084 : memref<1x1x1x4096xf32, #tpu.memory_space<hbm>> -> memref<4096xf32, #tpu.memory_space<hbm>>
      tpu.enqueue_dma source(%arg6 : memref<4096xf32, #tpu.memory_space<vmem>>) target(%dma_start3A_1085 : memref<4096xf32, #tpu.memory_space<hbm>>) target_semaphore(%arg14 : memref<!tpu.dma_semaphore, #tpu.memory_space<semaphore_mem>>)
      %dma_start3A_1086 = arith.constant 53248 : i32
      %dma_start3A_1087 = tpu.memref_slice %arg4[%select_n3A, %select_n3A_76, %select_n3A_92, %dma_start3A_1086] : memref<16x8x2x65536xf32, #tpu.memory_space<hbm>> -> memref<1x1x1x4096xf32, #tpu.memory_space<hbm>>
      %dma_start3A_1088 = tpu.memref_squeeze %dma_start3A_1087 : memref<1x1x1x4096xf32, #tpu.memory_space<hbm>> -> memref<4096xf32, #tpu.memory_space<hbm>>
      %dma_start3A_1089 = arith.constant 53248 : i32
      %dma_start3A_1090 = tpu.memref_slice %arg4[%select_n3A, %select_n3A_76, %select_n3A_92, %dma_start3A_1089] : memref<16x8x2x65536xf32, #tpu.memory_space<hbm>> -> memref<1x1x1x4096xf32, #tpu.memory_space<hbm>>
      %dma_start3A_1091 = tpu.memref_squeeze %dma_start3A_1090 : memref<1x1x1x4096xf32, #tpu.memory_space<hbm>> -> memref<4096xf32, #tpu.memory_space<hbm>>
      tpu.enqueue_dma source(%arg6 : memref<4096xf32, #tpu.memory_space<vmem>>) target(%dma_start3A_1091 : memref<4096xf32, #tpu.memory_space<hbm>>) target_semaphore(%arg14 : memref<!tpu.dma_semaphore, #tpu.memory_space<semaphore_mem>>)
      %dma_start3A_1092 = arith.constant 57344 : i32
      %dma_start3A_1093 = tpu.memref_slice %arg4[%select_n3A, %select_n3A_76, %select_n3A_92, %dma_start3A_1092] : memref<16x8x2x65536xf32, #tpu.memory_space<hbm>> -> memref<1x1x1x4096xf32, #tpu.memory_space<hbm>>
      %dma_start3A_1094 = tpu.memref_squeeze %dma_start3A_1093 : memref<1x1x1x4096xf32, #tpu.memory_space<hbm>> -> memref<4096xf32, #tpu.memory_space<hbm>>
      %dma_start3A_1095 = arith.constant 57344 : i32
      %dma_start3A_1096 = tpu.memref_slice %arg4[%select_n3A, %select_n3A_76, %select_n3A_92, %dma_start3A_1095] : memref<16x8x2x65536xf32, #tpu.memory_space<hbm>> -> memref<1x1x1x4096xf32, #tpu.memory_space<hbm>>
      %dma_start3A_1097 = tpu.memref_squeeze %dma_start3A_1096 : memref<1x1x1x4096xf32, #tpu.memory_space<hbm>> -> memref<4096xf32, #tpu.memory_space<hbm>>
      tpu.enqueue_dma source(%arg6 : memref<4096xf32, #tpu.memory_space<vmem>>) target(%dma_start3A_1097 : memref<4096xf32, #tpu.memory_space<hbm>>) target_semaphore(%arg14 : memref<!tpu.dma_semaphore, #tpu.memory_space<semaphore_mem>>)
      %dma_start3A_1098 = arith.constant 61440 : i32
      %dma_start3A_1099 = tpu.memref_slice %arg4[%select_n3A, %select_n3A_76, %select_n3A_92, %dma_start3A_1098] : memref<16x8x2x65536xf32, #tpu.memory_space<hbm>> -> memref<1x1x1x4096xf32, #tpu.memory_space<hbm>>
      %dma_start3A_1100 = tpu.memref_squeeze %dma_start3A_1099 : memref<1x1x1x4096xf32, #tpu.memory_space<hbm>> -> memref<4096xf32, #tpu.memory_space<hbm>>
      %dma_start3A_1101 = arith.constant 61440 : i32
      %dma_start3A_1102 = tpu.memref_slice %arg4[%select_n3A, %select_n3A_76, %select_n3A_92, %dma_start3A_1101] : memref<16x8x2x65536xf32, #tpu.memory_space<hbm>> -> memref<1x1x1x4096xf32, #tpu.memory_space<hbm>>
      %dma_start3A_1103 = tpu.memref_squeeze %dma_start3A_1102 : memref<1x1x1x4096xf32, #tpu.memory_space<hbm>> -> memref<4096xf32, #tpu.memory_space<hbm>>
      tpu.enqueue_dma source(%arg6 : memref<4096xf32, #tpu.memory_space<vmem>>) target(%dma_start3A_1103 : memref<4096xf32, #tpu.memory_space<hbm>>) target_semaphore(%arg14 : memref<!tpu.dma_semaphore, #tpu.memory_space<semaphore_mem>>)
    } else {
    }
    %not3A_747 = arith.constant true
    %not3A_748 = arith.xori %eq3A_93, %not3A_747 : i1
    %convert_element_type3A_749 = arith.extui %not3A_748 : i1 to i32
    %cond3A_750 = arith.constant 0 : i32
    %cond3A_751 = arith.cmpi ne, %convert_element_type3A_749, %cond3A_750 : i32
    scf.if %cond3A_751 {
      %dma_wait3A = tpu.memref_slice %arg7[%mul3A_12] : memref<1572864xf32, #tpu.memory_space<vmem_shared>> -> memref<32768xf32, #tpu.memory_space<vmem_shared>>
      %dma_wait3A_1057 = arith.constant 32768 : i32
      %dma_wait3A_1058 = tpu.memref_slice %arg2[%select_n3A, %select_n3A_76, %select_n3A_92, %dma_wait3A_1057] : memref<16x8x2x65536xf32, #tpu.memory_space<hbm>> -> memref<1x1x1x32768xf32, #tpu.memory_space<hbm>>
      %dma_wait3A_1059 = tpu.memref_squeeze %dma_wait3A_1058 : memref<1x1x1x32768xf32, #tpu.memory_space<hbm>> -> memref<32768xf32, #tpu.memory_space<hbm>>
      tpu.wait_dma2 semaphore(%arg9 : memref<!tpu.dma_semaphore, #tpu.memory_space<semaphore_mem>>) src(%dma_wait3A_1059 : memref<32768xf32, #tpu.memory_space<hbm>>) dst(%dma_wait3A : memref<32768xf32, #tpu.memory_space<vmem_shared>>)
      %dma_start3A = arith.constant 32768 : i32
      %dma_start3A_1060 = tpu.memref_slice %arg4[%select_n3A, %select_n3A_76, %select_n3A_92, %dma_start3A] : memref<16x8x2x65536xf32, #tpu.memory_space<hbm>> -> memref<1x1x1x32768xf32, #tpu.memory_space<hbm>>
      %dma_start3A_1061 = tpu.memref_squeeze %dma_start3A_1060 : memref<1x1x1x32768xf32, #tpu.memory_space<hbm>> -> memref<32768xf32, #tpu.memory_space<hbm>>
      %dma_start3A_1062 = tpu.memref_slice %arg7[%mul3A_12] : memref<1572864xf32, #tpu.memory_space<vmem_shared>> -> memref<32768xf32, #tpu.memory_space<vmem_shared>>
      tpu.enqueue_dma source(%dma_start3A_1062 : memref<32768xf32, #tpu.memory_space<vmem_shared>>) target(%dma_start3A_1061 : memref<32768xf32, #tpu.memory_space<hbm>>) target_semaphore(%arg12 : memref<!tpu.dma_semaphore, #tpu.memory_space<semaphore_mem>>)
    } else {
    }
    %not3A_752 = arith.constant true
    %not3A_753 = arith.xori %eq3A_93, %not3A_752 : i1
    %convert_element_type3A_754 = arith.extui %not3A_753 : i1 to i32
    %cond3A_755 = arith.constant 0 : i32
    %cond3A_756 = arith.cmpi ne, %convert_element_type3A_754, %cond3A_755 : i32
    scf.if %cond3A_756 {
      %dma_wait3A = arith.constant 0 : i32
      %dma_wait3A_1057 = tpu.memref_slice %arg4[%select_n3A, %select_n3A_76, %select_n3A_92, %dma_wait3A] : memref<16x8x2x65536xf32, #tpu.memory_space<hbm>> -> memref<1x1x1x32768xf32, #tpu.memory_space<hbm>>
      %dma_wait3A_1058 = tpu.memref_squeeze %dma_wait3A_1057 : memref<1x1x1x32768xf32, #tpu.memory_space<hbm>> -> memref<32768xf32, #tpu.memory_space<hbm>>
      %dma_wait3A_1059 = tpu.memref_slice %arg7[%mul3A_6] : memref<1572864xf32, #tpu.memory_space<vmem_shared>> -> memref<32768xf32, #tpu.memory_space<vmem_shared>>
      tpu.wait_dma2 semaphore(%arg11 : memref<!tpu.dma_semaphore, #tpu.memory_space<semaphore_mem>>) src(%dma_wait3A_1059 : memref<32768xf32, #tpu.memory_space<vmem_shared>>) dst(%dma_wait3A_1058 : memref<32768xf32, #tpu.memory_space<hbm>>)
    } else {
    }
    %not3A_757 = arith.constant true
    %not3A_758 = arith.xori %eq3A_182, %not3A_757 : i1
    %convert_element_type3A_759 = arith.extui %not3A_758 : i1 to i32
    %cond3A_760 = arith.constant 0 : i32
    %cond3A_761 = arith.cmpi ne, %convert_element_type3A_759, %cond3A_760 : i32
    scf.if %cond3A_761 {
      %dma_start3A = tpu.memref_slice %arg7[%mul3A_6] : memref<1572864xf32, #tpu.memory_space<vmem_shared>> -> memref<32768xf32, #tpu.memory_space<vmem_shared>>
      %dma_start3A_1057 = arith.constant 32768 : i32
      %dma_start3A_1058 = tpu.memref_slice %arg2[%select_n3A_121, %select_n3A_161, %select_n3A_177, %dma_start3A_1057] : memref<16x8x2x65536xf32, #tpu.memory_space<hbm>> -> memref<1x1x1x32768xf32, #tpu.memory_space<hbm>>
      %dma_start3A_1059 = tpu.memref_squeeze %dma_start3A_1058 : memref<1x1x1x32768xf32, #tpu.memory_space<hbm>> -> memref<32768xf32, #tpu.memory_space<hbm>>
      tpu.enqueue_dma source(%dma_start3A_1059 : memref<32768xf32, #tpu.memory_space<hbm>>) target(%dma_start3A : memref<32768xf32, #tpu.memory_space<vmem_shared>>) target_semaphore(%arg8 : memref<!tpu.dma_semaphore, #tpu.memory_space<semaphore_mem>>)
    } else {
    }
    %convert_element_type3A_762 = arith.extui %eq3A_182 : i1 to i32
    %cond3A_763 = arith.constant 0 : i32
    %cond3A_764 = arith.cmpi ne, %convert_element_type3A_762, %cond3A_763 : i32
    scf.if %cond3A_764 {
      %dma_start3A = arith.constant 0 : i32
      %dma_start3A_1057 = tpu.memref_slice %arg4[%select_n3A_121, %select_n3A_161, %select_n3A_177, %dma_start3A] : memref<16x8x2x65536xf32, #tpu.memory_space<hbm>> -> memref<1x1x1x4096xf32, #tpu.memory_space<hbm>>
      %dma_start3A_1058 = tpu.memref_squeeze %dma_start3A_1057 : memref<1x1x1x4096xf32, #tpu.memory_space<hbm>> -> memref<4096xf32, #tpu.memory_space<hbm>>
      %dma_start3A_1059 = arith.constant 0 : i32
      %dma_start3A_1060 = tpu.memref_slice %arg4[%select_n3A_121, %select_n3A_161, %select_n3A_177, %dma_start3A_1059] : memref<16x8x2x65536xf32, #tpu.memory_space<hbm>> -> memref<1x1x1x4096xf32, #tpu.memory_space<hbm>>
      %dma_start3A_1061 = tpu.memref_squeeze %dma_start3A_1060 : memref<1x1x1x4096xf32, #tpu.memory_space<hbm>> -> memref<4096xf32, #tpu.memory_space<hbm>>
      tpu.enqueue_dma source(%arg6 : memref<4096xf32, #tpu.memory_space<vmem>>) target(%dma_start3A_1061 : memref<4096xf32, #tpu.memory_space<hbm>>) target_semaphore(%arg14 : memref<!tpu.dma_semaphore, #tpu.memory_space<semaphore_mem>>)
      %dma_start3A_1062 = arith.constant 4096 : i32
      %dma_start3A_1063 = tpu.memref_slice %arg4[%select_n3A_121, %select_n3A_161, %select_n3A_177, %dma_start3A_1062] : memref<16x8x2x65536xf32, #tpu.memory_space<hbm>> -> memref<1x1x1x4096xf32, #tpu.memory_space<hbm>>
      %dma_start3A_1064 = tpu.memref_squeeze %dma_start3A_1063 : memref<1x1x1x4096xf32, #tpu.memory_space<hbm>> -> memref<4096xf32, #tpu.memory_space<hbm>>
      %dma_start3A_1065 = arith.constant 4096 : i32
      %dma_start3A_1066 = tpu.memref_slice %arg4[%select_n3A_121, %select_n3A_161, %select_n3A_177, %dma_start3A_1065] : memref<16x8x2x65536xf32, #tpu.memory_space<hbm>> -> memref<1x1x1x4096xf32, #tpu.memory_space<hbm>>
      %dma_start3A_1067 = tpu.memref_squeeze %dma_start3A_1066 : memref<1x1x1x4096xf32, #tpu.memory_space<hbm>> -> memref<4096xf32, #tpu.memory_space<hbm>>
      tpu.enqueue_dma source(%arg6 : memref<4096xf32, #tpu.memory_space<vmem>>) target(%dma_start3A_1067 : memref<4096xf32, #tpu.memory_space<hbm>>) target_semaphore(%arg14 : memref<!tpu.dma_semaphore, #tpu.memory_space<semaphore_mem>>)
      %dma_start3A_1068 = arith.constant 8192 : i32
      %dma_start3A_1069 = tpu.memref_slice %arg4[%select_n3A_121, %select_n3A_161, %select_n3A_177, %dma_start3A_1068] : memref<16x8x2x65536xf32, #tpu.memory_space<hbm>> -> memref<1x1x1x4096xf32, #tpu.memory_space<hbm>>
      %dma_start3A_1070 = tpu.memref_squeeze %dma_start3A_1069 : memref<1x1x1x4096xf32, #tpu.memory_space<hbm>> -> memref<4096xf32, #tpu.memory_space<hbm>>
      %dma_start3A_1071 = arith.constant 8192 : i32
      %dma_start3A_1072 = tpu.memref_slice %arg4[%select_n3A_121, %select_n3A_161, %select_n3A_177, %dma_start3A_1071] : memref<16x8x2x65536xf32, #tpu.memory_space<hbm>> -> memref<1x1x1x4096xf32, #tpu.memory_space<hbm>>
      %dma_start3A_1073 = tpu.memref_squeeze %dma_start3A_1072 : memref<1x1x1x4096xf32, #tpu.memory_space<hbm>> -> memref<4096xf32, #tpu.memory_space<hbm>>
      tpu.enqueue_dma source(%arg6 : memref<4096xf32, #tpu.memory_space<vmem>>) target(%dma_start3A_1073 : memref<4096xf32, #tpu.memory_space<hbm>>) target_semaphore(%arg14 : memref<!tpu.dma_semaphore, #tpu.memory_space<semaphore_mem>>)
      %dma_start3A_1074 = arith.constant 12288 : i32
      %dma_start3A_1075 = tpu.memref_slice %arg4[%select_n3A_121, %select_n3A_161, %select_n3A_177, %dma_start3A_1074] : memref<16x8x2x65536xf32, #tpu.memory_space<hbm>> -> memref<1x1x1x4096xf32, #tpu.memory_space<hbm>>
      %dma_start3A_1076 = tpu.memref_squeeze %dma_start3A_1075 : memref<1x1x1x4096xf32, #tpu.memory_space<hbm>> -> memref<4096xf32, #tpu.memory_space<hbm>>
      %dma_start3A_1077 = arith.constant 12288 : i32
      %dma_start3A_1078 = tpu.memref_slice %arg4[%select_n3A_121, %select_n3A_161, %select_n3A_177, %dma_start3A_1077] : memref<16x8x2x65536xf32, #tpu.memory_space<hbm>> -> memref<1x1x1x4096xf32, #tpu.memory_space<hbm>>
      %dma_start3A_1079 = tpu.memref_squeeze %dma_start3A_1078 : memref<1x1x1x4096xf32, #tpu.memory_space<hbm>> -> memref<4096xf32, #tpu.memory_space<hbm>>
      tpu.enqueue_dma source(%arg6 : memref<4096xf32, #tpu.memory_space<vmem>>) target(%dma_start3A_1079 : memref<4096xf32, #tpu.memory_space<hbm>>) target_semaphore(%arg14 : memref<!tpu.dma_semaphore, #tpu.memory_space<semaphore_mem>>)
      %dma_start3A_1080 = arith.constant 16384 : i32
      %dma_start3A_1081 = tpu.memref_slice %arg4[%select_n3A_121, %select_n3A_161, %select_n3A_177, %dma_start3A_1080] : memref<16x8x2x65536xf32, #tpu.memory_space<hbm>> -> memref<1x1x1x4096xf32, #tpu.memory_space<hbm>>
      %dma_start3A_1082 = tpu.memref_squeeze %dma_start3A_1081 : memref<1x1x1x4096xf32, #tpu.memory_space<hbm>> -> memref<4096xf32, #tpu.memory_space<hbm>>
      %dma_start3A_1083 = arith.constant 16384 : i32
      %dma_start3A_1084 = tpu.memref_slice %arg4[%select_n3A_121, %select_n3A_161, %select_n3A_177, %dma_start3A_1083] : memref<16x8x2x65536xf32, #tpu.memory_space<hbm>> -> memref<1x1x1x4096xf32, #tpu.memory_space<hbm>>
      %dma_start3A_1085 = tpu.memref_squeeze %dma_start3A_1084 : memref<1x1x1x4096xf32, #tpu.memory_space<hbm>> -> memref<4096xf32, #tpu.memory_space<hbm>>
      tpu.enqueue_dma source(%arg6 : memref<4096xf32, #tpu.memory_space<vmem>>) target(%dma_start3A_1085 : memref<4096xf32, #tpu.memory_space<hbm>>) target_semaphore(%arg14 : memref<!tpu.dma_semaphore, #tpu.memory_space<semaphore_mem>>)
      %dma_start3A_1086 = arith.constant 20480 : i32
      %dma_start3A_1087 = tpu.memref_slice %arg4[%select_n3A_121, %select_n3A_161, %select_n3A_177, %dma_start3A_1086] : memref<16x8x2x65536xf32, #tpu.memory_space<hbm>> -> memref<1x1x1x4096xf32, #tpu.memory_space<hbm>>
      %dma_start3A_1088 = tpu.memref_squeeze %dma_start3A_1087 : memref<1x1x1x4096xf32, #tpu.memory_space<hbm>> -> memref<4096xf32, #tpu.memory_space<hbm>>
      %dma_start3A_1089 = arith.constant 20480 : i32
      %dma_start3A_1090 = tpu.memref_slice %arg4[%select_n3A_121, %select_n3A_161, %select_n3A_177, %dma_start3A_1089] : memref<16x8x2x65536xf32, #tpu.memory_space<hbm>> -> memref<1x1x1x4096xf32, #tpu.memory_space<hbm>>
      %dma_start3A_1091 = tpu.memref_squeeze %dma_start3A_1090 : memref<1x1x1x4096xf32, #tpu.memory_space<hbm>> -> memref<4096xf32, #tpu.memory_space<hbm>>
      tpu.enqueue_dma source(%arg6 : memref<4096xf32, #tpu.memory_space<vmem>>) target(%dma_start3A_1091 : memref<4096xf32, #tpu.memory_space<hbm>>) target_semaphore(%arg14 : memref<!tpu.dma_semaphore, #tpu.memory_space<semaphore_mem>>)
      %dma_start3A_1092 = arith.constant 24576 : i32
      %dma_start3A_1093 = tpu.memref_slice %arg4[%select_n3A_121, %select_n3A_161, %select_n3A_177, %dma_start3A_1092] : memref<16x8x2x65536xf32, #tpu.memory_space<hbm>> -> memref<1x1x1x4096xf32, #tpu.memory_space<hbm>>
      %dma_start3A_1094 = tpu.memref_squeeze %dma_start3A_1093 : memref<1x1x1x4096xf32, #tpu.memory_space<hbm>> -> memref<4096xf32, #tpu.memory_space<hbm>>
      %dma_start3A_1095 = arith.constant 24576 : i32
      %dma_start3A_1096 = tpu.memref_slice %arg4[%select_n3A_121, %select_n3A_161, %select_n3A_177, %dma_start3A_1095] : memref<16x8x2x65536xf32, #tpu.memory_space<hbm>> -> memref<1x1x1x4096xf32, #tpu.memory_space<hbm>>
      %dma_start3A_1097 = tpu.memref_squeeze %dma_start3A_1096 : memref<1x1x1x4096xf32, #tpu.memory_space<hbm>> -> memref<4096xf32, #tpu.memory_space<hbm>>
      tpu.enqueue_dma source(%arg6 : memref<4096xf32, #tpu.memory_space<vmem>>) target(%dma_start3A_1097 : memref<4096xf32, #tpu.memory_space<hbm>>) target_semaphore(%arg14 : memref<!tpu.dma_semaphore, #tpu.memory_space<semaphore_mem>>)
      %dma_start3A_1098 = arith.constant 28672 : i32
      %dma_start3A_1099 = tpu.memref_slice %arg4[%select_n3A_121, %select_n3A_161, %select_n3A_177, %dma_start3A_1098] : memref<16x8x2x65536xf32, #tpu.memory_space<hbm>> -> memref<1x1x1x4096xf32, #tpu.memory_space<hbm>>
      %dma_start3A_1100 = tpu.memref_squeeze %dma_start3A_1099 : memref<1x1x1x4096xf32, #tpu.memory_space<hbm>> -> memref<4096xf32, #tpu.memory_space<hbm>>
      %dma_start3A_1101 = arith.constant 28672 : i32
      %dma_start3A_1102 = tpu.memref_slice %arg4[%select_n3A_121, %select_n3A_161, %select_n3A_177, %dma_start3A_1101] : memref<16x8x2x65536xf32, #tpu.memory_space<hbm>> -> memref<1x1x1x4096xf32, #tpu.memory_space<hbm>>
      %dma_start3A_1103 = tpu.memref_squeeze %dma_start3A_1102 : memref<1x1x1x4096xf32, #tpu.memory_space<hbm>> -> memref<4096xf32, #tpu.memory_space<hbm>>
      tpu.enqueue_dma source(%arg6 : memref<4096xf32, #tpu.memory_space<vmem>>) target(%dma_start3A_1103 : memref<4096xf32, #tpu.memory_space<hbm>>) target_semaphore(%arg14 : memref<!tpu.dma_semaphore, #tpu.memory_space<semaphore_mem>>)
    } else {
    }
    %not3A_765 = arith.constant true
    %not3A_766 = arith.xori %eq3A_182, %not3A_765 : i1
    %convert_element_type3A_767 = arith.extui %not3A_766 : i1 to i32
    %cond3A_768 = arith.constant 0 : i32
    %cond3A_769 = arith.cmpi ne, %convert_element_type3A_767, %cond3A_768 : i32
    scf.if %cond3A_769 {
      %dma_wait3A = tpu.memref_slice %arg7[%mul3A_18] : memref<1572864xf32, #tpu.memory_space<vmem_shared>> -> memref<32768xf32, #tpu.memory_space<vmem_shared>>
      %dma_wait3A_1057 = arith.constant 0 : i32
      %dma_wait3A_1058 = tpu.memref_slice %arg2[%select_n3A_121, %select_n3A_161, %select_n3A_177, %dma_wait3A_1057] : memref<16x8x2x65536xf32, #tpu.memory_space<hbm>> -> memref<1x1x1x32768xf32, #tpu.memory_space<hbm>>
      %dma_wait3A_1059 = tpu.memref_squeeze %dma_wait3A_1058 : memref<1x1x1x32768xf32, #tpu.memory_space<hbm>> -> memref<32768xf32, #tpu.memory_space<hbm>>
      tpu.wait_dma2 semaphore(%arg10 : memref<!tpu.dma_semaphore, #tpu.memory_space<semaphore_mem>>) src(%dma_wait3A_1059 : memref<32768xf32, #tpu.memory_space<hbm>>) dst(%dma_wait3A : memref<32768xf32, #tpu.memory_space<vmem_shared>>)
      %dma_start3A = arith.constant 0 : i32
      %dma_start3A_1060 = tpu.memref_slice %arg4[%select_n3A_121, %select_n3A_161, %select_n3A_177, %dma_start3A] : memref<16x8x2x65536xf32, #tpu.memory_space<hbm>> -> memref<1x1x1x32768xf32, #tpu.memory_space<hbm>>
      %dma_start3A_1061 = tpu.memref_squeeze %dma_start3A_1060 : memref<1x1x1x32768xf32, #tpu.memory_space<hbm>> -> memref<32768xf32, #tpu.memory_space<hbm>>
      %dma_start3A_1062 = tpu.memref_slice %arg7[%mul3A_18] : memref<1572864xf32, #tpu.memory_space<vmem_shared>> -> memref<32768xf32, #tpu.memory_space<vmem_shared>>
      tpu.enqueue_dma source(%dma_start3A_1062 : memref<32768xf32, #tpu.memory_space<vmem_shared>>) target(%dma_start3A_1061 : memref<32768xf32, #tpu.memory_space<hbm>>) target_semaphore(%arg13 : memref<!tpu.dma_semaphore, #tpu.memory_space<semaphore_mem>>)
    } else {
    }
    %not3A_770 = arith.constant true
    %not3A_771 = arith.xori %eq3A_93, %not3A_770 : i1
    %convert_element_type3A_772 = arith.extui %not3A_771 : i1 to i32
    %cond3A_773 = arith.constant 0 : i32
    %cond3A_774 = arith.cmpi ne, %convert_element_type3A_772, %cond3A_773 : i32
    scf.if %cond3A_774 {
      %dma_wait3A = arith.constant 32768 : i32
      %dma_wait3A_1057 = tpu.memref_slice %arg4[%select_n3A, %select_n3A_76, %select_n3A_92, %dma_wait3A] : memref<16x8x2x65536xf32, #tpu.memory_space<hbm>> -> memref<1x1x1x32768xf32, #tpu.memory_space<hbm>>
      %dma_wait3A_1058 = tpu.memref_squeeze %dma_wait3A_1057 : memref<1x1x1x32768xf32, #tpu.memory_space<hbm>> -> memref<32768xf32, #tpu.memory_space<hbm>>
      %dma_wait3A_1059 = tpu.memref_slice %arg7[%mul3A_12] : memref<1572864xf32, #tpu.memory_space<vmem_shared>> -> memref<32768xf32, #tpu.memory_space<vmem_shared>>
      tpu.wait_dma2 semaphore(%arg12 : memref<!tpu.dma_semaphore, #tpu.memory_space<semaphore_mem>>) src(%dma_wait3A_1059 : memref<32768xf32, #tpu.memory_space<vmem_shared>>) dst(%dma_wait3A_1058 : memref<32768xf32, #tpu.memory_space<hbm>>)
    } else {
    }
    %not3A_775 = arith.constant true
    %not3A_776 = arith.xori %eq3A_271, %not3A_775 : i1
    %convert_element_type3A_777 = arith.extui %not3A_776 : i1 to i32
    %cond3A_778 = arith.constant 0 : i32
    %cond3A_779 = arith.cmpi ne, %convert_element_type3A_777, %cond3A_778 : i32
    scf.if %cond3A_779 {
      %dma_start3A = tpu.memref_slice %arg7[%mul3A_12] : memref<1572864xf32, #tpu.memory_space<vmem_shared>> -> memref<32768xf32, #tpu.memory_space<vmem_shared>>
      %dma_start3A_1057 = arith.constant 0 : i32
      %dma_start3A_1058 = tpu.memref_slice %arg2[%select_n3A_210, %select_n3A_250, %select_n3A_266, %dma_start3A_1057] : memref<16x8x2x65536xf32, #tpu.memory_space<hbm>> -> memref<1x1x1x32768xf32, #tpu.memory_space<hbm>>
      %dma_start3A_1059 = tpu.memref_squeeze %dma_start3A_1058 : memref<1x1x1x32768xf32, #tpu.memory_space<hbm>> -> memref<32768xf32, #tpu.memory_space<hbm>>
      tpu.enqueue_dma source(%dma_start3A_1059 : memref<32768xf32, #tpu.memory_space<hbm>>) target(%dma_start3A : memref<32768xf32, #tpu.memory_space<vmem_shared>>) target_semaphore(%arg9 : memref<!tpu.dma_semaphore, #tpu.memory_space<semaphore_mem>>)
    } else {
    }
    %convert_element_type3A_780 = arith.extui %eq3A_182 : i1 to i32
    %cond3A_781 = arith.constant 0 : i32
    %cond3A_782 = arith.cmpi ne, %convert_element_type3A_780, %cond3A_781 : i32
    scf.if %cond3A_782 {
      %dma_start3A = arith.constant 32768 : i32
      %dma_start3A_1057 = tpu.memref_slice %arg4[%select_n3A_121, %select_n3A_161, %select_n3A_177, %dma_start3A] : memref<16x8x2x65536xf32, #tpu.memory_space<hbm>> -> memref<1x1x1x4096xf32, #tpu.memory_space<hbm>>
      %dma_start3A_1058 = tpu.memref_squeeze %dma_start3A_1057 : memref<1x1x1x4096xf32, #tpu.memory_space<hbm>> -> memref<4096xf32, #tpu.memory_space<hbm>>
      %dma_start3A_1059 = arith.constant 32768 : i32
      %dma_start3A_1060 = tpu.memref_slice %arg4[%select_n3A_121, %select_n3A_161, %select_n3A_177, %dma_start3A_1059] : memref<16x8x2x65536xf32, #tpu.memory_space<hbm>> -> memref<1x1x1x4096xf32, #tpu.memory_space<hbm>>
      %dma_start3A_1061 = tpu.memref_squeeze %dma_start3A_1060 : memref<1x1x1x4096xf32, #tpu.memory_space<hbm>> -> memref<4096xf32, #tpu.memory_space<hbm>>
      tpu.enqueue_dma source(%arg6 : memref<4096xf32, #tpu.memory_space<vmem>>) target(%dma_start3A_1061 : memref<4096xf32, #tpu.memory_space<hbm>>) target_semaphore(%arg14 : memref<!tpu.dma_semaphore, #tpu.memory_space<semaphore_mem>>)
      %dma_start3A_1062 = arith.constant 36864 : i32
      %dma_start3A_1063 = tpu.memref_slice %arg4[%select_n3A_121, %select_n3A_161, %select_n3A_177, %dma_start3A_1062] : memref<16x8x2x65536xf32, #tpu.memory_space<hbm>> -> memref<1x1x1x4096xf32, #tpu.memory_space<hbm>>
      %dma_start3A_1064 = tpu.memref_squeeze %dma_start3A_1063 : memref<1x1x1x4096xf32, #tpu.memory_space<hbm>> -> memref<4096xf32, #tpu.memory_space<hbm>>
      %dma_start3A_1065 = arith.constant 36864 : i32
      %dma_start3A_1066 = tpu.memref_slice %arg4[%select_n3A_121, %select_n3A_161, %select_n3A_177, %dma_start3A_1065] : memref<16x8x2x65536xf32, #tpu.memory_space<hbm>> -> memref<1x1x1x4096xf32, #tpu.memory_space<hbm>>
      %dma_start3A_1067 = tpu.memref_squeeze %dma_start3A_1066 : memref<1x1x1x4096xf32, #tpu.memory_space<hbm>> -> memref<4096xf32, #tpu.memory_space<hbm>>
      tpu.enqueue_dma source(%arg6 : memref<4096xf32, #tpu.memory_space<vmem>>) target(%dma_start3A_1067 : memref<4096xf32, #tpu.memory_space<hbm>>) target_semaphore(%arg14 : memref<!tpu.dma_semaphore, #tpu.memory_space<semaphore_mem>>)
      %dma_start3A_1068 = arith.constant 40960 : i32
      %dma_start3A_1069 = tpu.memref_slice %arg4[%select_n3A_121, %select_n3A_161, %select_n3A_177, %dma_start3A_1068] : memref<16x8x2x65536xf32, #tpu.memory_space<hbm>> -> memref<1x1x1x4096xf32, #tpu.memory_space<hbm>>
      %dma_start3A_1070 = tpu.memref_squeeze %dma_start3A_1069 : memref<1x1x1x4096xf32, #tpu.memory_space<hbm>> -> memref<4096xf32, #tpu.memory_space<hbm>>
      %dma_start3A_1071 = arith.constant 40960 : i32
      %dma_start3A_1072 = tpu.memref_slice %arg4[%select_n3A_121, %select_n3A_161, %select_n3A_177, %dma_start3A_1071] : memref<16x8x2x65536xf32, #tpu.memory_space<hbm>> -> memref<1x1x1x4096xf32, #tpu.memory_space<hbm>>
      %dma_start3A_1073 = tpu.memref_squeeze %dma_start3A_1072 : memref<1x1x1x4096xf32, #tpu.memory_space<hbm>> -> memref<4096xf32, #tpu.memory_space<hbm>>
      tpu.enqueue_dma source(%arg6 : memref<4096xf32, #tpu.memory_space<vmem>>) target(%dma_start3A_1073 : memref<4096xf32, #tpu.memory_space<hbm>>) target_semaphore(%arg14 : memref<!tpu.dma_semaphore, #tpu.memory_space<semaphore_mem>>)
      %dma_start3A_1074 = arith.constant 45056 : i32
      %dma_start3A_1075 = tpu.memref_slice %arg4[%select_n3A_121, %select_n3A_161, %select_n3A_177, %dma_start3A_1074] : memref<16x8x2x65536xf32, #tpu.memory_space<hbm>> -> memref<1x1x1x4096xf32, #tpu.memory_space<hbm>>
      %dma_start3A_1076 = tpu.memref_squeeze %dma_start3A_1075 : memref<1x1x1x4096xf32, #tpu.memory_space<hbm>> -> memref<4096xf32, #tpu.memory_space<hbm>>
      %dma_start3A_1077 = arith.constant 45056 : i32
      %dma_start3A_1078 = tpu.memref_slice %arg4[%select_n3A_121, %select_n3A_161, %select_n3A_177, %dma_start3A_1077] : memref<16x8x2x65536xf32, #tpu.memory_space<hbm>> -> memref<1x1x1x4096xf32, #tpu.memory_space<hbm>>
      %dma_start3A_1079 = tpu.memref_squeeze %dma_start3A_1078 : memref<1x1x1x4096xf32, #tpu.memory_space<hbm>> -> memref<4096xf32, #tpu.memory_space<hbm>>
      tpu.enqueue_dma source(%arg6 : memref<4096xf32, #tpu.memory_space<vmem>>) target(%dma_start3A_1079 : memref<4096xf32, #tpu.memory_space<hbm>>) target_semaphore(%arg14 : memref<!tpu.dma_semaphore, #tpu.memory_space<semaphore_mem>>)
      %dma_start3A_1080 = arith.constant 49152 : i32
      %dma_start3A_1081 = tpu.memref_slice %arg4[%select_n3A_121, %select_n3A_161, %select_n3A_177, %dma_start3A_1080] : memref<16x8x2x65536xf32, #tpu.memory_space<hbm>> -> memref<1x1x1x4096xf32, #tpu.memory_space<hbm>>
      %dma_start3A_1082 = tpu.memref_squeeze %dma_start3A_1081 : memref<1x1x1x4096xf32, #tpu.memory_space<hbm>> -> memref<4096xf32, #tpu.memory_space<hbm>>
      %dma_start3A_1083 = arith.constant 49152 : i32
      %dma_start3A_1084 = tpu.memref_slice %arg4[%select_n3A_121, %select_n3A_161, %select_n3A_177, %dma_start3A_1083] : memref<16x8x2x65536xf32, #tpu.memory_space<hbm>> -> memref<1x1x1x4096xf32, #tpu.memory_space<hbm>>
      %dma_start3A_1085 = tpu.memref_squeeze %dma_start3A_1084 : memref<1x1x1x4096xf32, #tpu.memory_space<hbm>> -> memref<4096xf32, #tpu.memory_space<hbm>>
      tpu.enqueue_dma source(%arg6 : memref<4096xf32, #tpu.memory_space<vmem>>) target(%dma_start3A_1085 : memref<4096xf32, #tpu.memory_space<hbm>>) target_semaphore(%arg14 : memref<!tpu.dma_semaphore, #tpu.memory_space<semaphore_mem>>)
      %dma_start3A_1086 = arith.constant 53248 : i32
      %dma_start3A_1087 = tpu.memref_slice %arg4[%select_n3A_121, %select_n3A_161, %select_n3A_177, %dma_start3A_1086] : memref<16x8x2x65536xf32, #tpu.memory_space<hbm>> -> memref<1x1x1x4096xf32, #tpu.memory_space<hbm>>
      %dma_start3A_1088 = tpu.memref_squeeze %dma_start3A_1087 : memref<1x1x1x4096xf32, #tpu.memory_space<hbm>> -> memref<4096xf32, #tpu.memory_space<hbm>>
      %dma_start3A_1089 = arith.constant 53248 : i32
      %dma_start3A_1090 = tpu.memref_slice %arg4[%select_n3A_121, %select_n3A_161, %select_n3A_177, %dma_start3A_1089] : memref<16x8x2x65536xf32, #tpu.memory_space<hbm>> -> memref<1x1x1x4096xf32, #tpu.memory_space<hbm>>
      %dma_start3A_1091 = tpu.memref_squeeze %dma_start3A_1090 : memref<1x1x1x4096xf32, #tpu.memory_space<hbm>> -> memref<4096xf32, #tpu.memory_space<hbm>>
      tpu.enqueue_dma source(%arg6 : memref<4096xf32, #tpu.memory_space<vmem>>) target(%dma_start3A_1091 : memref<4096xf32, #tpu.memory_space<hbm>>) target_semaphore(%arg14 : memref<!tpu.dma_semaphore, #tpu.memory_space<semaphore_mem>>)
      %dma_start3A_1092 = arith.constant 57344 : i32
      %dma_start3A_1093 = tpu.memref_slice %arg4[%select_n3A_121, %select_n3A_161, %select_n3A_177, %dma_start3A_1092] : memref<16x8x2x65536xf32, #tpu.memory_space<hbm>> -> memref<1x1x1x4096xf32, #tpu.memory_space<hbm>>
      %dma_start3A_1094 = tpu.memref_squeeze %dma_start3A_1093 : memref<1x1x1x4096xf32, #tpu.memory_space<hbm>> -> memref<4096xf32, #tpu.memory_space<hbm>>
      %dma_start3A_1095 = arith.constant 57344 : i32
      %dma_start3A_1096 = tpu.memref_slice %arg4[%select_n3A_121, %select_n3A_161, %select_n3A_177, %dma_start3A_1095] : memref<16x8x2x65536xf32, #tpu.memory_space<hbm>> -> memref<1x1x1x4096xf32, #tpu.memory_space<hbm>>
      %dma_start3A_1097 = tpu.memref_squeeze %dma_start3A_1096 : memref<1x1x1x4096xf32, #tpu.memory_space<hbm>> -> memref<4096xf32, #tpu.memory_space<hbm>>
      tpu.enqueue_dma source(%arg6 : memref<4096xf32, #tpu.memory_space<vmem>>) target(%dma_start3A_1097 : memref<4096xf32, #tpu.memory_space<hbm>>) target_semaphore(%arg14 : memref<!tpu.dma_semaphore, #tpu.memory_space<semaphore_mem>>)
      %dma_start3A_1098 = arith.constant 61440 : i32
      %dma_start3A_1099 = tpu.memref_slice %arg4[%select_n3A_121, %select_n3A_161, %select_n3A_177, %dma_start3A_1098] : memref<16x8x2x65536xf32, #tpu.memory_space<hbm>> -> memref<1x1x1x4096xf32, #tpu.memory_space<hbm>>
      %dma_start3A_1100 = tpu.memref_squeeze %dma_start3A_1099 : memref<1x1x1x4096xf32, #tpu.memory_space<hbm>> -> memref<4096xf32, #tpu.memory_space<hbm>>
      %dma_start3A_1101 = arith.constant 61440 : i32
      %dma_start3A_1102 = tpu.memref_slice %arg4[%select_n3A_121, %select_n3A_161, %select_n3A_177, %dma_start3A_1101] : memref<16x8x2x65536xf32, #tpu.memory_space<hbm>> -> memref<1x1x1x4096xf32, #tpu.memory_space<hbm>>
      %dma_start3A_1103 = tpu.memref_squeeze %dma_start3A_1102 : memref<1x1x1x4096xf32, #tpu.memory_space<hbm>> -> memref<4096xf32, #tpu.memory_space<hbm>>
      tpu.enqueue_dma source(%arg6 : memref<4096xf32, #tpu.memory_space<vmem>>) target(%dma_start3A_1103 : memref<4096xf32, #tpu.memory_space<hbm>>) target_semaphore(%arg14 : memref<!tpu.dma_semaphore, #tpu.memory_space<semaphore_mem>>)
    } else {
    }
    %not3A_783 = arith.constant true
    %not3A_784 = arith.xori %eq3A_182, %not3A_783 : i1
    %convert_element_type3A_785 = arith.extui %not3A_784 : i1 to i32
    %cond3A_786 = arith.constant 0 : i32
    %cond3A_787 = arith.cmpi ne, %convert_element_type3A_785, %cond3A_786 : i32
    scf.if %cond3A_787 {
      %dma_wait3A = tpu.memref_slice %arg7[%mul3A_6] : memref<1572864xf32, #tpu.memory_space<vmem_shared>> -> memref<32768xf32, #tpu.memory_space<vmem_shared>>
      %dma_wait3A_1057 = arith.constant 32768 : i32
      %dma_wait3A_1058 = tpu.memref_slice %arg2[%select_n3A_121, %select_n3A_161, %select_n3A_177, %dma_wait3A_1057] : memref<16x8x2x65536xf32, #tpu.memory_space<hbm>> -> memref<1x1x1x32768xf32, #tpu.memory_space<hbm>>
      %dma_wait3A_1059 = tpu.memref_squeeze %dma_wait3A_1058 : memref<1x1x1x32768xf32, #tpu.memory_space<hbm>> -> memref<32768xf32, #tpu.memory_space<hbm>>
      tpu.wait_dma2 semaphore(%arg8 : memref<!tpu.dma_semaphore, #tpu.memory_space<semaphore_mem>>) src(%dma_wait3A_1059 : memref<32768xf32, #tpu.memory_space<hbm>>) dst(%dma_wait3A : memref<32768xf32, #tpu.memory_space<vmem_shared>>)
      %dma_start3A = arith.constant 32768 : i32
      %dma_start3A_1060 = tpu.memref_slice %arg4[%select_n3A_121, %select_n3A_161, %select_n3A_177, %dma_start3A] : memref<16x8x2x65536xf32, #tpu.memory_space<hbm>> -> memref<1x1x1x32768xf32, #tpu.memory_space<hbm>>
      %dma_start3A_1061 = tpu.memref_squeeze %dma_start3A_1060 : memref<1x1x1x32768xf32, #tpu.memory_space<hbm>> -> memref<32768xf32, #tpu.memory_space<hbm>>
      %dma_start3A_1062 = tpu.memref_slice %arg7[%mul3A_6] : memref<1572864xf32, #tpu.memory_space<vmem_shared>> -> memref<32768xf32, #tpu.memory_space<vmem_shared>>
      tpu.enqueue_dma source(%dma_start3A_1062 : memref<32768xf32, #tpu.memory_space<vmem_shared>>) target(%dma_start3A_1061 : memref<32768xf32, #tpu.memory_space<hbm>>) target_semaphore(%arg11 : memref<!tpu.dma_semaphore, #tpu.memory_space<semaphore_mem>>)
    } else {
    }
    %not3A_788 = arith.constant true
    %not3A_789 = arith.xori %eq3A_182, %not3A_788 : i1
    %convert_element_type3A_790 = arith.extui %not3A_789 : i1 to i32
    %cond3A_791 = arith.constant 0 : i32
    %cond3A_792 = arith.cmpi ne, %convert_element_type3A_790, %cond3A_791 : i32
    scf.if %cond3A_792 {
      %dma_wait3A = arith.constant 0 : i32
      %dma_wait3A_1057 = tpu.memref_slice %arg4[%select_n3A_121, %select_n3A_161, %select_n3A_177, %dma_wait3A] : memref<16x8x2x65536xf32, #tpu.memory_space<hbm>> -> memref<1x1x1x32768xf32, #tpu.memory_space<hbm>>
      %dma_wait3A_1058 = tpu.memref_squeeze %dma_wait3A_1057 : memref<1x1x1x32768xf32, #tpu.memory_space<hbm>> -> memref<32768xf32, #tpu.memory_space<hbm>>
      %dma_wait3A_1059 = tpu.memref_slice %arg7[%mul3A_18] : memref<1572864xf32, #tpu.memory_space<vmem_shared>> -> memref<32768xf32, #tpu.memory_space<vmem_shared>>
      tpu.wait_dma2 semaphore(%arg13 : memref<!tpu.dma_semaphore, #tpu.memory_space<semaphore_mem>>) src(%dma_wait3A_1059 : memref<32768xf32, #tpu.memory_space<vmem_shared>>) dst(%dma_wait3A_1058 : memref<32768xf32, #tpu.memory_space<hbm>>)
    } else {
    }
    %not3A_793 = arith.constant true
    %not3A_794 = arith.xori %eq3A_271, %not3A_793 : i1
    %convert_element_type3A_795 = arith.extui %not3A_794 : i1 to i32
    %cond3A_796 = arith.constant 0 : i32
    %cond3A_797 = arith.cmpi ne, %convert_element_type3A_795, %cond3A_796 : i32
    scf.if %cond3A_797 {
      %dma_start3A = tpu.memref_slice %arg7[%mul3A_18] : memref<1572864xf32, #tpu.memory_space<vmem_shared>> -> memref<32768xf32, #tpu.memory_space<vmem_shared>>
      %dma_start3A_1057 = arith.constant 32768 : i32
      %dma_start3A_1058 = tpu.memref_slice %arg2[%select_n3A_210, %select_n3A_250, %select_n3A_266, %dma_start3A_1057] : memref<16x8x2x65536xf32, #tpu.memory_space<hbm>> -> memref<1x1x1x32768xf32, #tpu.memory_space<hbm>>
      %dma_start3A_1059 = tpu.memref_squeeze %dma_start3A_1058 : memref<1x1x1x32768xf32, #tpu.memory_space<hbm>> -> memref<32768xf32, #tpu.memory_space<hbm>>
      tpu.enqueue_dma source(%dma_start3A_1059 : memref<32768xf32, #tpu.memory_space<hbm>>) target(%dma_start3A : memref<32768xf32, #tpu.memory_space<vmem_shared>>) target_semaphore(%arg10 : memref<!tpu.dma_semaphore, #tpu.memory_space<semaphore_mem>>)
    } else {
    }
    %convert_element_type3A_798 = arith.extui %eq3A_271 : i1 to i32
    %cond3A_799 = arith.constant 0 : i32
    %cond3A_800 = arith.cmpi ne, %convert_element_type3A_798, %cond3A_799 : i32
    scf.if %cond3A_800 {
      %dma_start3A = arith.constant 0 : i32
      %dma_start3A_1057 = tpu.memref_slice %arg4[%select_n3A_210, %select_n3A_250, %select_n3A_266, %dma_start3A] : memref<16x8x2x65536xf32, #tpu.memory_space<hbm>> -> memref<1x1x1x4096xf32, #tpu.memory_space<hbm>>
      %dma_start3A_1058 = tpu.memref_squeeze %dma_start3A_1057 : memref<1x1x1x4096xf32, #tpu.memory_space<hbm>> -> memref<4096xf32, #tpu.memory_space<hbm>>
      %dma_start3A_1059 = arith.constant 0 : i32
      %dma_start3A_1060 = tpu.memref_slice %arg4[%select_n3A_210, %select_n3A_250, %select_n3A_266, %dma_start3A_1059] : memref<16x8x2x65536xf32, #tpu.memory_space<hbm>> -> memref<1x1x1x4096xf32, #tpu.memory_space<hbm>>
      %dma_start3A_1061 = tpu.memref_squeeze %dma_start3A_1060 : memref<1x1x1x4096xf32, #tpu.memory_space<hbm>> -> memref<4096xf32, #tpu.memory_space<hbm>>
      tpu.enqueue_dma source(%arg6 : memref<4096xf32, #tpu.memory_space<vmem>>) target(%dma_start3A_1061 : memref<4096xf32, #tpu.memory_space<hbm>>) target_semaphore(%arg14 : memref<!tpu.dma_semaphore, #tpu.memory_space<semaphore_mem>>)
      %dma_start3A_1062 = arith.constant 4096 : i32
      %dma_start3A_1063 = tpu.memref_slice %arg4[%select_n3A_210, %select_n3A_250, %select_n3A_266, %dma_start3A_1062] : memref<16x8x2x65536xf32, #tpu.memory_space<hbm>> -> memref<1x1x1x4096xf32, #tpu.memory_space<hbm>>
      %dma_start3A_1064 = tpu.memref_squeeze %dma_start3A_1063 : memref<1x1x1x4096xf32, #tpu.memory_space<hbm>> -> memref<4096xf32, #tpu.memory_space<hbm>>
      %dma_start3A_1065 = arith.constant 4096 : i32
      %dma_start3A_1066 = tpu.memref_slice %arg4[%select_n3A_210, %select_n3A_250, %select_n3A_266, %dma_start3A_1065] : memref<16x8x2x65536xf32, #tpu.memory_space<hbm>> -> memref<1x1x1x4096xf32, #tpu.memory_space<hbm>>
      %dma_start3A_1067 = tpu.memref_squeeze %dma_start3A_1066 : memref<1x1x1x4096xf32, #tpu.memory_space<hbm>> -> memref<4096xf32, #tpu.memory_space<hbm>>
      tpu.enqueue_dma source(%arg6 : memref<4096xf32, #tpu.memory_space<vmem>>) target(%dma_start3A_1067 : memref<4096xf32, #tpu.memory_space<hbm>>) target_semaphore(%arg14 : memref<!tpu.dma_semaphore, #tpu.memory_space<semaphore_mem>>)
      %dma_start3A_1068 = arith.constant 8192 : i32
      %dma_start3A_1069 = tpu.memref_slice %arg4[%select_n3A_210, %select_n3A_250, %select_n3A_266, %dma_start3A_1068] : memref<16x8x2x65536xf32, #tpu.memory_space<hbm>> -> memref<1x1x1x4096xf32, #tpu.memory_space<hbm>>
      %dma_start3A_1070 = tpu.memref_squeeze %dma_start3A_1069 : memref<1x1x1x4096xf32, #tpu.memory_space<hbm>> -> memref<4096xf32, #tpu.memory_space<hbm>>
      %dma_start3A_1071 = arith.constant 8192 : i32
      %dma_start3A_1072 = tpu.memref_slice %arg4[%select_n3A_210, %select_n3A_250, %select_n3A_266, %dma_start3A_1071] : memref<16x8x2x65536xf32, #tpu.memory_space<hbm>> -> memref<1x1x1x4096xf32, #tpu.memory_space<hbm>>
      %dma_start3A_1073 = tpu.memref_squeeze %dma_start3A_1072 : memref<1x1x1x4096xf32, #tpu.memory_space<hbm>> -> memref<4096xf32, #tpu.memory_space<hbm>>
      tpu.enqueue_dma source(%arg6 : memref<4096xf32, #tpu.memory_space<vmem>>) target(%dma_start3A_1073 : memref<4096xf32, #tpu.memory_space<hbm>>) target_semaphore(%arg14 : memref<!tpu.dma_semaphore, #tpu.memory_space<semaphore_mem>>)
      %dma_start3A_1074 = arith.constant 12288 : i32
      %dma_start3A_1075 = tpu.memref_slice %arg4[%select_n3A_210, %select_n3A_250, %select_n3A_266, %dma_start3A_1074] : memref<16x8x2x65536xf32, #tpu.memory_space<hbm>> -> memref<1x1x1x4096xf32, #tpu.memory_space<hbm>>
      %dma_start3A_1076 = tpu.memref_squeeze %dma_start3A_1075 : memref<1x1x1x4096xf32, #tpu.memory_space<hbm>> -> memref<4096xf32, #tpu.memory_space<hbm>>
      %dma_start3A_1077 = arith.constant 12288 : i32
      %dma_start3A_1078 = tpu.memref_slice %arg4[%select_n3A_210, %select_n3A_250, %select_n3A_266, %dma_start3A_1077] : memref<16x8x2x65536xf32, #tpu.memory_space<hbm>> -> memref<1x1x1x4096xf32, #tpu.memory_space<hbm>>
      %dma_start3A_1079 = tpu.memref_squeeze %dma_start3A_1078 : memref<1x1x1x4096xf32, #tpu.memory_space<hbm>> -> memref<4096xf32, #tpu.memory_space<hbm>>
      tpu.enqueue_dma source(%arg6 : memref<4096xf32, #tpu.memory_space<vmem>>) target(%dma_start3A_1079 : memref<4096xf32, #tpu.memory_space<hbm>>) target_semaphore(%arg14 : memref<!tpu.dma_semaphore, #tpu.memory_space<semaphore_mem>>)
      %dma_start3A_1080 = arith.constant 16384 : i32
      %dma_start3A_1081 = tpu.memref_slice %arg4[%select_n3A_210, %select_n3A_250, %select_n3A_266, %dma_start3A_1080] : memref<16x8x2x65536xf32, #tpu.memory_space<hbm>> -> memref<1x1x1x4096xf32, #tpu.memory_space<hbm>>
      %dma_start3A_1082 = tpu.memref_squeeze %dma_start3A_1081 : memref<1x1x1x4096xf32, #tpu.memory_space<hbm>> -> memref<4096xf32, #tpu.memory_space<hbm>>
      %dma_start3A_1083 = arith.constant 16384 : i32
      %dma_start3A_1084 = tpu.memref_slice %arg4[%select_n3A_210, %select_n3A_250, %select_n3A_266, %dma_start3A_1083] : memref<16x8x2x65536xf32, #tpu.memory_space<hbm>> -> memref<1x1x1x4096xf32, #tpu.memory_space<hbm>>
      %dma_start3A_1085 = tpu.memref_squeeze %dma_start3A_1084 : memref<1x1x1x4096xf32, #tpu.memory_space<hbm>> -> memref<4096xf32, #tpu.memory_space<hbm>>
      tpu.enqueue_dma source(%arg6 : memref<4096xf32, #tpu.memory_space<vmem>>) target(%dma_start3A_1085 : memref<4096xf32, #tpu.memory_space<hbm>>) target_semaphore(%arg14 : memref<!tpu.dma_semaphore, #tpu.memory_space<semaphore_mem>>)
      %dma_start3A_1086 = arith.constant 20480 : i32
      %dma_start3A_1087 = tpu.memref_slice %arg4[%select_n3A_210, %select_n3A_250, %select_n3A_266, %dma_start3A_1086] : memref<16x8x2x65536xf32, #tpu.memory_space<hbm>> -> memref<1x1x1x4096xf32, #tpu.memory_space<hbm>>
      %dma_start3A_1088 = tpu.memref_squeeze %dma_start3A_1087 : memref<1x1x1x4096xf32, #tpu.memory_space<hbm>> -> memref<4096xf32, #tpu.memory_space<hbm>>
      %dma_start3A_1089 = arith.constant 20480 : i32
      %dma_start3A_1090 = tpu.memref_slice %arg4[%select_n3A_210, %select_n3A_250, %select_n3A_266, %dma_start3A_1089] : memref<16x8x2x65536xf32, #tpu.memory_space<hbm>> -> memref<1x1x1x4096xf32, #tpu.memory_space<hbm>>
      %dma_start3A_1091 = tpu.memref_squeeze %dma_start3A_1090 : memref<1x1x1x4096xf32, #tpu.memory_space<hbm>> -> memref<4096xf32, #tpu.memory_space<hbm>>
      tpu.enqueue_dma source(%arg6 : memref<4096xf32, #tpu.memory_space<vmem>>) target(%dma_start3A_1091 : memref<4096xf32, #tpu.memory_space<hbm>>) target_semaphore(%arg14 : memref<!tpu.dma_semaphore, #tpu.memory_space<semaphore_mem>>)
      %dma_start3A_1092 = arith.constant 24576 : i32
      %dma_start3A_1093 = tpu.memref_slice %arg4[%select_n3A_210, %select_n3A_250, %select_n3A_266, %dma_start3A_1092] : memref<16x8x2x65536xf32, #tpu.memory_space<hbm>> -> memref<1x1x1x4096xf32, #tpu.memory_space<hbm>>
      %dma_start3A_1094 = tpu.memref_squeeze %dma_start3A_1093 : memref<1x1x1x4096xf32, #tpu.memory_space<hbm>> -> memref<4096xf32, #tpu.memory_space<hbm>>
      %dma_start3A_1095 = arith.constant 24576 : i32
      %dma_start3A_1096 = tpu.memref_slice %arg4[%select_n3A_210, %select_n3A_250, %select_n3A_266, %dma_start3A_1095] : memref<16x8x2x65536xf32, #tpu.memory_space<hbm>> -> memref<1x1x1x4096xf32, #tpu.memory_space<hbm>>
      %dma_start3A_1097 = tpu.memref_squeeze %dma_start3A_1096 : memref<1x1x1x4096xf32, #tpu.memory_space<hbm>> -> memref<4096xf32, #tpu.memory_space<hbm>>
      tpu.enqueue_dma source(%arg6 : memref<4096xf32, #tpu.memory_space<vmem>>) target(%dma_start3A_1097 : memref<4096xf32, #tpu.memory_space<hbm>>) target_semaphore(%arg14 : memref<!tpu.dma_semaphore, #tpu.memory_space<semaphore_mem>>)
      %dma_start3A_1098 = arith.constant 28672 : i32
      %dma_start3A_1099 = tpu.memref_slice %arg4[%select_n3A_210, %select_n3A_250, %select_n3A_266, %dma_start3A_1098] : memref<16x8x2x65536xf32, #tpu.memory_space<hbm>> -> memref<1x1x1x4096xf32, #tpu.memory_space<hbm>>
      %dma_start3A_1100 = tpu.memref_squeeze %dma_start3A_1099 : memref<1x1x1x4096xf32, #tpu.memory_space<hbm>> -> memref<4096xf32, #tpu.memory_space<hbm>>
      %dma_start3A_1101 = arith.constant 28672 : i32
      %dma_start3A_1102 = tpu.memref_slice %arg4[%select_n3A_210, %select_n3A_250, %select_n3A_266, %dma_start3A_1101] : memref<16x8x2x65536xf32, #tpu.memory_space<hbm>> -> memref<1x1x1x4096xf32, #tpu.memory_space<hbm>>
      %dma_start3A_1103 = tpu.memref_squeeze %dma_start3A_1102 : memref<1x1x1x4096xf32, #tpu.memory_space<hbm>> -> memref<4096xf32, #tpu.memory_space<hbm>>
      tpu.enqueue_dma source(%arg6 : memref<4096xf32, #tpu.memory_space<vmem>>) target(%dma_start3A_1103 : memref<4096xf32, #tpu.memory_space<hbm>>) target_semaphore(%arg14 : memref<!tpu.dma_semaphore, #tpu.memory_space<semaphore_mem>>)
    } else {
    }
    %not3A_801 = arith.constant true
    %not3A_802 = arith.xori %eq3A_271, %not3A_801 : i1
    %convert_element_type3A_803 = arith.extui %not3A_802 : i1 to i32
    %cond3A_804 = arith.constant 0 : i32
    %cond3A_805 = arith.cmpi ne, %convert_element_type3A_803, %cond3A_804 : i32
    scf.if %cond3A_805 {
      %dma_wait3A = tpu.memref_slice %arg7[%mul3A_12] : memref<1572864xf32, #tpu.memory_space<vmem_shared>> -> memref<32768xf32, #tpu.memory_space<vmem_shared>>
      %dma_wait3A_1057 = arith.constant 0 : i32
      %dma_wait3A_1058 = tpu.memref_slice %arg2[%select_n3A_210, %select_n3A_250, %select_n3A_266, %dma_wait3A_1057] : memref<16x8x2x65536xf32, #tpu.memory_space<hbm>> -> memref<1x1x1x32768xf32, #tpu.memory_space<hbm>>
      %dma_wait3A_1059 = tpu.memref_squeeze %dma_wait3A_1058 : memref<1x1x1x32768xf32, #tpu.memory_space<hbm>> -> memref<32768xf32, #tpu.memory_space<hbm>>
      tpu.wait_dma2 semaphore(%arg9 : memref<!tpu.dma_semaphore, #tpu.memory_space<semaphore_mem>>) src(%dma_wait3A_1059 : memref<32768xf32, #tpu.memory_space<hbm>>) dst(%dma_wait3A : memref<32768xf32, #tpu.memory_space<vmem_shared>>)
      %dma_start3A = arith.constant 0 : i32
      %dma_start3A_1060 = tpu.memref_slice %arg4[%select_n3A_210, %select_n3A_250, %select_n3A_266, %dma_start3A] : memref<16x8x2x65536xf32, #tpu.memory_space<hbm>> -> memref<1x1x1x32768xf32, #tpu.memory_space<hbm>>
      %dma_start3A_1061 = tpu.memref_squeeze %dma_start3A_1060 : memref<1x1x1x32768xf32, #tpu.memory_space<hbm>> -> memref<32768xf32, #tpu.memory_space<hbm>>
      %dma_start3A_1062 = tpu.memref_slice %arg7[%mul3A_12] : memref<1572864xf32, #tpu.memory_space<vmem_shared>> -> memref<32768xf32, #tpu.memory_space<vmem_shared>>
      tpu.enqueue_dma source(%dma_start3A_1062 : memref<32768xf32, #tpu.memory_space<vmem_shared>>) target(%dma_start3A_1061 : memref<32768xf32, #tpu.memory_space<hbm>>) target_semaphore(%arg12 : memref<!tpu.dma_semaphore, #tpu.memory_space<semaphore_mem>>)
    } else {
    }
    %not3A_806 = arith.constant true
    %not3A_807 = arith.xori %eq3A_182, %not3A_806 : i1
    %convert_element_type3A_808 = arith.extui %not3A_807 : i1 to i32
    %cond3A_809 = arith.constant 0 : i32
    %cond3A_810 = arith.cmpi ne, %convert_element_type3A_808, %cond3A_809 : i32
    scf.if %cond3A_810 {
      %dma_wait3A = arith.constant 32768 : i32
      %dma_wait3A_1057 = tpu.memref_slice %arg4[%select_n3A_121, %select_n3A_161, %select_n3A_177, %dma_wait3A] : memref<16x8x2x65536xf32, #tpu.memory_space<hbm>> -> memref<1x1x1x32768xf32, #tpu.memory_space<hbm>>
      %dma_wait3A_1058 = tpu.memref_squeeze %dma_wait3A_1057 : memref<1x1x1x32768xf32, #tpu.memory_space<hbm>> -> memref<32768xf32, #tpu.memory_space<hbm>>
      %dma_wait3A_1059 = tpu.memref_slice %arg7[%mul3A_6] : memref<1572864xf32, #tpu.memory_space<vmem_shared>> -> memref<32768xf32, #tpu.memory_space<vmem_shared>>
      tpu.wait_dma2 semaphore(%arg11 : memref<!tpu.dma_semaphore, #tpu.memory_space<semaphore_mem>>) src(%dma_wait3A_1059 : memref<32768xf32, #tpu.memory_space<vmem_shared>>) dst(%dma_wait3A_1058 : memref<32768xf32, #tpu.memory_space<hbm>>)
    } else {
    }
    %not3A_811 = arith.constant true
    %not3A_812 = arith.xori %eq3A_360, %not3A_811 : i1
    %convert_element_type3A_813 = arith.extui %not3A_812 : i1 to i32
    %cond3A_814 = arith.constant 0 : i32
    %cond3A_815 = arith.cmpi ne, %convert_element_type3A_813, %cond3A_814 : i32
    scf.if %cond3A_815 {
      %dma_start3A = tpu.memref_slice %arg7[%mul3A_6] : memref<1572864xf32, #tpu.memory_space<vmem_shared>> -> memref<32768xf32, #tpu.memory_space<vmem_shared>>
      %dma_start3A_1057 = arith.constant 0 : i32
      %dma_start3A_1058 = tpu.memref_slice %arg2[%select_n3A_299, %select_n3A_339, %select_n3A_355, %dma_start3A_1057] : memref<16x8x2x65536xf32, #tpu.memory_space<hbm>> -> memref<1x1x1x32768xf32, #tpu.memory_space<hbm>>
      %dma_start3A_1059 = tpu.memref_squeeze %dma_start3A_1058 : memref<1x1x1x32768xf32, #tpu.memory_space<hbm>> -> memref<32768xf32, #tpu.memory_space<hbm>>
      tpu.enqueue_dma source(%dma_start3A_1059 : memref<32768xf32, #tpu.memory_space<hbm>>) target(%dma_start3A : memref<32768xf32, #tpu.memory_space<vmem_shared>>) target_semaphore(%arg8 : memref<!tpu.dma_semaphore, #tpu.memory_space<semaphore_mem>>)
    } else {
    }
    %convert_element_type3A_816 = arith.extui %eq3A_271 : i1 to i32
    %cond3A_817 = arith.constant 0 : i32
    %cond3A_818 = arith.cmpi ne, %convert_element_type3A_816, %cond3A_817 : i32
    scf.if %cond3A_818 {
      %dma_start3A = arith.constant 32768 : i32
      %dma_start3A_1057 = tpu.memref_slice %arg4[%select_n3A_210, %select_n3A_250, %select_n3A_266, %dma_start3A] : memref<16x8x2x65536xf32, #tpu.memory_space<hbm>> -> memref<1x1x1x4096xf32, #tpu.memory_space<hbm>>
      %dma_start3A_1058 = tpu.memref_squeeze %dma_start3A_1057 : memref<1x1x1x4096xf32, #tpu.memory_space<hbm>> -> memref<4096xf32, #tpu.memory_space<hbm>>
      %dma_start3A_1059 = arith.constant 32768 : i32
      %dma_start3A_1060 = tpu.memref_slice %arg4[%select_n3A_210, %select_n3A_250, %select_n3A_266, %dma_start3A_1059] : memref<16x8x2x65536xf32, #tpu.memory_space<hbm>> -> memref<1x1x1x4096xf32, #tpu.memory_space<hbm>>
      %dma_start3A_1061 = tpu.memref_squeeze %dma_start3A_1060 : memref<1x1x1x4096xf32, #tpu.memory_space<hbm>> -> memref<4096xf32, #tpu.memory_space<hbm>>
      tpu.enqueue_dma source(%arg6 : memref<4096xf32, #tpu.memory_space<vmem>>) target(%dma_start3A_1061 : memref<4096xf32, #tpu.memory_space<hbm>>) target_semaphore(%arg14 : memref<!tpu.dma_semaphore, #tpu.memory_space<semaphore_mem>>)
      %dma_start3A_1062 = arith.constant 36864 : i32
      %dma_start3A_1063 = tpu.memref_slice %arg4[%select_n3A_210, %select_n3A_250, %select_n3A_266, %dma_start3A_1062] : memref<16x8x2x65536xf32, #tpu.memory_space<hbm>> -> memref<1x1x1x4096xf32, #tpu.memory_space<hbm>>
      %dma_start3A_1064 = tpu.memref_squeeze %dma_start3A_1063 : memref<1x1x1x4096xf32, #tpu.memory_space<hbm>> -> memref<4096xf32, #tpu.memory_space<hbm>>
      %dma_start3A_1065 = arith.constant 36864 : i32
      %dma_start3A_1066 = tpu.memref_slice %arg4[%select_n3A_210, %select_n3A_250, %select_n3A_266, %dma_start3A_1065] : memref<16x8x2x65536xf32, #tpu.memory_space<hbm>> -> memref<1x1x1x4096xf32, #tpu.memory_space<hbm>>
      %dma_start3A_1067 = tpu.memref_squeeze %dma_start3A_1066 : memref<1x1x1x4096xf32, #tpu.memory_space<hbm>> -> memref<4096xf32, #tpu.memory_space<hbm>>
      tpu.enqueue_dma source(%arg6 : memref<4096xf32, #tpu.memory_space<vmem>>) target(%dma_start3A_1067 : memref<4096xf32, #tpu.memory_space<hbm>>) target_semaphore(%arg14 : memref<!tpu.dma_semaphore, #tpu.memory_space<semaphore_mem>>)
      %dma_start3A_1068 = arith.constant 40960 : i32
      %dma_start3A_1069 = tpu.memref_slice %arg4[%select_n3A_210, %select_n3A_250, %select_n3A_266, %dma_start3A_1068] : memref<16x8x2x65536xf32, #tpu.memory_space<hbm>> -> memref<1x1x1x4096xf32, #tpu.memory_space<hbm>>
      %dma_start3A_1070 = tpu.memref_squeeze %dma_start3A_1069 : memref<1x1x1x4096xf32, #tpu.memory_space<hbm>> -> memref<4096xf32, #tpu.memory_space<hbm>>
      %dma_start3A_1071 = arith.constant 40960 : i32
      %dma_start3A_1072 = tpu.memref_slice %arg4[%select_n3A_210, %select_n3A_250, %select_n3A_266, %dma_start3A_1071] : memref<16x8x2x65536xf32, #tpu.memory_space<hbm>> -> memref<1x1x1x4096xf32, #tpu.memory_space<hbm>>
      %dma_start3A_1073 = tpu.memref_squeeze %dma_start3A_1072 : memref<1x1x1x4096xf32, #tpu.memory_space<hbm>> -> memref<4096xf32, #tpu.memory_space<hbm>>
      tpu.enqueue_dma source(%arg6 : memref<4096xf32, #tpu.memory_space<vmem>>) target(%dma_start3A_1073 : memref<4096xf32, #tpu.memory_space<hbm>>) target_semaphore(%arg14 : memref<!tpu.dma_semaphore, #tpu.memory_space<semaphore_mem>>)
      %dma_start3A_1074 = arith.constant 45056 : i32
      %dma_start3A_1075 = tpu.memref_slice %arg4[%select_n3A_210, %select_n3A_250, %select_n3A_266, %dma_start3A_1074] : memref<16x8x2x65536xf32, #tpu.memory_space<hbm>> -> memref<1x1x1x4096xf32, #tpu.memory_space<hbm>>
      %dma_start3A_1076 = tpu.memref_squeeze %dma_start3A_1075 : memref<1x1x1x4096xf32, #tpu.memory_space<hbm>> -> memref<4096xf32, #tpu.memory_space<hbm>>
      %dma_start3A_1077 = arith.constant 45056 : i32
      %dma_start3A_1078 = tpu.memref_slice %arg4[%select_n3A_210, %select_n3A_250, %select_n3A_266, %dma_start3A_1077] : memref<16x8x2x65536xf32, #tpu.memory_space<hbm>> -> memref<1x1x1x4096xf32, #tpu.memory_space<hbm>>
      %dma_start3A_1079 = tpu.memref_squeeze %dma_start3A_1078 : memref<1x1x1x4096xf32, #tpu.memory_space<hbm>> -> memref<4096xf32, #tpu.memory_space<hbm>>
      tpu.enqueue_dma source(%arg6 : memref<4096xf32, #tpu.memory_space<vmem>>) target(%dma_start3A_1079 : memref<4096xf32, #tpu.memory_space<hbm>>) target_semaphore(%arg14 : memref<!tpu.dma_semaphore, #tpu.memory_space<semaphore_mem>>)
      %dma_start3A_1080 = arith.constant 49152 : i32
      %dma_start3A_1081 = tpu.memref_slice %arg4[%select_n3A_210, %select_n3A_250, %select_n3A_266, %dma_start3A_1080] : memref<16x8x2x65536xf32, #tpu.memory_space<hbm>> -> memref<1x1x1x4096xf32, #tpu.memory_space<hbm>>
      %dma_start3A_1082 = tpu.memref_squeeze %dma_start3A_1081 : memref<1x1x1x4096xf32, #tpu.memory_space<hbm>> -> memref<4096xf32, #tpu.memory_space<hbm>>
      %dma_start3A_1083 = arith.constant 49152 : i32
      %dma_start3A_1084 = tpu.memref_slice %arg4[%select_n3A_210, %select_n3A_250, %select_n3A_266, %dma_start3A_1083] : memref<16x8x2x65536xf32, #tpu.memory_space<hbm>> -> memref<1x1x1x4096xf32, #tpu.memory_space<hbm>>
      %dma_start3A_1085 = tpu.memref_squeeze %dma_start3A_1084 : memref<1x1x1x4096xf32, #tpu.memory_space<hbm>> -> memref<4096xf32, #tpu.memory_space<hbm>>
      tpu.enqueue_dma source(%arg6 : memref<4096xf32, #tpu.memory_space<vmem>>) target(%dma_start3A_1085 : memref<4096xf32, #tpu.memory_space<hbm>>) target_semaphore(%arg14 : memref<!tpu.dma_semaphore, #tpu.memory_space<semaphore_mem>>)
      %dma_start3A_1086 = arith.constant 53248 : i32
      %dma_start3A_1087 = tpu.memref_slice %arg4[%select_n3A_210, %select_n3A_250, %select_n3A_266, %dma_start3A_1086] : memref<16x8x2x65536xf32, #tpu.memory_space<hbm>> -> memref<1x1x1x4096xf32, #tpu.memory_space<hbm>>
      %dma_start3A_1088 = tpu.memref_squeeze %dma_start3A_1087 : memref<1x1x1x4096xf32, #tpu.memory_space<hbm>> -> memref<4096xf32, #tpu.memory_space<hbm>>
      %dma_start3A_1089 = arith.constant 53248 : i32
      %dma_start3A_1090 = tpu.memref_slice %arg4[%select_n3A_210, %select_n3A_250, %select_n3A_266, %dma_start3A_1089] : memref<16x8x2x65536xf32, #tpu.memory_space<hbm>> -> memref<1x1x1x4096xf32, #tpu.memory_space<hbm>>
      %dma_start3A_1091 = tpu.memref_squeeze %dma_start3A_1090 : memref<1x1x1x4096xf32, #tpu.memory_space<hbm>> -> memref<4096xf32, #tpu.memory_space<hbm>>
      tpu.enqueue_dma source(%arg6 : memref<4096xf32, #tpu.memory_space<vmem>>) target(%dma_start3A_1091 : memref<4096xf32, #tpu.memory_space<hbm>>) target_semaphore(%arg14 : memref<!tpu.dma_semaphore, #tpu.memory_space<semaphore_mem>>)
      %dma_start3A_1092 = arith.constant 57344 : i32
      %dma_start3A_1093 = tpu.memref_slice %arg4[%select_n3A_210, %select_n3A_250, %select_n3A_266, %dma_start3A_1092] : memref<16x8x2x65536xf32, #tpu.memory_space<hbm>> -> memref<1x1x1x4096xf32, #tpu.memory_space<hbm>>
      %dma_start3A_1094 = tpu.memref_squeeze %dma_start3A_1093 : memref<1x1x1x4096xf32, #tpu.memory_space<hbm>> -> memref<4096xf32, #tpu.memory_space<hbm>>
      %dma_start3A_1095 = arith.constant 57344 : i32
      %dma_start3A_1096 = tpu.memref_slice %arg4[%select_n3A_210, %select_n3A_250, %select_n3A_266, %dma_start3A_1095] : memref<16x8x2x65536xf32, #tpu.memory_space<hbm>> -> memref<1x1x1x4096xf32, #tpu.memory_space<hbm>>
      %dma_start3A_1097 = tpu.memref_squeeze %dma_start3A_1096 : memref<1x1x1x4096xf32, #tpu.memory_space<hbm>> -> memref<4096xf32, #tpu.memory_space<hbm>>
      tpu.enqueue_dma source(%arg6 : memref<4096xf32, #tpu.memory_space<vmem>>) target(%dma_start3A_1097 : memref<4096xf32, #tpu.memory_space<hbm>>) target_semaphore(%arg14 : memref<!tpu.dma_semaphore, #tpu.memory_space<semaphore_mem>>)
      %dma_start3A_1098 = arith.constant 61440 : i32
      %dma_start3A_1099 = tpu.memref_slice %arg4[%select_n3A_210, %select_n3A_250, %select_n3A_266, %dma_start3A_1098] : memref<16x8x2x65536xf32, #tpu.memory_space<hbm>> -> memref<1x1x1x4096xf32, #tpu.memory_space<hbm>>
      %dma_start3A_1100 = tpu.memref_squeeze %dma_start3A_1099 : memref<1x1x1x4096xf32, #tpu.memory_space<hbm>> -> memref<4096xf32, #tpu.memory_space<hbm>>
      %dma_start3A_1101 = arith.constant 61440 : i32
      %dma_start3A_1102 = tpu.memref_slice %arg4[%select_n3A_210, %select_n3A_250, %select_n3A_266, %dma_start3A_1101] : memref<16x8x2x65536xf32, #tpu.memory_space<hbm>> -> memref<1x1x1x4096xf32, #tpu.memory_space<hbm>>
      %dma_start3A_1103 = tpu.memref_squeeze %dma_start3A_1102 : memref<1x1x1x4096xf32, #tpu.memory_space<hbm>> -> memref<4096xf32, #tpu.memory_space<hbm>>
      tpu.enqueue_dma source(%arg6 : memref<4096xf32, #tpu.memory_space<vmem>>) target(%dma_start3A_1103 : memref<4096xf32, #tpu.memory_space<hbm>>) target_semaphore(%arg14 : memref<!tpu.dma_semaphore, #tpu.memory_space<semaphore_mem>>)
    } else {
    }
    %not3A_819 = arith.constant true
    %not3A_820 = arith.xori %eq3A_271, %not3A_819 : i1
    %convert_element_type3A_821 = arith.extui %not3A_820 : i1 to i32
    %cond3A_822 = arith.constant 0 : i32
    %cond3A_823 = arith.cmpi ne, %convert_element_type3A_821, %cond3A_822 : i32
    scf.if %cond3A_823 {
      %dma_wait3A = tpu.memref_slice %arg7[%mul3A_18] : memref<1572864xf32, #tpu.memory_space<vmem_shared>> -> memref<32768xf32, #tpu.memory_space<vmem_shared>>
      %dma_wait3A_1057 = arith.constant 32768 : i32
      %dma_wait3A_1058 = tpu.memref_slice %arg2[%select_n3A_210, %select_n3A_250, %select_n3A_266, %dma_wait3A_1057] : memref<16x8x2x65536xf32, #tpu.memory_space<hbm>> -> memref<1x1x1x32768xf32, #tpu.memory_space<hbm>>
      %dma_wait3A_1059 = tpu.memref_squeeze %dma_wait3A_1058 : memref<1x1x1x32768xf32, #tpu.memory_space<hbm>> -> memref<32768xf32, #tpu.memory_space<hbm>>
      tpu.wait_dma2 semaphore(%arg10 : memref<!tpu.dma_semaphore, #tpu.memory_space<semaphore_mem>>) src(%dma_wait3A_1059 : memref<32768xf32, #tpu.memory_space<hbm>>) dst(%dma_wait3A : memref<32768xf32, #tpu.memory_space<vmem_shared>>)
      %dma_start3A = arith.constant 32768 : i32
      %dma_start3A_1060 = tpu.memref_slice %arg4[%select_n3A_210, %select_n3A_250, %select_n3A_266, %dma_start3A] : memref<16x8x2x65536xf32, #tpu.memory_space<hbm>> -> memref<1x1x1x32768xf32, #tpu.memory_space<hbm>>
      %dma_start3A_1061 = tpu.memref_squeeze %dma_start3A_1060 : memref<1x1x1x32768xf32, #tpu.memory_space<hbm>> -> memref<32768xf32, #tpu.memory_space<hbm>>
      %dma_start3A_1062 = tpu.memref_slice %arg7[%mul3A_18] : memref<1572864xf32, #tpu.memory_space<vmem_shared>> -> memref<32768xf32, #tpu.memory_space<vmem_shared>>
      tpu.enqueue_dma source(%dma_start3A_1062 : memref<32768xf32, #tpu.memory_space<vmem_shared>>) target(%dma_start3A_1061 : memref<32768xf32, #tpu.memory_space<hbm>>) target_semaphore(%arg13 : memref<!tpu.dma_semaphore, #tpu.memory_space<semaphore_mem>>)
    } else {
    }
    %not3A_824 = arith.constant true
    %not3A_825 = arith.xori %eq3A_271, %not3A_824 : i1
    %convert_element_type3A_826 = arith.extui %not3A_825 : i1 to i32
    %cond3A_827 = arith.constant 0 : i32
    %cond3A_828 = arith.cmpi ne, %convert_element_type3A_826, %cond3A_827 : i32
    scf.if %cond3A_828 {
      %dma_wait3A = arith.constant 0 : i32
      %dma_wait3A_1057 = tpu.memref_slice %arg4[%select_n3A_210, %select_n3A_250, %select_n3A_266, %dma_wait3A] : memref<16x8x2x65536xf32, #tpu.memory_space<hbm>> -> memref<1x1x1x32768xf32, #tpu.memory_space<hbm>>
      %dma_wait3A_1058 = tpu.memref_squeeze %dma_wait3A_1057 : memref<1x1x1x32768xf32, #tpu.memory_space<hbm>> -> memref<32768xf32, #tpu.memory_space<hbm>>
      %dma_wait3A_1059 = tpu.memref_slice %arg7[%mul3A_12] : memref<1572864xf32, #tpu.memory_space<vmem_shared>> -> memref<32768xf32, #tpu.memory_space<vmem_shared>>
      tpu.wait_dma2 semaphore(%arg12 : memref<!tpu.dma_semaphore, #tpu.memory_space<semaphore_mem>>) src(%dma_wait3A_1059 : memref<32768xf32, #tpu.memory_space<vmem_shared>>) dst(%dma_wait3A_1058 : memref<32768xf32, #tpu.memory_space<hbm>>)
    } else {
    }
    %not3A_829 = arith.constant true
    %not3A_830 = arith.xori %eq3A_360, %not3A_829 : i1
    %convert_element_type3A_831 = arith.extui %not3A_830 : i1 to i32
    %cond3A_832 = arith.constant 0 : i32
    %cond3A_833 = arith.cmpi ne, %convert_element_type3A_831, %cond3A_832 : i32
    scf.if %cond3A_833 {
      %dma_start3A = tpu.memref_slice %arg7[%mul3A_12] : memref<1572864xf32, #tpu.memory_space<vmem_shared>> -> memref<32768xf32, #tpu.memory_space<vmem_shared>>
      %dma_start3A_1057 = arith.constant 32768 : i32
      %dma_start3A_1058 = tpu.memref_slice %arg2[%select_n3A_299, %select_n3A_339, %select_n3A_355, %dma_start3A_1057] : memref<16x8x2x65536xf32, #tpu.memory_space<hbm>> -> memref<1x1x1x32768xf32, #tpu.memory_space<hbm>>
      %dma_start3A_1059 = tpu.memref_squeeze %dma_start3A_1058 : memref<1x1x1x32768xf32, #tpu.memory_space<hbm>> -> memref<32768xf32, #tpu.memory_space<hbm>>
      tpu.enqueue_dma source(%dma_start3A_1059 : memref<32768xf32, #tpu.memory_space<hbm>>) target(%dma_start3A : memref<32768xf32, #tpu.memory_space<vmem_shared>>) target_semaphore(%arg9 : memref<!tpu.dma_semaphore, #tpu.memory_space<semaphore_mem>>)
    } else {
    }
    %convert_element_type3A_834 = arith.extui %eq3A_360 : i1 to i32
    %cond3A_835 = arith.constant 0 : i32
    %cond3A_836 = arith.cmpi ne, %convert_element_type3A_834, %cond3A_835 : i32
    scf.if %cond3A_836 {
      %dma_start3A = arith.constant 0 : i32
      %dma_start3A_1057 = tpu.memref_slice %arg4[%select_n3A_299, %select_n3A_339, %select_n3A_355, %dma_start3A] : memref<16x8x2x65536xf32, #tpu.memory_space<hbm>> -> memref<1x1x1x4096xf32, #tpu.memory_space<hbm>>
      %dma_start3A_1058 = tpu.memref_squeeze %dma_start3A_1057 : memref<1x1x1x4096xf32, #tpu.memory_space<hbm>> -> memref<4096xf32, #tpu.memory_space<hbm>>
      %dma_start3A_1059 = arith.constant 0 : i32
      %dma_start3A_1060 = tpu.memref_slice %arg4[%select_n3A_299, %select_n3A_339, %select_n3A_355, %dma_start3A_1059] : memref<16x8x2x65536xf32, #tpu.memory_space<hbm>> -> memref<1x1x1x4096xf32, #tpu.memory_space<hbm>>
      %dma_start3A_1061 = tpu.memref_squeeze %dma_start3A_1060 : memref<1x1x1x4096xf32, #tpu.memory_space<hbm>> -> memref<4096xf32, #tpu.memory_space<hbm>>
      tpu.enqueue_dma source(%arg6 : memref<4096xf32, #tpu.memory_space<vmem>>) target(%dma_start3A_1061 : memref<4096xf32, #tpu.memory_space<hbm>>) target_semaphore(%arg14 : memref<!tpu.dma_semaphore, #tpu.memory_space<semaphore_mem>>)
      %dma_start3A_1062 = arith.constant 4096 : i32
      %dma_start3A_1063 = tpu.memref_slice %arg4[%select_n3A_299, %select_n3A_339, %select_n3A_355, %dma_start3A_1062] : memref<16x8x2x65536xf32, #tpu.memory_space<hbm>> -> memref<1x1x1x4096xf32, #tpu.memory_space<hbm>>
      %dma_start3A_1064 = tpu.memref_squeeze %dma_start3A_1063 : memref<1x1x1x4096xf32, #tpu.memory_space<hbm>> -> memref<4096xf32, #tpu.memory_space<hbm>>
      %dma_start3A_1065 = arith.constant 4096 : i32
      %dma_start3A_1066 = tpu.memref_slice %arg4[%select_n3A_299, %select_n3A_339, %select_n3A_355, %dma_start3A_1065] : memref<16x8x2x65536xf32, #tpu.memory_space<hbm>> -> memref<1x1x1x4096xf32, #tpu.memory_space<hbm>>
      %dma_start3A_1067 = tpu.memref_squeeze %dma_start3A_1066 : memref<1x1x1x4096xf32, #tpu.memory_space<hbm>> -> memref<4096xf32, #tpu.memory_space<hbm>>
      tpu.enqueue_dma source(%arg6 : memref<4096xf32, #tpu.memory_space<vmem>>) target(%dma_start3A_1067 : memref<4096xf32, #tpu.memory_space<hbm>>) target_semaphore(%arg14 : memref<!tpu.dma_semaphore, #tpu.memory_space<semaphore_mem>>)
      %dma_start3A_1068 = arith.constant 8192 : i32
      %dma_start3A_1069 = tpu.memref_slice %arg4[%select_n3A_299, %select_n3A_339, %select_n3A_355, %dma_start3A_1068] : memref<16x8x2x65536xf32, #tpu.memory_space<hbm>> -> memref<1x1x1x4096xf32, #tpu.memory_space<hbm>>
      %dma_start3A_1070 = tpu.memref_squeeze %dma_start3A_1069 : memref<1x1x1x4096xf32, #tpu.memory_space<hbm>> -> memref<4096xf32, #tpu.memory_space<hbm>>
      %dma_start3A_1071 = arith.constant 8192 : i32
      %dma_start3A_1072 = tpu.memref_slice %arg4[%select_n3A_299, %select_n3A_339, %select_n3A_355, %dma_start3A_1071] : memref<16x8x2x65536xf32, #tpu.memory_space<hbm>> -> memref<1x1x1x4096xf32, #tpu.memory_space<hbm>>
      %dma_start3A_1073 = tpu.memref_squeeze %dma_start3A_1072 : memref<1x1x1x4096xf32, #tpu.memory_space<hbm>> -> memref<4096xf32, #tpu.memory_space<hbm>>
      tpu.enqueue_dma source(%arg6 : memref<4096xf32, #tpu.memory_space<vmem>>) target(%dma_start3A_1073 : memref<4096xf32, #tpu.memory_space<hbm>>) target_semaphore(%arg14 : memref<!tpu.dma_semaphore, #tpu.memory_space<semaphore_mem>>)
      %dma_start3A_1074 = arith.constant 12288 : i32
      %dma_start3A_1075 = tpu.memref_slice %arg4[%select_n3A_299, %select_n3A_339, %select_n3A_355, %dma_start3A_1074] : memref<16x8x2x65536xf32, #tpu.memory_space<hbm>> -> memref<1x1x1x4096xf32, #tpu.memory_space<hbm>>
      %dma_start3A_1076 = tpu.memref_squeeze %dma_start3A_1075 : memref<1x1x1x4096xf32, #tpu.memory_space<hbm>> -> memref<4096xf32, #tpu.memory_space<hbm>>
      %dma_start3A_1077 = arith.constant 12288 : i32
      %dma_start3A_1078 = tpu.memref_slice %arg4[%select_n3A_299, %select_n3A_339, %select_n3A_355, %dma_start3A_1077] : memref<16x8x2x65536xf32, #tpu.memory_space<hbm>> -> memref<1x1x1x4096xf32, #tpu.memory_space<hbm>>
      %dma_start3A_1079 = tpu.memref_squeeze %dma_start3A_1078 : memref<1x1x1x4096xf32, #tpu.memory_space<hbm>> -> memref<4096xf32, #tpu.memory_space<hbm>>
      tpu.enqueue_dma source(%arg6 : memref<4096xf32, #tpu.memory_space<vmem>>) target(%dma_start3A_1079 : memref<4096xf32, #tpu.memory_space<hbm>>) target_semaphore(%arg14 : memref<!tpu.dma_semaphore, #tpu.memory_space<semaphore_mem>>)
      %dma_start3A_1080 = arith.constant 16384 : i32
      %dma_start3A_1081 = tpu.memref_slice %arg4[%select_n3A_299, %select_n3A_339, %select_n3A_355, %dma_start3A_1080] : memref<16x8x2x65536xf32, #tpu.memory_space<hbm>> -> memref<1x1x1x4096xf32, #tpu.memory_space<hbm>>
      %dma_start3A_1082 = tpu.memref_squeeze %dma_start3A_1081 : memref<1x1x1x4096xf32, #tpu.memory_space<hbm>> -> memref<4096xf32, #tpu.memory_space<hbm>>
      %dma_start3A_1083 = arith.constant 16384 : i32
      %dma_start3A_1084 = tpu.memref_slice %arg4[%select_n3A_299, %select_n3A_339, %select_n3A_355, %dma_start3A_1083] : memref<16x8x2x65536xf32, #tpu.memory_space<hbm>> -> memref<1x1x1x4096xf32, #tpu.memory_space<hbm>>
      %dma_start3A_1085 = tpu.memref_squeeze %dma_start3A_1084 : memref<1x1x1x4096xf32, #tpu.memory_space<hbm>> -> memref<4096xf32, #tpu.memory_space<hbm>>
      tpu.enqueue_dma source(%arg6 : memref<4096xf32, #tpu.memory_space<vmem>>) target(%dma_start3A_1085 : memref<4096xf32, #tpu.memory_space<hbm>>) target_semaphore(%arg14 : memref<!tpu.dma_semaphore, #tpu.memory_space<semaphore_mem>>)
      %dma_start3A_1086 = arith.constant 20480 : i32
      %dma_start3A_1087 = tpu.memref_slice %arg4[%select_n3A_299, %select_n3A_339, %select_n3A_355, %dma_start3A_1086] : memref<16x8x2x65536xf32, #tpu.memory_space<hbm>> -> memref<1x1x1x4096xf32, #tpu.memory_space<hbm>>
      %dma_start3A_1088 = tpu.memref_squeeze %dma_start3A_1087 : memref<1x1x1x4096xf32, #tpu.memory_space<hbm>> -> memref<4096xf32, #tpu.memory_space<hbm>>
      %dma_start3A_1089 = arith.constant 20480 : i32
      %dma_start3A_1090 = tpu.memref_slice %arg4[%select_n3A_299, %select_n3A_339, %select_n3A_355, %dma_start3A_1089] : memref<16x8x2x65536xf32, #tpu.memory_space<hbm>> -> memref<1x1x1x4096xf32, #tpu.memory_space<hbm>>
      %dma_start3A_1091 = tpu.memref_squeeze %dma_start3A_1090 : memref<1x1x1x4096xf32, #tpu.memory_space<hbm>> -> memref<4096xf32, #tpu.memory_space<hbm>>
      tpu.enqueue_dma source(%arg6 : memref<4096xf32, #tpu.memory_space<vmem>>) target(%dma_start3A_1091 : memref<4096xf32, #tpu.memory_space<hbm>>) target_semaphore(%arg14 : memref<!tpu.dma_semaphore, #tpu.memory_space<semaphore_mem>>)
      %dma_start3A_1092 = arith.constant 24576 : i32
      %dma_start3A_1093 = tpu.memref_slice %arg4[%select_n3A_299, %select_n3A_339, %select_n3A_355, %dma_start3A_1092] : memref<16x8x2x65536xf32, #tpu.memory_space<hbm>> -> memref<1x1x1x4096xf32, #tpu.memory_space<hbm>>
      %dma_start3A_1094 = tpu.memref_squeeze %dma_start3A_1093 : memref<1x1x1x4096xf32, #tpu.memory_space<hbm>> -> memref<4096xf32, #tpu.memory_space<hbm>>
      %dma_start3A_1095 = arith.constant 24576 : i32
      %dma_start3A_1096 = tpu.memref_slice %arg4[%select_n3A_299, %select_n3A_339, %select_n3A_355, %dma_start3A_1095] : memref<16x8x2x65536xf32, #tpu.memory_space<hbm>> -> memref<1x1x1x4096xf32, #tpu.memory_space<hbm>>
      %dma_start3A_1097 = tpu.memref_squeeze %dma_start3A_1096 : memref<1x1x1x4096xf32, #tpu.memory_space<hbm>> -> memref<4096xf32, #tpu.memory_space<hbm>>
      tpu.enqueue_dma source(%arg6 : memref<4096xf32, #tpu.memory_space<vmem>>) target(%dma_start3A_1097 : memref<4096xf32, #tpu.memory_space<hbm>>) target_semaphore(%arg14 : memref<!tpu.dma_semaphore, #tpu.memory_space<semaphore_mem>>)
      %dma_start3A_1098 = arith.constant 28672 : i32
      %dma_start3A_1099 = tpu.memref_slice %arg4[%select_n3A_299, %select_n3A_339, %select_n3A_355, %dma_start3A_1098] : memref<16x8x2x65536xf32, #tpu.memory_space<hbm>> -> memref<1x1x1x4096xf32, #tpu.memory_space<hbm>>
      %dma_start3A_1100 = tpu.memref_squeeze %dma_start3A_1099 : memref<1x1x1x4096xf32, #tpu.memory_space<hbm>> -> memref<4096xf32, #tpu.memory_space<hbm>>
      %dma_start3A_1101 = arith.constant 28672 : i32
      %dma_start3A_1102 = tpu.memref_slice %arg4[%select_n3A_299, %select_n3A_339, %select_n3A_355, %dma_start3A_1101] : memref<16x8x2x65536xf32, #tpu.memory_space<hbm>> -> memref<1x1x1x4096xf32, #tpu.memory_space<hbm>>
      %dma_start3A_1103 = tpu.memref_squeeze %dma_start3A_1102 : memref<1x1x1x4096xf32, #tpu.memory_space<hbm>> -> memref<4096xf32, #tpu.memory_space<hbm>>
      tpu.enqueue_dma source(%arg6 : memref<4096xf32, #tpu.memory_space<vmem>>) target(%dma_start3A_1103 : memref<4096xf32, #tpu.memory_space<hbm>>) target_semaphore(%arg14 : memref<!tpu.dma_semaphore, #tpu.memory_space<semaphore_mem>>)
    } else {
    }
    %not3A_837 = arith.constant true
    %not3A_838 = arith.xori %eq3A_360, %not3A_837 : i1
    %convert_element_type3A_839 = arith.extui %not3A_838 : i1 to i32
    %cond3A_840 = arith.constant 0 : i32
    %cond3A_841 = arith.cmpi ne, %convert_element_type3A_839, %cond3A_840 : i32
    scf.if %cond3A_841 {
      %dma_wait3A = tpu.memref_slice %arg7[%mul3A_6] : memref<1572864xf32, #tpu.memory_space<vmem_shared>> -> memref<32768xf32, #tpu.memory_space<vmem_shared>>
      %dma_wait3A_1057 = arith.constant 0 : i32
      %dma_wait3A_1058 = tpu.memref_slice %arg2[%select_n3A_299, %select_n3A_339, %select_n3A_355, %dma_wait3A_1057] : memref<16x8x2x65536xf32, #tpu.memory_space<hbm>> -> memref<1x1x1x32768xf32, #tpu.memory_space<hbm>>
      %dma_wait3A_1059 = tpu.memref_squeeze %dma_wait3A_1058 : memref<1x1x1x32768xf32, #tpu.memory_space<hbm>> -> memref<32768xf32, #tpu.memory_space<hbm>>
      tpu.wait_dma2 semaphore(%arg8 : memref<!tpu.dma_semaphore, #tpu.memory_space<semaphore_mem>>) src(%dma_wait3A_1059 : memref<32768xf32, #tpu.memory_space<hbm>>) dst(%dma_wait3A : memref<32768xf32, #tpu.memory_space<vmem_shared>>)
      %dma_start3A = arith.constant 0 : i32
      %dma_start3A_1060 = tpu.memref_slice %arg4[%select_n3A_299, %select_n3A_339, %select_n3A_355, %dma_start3A] : memref<16x8x2x65536xf32, #tpu.memory_space<hbm>> -> memref<1x1x1x32768xf32, #tpu.memory_space<hbm>>
      %dma_start3A_1061 = tpu.memref_squeeze %dma_start3A_1060 : memref<1x1x1x32768xf32, #tpu.memory_space<hbm>> -> memref<32768xf32, #tpu.memory_space<hbm>>
      %dma_start3A_1062 = tpu.memref_slice %arg7[%mul3A_6] : memref<1572864xf32, #tpu.memory_space<vmem_shared>> -> memref<32768xf32, #tpu.memory_space<vmem_shared>>
      tpu.enqueue_dma source(%dma_start3A_1062 : memref<32768xf32, #tpu.memory_space<vmem_shared>>) target(%dma_start3A_1061 : memref<32768xf32, #tpu.memory_space<hbm>>) target_semaphore(%arg11 : memref<!tpu.dma_semaphore, #tpu.memory_space<semaphore_mem>>)
    } else {
    }
    %not3A_842 = arith.constant true
    %not3A_843 = arith.xori %eq3A_271, %not3A_842 : i1
    %convert_element_type3A_844 = arith.extui %not3A_843 : i1 to i32
    %cond3A_845 = arith.constant 0 : i32
    %cond3A_846 = arith.cmpi ne, %convert_element_type3A_844, %cond3A_845 : i32
    scf.if %cond3A_846 {
      %dma_wait3A = arith.constant 32768 : i32
      %dma_wait3A_1057 = tpu.memref_slice %arg4[%select_n3A_210, %select_n3A_250, %select_n3A_266, %dma_wait3A] : memref<16x8x2x65536xf32, #tpu.memory_space<hbm>> -> memref<1x1x1x32768xf32, #tpu.memory_space<hbm>>
      %dma_wait3A_1058 = tpu.memref_squeeze %dma_wait3A_1057 : memref<1x1x1x32768xf32, #tpu.memory_space<hbm>> -> memref<32768xf32, #tpu.memory_space<hbm>>
      %dma_wait3A_1059 = tpu.memref_slice %arg7[%mul3A_18] : memref<1572864xf32, #tpu.memory_space<vmem_shared>> -> memref<32768xf32, #tpu.memory_space<vmem_shared>>
      tpu.wait_dma2 semaphore(%arg13 : memref<!tpu.dma_semaphore, #tpu.memory_space<semaphore_mem>>) src(%dma_wait3A_1059 : memref<32768xf32, #tpu.memory_space<vmem_shared>>) dst(%dma_wait3A_1058 : memref<32768xf32, #tpu.memory_space<hbm>>)
    } else {
    }
    %not3A_847 = arith.constant true
    %not3A_848 = arith.xori %eq3A_449, %not3A_847 : i1
    %convert_element_type3A_849 = arith.extui %not3A_848 : i1 to i32
    %cond3A_850 = arith.constant 0 : i32
    %cond3A_851 = arith.cmpi ne, %convert_element_type3A_849, %cond3A_850 : i32
    scf.if %cond3A_851 {
      %dma_start3A = tpu.memref_slice %arg7[%mul3A_18] : memref<1572864xf32, #tpu.memory_space<vmem_shared>> -> memref<32768xf32, #tpu.memory_space<vmem_shared>>
      %dma_start3A_1057 = arith.constant 0 : i32
      %dma_start3A_1058 = tpu.memref_slice %arg2[%select_n3A_388, %select_n3A_428, %select_n3A_444, %dma_start3A_1057] : memref<16x8x2x65536xf32, #tpu.memory_space<hbm>> -> memref<1x1x1x32768xf32, #tpu.memory_space<hbm>>
      %dma_start3A_1059 = tpu.memref_squeeze %dma_start3A_1058 : memref<1x1x1x32768xf32, #tpu.memory_space<hbm>> -> memref<32768xf32, #tpu.memory_space<hbm>>
      tpu.enqueue_dma source(%dma_start3A_1059 : memref<32768xf32, #tpu.memory_space<hbm>>) target(%dma_start3A : memref<32768xf32, #tpu.memory_space<vmem_shared>>) target_semaphore(%arg10 : memref<!tpu.dma_semaphore, #tpu.memory_space<semaphore_mem>>)
    } else {
    }
    %convert_element_type3A_852 = arith.extui %eq3A_360 : i1 to i32
    %cond3A_853 = arith.constant 0 : i32
    %cond3A_854 = arith.cmpi ne, %convert_element_type3A_852, %cond3A_853 : i32
    scf.if %cond3A_854 {
      %dma_start3A = arith.constant 32768 : i32
      %dma_start3A_1057 = tpu.memref_slice %arg4[%select_n3A_299, %select_n3A_339, %select_n3A_355, %dma_start3A] : memref<16x8x2x65536xf32, #tpu.memory_space<hbm>> -> memref<1x1x1x4096xf32, #tpu.memory_space<hbm>>
      %dma_start3A_1058 = tpu.memref_squeeze %dma_start3A_1057 : memref<1x1x1x4096xf32, #tpu.memory_space<hbm>> -> memref<4096xf32, #tpu.memory_space<hbm>>
      %dma_start3A_1059 = arith.constant 32768 : i32
      %dma_start3A_1060 = tpu.memref_slice %arg4[%select_n3A_299, %select_n3A_339, %select_n3A_355, %dma_start3A_1059] : memref<16x8x2x65536xf32, #tpu.memory_space<hbm>> -> memref<1x1x1x4096xf32, #tpu.memory_space<hbm>>
      %dma_start3A_1061 = tpu.memref_squeeze %dma_start3A_1060 : memref<1x1x1x4096xf32, #tpu.memory_space<hbm>> -> memref<4096xf32, #tpu.memory_space<hbm>>
      tpu.enqueue_dma source(%arg6 : memref<4096xf32, #tpu.memory_space<vmem>>) target(%dma_start3A_1061 : memref<4096xf32, #tpu.memory_space<hbm>>) target_semaphore(%arg14 : memref<!tpu.dma_semaphore, #tpu.memory_space<semaphore_mem>>)
      %dma_start3A_1062 = arith.constant 36864 : i32
      %dma_start3A_1063 = tpu.memref_slice %arg4[%select_n3A_299, %select_n3A_339, %select_n3A_355, %dma_start3A_1062] : memref<16x8x2x65536xf32, #tpu.memory_space<hbm>> -> memref<1x1x1x4096xf32, #tpu.memory_space<hbm>>
      %dma_start3A_1064 = tpu.memref_squeeze %dma_start3A_1063 : memref<1x1x1x4096xf32, #tpu.memory_space<hbm>> -> memref<4096xf32, #tpu.memory_space<hbm>>
      %dma_start3A_1065 = arith.constant 36864 : i32
      %dma_start3A_1066 = tpu.memref_slice %arg4[%select_n3A_299, %select_n3A_339, %select_n3A_355, %dma_start3A_1065] : memref<16x8x2x65536xf32, #tpu.memory_space<hbm>> -> memref<1x1x1x4096xf32, #tpu.memory_space<hbm>>
      %dma_start3A_1067 = tpu.memref_squeeze %dma_start3A_1066 : memref<1x1x1x4096xf32, #tpu.memory_space<hbm>> -> memref<4096xf32, #tpu.memory_space<hbm>>
      tpu.enqueue_dma source(%arg6 : memref<4096xf32, #tpu.memory_space<vmem>>) target(%dma_start3A_1067 : memref<4096xf32, #tpu.memory_space<hbm>>) target_semaphore(%arg14 : memref<!tpu.dma_semaphore, #tpu.memory_space<semaphore_mem>>)
      %dma_start3A_1068 = arith.constant 40960 : i32
      %dma_start3A_1069 = tpu.memref_slice %arg4[%select_n3A_299, %select_n3A_339, %select_n3A_355, %dma_start3A_1068] : memref<16x8x2x65536xf32, #tpu.memory_space<hbm>> -> memref<1x1x1x4096xf32, #tpu.memory_space<hbm>>
      %dma_start3A_1070 = tpu.memref_squeeze %dma_start3A_1069 : memref<1x1x1x4096xf32, #tpu.memory_space<hbm>> -> memref<4096xf32, #tpu.memory_space<hbm>>
      %dma_start3A_1071 = arith.constant 40960 : i32
      %dma_start3A_1072 = tpu.memref_slice %arg4[%select_n3A_299, %select_n3A_339, %select_n3A_355, %dma_start3A_1071] : memref<16x8x2x65536xf32, #tpu.memory_space<hbm>> -> memref<1x1x1x4096xf32, #tpu.memory_space<hbm>>
      %dma_start3A_1073 = tpu.memref_squeeze %dma_start3A_1072 : memref<1x1x1x4096xf32, #tpu.memory_space<hbm>> -> memref<4096xf32, #tpu.memory_space<hbm>>
      tpu.enqueue_dma source(%arg6 : memref<4096xf32, #tpu.memory_space<vmem>>) target(%dma_start3A_1073 : memref<4096xf32, #tpu.memory_space<hbm>>) target_semaphore(%arg14 : memref<!tpu.dma_semaphore, #tpu.memory_space<semaphore_mem>>)
      %dma_start3A_1074 = arith.constant 45056 : i32
      %dma_start3A_1075 = tpu.memref_slice %arg4[%select_n3A_299, %select_n3A_339, %select_n3A_355, %dma_start3A_1074] : memref<16x8x2x65536xf32, #tpu.memory_space<hbm>> -> memref<1x1x1x4096xf32, #tpu.memory_space<hbm>>
      %dma_start3A_1076 = tpu.memref_squeeze %dma_start3A_1075 : memref<1x1x1x4096xf32, #tpu.memory_space<hbm>> -> memref<4096xf32, #tpu.memory_space<hbm>>
      %dma_start3A_1077 = arith.constant 45056 : i32
      %dma_start3A_1078 = tpu.memref_slice %arg4[%select_n3A_299, %select_n3A_339, %select_n3A_355, %dma_start3A_1077] : memref<16x8x2x65536xf32, #tpu.memory_space<hbm>> -> memref<1x1x1x4096xf32, #tpu.memory_space<hbm>>
      %dma_start3A_1079 = tpu.memref_squeeze %dma_start3A_1078 : memref<1x1x1x4096xf32, #tpu.memory_space<hbm>> -> memref<4096xf32, #tpu.memory_space<hbm>>
      tpu.enqueue_dma source(%arg6 : memref<4096xf32, #tpu.memory_space<vmem>>) target(%dma_start3A_1079 : memref<4096xf32, #tpu.memory_space<hbm>>) target_semaphore(%arg14 : memref<!tpu.dma_semaphore, #tpu.memory_space<semaphore_mem>>)
      %dma_start3A_1080 = arith.constant 49152 : i32
      %dma_start3A_1081 = tpu.memref_slice %arg4[%select_n3A_299, %select_n3A_339, %select_n3A_355, %dma_start3A_1080] : memref<16x8x2x65536xf32, #tpu.memory_space<hbm>> -> memref<1x1x1x4096xf32, #tpu.memory_space<hbm>>
      %dma_start3A_1082 = tpu.memref_squeeze %dma_start3A_1081 : memref<1x1x1x4096xf32, #tpu.memory_space<hbm>> -> memref<4096xf32, #tpu.memory_space<hbm>>
      %dma_start3A_1083 = arith.constant 49152 : i32
      %dma_start3A_1084 = tpu.memref_slice %arg4[%select_n3A_299, %select_n3A_339, %select_n3A_355, %dma_start3A_1083] : memref<16x8x2x65536xf32, #tpu.memory_space<hbm>> -> memref<1x1x1x4096xf32, #tpu.memory_space<hbm>>
      %dma_start3A_1085 = tpu.memref_squeeze %dma_start3A_1084 : memref<1x1x1x4096xf32, #tpu.memory_space<hbm>> -> memref<4096xf32, #tpu.memory_space<hbm>>
      tpu.enqueue_dma source(%arg6 : memref<4096xf32, #tpu.memory_space<vmem>>) target(%dma_start3A_1085 : memref<4096xf32, #tpu.memory_space<hbm>>) target_semaphore(%arg14 : memref<!tpu.dma_semaphore, #tpu.memory_space<semaphore_mem>>)
      %dma_start3A_1086 = arith.constant 53248 : i32
      %dma_start3A_1087 = tpu.memref_slice %arg4[%select_n3A_299, %select_n3A_339, %select_n3A_355, %dma_start3A_1086] : memref<16x8x2x65536xf32, #tpu.memory_space<hbm>> -> memref<1x1x1x4096xf32, #tpu.memory_space<hbm>>
      %dma_start3A_1088 = tpu.memref_squeeze %dma_start3A_1087 : memref<1x1x1x4096xf32, #tpu.memory_space<hbm>> -> memref<4096xf32, #tpu.memory_space<hbm>>
      %dma_start3A_1089 = arith.constant 53248 : i32
      %dma_start3A_1090 = tpu.memref_slice %arg4[%select_n3A_299, %select_n3A_339, %select_n3A_355, %dma_start3A_1089] : memref<16x8x2x65536xf32, #tpu.memory_space<hbm>> -> memref<1x1x1x4096xf32, #tpu.memory_space<hbm>>
      %dma_start3A_1091 = tpu.memref_squeeze %dma_start3A_1090 : memref<1x1x1x4096xf32, #tpu.memory_space<hbm>> -> memref<4096xf32, #tpu.memory_space<hbm>>
      tpu.enqueue_dma source(%arg6 : memref<4096xf32, #tpu.memory_space<vmem>>) target(%dma_start3A_1091 : memref<4096xf32, #tpu.memory_space<hbm>>) target_semaphore(%arg14 : memref<!tpu.dma_semaphore, #tpu.memory_space<semaphore_mem>>)
      %dma_start3A_1092 = arith.constant 57344 : i32
      %dma_start3A_1093 = tpu.memref_slice %arg4[%select_n3A_299, %select_n3A_339, %select_n3A_355, %dma_start3A_1092] : memref<16x8x2x65536xf32, #tpu.memory_space<hbm>> -> memref<1x1x1x4096xf32, #tpu.memory_space<hbm>>
      %dma_start3A_1094 = tpu.memref_squeeze %dma_start3A_1093 : memref<1x1x1x4096xf32, #tpu.memory_space<hbm>> -> memref<4096xf32, #tpu.memory_space<hbm>>
      %dma_start3A_1095 = arith.constant 57344 : i32
      %dma_start3A_1096 = tpu.memref_slice %arg4[%select_n3A_299, %select_n3A_339, %select_n3A_355, %dma_start3A_1095] : memref<16x8x2x65536xf32, #tpu.memory_space<hbm>> -> memref<1x1x1x4096xf32, #tpu.memory_space<hbm>>
      %dma_start3A_1097 = tpu.memref_squeeze %dma_start3A_1096 : memref<1x1x1x4096xf32, #tpu.memory_space<hbm>> -> memref<4096xf32, #tpu.memory_space<hbm>>
      tpu.enqueue_dma source(%arg6 : memref<4096xf32, #tpu.memory_space<vmem>>) target(%dma_start3A_1097 : memref<4096xf32, #tpu.memory_space<hbm>>) target_semaphore(%arg14 : memref<!tpu.dma_semaphore, #tpu.memory_space<semaphore_mem>>)
      %dma_start3A_1098 = arith.constant 61440 : i32
      %dma_start3A_1099 = tpu.memref_slice %arg4[%select_n3A_299, %select_n3A_339, %select_n3A_355, %dma_start3A_1098] : memref<16x8x2x65536xf32, #tpu.memory_space<hbm>> -> memref<1x1x1x4096xf32, #tpu.memory_space<hbm>>
      %dma_start3A_1100 = tpu.memref_squeeze %dma_start3A_1099 : memref<1x1x1x4096xf32, #tpu.memory_space<hbm>> -> memref<4096xf32, #tpu.memory_space<hbm>>
      %dma_start3A_1101 = arith.constant 61440 : i32
      %dma_start3A_1102 = tpu.memref_slice %arg4[%select_n3A_299, %select_n3A_339, %select_n3A_355, %dma_start3A_1101] : memref<16x8x2x65536xf32, #tpu.memory_space<hbm>> -> memref<1x1x1x4096xf32, #tpu.memory_space<hbm>>
      %dma_start3A_1103 = tpu.memref_squeeze %dma_start3A_1102 : memref<1x1x1x4096xf32, #tpu.memory_space<hbm>> -> memref<4096xf32, #tpu.memory_space<hbm>>
      tpu.enqueue_dma source(%arg6 : memref<4096xf32, #tpu.memory_space<vmem>>) target(%dma_start3A_1103 : memref<4096xf32, #tpu.memory_space<hbm>>) target_semaphore(%arg14 : memref<!tpu.dma_semaphore, #tpu.memory_space<semaphore_mem>>)
    } else {
    }
    %not3A_855 = arith.constant true
    %not3A_856 = arith.xori %eq3A_360, %not3A_855 : i1
    %convert_element_type3A_857 = arith.extui %not3A_856 : i1 to i32
    %cond3A_858 = arith.constant 0 : i32
    %cond3A_859 = arith.cmpi ne, %convert_element_type3A_857, %cond3A_858 : i32
    scf.if %cond3A_859 {
      %dma_wait3A = tpu.memref_slice %arg7[%mul3A_12] : memref<1572864xf32, #tpu.memory_space<vmem_shared>> -> memref<32768xf32, #tpu.memory_space<vmem_shared>>
      %dma_wait3A_1057 = arith.constant 32768 : i32
      %dma_wait3A_1058 = tpu.memref_slice %arg2[%select_n3A_299, %select_n3A_339, %select_n3A_355, %dma_wait3A_1057] : memref<16x8x2x65536xf32, #tpu.memory_space<hbm>> -> memref<1x1x1x32768xf32, #tpu.memory_space<hbm>>
      %dma_wait3A_1059 = tpu.memref_squeeze %dma_wait3A_1058 : memref<1x1x1x32768xf32, #tpu.memory_space<hbm>> -> memref<32768xf32, #tpu.memory_space<hbm>>
      tpu.wait_dma2 semaphore(%arg9 : memref<!tpu.dma_semaphore, #tpu.memory_space<semaphore_mem>>) src(%dma_wait3A_1059 : memref<32768xf32, #tpu.memory_space<hbm>>) dst(%dma_wait3A : memref<32768xf32, #tpu.memory_space<vmem_shared>>)
      %dma_start3A = arith.constant 32768 : i32
      %dma_start3A_1060 = tpu.memref_slice %arg4[%select_n3A_299, %select_n3A_339, %select_n3A_355, %dma_start3A] : memref<16x8x2x65536xf32, #tpu.memory_space<hbm>> -> memref<1x1x1x32768xf32, #tpu.memory_space<hbm>>
      %dma_start3A_1061 = tpu.memref_squeeze %dma_start3A_1060 : memref<1x1x1x32768xf32, #tpu.memory_space<hbm>> -> memref<32768xf32, #tpu.memory_space<hbm>>
      %dma_start3A_1062 = tpu.memref_slice %arg7[%mul3A_12] : memref<1572864xf32, #tpu.memory_space<vmem_shared>> -> memref<32768xf32, #tpu.memory_space<vmem_shared>>
      tpu.enqueue_dma source(%dma_start3A_1062 : memref<32768xf32, #tpu.memory_space<vmem_shared>>) target(%dma_start3A_1061 : memref<32768xf32, #tpu.memory_space<hbm>>) target_semaphore(%arg12 : memref<!tpu.dma_semaphore, #tpu.memory_space<semaphore_mem>>)
    } else {
    }
    %not3A_860 = arith.constant true
    %not3A_861 = arith.xori %eq3A_360, %not3A_860 : i1
    %convert_element_type3A_862 = arith.extui %not3A_861 : i1 to i32
    %cond3A_863 = arith.constant 0 : i32
    %cond3A_864 = arith.cmpi ne, %convert_element_type3A_862, %cond3A_863 : i32
    scf.if %cond3A_864 {
      %dma_wait3A = arith.constant 0 : i32
      %dma_wait3A_1057 = tpu.memref_slice %arg4[%select_n3A_299, %select_n3A_339, %select_n3A_355, %dma_wait3A] : memref<16x8x2x65536xf32, #tpu.memory_space<hbm>> -> memref<1x1x1x32768xf32, #tpu.memory_space<hbm>>
      %dma_wait3A_1058 = tpu.memref_squeeze %dma_wait3A_1057 : memref<1x1x1x32768xf32, #tpu.memory_space<hbm>> -> memref<32768xf32, #tpu.memory_space<hbm>>
      %dma_wait3A_1059 = tpu.memref_slice %arg7[%mul3A_6] : memref<1572864xf32, #tpu.memory_space<vmem_shared>> -> memref<32768xf32, #tpu.memory_space<vmem_shared>>
      tpu.wait_dma2 semaphore(%arg11 : memref<!tpu.dma_semaphore, #tpu.memory_space<semaphore_mem>>) src(%dma_wait3A_1059 : memref<32768xf32, #tpu.memory_space<vmem_shared>>) dst(%dma_wait3A_1058 : memref<32768xf32, #tpu.memory_space<hbm>>)
    } else {
    }
    %not3A_865 = arith.constant true
    %not3A_866 = arith.xori %eq3A_449, %not3A_865 : i1
    %convert_element_type3A_867 = arith.extui %not3A_866 : i1 to i32
    %cond3A_868 = arith.constant 0 : i32
    %cond3A_869 = arith.cmpi ne, %convert_element_type3A_867, %cond3A_868 : i32
    scf.if %cond3A_869 {
      %dma_start3A = tpu.memref_slice %arg7[%mul3A_6] : memref<1572864xf32, #tpu.memory_space<vmem_shared>> -> memref<32768xf32, #tpu.memory_space<vmem_shared>>
      %dma_start3A_1057 = arith.constant 32768 : i32
      %dma_start3A_1058 = tpu.memref_slice %arg2[%select_n3A_388, %select_n3A_428, %select_n3A_444, %dma_start3A_1057] : memref<16x8x2x65536xf32, #tpu.memory_space<hbm>> -> memref<1x1x1x32768xf32, #tpu.memory_space<hbm>>
      %dma_start3A_1059 = tpu.memref_squeeze %dma_start3A_1058 : memref<1x1x1x32768xf32, #tpu.memory_space<hbm>> -> memref<32768xf32, #tpu.memory_space<hbm>>
      tpu.enqueue_dma source(%dma_start3A_1059 : memref<32768xf32, #tpu.memory_space<hbm>>) target(%dma_start3A : memref<32768xf32, #tpu.memory_space<vmem_shared>>) target_semaphore(%arg8 : memref<!tpu.dma_semaphore, #tpu.memory_space<semaphore_mem>>)
    } else {
    }
    %convert_element_type3A_870 = arith.extui %eq3A_449 : i1 to i32
    %cond3A_871 = arith.constant 0 : i32
    %cond3A_872 = arith.cmpi ne, %convert_element_type3A_870, %cond3A_871 : i32
    scf.if %cond3A_872 {
      %dma_start3A = arith.constant 0 : i32
      %dma_start3A_1057 = tpu.memref_slice %arg4[%select_n3A_388, %select_n3A_428, %select_n3A_444, %dma_start3A] : memref<16x8x2x65536xf32, #tpu.memory_space<hbm>> -> memref<1x1x1x4096xf32, #tpu.memory_space<hbm>>
      %dma_start3A_1058 = tpu.memref_squeeze %dma_start3A_1057 : memref<1x1x1x4096xf32, #tpu.memory_space<hbm>> -> memref<4096xf32, #tpu.memory_space<hbm>>
      %dma_start3A_1059 = arith.constant 0 : i32
      %dma_start3A_1060 = tpu.memref_slice %arg4[%select_n3A_388, %select_n3A_428, %select_n3A_444, %dma_start3A_1059] : memref<16x8x2x65536xf32, #tpu.memory_space<hbm>> -> memref<1x1x1x4096xf32, #tpu.memory_space<hbm>>
      %dma_start3A_1061 = tpu.memref_squeeze %dma_start3A_1060 : memref<1x1x1x4096xf32, #tpu.memory_space<hbm>> -> memref<4096xf32, #tpu.memory_space<hbm>>
      tpu.enqueue_dma source(%arg6 : memref<4096xf32, #tpu.memory_space<vmem>>) target(%dma_start3A_1061 : memref<4096xf32, #tpu.memory_space<hbm>>) target_semaphore(%arg14 : memref<!tpu.dma_semaphore, #tpu.memory_space<semaphore_mem>>)
      %dma_start3A_1062 = arith.constant 4096 : i32
      %dma_start3A_1063 = tpu.memref_slice %arg4[%select_n3A_388, %select_n3A_428, %select_n3A_444, %dma_start3A_1062] : memref<16x8x2x65536xf32, #tpu.memory_space<hbm>> -> memref<1x1x1x4096xf32, #tpu.memory_space<hbm>>
      %dma_start3A_1064 = tpu.memref_squeeze %dma_start3A_1063 : memref<1x1x1x4096xf32, #tpu.memory_space<hbm>> -> memref<4096xf32, #tpu.memory_space<hbm>>
      %dma_start3A_1065 = arith.constant 4096 : i32
      %dma_start3A_1066 = tpu.memref_slice %arg4[%select_n3A_388, %select_n3A_428, %select_n3A_444, %dma_start3A_1065] : memref<16x8x2x65536xf32, #tpu.memory_space<hbm>> -> memref<1x1x1x4096xf32, #tpu.memory_space<hbm>>
      %dma_start3A_1067 = tpu.memref_squeeze %dma_start3A_1066 : memref<1x1x1x4096xf32, #tpu.memory_space<hbm>> -> memref<4096xf32, #tpu.memory_space<hbm>>
      tpu.enqueue_dma source(%arg6 : memref<4096xf32, #tpu.memory_space<vmem>>) target(%dma_start3A_1067 : memref<4096xf32, #tpu.memory_space<hbm>>) target_semaphore(%arg14 : memref<!tpu.dma_semaphore, #tpu.memory_space<semaphore_mem>>)
      %dma_start3A_1068 = arith.constant 8192 : i32
      %dma_start3A_1069 = tpu.memref_slice %arg4[%select_n3A_388, %select_n3A_428, %select_n3A_444, %dma_start3A_1068] : memref<16x8x2x65536xf32, #tpu.memory_space<hbm>> -> memref<1x1x1x4096xf32, #tpu.memory_space<hbm>>
      %dma_start3A_1070 = tpu.memref_squeeze %dma_start3A_1069 : memref<1x1x1x4096xf32, #tpu.memory_space<hbm>> -> memref<4096xf32, #tpu.memory_space<hbm>>
      %dma_start3A_1071 = arith.constant 8192 : i32
      %dma_start3A_1072 = tpu.memref_slice %arg4[%select_n3A_388, %select_n3A_428, %select_n3A_444, %dma_start3A_1071] : memref<16x8x2x65536xf32, #tpu.memory_space<hbm>> -> memref<1x1x1x4096xf32, #tpu.memory_space<hbm>>
      %dma_start3A_1073 = tpu.memref_squeeze %dma_start3A_1072 : memref<1x1x1x4096xf32, #tpu.memory_space<hbm>> -> memref<4096xf32, #tpu.memory_space<hbm>>
      tpu.enqueue_dma source(%arg6 : memref<4096xf32, #tpu.memory_space<vmem>>) target(%dma_start3A_1073 : memref<4096xf32, #tpu.memory_space<hbm>>) target_semaphore(%arg14 : memref<!tpu.dma_semaphore, #tpu.memory_space<semaphore_mem>>)
      %dma_start3A_1074 = arith.constant 12288 : i32
      %dma_start3A_1075 = tpu.memref_slice %arg4[%select_n3A_388, %select_n3A_428, %select_n3A_444, %dma_start3A_1074] : memref<16x8x2x65536xf32, #tpu.memory_space<hbm>> -> memref<1x1x1x4096xf32, #tpu.memory_space<hbm>>
      %dma_start3A_1076 = tpu.memref_squeeze %dma_start3A_1075 : memref<1x1x1x4096xf32, #tpu.memory_space<hbm>> -> memref<4096xf32, #tpu.memory_space<hbm>>
      %dma_start3A_1077 = arith.constant 12288 : i32
      %dma_start3A_1078 = tpu.memref_slice %arg4[%select_n3A_388, %select_n3A_428, %select_n3A_444, %dma_start3A_1077] : memref<16x8x2x65536xf32, #tpu.memory_space<hbm>> -> memref<1x1x1x4096xf32, #tpu.memory_space<hbm>>
      %dma_start3A_1079 = tpu.memref_squeeze %dma_start3A_1078 : memref<1x1x1x4096xf32, #tpu.memory_space<hbm>> -> memref<4096xf32, #tpu.memory_space<hbm>>
      tpu.enqueue_dma source(%arg6 : memref<4096xf32, #tpu.memory_space<vmem>>) target(%dma_start3A_1079 : memref<4096xf32, #tpu.memory_space<hbm>>) target_semaphore(%arg14 : memref<!tpu.dma_semaphore, #tpu.memory_space<semaphore_mem>>)
      %dma_start3A_1080 = arith.constant 16384 : i32
      %dma_start3A_1081 = tpu.memref_slice %arg4[%select_n3A_388, %select_n3A_428, %select_n3A_444, %dma_start3A_1080] : memref<16x8x2x65536xf32, #tpu.memory_space<hbm>> -> memref<1x1x1x4096xf32, #tpu.memory_space<hbm>>
      %dma_start3A_1082 = tpu.memref_squeeze %dma_start3A_1081 : memref<1x1x1x4096xf32, #tpu.memory_space<hbm>> -> memref<4096xf32, #tpu.memory_space<hbm>>
      %dma_start3A_1083 = arith.constant 16384 : i32
      %dma_start3A_1084 = tpu.memref_slice %arg4[%select_n3A_388, %select_n3A_428, %select_n3A_444, %dma_start3A_1083] : memref<16x8x2x65536xf32, #tpu.memory_space<hbm>> -> memref<1x1x1x4096xf32, #tpu.memory_space<hbm>>
      %dma_start3A_1085 = tpu.memref_squeeze %dma_start3A_1084 : memref<1x1x1x4096xf32, #tpu.memory_space<hbm>> -> memref<4096xf32, #tpu.memory_space<hbm>>
      tpu.enqueue_dma source(%arg6 : memref<4096xf32, #tpu.memory_space<vmem>>) target(%dma_start3A_1085 : memref<4096xf32, #tpu.memory_space<hbm>>) target_semaphore(%arg14 : memref<!tpu.dma_semaphore, #tpu.memory_space<semaphore_mem>>)
      %dma_start3A_1086 = arith.constant 20480 : i32
      %dma_start3A_1087 = tpu.memref_slice %arg4[%select_n3A_388, %select_n3A_428, %select_n3A_444, %dma_start3A_1086] : memref<16x8x2x65536xf32, #tpu.memory_space<hbm>> -> memref<1x1x1x4096xf32, #tpu.memory_space<hbm>>
      %dma_start3A_1088 = tpu.memref_squeeze %dma_start3A_1087 : memref<1x1x1x4096xf32, #tpu.memory_space<hbm>> -> memref<4096xf32, #tpu.memory_space<hbm>>
      %dma_start3A_1089 = arith.constant 20480 : i32
      %dma_start3A_1090 = tpu.memref_slice %arg4[%select_n3A_388, %select_n3A_428, %select_n3A_444, %dma_start3A_1089] : memref<16x8x2x65536xf32, #tpu.memory_space<hbm>> -> memref<1x1x1x4096xf32, #tpu.memory_space<hbm>>
      %dma_start3A_1091 = tpu.memref_squeeze %dma_start3A_1090 : memref<1x1x1x4096xf32, #tpu.memory_space<hbm>> -> memref<4096xf32, #tpu.memory_space<hbm>>
      tpu.enqueue_dma source(%arg6 : memref<4096xf32, #tpu.memory_space<vmem>>) target(%dma_start3A_1091 : memref<4096xf32, #tpu.memory_space<hbm>>) target_semaphore(%arg14 : memref<!tpu.dma_semaphore, #tpu.memory_space<semaphore_mem>>)
      %dma_start3A_1092 = arith.constant 24576 : i32
      %dma_start3A_1093 = tpu.memref_slice %arg4[%select_n3A_388, %select_n3A_428, %select_n3A_444, %dma_start3A_1092] : memref<16x8x2x65536xf32, #tpu.memory_space<hbm>> -> memref<1x1x1x4096xf32, #tpu.memory_space<hbm>>
      %dma_start3A_1094 = tpu.memref_squeeze %dma_start3A_1093 : memref<1x1x1x4096xf32, #tpu.memory_space<hbm>> -> memref<4096xf32, #tpu.memory_space<hbm>>
      %dma_start3A_1095 = arith.constant 24576 : i32
      %dma_start3A_1096 = tpu.memref_slice %arg4[%select_n3A_388, %select_n3A_428, %select_n3A_444, %dma_start3A_1095] : memref<16x8x2x65536xf32, #tpu.memory_space<hbm>> -> memref<1x1x1x4096xf32, #tpu.memory_space<hbm>>
      %dma_start3A_1097 = tpu.memref_squeeze %dma_start3A_1096 : memref<1x1x1x4096xf32, #tpu.memory_space<hbm>> -> memref<4096xf32, #tpu.memory_space<hbm>>
      tpu.enqueue_dma source(%arg6 : memref<4096xf32, #tpu.memory_space<vmem>>) target(%dma_start3A_1097 : memref<4096xf32, #tpu.memory_space<hbm>>) target_semaphore(%arg14 : memref<!tpu.dma_semaphore, #tpu.memory_space<semaphore_mem>>)
      %dma_start3A_1098 = arith.constant 28672 : i32
      %dma_start3A_1099 = tpu.memref_slice %arg4[%select_n3A_388, %select_n3A_428, %select_n3A_444, %dma_start3A_1098] : memref<16x8x2x65536xf32, #tpu.memory_space<hbm>> -> memref<1x1x1x4096xf32, #tpu.memory_space<hbm>>
      %dma_start3A_1100 = tpu.memref_squeeze %dma_start3A_1099 : memref<1x1x1x4096xf32, #tpu.memory_space<hbm>> -> memref<4096xf32, #tpu.memory_space<hbm>>
      %dma_start3A_1101 = arith.constant 28672 : i32
      %dma_start3A_1102 = tpu.memref_slice %arg4[%select_n3A_388, %select_n3A_428, %select_n3A_444, %dma_start3A_1101] : memref<16x8x2x65536xf32, #tpu.memory_space<hbm>> -> memref<1x1x1x4096xf32, #tpu.memory_space<hbm>>
      %dma_start3A_1103 = tpu.memref_squeeze %dma_start3A_1102 : memref<1x1x1x4096xf32, #tpu.memory_space<hbm>> -> memref<4096xf32, #tpu.memory_space<hbm>>
      tpu.enqueue_dma source(%arg6 : memref<4096xf32, #tpu.memory_space<vmem>>) target(%dma_start3A_1103 : memref<4096xf32, #tpu.memory_space<hbm>>) target_semaphore(%arg14 : memref<!tpu.dma_semaphore, #tpu.memory_space<semaphore_mem>>)
    } else {
    }
    %not3A_873 = arith.constant true
    %not3A_874 = arith.xori %eq3A_449, %not3A_873 : i1
    %convert_element_type3A_875 = arith.extui %not3A_874 : i1 to i32
    %cond3A_876 = arith.constant 0 : i32
    %cond3A_877 = arith.cmpi ne, %convert_element_type3A_875, %cond3A_876 : i32
    scf.if %cond3A_877 {
      %dma_wait3A = tpu.memref_slice %arg7[%mul3A_18] : memref<1572864xf32, #tpu.memory_space<vmem_shared>> -> memref<32768xf32, #tpu.memory_space<vmem_shared>>
      %dma_wait3A_1057 = arith.constant 0 : i32
      %dma_wait3A_1058 = tpu.memref_slice %arg2[%select_n3A_388, %select_n3A_428, %select_n3A_444, %dma_wait3A_1057] : memref<16x8x2x65536xf32, #tpu.memory_space<hbm>> -> memref<1x1x1x32768xf32, #tpu.memory_space<hbm>>
      %dma_wait3A_1059 = tpu.memref_squeeze %dma_wait3A_1058 : memref<1x1x1x32768xf32, #tpu.memory_space<hbm>> -> memref<32768xf32, #tpu.memory_space<hbm>>
      tpu.wait_dma2 semaphore(%arg10 : memref<!tpu.dma_semaphore, #tpu.memory_space<semaphore_mem>>) src(%dma_wait3A_1059 : memref<32768xf32, #tpu.memory_space<hbm>>) dst(%dma_wait3A : memref<32768xf32, #tpu.memory_space<vmem_shared>>)
      %dma_start3A = arith.constant 0 : i32
      %dma_start3A_1060 = tpu.memref_slice %arg4[%select_n3A_388, %select_n3A_428, %select_n3A_444, %dma_start3A] : memref<16x8x2x65536xf32, #tpu.memory_space<hbm>> -> memref<1x1x1x32768xf32, #tpu.memory_space<hbm>>
      %dma_start3A_1061 = tpu.memref_squeeze %dma_start3A_1060 : memref<1x1x1x32768xf32, #tpu.memory_space<hbm>> -> memref<32768xf32, #tpu.memory_space<hbm>>
      %dma_start3A_1062 = tpu.memref_slice %arg7[%mul3A_18] : memref<1572864xf32, #tpu.memory_space<vmem_shared>> -> memref<32768xf32, #tpu.memory_space<vmem_shared>>
      tpu.enqueue_dma source(%dma_start3A_1062 : memref<32768xf32, #tpu.memory_space<vmem_shared>>) target(%dma_start3A_1061 : memref<32768xf32, #tpu.memory_space<hbm>>) target_semaphore(%arg13 : memref<!tpu.dma_semaphore, #tpu.memory_space<semaphore_mem>>)
    } else {
    }
    %not3A_878 = arith.constant true
    %not3A_879 = arith.xori %eq3A_360, %not3A_878 : i1
    %convert_element_type3A_880 = arith.extui %not3A_879 : i1 to i32
    %cond3A_881 = arith.constant 0 : i32
    %cond3A_882 = arith.cmpi ne, %convert_element_type3A_880, %cond3A_881 : i32
    scf.if %cond3A_882 {
      %dma_wait3A = arith.constant 32768 : i32
      %dma_wait3A_1057 = tpu.memref_slice %arg4[%select_n3A_299, %select_n3A_339, %select_n3A_355, %dma_wait3A] : memref<16x8x2x65536xf32, #tpu.memory_space<hbm>> -> memref<1x1x1x32768xf32, #tpu.memory_space<hbm>>
      %dma_wait3A_1058 = tpu.memref_squeeze %dma_wait3A_1057 : memref<1x1x1x32768xf32, #tpu.memory_space<hbm>> -> memref<32768xf32, #tpu.memory_space<hbm>>
      %dma_wait3A_1059 = tpu.memref_slice %arg7[%mul3A_12] : memref<1572864xf32, #tpu.memory_space<vmem_shared>> -> memref<32768xf32, #tpu.memory_space<vmem_shared>>
      tpu.wait_dma2 semaphore(%arg12 : memref<!tpu.dma_semaphore, #tpu.memory_space<semaphore_mem>>) src(%dma_wait3A_1059 : memref<32768xf32, #tpu.memory_space<vmem_shared>>) dst(%dma_wait3A_1058 : memref<32768xf32, #tpu.memory_space<hbm>>)
    } else {
    }
    %not3A_883 = arith.constant true
    %not3A_884 = arith.xori %eq3A_538, %not3A_883 : i1
    %convert_element_type3A_885 = arith.extui %not3A_884 : i1 to i32
    %cond3A_886 = arith.constant 0 : i32
    %cond3A_887 = arith.cmpi ne, %convert_element_type3A_885, %cond3A_886 : i32
    scf.if %cond3A_887 {
      %dma_start3A = tpu.memref_slice %arg7[%mul3A_12] : memref<1572864xf32, #tpu.memory_space<vmem_shared>> -> memref<32768xf32, #tpu.memory_space<vmem_shared>>
      %dma_start3A_1057 = arith.constant 0 : i32
      %dma_start3A_1058 = tpu.memref_slice %arg2[%select_n3A_477, %select_n3A_517, %select_n3A_533, %dma_start3A_1057] : memref<16x8x2x65536xf32, #tpu.memory_space<hbm>> -> memref<1x1x1x32768xf32, #tpu.memory_space<hbm>>
      %dma_start3A_1059 = tpu.memref_squeeze %dma_start3A_1058 : memref<1x1x1x32768xf32, #tpu.memory_space<hbm>> -> memref<32768xf32, #tpu.memory_space<hbm>>
      tpu.enqueue_dma source(%dma_start3A_1059 : memref<32768xf32, #tpu.memory_space<hbm>>) target(%dma_start3A : memref<32768xf32, #tpu.memory_space<vmem_shared>>) target_semaphore(%arg9 : memref<!tpu.dma_semaphore, #tpu.memory_space<semaphore_mem>>)
    } else {
    }
    %convert_element_type3A_888 = arith.extui %eq3A_449 : i1 to i32
    %cond3A_889 = arith.constant 0 : i32
    %cond3A_890 = arith.cmpi ne, %convert_element_type3A_888, %cond3A_889 : i32
    scf.if %cond3A_890 {
      %dma_start3A = arith.constant 32768 : i32
      %dma_start3A_1057 = tpu.memref_slice %arg4[%select_n3A_388, %select_n3A_428, %select_n3A_444, %dma_start3A] : memref<16x8x2x65536xf32, #tpu.memory_space<hbm>> -> memref<1x1x1x4096xf32, #tpu.memory_space<hbm>>
      %dma_start3A_1058 = tpu.memref_squeeze %dma_start3A_1057 : memref<1x1x1x4096xf32, #tpu.memory_space<hbm>> -> memref<4096xf32, #tpu.memory_space<hbm>>
      %dma_start3A_1059 = arith.constant 32768 : i32
      %dma_start3A_1060 = tpu.memref_slice %arg4[%select_n3A_388, %select_n3A_428, %select_n3A_444, %dma_start3A_1059] : memref<16x8x2x65536xf32, #tpu.memory_space<hbm>> -> memref<1x1x1x4096xf32, #tpu.memory_space<hbm>>
      %dma_start3A_1061 = tpu.memref_squeeze %dma_start3A_1060 : memref<1x1x1x4096xf32, #tpu.memory_space<hbm>> -> memref<4096xf32, #tpu.memory_space<hbm>>
      tpu.enqueue_dma source(%arg6 : memref<4096xf32, #tpu.memory_space<vmem>>) target(%dma_start3A_1061 : memref<4096xf32, #tpu.memory_space<hbm>>) target_semaphore(%arg14 : memref<!tpu.dma_semaphore, #tpu.memory_space<semaphore_mem>>)
      %dma_start3A_1062 = arith.constant 36864 : i32
      %dma_start3A_1063 = tpu.memref_slice %arg4[%select_n3A_388, %select_n3A_428, %select_n3A_444, %dma_start3A_1062] : memref<16x8x2x65536xf32, #tpu.memory_space<hbm>> -> memref<1x1x1x4096xf32, #tpu.memory_space<hbm>>
      %dma_start3A_1064 = tpu.memref_squeeze %dma_start3A_1063 : memref<1x1x1x4096xf32, #tpu.memory_space<hbm>> -> memref<4096xf32, #tpu.memory_space<hbm>>
      %dma_start3A_1065 = arith.constant 36864 : i32
      %dma_start3A_1066 = tpu.memref_slice %arg4[%select_n3A_388, %select_n3A_428, %select_n3A_444, %dma_start3A_1065] : memref<16x8x2x65536xf32, #tpu.memory_space<hbm>> -> memref<1x1x1x4096xf32, #tpu.memory_space<hbm>>
      %dma_start3A_1067 = tpu.memref_squeeze %dma_start3A_1066 : memref<1x1x1x4096xf32, #tpu.memory_space<hbm>> -> memref<4096xf32, #tpu.memory_space<hbm>>
      tpu.enqueue_dma source(%arg6 : memref<4096xf32, #tpu.memory_space<vmem>>) target(%dma_start3A_1067 : memref<4096xf32, #tpu.memory_space<hbm>>) target_semaphore(%arg14 : memref<!tpu.dma_semaphore, #tpu.memory_space<semaphore_mem>>)
      %dma_start3A_1068 = arith.constant 40960 : i32
      %dma_start3A_1069 = tpu.memref_slice %arg4[%select_n3A_388, %select_n3A_428, %select_n3A_444, %dma_start3A_1068] : memref<16x8x2x65536xf32, #tpu.memory_space<hbm>> -> memref<1x1x1x4096xf32, #tpu.memory_space<hbm>>
      %dma_start3A_1070 = tpu.memref_squeeze %dma_start3A_1069 : memref<1x1x1x4096xf32, #tpu.memory_space<hbm>> -> memref<4096xf32, #tpu.memory_space<hbm>>
      %dma_start3A_1071 = arith.constant 40960 : i32
      %dma_start3A_1072 = tpu.memref_slice %arg4[%select_n3A_388, %select_n3A_428, %select_n3A_444, %dma_start3A_1071] : memref<16x8x2x65536xf32, #tpu.memory_space<hbm>> -> memref<1x1x1x4096xf32, #tpu.memory_space<hbm>>
      %dma_start3A_1073 = tpu.memref_squeeze %dma_start3A_1072 : memref<1x1x1x4096xf32, #tpu.memory_space<hbm>> -> memref<4096xf32, #tpu.memory_space<hbm>>
      tpu.enqueue_dma source(%arg6 : memref<4096xf32, #tpu.memory_space<vmem>>) target(%dma_start3A_1073 : memref<4096xf32, #tpu.memory_space<hbm>>) target_semaphore(%arg14 : memref<!tpu.dma_semaphore, #tpu.memory_space<semaphore_mem>>)
      %dma_start3A_1074 = arith.constant 45056 : i32
      %dma_start3A_1075 = tpu.memref_slice %arg4[%select_n3A_388, %select_n3A_428, %select_n3A_444, %dma_start3A_1074] : memref<16x8x2x65536xf32, #tpu.memory_space<hbm>> -> memref<1x1x1x4096xf32, #tpu.memory_space<hbm>>
      %dma_start3A_1076 = tpu.memref_squeeze %dma_start3A_1075 : memref<1x1x1x4096xf32, #tpu.memory_space<hbm>> -> memref<4096xf32, #tpu.memory_space<hbm>>
      %dma_start3A_1077 = arith.constant 45056 : i32
      %dma_start3A_1078 = tpu.memref_slice %arg4[%select_n3A_388, %select_n3A_428, %select_n3A_444, %dma_start3A_1077] : memref<16x8x2x65536xf32, #tpu.memory_space<hbm>> -> memref<1x1x1x4096xf32, #tpu.memory_space<hbm>>
      %dma_start3A_1079 = tpu.memref_squeeze %dma_start3A_1078 : memref<1x1x1x4096xf32, #tpu.memory_space<hbm>> -> memref<4096xf32, #tpu.memory_space<hbm>>
      tpu.enqueue_dma source(%arg6 : memref<4096xf32, #tpu.memory_space<vmem>>) target(%dma_start3A_1079 : memref<4096xf32, #tpu.memory_space<hbm>>) target_semaphore(%arg14 : memref<!tpu.dma_semaphore, #tpu.memory_space<semaphore_mem>>)
      %dma_start3A_1080 = arith.constant 49152 : i32
      %dma_start3A_1081 = tpu.memref_slice %arg4[%select_n3A_388, %select_n3A_428, %select_n3A_444, %dma_start3A_1080] : memref<16x8x2x65536xf32, #tpu.memory_space<hbm>> -> memref<1x1x1x4096xf32, #tpu.memory_space<hbm>>
      %dma_start3A_1082 = tpu.memref_squeeze %dma_start3A_1081 : memref<1x1x1x4096xf32, #tpu.memory_space<hbm>> -> memref<4096xf32, #tpu.memory_space<hbm>>
      %dma_start3A_1083 = arith.constant 49152 : i32
      %dma_start3A_1084 = tpu.memref_slice %arg4[%select_n3A_388, %select_n3A_428, %select_n3A_444, %dma_start3A_1083] : memref<16x8x2x65536xf32, #tpu.memory_space<hbm>> -> memref<1x1x1x4096xf32, #tpu.memory_space<hbm>>
      %dma_start3A_1085 = tpu.memref_squeeze %dma_start3A_1084 : memref<1x1x1x4096xf32, #tpu.memory_space<hbm>> -> memref<4096xf32, #tpu.memory_space<hbm>>
      tpu.enqueue_dma source(%arg6 : memref<4096xf32, #tpu.memory_space<vmem>>) target(%dma_start3A_1085 : memref<4096xf32, #tpu.memory_space<hbm>>) target_semaphore(%arg14 : memref<!tpu.dma_semaphore, #tpu.memory_space<semaphore_mem>>)
      %dma_start3A_1086 = arith.constant 53248 : i32
      %dma_start3A_1087 = tpu.memref_slice %arg4[%select_n3A_388, %select_n3A_428, %select_n3A_444, %dma_start3A_1086] : memref<16x8x2x65536xf32, #tpu.memory_space<hbm>> -> memref<1x1x1x4096xf32, #tpu.memory_space<hbm>>
      %dma_start3A_1088 = tpu.memref_squeeze %dma_start3A_1087 : memref<1x1x1x4096xf32, #tpu.memory_space<hbm>> -> memref<4096xf32, #tpu.memory_space<hbm>>
      %dma_start3A_1089 = arith.constant 53248 : i32
      %dma_start3A_1090 = tpu.memref_slice %arg4[%select_n3A_388, %select_n3A_428, %select_n3A_444, %dma_start3A_1089] : memref<16x8x2x65536xf32, #tpu.memory_space<hbm>> -> memref<1x1x1x4096xf32, #tpu.memory_space<hbm>>
      %dma_start3A_1091 = tpu.memref_squeeze %dma_start3A_1090 : memref<1x1x1x4096xf32, #tpu.memory_space<hbm>> -> memref<4096xf32, #tpu.memory_space<hbm>>
      tpu.enqueue_dma source(%arg6 : memref<4096xf32, #tpu.memory_space<vmem>>) target(%dma_start3A_1091 : memref<4096xf32, #tpu.memory_space<hbm>>) target_semaphore(%arg14 : memref<!tpu.dma_semaphore, #tpu.memory_space<semaphore_mem>>)
      %dma_start3A_1092 = arith.constant 57344 : i32
      %dma_start3A_1093 = tpu.memref_slice %arg4[%select_n3A_388, %select_n3A_428, %select_n3A_444, %dma_start3A_1092] : memref<16x8x2x65536xf32, #tpu.memory_space<hbm>> -> memref<1x1x1x4096xf32, #tpu.memory_space<hbm>>
      %dma_start3A_1094 = tpu.memref_squeeze %dma_start3A_1093 : memref<1x1x1x4096xf32, #tpu.memory_space<hbm>> -> memref<4096xf32, #tpu.memory_space<hbm>>
      %dma_start3A_1095 = arith.constant 57344 : i32
      %dma_start3A_1096 = tpu.memref_slice %arg4[%select_n3A_388, %select_n3A_428, %select_n3A_444, %dma_start3A_1095] : memref<16x8x2x65536xf32, #tpu.memory_space<hbm>> -> memref<1x1x1x4096xf32, #tpu.memory_space<hbm>>
      %dma_start3A_1097 = tpu.memref_squeeze %dma_start3A_1096 : memref<1x1x1x4096xf32, #tpu.memory_space<hbm>> -> memref<4096xf32, #tpu.memory_space<hbm>>
      tpu.enqueue_dma source(%arg6 : memref<4096xf32, #tpu.memory_space<vmem>>) target(%dma_start3A_1097 : memref<4096xf32, #tpu.memory_space<hbm>>) target_semaphore(%arg14 : memref<!tpu.dma_semaphore, #tpu.memory_space<semaphore_mem>>)
      %dma_start3A_1098 = arith.constant 61440 : i32
      %dma_start3A_1099 = tpu.memref_slice %arg4[%select_n3A_388, %select_n3A_428, %select_n3A_444, %dma_start3A_1098] : memref<16x8x2x65536xf32, #tpu.memory_space<hbm>> -> memref<1x1x1x4096xf32, #tpu.memory_space<hbm>>
      %dma_start3A_1100 = tpu.memref_squeeze %dma_start3A_1099 : memref<1x1x1x4096xf32, #tpu.memory_space<hbm>> -> memref<4096xf32, #tpu.memory_space<hbm>>
      %dma_start3A_1101 = arith.constant 61440 : i32
      %dma_start3A_1102 = tpu.memref_slice %arg4[%select_n3A_388, %select_n3A_428, %select_n3A_444, %dma_start3A_1101] : memref<16x8x2x65536xf32, #tpu.memory_space<hbm>> -> memref<1x1x1x4096xf32, #tpu.memory_space<hbm>>
      %dma_start3A_1103 = tpu.memref_squeeze %dma_start3A_1102 : memref<1x1x1x4096xf32, #tpu.memory_space<hbm>> -> memref<4096xf32, #tpu.memory_space<hbm>>
      tpu.enqueue_dma source(%arg6 : memref<4096xf32, #tpu.memory_space<vmem>>) target(%dma_start3A_1103 : memref<4096xf32, #tpu.memory_space<hbm>>) target_semaphore(%arg14 : memref<!tpu.dma_semaphore, #tpu.memory_space<semaphore_mem>>)
    } else {
    }
    %not3A_891 = arith.constant true
    %not3A_892 = arith.xori %eq3A_449, %not3A_891 : i1
    %convert_element_type3A_893 = arith.extui %not3A_892 : i1 to i32
    %cond3A_894 = arith.constant 0 : i32
    %cond3A_895 = arith.cmpi ne, %convert_element_type3A_893, %cond3A_894 : i32
    scf.if %cond3A_895 {
      %dma_wait3A = tpu.memref_slice %arg7[%mul3A_6] : memref<1572864xf32, #tpu.memory_space<vmem_shared>> -> memref<32768xf32, #tpu.memory_space<vmem_shared>>
      %dma_wait3A_1057 = arith.constant 32768 : i32
      %dma_wait3A_1058 = tpu.memref_slice %arg2[%select_n3A_388, %select_n3A_428, %select_n3A_444, %dma_wait3A_1057] : memref<16x8x2x65536xf32, #tpu.memory_space<hbm>> -> memref<1x1x1x32768xf32, #tpu.memory_space<hbm>>
      %dma_wait3A_1059 = tpu.memref_squeeze %dma_wait3A_1058 : memref<1x1x1x32768xf32, #tpu.memory_space<hbm>> -> memref<32768xf32, #tpu.memory_space<hbm>>
      tpu.wait_dma2 semaphore(%arg8 : memref<!tpu.dma_semaphore, #tpu.memory_space<semaphore_mem>>) src(%dma_wait3A_1059 : memref<32768xf32, #tpu.memory_space<hbm>>) dst(%dma_wait3A : memref<32768xf32, #tpu.memory_space<vmem_shared>>)
      %dma_start3A = arith.constant 32768 : i32
      %dma_start3A_1060 = tpu.memref_slice %arg4[%select_n3A_388, %select_n3A_428, %select_n3A_444, %dma_start3A] : memref<16x8x2x65536xf32, #tpu.memory_space<hbm>> -> memref<1x1x1x32768xf32, #tpu.memory_space<hbm>>
      %dma_start3A_1061 = tpu.memref_squeeze %dma_start3A_1060 : memref<1x1x1x32768xf32, #tpu.memory_space<hbm>> -> memref<32768xf32, #tpu.memory_space<hbm>>
      %dma_start3A_1062 = tpu.memref_slice %arg7[%mul3A_6] : memref<1572864xf32, #tpu.memory_space<vmem_shared>> -> memref<32768xf32, #tpu.memory_space<vmem_shared>>
      tpu.enqueue_dma source(%dma_start3A_1062 : memref<32768xf32, #tpu.memory_space<vmem_shared>>) target(%dma_start3A_1061 : memref<32768xf32, #tpu.memory_space<hbm>>) target_semaphore(%arg11 : memref<!tpu.dma_semaphore, #tpu.memory_space<semaphore_mem>>)
    } else {
    }
    %not3A_896 = arith.constant true
    %not3A_897 = arith.xori %eq3A_449, %not3A_896 : i1
    %convert_element_type3A_898 = arith.extui %not3A_897 : i1 to i32
    %cond3A_899 = arith.constant 0 : i32
    %cond3A_900 = arith.cmpi ne, %convert_element_type3A_898, %cond3A_899 : i32
    scf.if %cond3A_900 {
      %dma_wait3A = arith.constant 0 : i32
      %dma_wait3A_1057 = tpu.memref_slice %arg4[%select_n3A_388, %select_n3A_428, %select_n3A_444, %dma_wait3A] : memref<16x8x2x65536xf32, #tpu.memory_space<hbm>> -> memref<1x1x1x32768xf32, #tpu.memory_space<hbm>>
      %dma_wait3A_1058 = tpu.memref_squeeze %dma_wait3A_1057 : memref<1x1x1x32768xf32, #tpu.memory_space<hbm>> -> memref<32768xf32, #tpu.memory_space<hbm>>
      %dma_wait3A_1059 = tpu.memref_slice %arg7[%mul3A_18] : memref<1572864xf32, #tpu.memory_space<vmem_shared>> -> memref<32768xf32, #tpu.memory_space<vmem_shared>>
      tpu.wait_dma2 semaphore(%arg13 : memref<!tpu.dma_semaphore, #tpu.memory_space<semaphore_mem>>) src(%dma_wait3A_1059 : memref<32768xf32, #tpu.memory_space<vmem_shared>>) dst(%dma_wait3A_1058 : memref<32768xf32, #tpu.memory_space<hbm>>)
    } else {
    }
    %not3A_901 = arith.constant true
    %not3A_902 = arith.xori %eq3A_538, %not3A_901 : i1
    %convert_element_type3A_903 = arith.extui %not3A_902 : i1 to i32
    %cond3A_904 = arith.constant 0 : i32
    %cond3A_905 = arith.cmpi ne, %convert_element_type3A_903, %cond3A_904 : i32
    scf.if %cond3A_905 {
      %dma_start3A = tpu.memref_slice %arg7[%mul3A_18] : memref<1572864xf32, #tpu.memory_space<vmem_shared>> -> memref<32768xf32, #tpu.memory_space<vmem_shared>>
      %dma_start3A_1057 = arith.constant 32768 : i32
      %dma_start3A_1058 = tpu.memref_slice %arg2[%select_n3A_477, %select_n3A_517, %select_n3A_533, %dma_start3A_1057] : memref<16x8x2x65536xf32, #tpu.memory_space<hbm>> -> memref<1x1x1x32768xf32, #tpu.memory_space<hbm>>
      %dma_start3A_1059 = tpu.memref_squeeze %dma_start3A_1058 : memref<1x1x1x32768xf32, #tpu.memory_space<hbm>> -> memref<32768xf32, #tpu.memory_space<hbm>>
      tpu.enqueue_dma source(%dma_start3A_1059 : memref<32768xf32, #tpu.memory_space<hbm>>) target(%dma_start3A : memref<32768xf32, #tpu.memory_space<vmem_shared>>) target_semaphore(%arg10 : memref<!tpu.dma_semaphore, #tpu.memory_space<semaphore_mem>>)
    } else {
    }
    %convert_element_type3A_906 = arith.extui %eq3A_538 : i1 to i32
    %cond3A_907 = arith.constant 0 : i32
    %cond3A_908 = arith.cmpi ne, %convert_element_type3A_906, %cond3A_907 : i32
    scf.if %cond3A_908 {
      %dma_start3A = arith.constant 0 : i32
      %dma_start3A_1057 = tpu.memref_slice %arg4[%select_n3A_477, %select_n3A_517, %select_n3A_533, %dma_start3A] : memref<16x8x2x65536xf32, #tpu.memory_space<hbm>> -> memref<1x1x1x4096xf32, #tpu.memory_space<hbm>>
      %dma_start3A_1058 = tpu.memref_squeeze %dma_start3A_1057 : memref<1x1x1x4096xf32, #tpu.memory_space<hbm>> -> memref<4096xf32, #tpu.memory_space<hbm>>
      %dma_start3A_1059 = arith.constant 0 : i32
      %dma_start3A_1060 = tpu.memref_slice %arg4[%select_n3A_477, %select_n3A_517, %select_n3A_533, %dma_start3A_1059] : memref<16x8x2x65536xf32, #tpu.memory_space<hbm>> -> memref<1x1x1x4096xf32, #tpu.memory_space<hbm>>
      %dma_start3A_1061 = tpu.memref_squeeze %dma_start3A_1060 : memref<1x1x1x4096xf32, #tpu.memory_space<hbm>> -> memref<4096xf32, #tpu.memory_space<hbm>>
      tpu.enqueue_dma source(%arg6 : memref<4096xf32, #tpu.memory_space<vmem>>) target(%dma_start3A_1061 : memref<4096xf32, #tpu.memory_space<hbm>>) target_semaphore(%arg14 : memref<!tpu.dma_semaphore, #tpu.memory_space<semaphore_mem>>)
      %dma_start3A_1062 = arith.constant 4096 : i32
      %dma_start3A_1063 = tpu.memref_slice %arg4[%select_n3A_477, %select_n3A_517, %select_n3A_533, %dma_start3A_1062] : memref<16x8x2x65536xf32, #tpu.memory_space<hbm>> -> memref<1x1x1x4096xf32, #tpu.memory_space<hbm>>
      %dma_start3A_1064 = tpu.memref_squeeze %dma_start3A_1063 : memref<1x1x1x4096xf32, #tpu.memory_space<hbm>> -> memref<4096xf32, #tpu.memory_space<hbm>>
      %dma_start3A_1065 = arith.constant 4096 : i32
      %dma_start3A_1066 = tpu.memref_slice %arg4[%select_n3A_477, %select_n3A_517, %select_n3A_533, %dma_start3A_1065] : memref<16x8x2x65536xf32, #tpu.memory_space<hbm>> -> memref<1x1x1x4096xf32, #tpu.memory_space<hbm>>
      %dma_start3A_1067 = tpu.memref_squeeze %dma_start3A_1066 : memref<1x1x1x4096xf32, #tpu.memory_space<hbm>> -> memref<4096xf32, #tpu.memory_space<hbm>>
      tpu.enqueue_dma source(%arg6 : memref<4096xf32, #tpu.memory_space<vmem>>) target(%dma_start3A_1067 : memref<4096xf32, #tpu.memory_space<hbm>>) target_semaphore(%arg14 : memref<!tpu.dma_semaphore, #tpu.memory_space<semaphore_mem>>)
      %dma_start3A_1068 = arith.constant 8192 : i32
      %dma_start3A_1069 = tpu.memref_slice %arg4[%select_n3A_477, %select_n3A_517, %select_n3A_533, %dma_start3A_1068] : memref<16x8x2x65536xf32, #tpu.memory_space<hbm>> -> memref<1x1x1x4096xf32, #tpu.memory_space<hbm>>
      %dma_start3A_1070 = tpu.memref_squeeze %dma_start3A_1069 : memref<1x1x1x4096xf32, #tpu.memory_space<hbm>> -> memref<4096xf32, #tpu.memory_space<hbm>>
      %dma_start3A_1071 = arith.constant 8192 : i32
      %dma_start3A_1072 = tpu.memref_slice %arg4[%select_n3A_477, %select_n3A_517, %select_n3A_533, %dma_start3A_1071] : memref<16x8x2x65536xf32, #tpu.memory_space<hbm>> -> memref<1x1x1x4096xf32, #tpu.memory_space<hbm>>
      %dma_start3A_1073 = tpu.memref_squeeze %dma_start3A_1072 : memref<1x1x1x4096xf32, #tpu.memory_space<hbm>> -> memref<4096xf32, #tpu.memory_space<hbm>>
      tpu.enqueue_dma source(%arg6 : memref<4096xf32, #tpu.memory_space<vmem>>) target(%dma_start3A_1073 : memref<4096xf32, #tpu.memory_space<hbm>>) target_semaphore(%arg14 : memref<!tpu.dma_semaphore, #tpu.memory_space<semaphore_mem>>)
      %dma_start3A_1074 = arith.constant 12288 : i32
      %dma_start3A_1075 = tpu.memref_slice %arg4[%select_n3A_477, %select_n3A_517, %select_n3A_533, %dma_start3A_1074] : memref<16x8x2x65536xf32, #tpu.memory_space<hbm>> -> memref<1x1x1x4096xf32, #tpu.memory_space<hbm>>
      %dma_start3A_1076 = tpu.memref_squeeze %dma_start3A_1075 : memref<1x1x1x4096xf32, #tpu.memory_space<hbm>> -> memref<4096xf32, #tpu.memory_space<hbm>>
      %dma_start3A_1077 = arith.constant 12288 : i32
      %dma_start3A_1078 = tpu.memref_slice %arg4[%select_n3A_477, %select_n3A_517, %select_n3A_533, %dma_start3A_1077] : memref<16x8x2x65536xf32, #tpu.memory_space<hbm>> -> memref<1x1x1x4096xf32, #tpu.memory_space<hbm>>
      %dma_start3A_1079 = tpu.memref_squeeze %dma_start3A_1078 : memref<1x1x1x4096xf32, #tpu.memory_space<hbm>> -> memref<4096xf32, #tpu.memory_space<hbm>>
      tpu.enqueue_dma source(%arg6 : memref<4096xf32, #tpu.memory_space<vmem>>) target(%dma_start3A_1079 : memref<4096xf32, #tpu.memory_space<hbm>>) target_semaphore(%arg14 : memref<!tpu.dma_semaphore, #tpu.memory_space<semaphore_mem>>)
      %dma_start3A_1080 = arith.constant 16384 : i32
      %dma_start3A_1081 = tpu.memref_slice %arg4[%select_n3A_477, %select_n3A_517, %select_n3A_533, %dma_start3A_1080] : memref<16x8x2x65536xf32, #tpu.memory_space<hbm>> -> memref<1x1x1x4096xf32, #tpu.memory_space<hbm>>
      %dma_start3A_1082 = tpu.memref_squeeze %dma_start3A_1081 : memref<1x1x1x4096xf32, #tpu.memory_space<hbm>> -> memref<4096xf32, #tpu.memory_space<hbm>>
      %dma_start3A_1083 = arith.constant 16384 : i32
      %dma_start3A_1084 = tpu.memref_slice %arg4[%select_n3A_477, %select_n3A_517, %select_n3A_533, %dma_start3A_1083] : memref<16x8x2x65536xf32, #tpu.memory_space<hbm>> -> memref<1x1x1x4096xf32, #tpu.memory_space<hbm>>
      %dma_start3A_1085 = tpu.memref_squeeze %dma_start3A_1084 : memref<1x1x1x4096xf32, #tpu.memory_space<hbm>> -> memref<4096xf32, #tpu.memory_space<hbm>>
      tpu.enqueue_dma source(%arg6 : memref<4096xf32, #tpu.memory_space<vmem>>) target(%dma_start3A_1085 : memref<4096xf32, #tpu.memory_space<hbm>>) target_semaphore(%arg14 : memref<!tpu.dma_semaphore, #tpu.memory_space<semaphore_mem>>)
      %dma_start3A_1086 = arith.constant 20480 : i32
      %dma_start3A_1087 = tpu.memref_slice %arg4[%select_n3A_477, %select_n3A_517, %select_n3A_533, %dma_start3A_1086] : memref<16x8x2x65536xf32, #tpu.memory_space<hbm>> -> memref<1x1x1x4096xf32, #tpu.memory_space<hbm>>
      %dma_start3A_1088 = tpu.memref_squeeze %dma_start3A_1087 : memref<1x1x1x4096xf32, #tpu.memory_space<hbm>> -> memref<4096xf32, #tpu.memory_space<hbm>>
      %dma_start3A_1089 = arith.constant 20480 : i32
      %dma_start3A_1090 = tpu.memref_slice %arg4[%select_n3A_477, %select_n3A_517, %select_n3A_533, %dma_start3A_1089] : memref<16x8x2x65536xf32, #tpu.memory_space<hbm>> -> memref<1x1x1x4096xf32, #tpu.memory_space<hbm>>
      %dma_start3A_1091 = tpu.memref_squeeze %dma_start3A_1090 : memref<1x1x1x4096xf32, #tpu.memory_space<hbm>> -> memref<4096xf32, #tpu.memory_space<hbm>>
      tpu.enqueue_dma source(%arg6 : memref<4096xf32, #tpu.memory_space<vmem>>) target(%dma_start3A_1091 : memref<4096xf32, #tpu.memory_space<hbm>>) target_semaphore(%arg14 : memref<!tpu.dma_semaphore, #tpu.memory_space<semaphore_mem>>)
      %dma_start3A_1092 = arith.constant 24576 : i32
      %dma_start3A_1093 = tpu.memref_slice %arg4[%select_n3A_477, %select_n3A_517, %select_n3A_533, %dma_start3A_1092] : memref<16x8x2x65536xf32, #tpu.memory_space<hbm>> -> memref<1x1x1x4096xf32, #tpu.memory_space<hbm>>
      %dma_start3A_1094 = tpu.memref_squeeze %dma_start3A_1093 : memref<1x1x1x4096xf32, #tpu.memory_space<hbm>> -> memref<4096xf32, #tpu.memory_space<hbm>>
      %dma_start3A_1095 = arith.constant 24576 : i32
      %dma_start3A_1096 = tpu.memref_slice %arg4[%select_n3A_477, %select_n3A_517, %select_n3A_533, %dma_start3A_1095] : memref<16x8x2x65536xf32, #tpu.memory_space<hbm>> -> memref<1x1x1x4096xf32, #tpu.memory_space<hbm>>
      %dma_start3A_1097 = tpu.memref_squeeze %dma_start3A_1096 : memref<1x1x1x4096xf32, #tpu.memory_space<hbm>> -> memref<4096xf32, #tpu.memory_space<hbm>>
      tpu.enqueue_dma source(%arg6 : memref<4096xf32, #tpu.memory_space<vmem>>) target(%dma_start3A_1097 : memref<4096xf32, #tpu.memory_space<hbm>>) target_semaphore(%arg14 : memref<!tpu.dma_semaphore, #tpu.memory_space<semaphore_mem>>)
      %dma_start3A_1098 = arith.constant 28672 : i32
      %dma_start3A_1099 = tpu.memref_slice %arg4[%select_n3A_477, %select_n3A_517, %select_n3A_533, %dma_start3A_1098] : memref<16x8x2x65536xf32, #tpu.memory_space<hbm>> -> memref<1x1x1x4096xf32, #tpu.memory_space<hbm>>
      %dma_start3A_1100 = tpu.memref_squeeze %dma_start3A_1099 : memref<1x1x1x4096xf32, #tpu.memory_space<hbm>> -> memref<4096xf32, #tpu.memory_space<hbm>>
      %dma_start3A_1101 = arith.constant 28672 : i32
      %dma_start3A_1102 = tpu.memref_slice %arg4[%select_n3A_477, %select_n3A_517, %select_n3A_533, %dma_start3A_1101] : memref<16x8x2x65536xf32, #tpu.memory_space<hbm>> -> memref<1x1x1x4096xf32, #tpu.memory_space<hbm>>
      %dma_start3A_1103 = tpu.memref_squeeze %dma_start3A_1102 : memref<1x1x1x4096xf32, #tpu.memory_space<hbm>> -> memref<4096xf32, #tpu.memory_space<hbm>>
      tpu.enqueue_dma source(%arg6 : memref<4096xf32, #tpu.memory_space<vmem>>) target(%dma_start3A_1103 : memref<4096xf32, #tpu.memory_space<hbm>>) target_semaphore(%arg14 : memref<!tpu.dma_semaphore, #tpu.memory_space<semaphore_mem>>)
    } else {
    }
    %not3A_909 = arith.constant true
    %not3A_910 = arith.xori %eq3A_538, %not3A_909 : i1
    %convert_element_type3A_911 = arith.extui %not3A_910 : i1 to i32
    %cond3A_912 = arith.constant 0 : i32
    %cond3A_913 = arith.cmpi ne, %convert_element_type3A_911, %cond3A_912 : i32
    scf.if %cond3A_913 {
      %dma_wait3A = tpu.memref_slice %arg7[%mul3A_12] : memref<1572864xf32, #tpu.memory_space<vmem_shared>> -> memref<32768xf32, #tpu.memory_space<vmem_shared>>
      %dma_wait3A_1057 = arith.constant 0 : i32
      %dma_wait3A_1058 = tpu.memref_slice %arg2[%select_n3A_477, %select_n3A_517, %select_n3A_533, %dma_wait3A_1057] : memref<16x8x2x65536xf32, #tpu.memory_space<hbm>> -> memref<1x1x1x32768xf32, #tpu.memory_space<hbm>>
      %dma_wait3A_1059 = tpu.memref_squeeze %dma_wait3A_1058 : memref<1x1x1x32768xf32, #tpu.memory_space<hbm>> -> memref<32768xf32, #tpu.memory_space<hbm>>
      tpu.wait_dma2 semaphore(%arg9 : memref<!tpu.dma_semaphore, #tpu.memory_space<semaphore_mem>>) src(%dma_wait3A_1059 : memref<32768xf32, #tpu.memory_space<hbm>>) dst(%dma_wait3A : memref<32768xf32, #tpu.memory_space<vmem_shared>>)
      %dma_start3A = arith.constant 0 : i32
      %dma_start3A_1060 = tpu.memref_slice %arg4[%select_n3A_477, %select_n3A_517, %select_n3A_533, %dma_start3A] : memref<16x8x2x65536xf32, #tpu.memory_space<hbm>> -> memref<1x1x1x32768xf32, #tpu.memory_space<hbm>>
      %dma_start3A_1061 = tpu.memref_squeeze %dma_start3A_1060 : memref<1x1x1x32768xf32, #tpu.memory_space<hbm>> -> memref<32768xf32, #tpu.memory_space<hbm>>
      %dma_start3A_1062 = tpu.memref_slice %arg7[%mul3A_12] : memref<1572864xf32, #tpu.memory_space<vmem_shared>> -> memref<32768xf32, #tpu.memory_space<vmem_shared>>
      tpu.enqueue_dma source(%dma_start3A_1062 : memref<32768xf32, #tpu.memory_space<vmem_shared>>) target(%dma_start3A_1061 : memref<32768xf32, #tpu.memory_space<hbm>>) target_semaphore(%arg12 : memref<!tpu.dma_semaphore, #tpu.memory_space<semaphore_mem>>)
    } else {
    }
    %not3A_914 = arith.constant true
    %not3A_915 = arith.xori %eq3A_449, %not3A_914 : i1
    %convert_element_type3A_916 = arith.extui %not3A_915 : i1 to i32
    %cond3A_917 = arith.constant 0 : i32
    %cond3A_918 = arith.cmpi ne, %convert_element_type3A_916, %cond3A_917 : i32
    scf.if %cond3A_918 {
      %dma_wait3A = arith.constant 32768 : i32
      %dma_wait3A_1057 = tpu.memref_slice %arg4[%select_n3A_388, %select_n3A_428, %select_n3A_444, %dma_wait3A] : memref<16x8x2x65536xf32, #tpu.memory_space<hbm>> -> memref<1x1x1x32768xf32, #tpu.memory_space<hbm>>
      %dma_wait3A_1058 = tpu.memref_squeeze %dma_wait3A_1057 : memref<1x1x1x32768xf32, #tpu.memory_space<hbm>> -> memref<32768xf32, #tpu.memory_space<hbm>>
      %dma_wait3A_1059 = tpu.memref_slice %arg7[%mul3A_6] : memref<1572864xf32, #tpu.memory_space<vmem_shared>> -> memref<32768xf32, #tpu.memory_space<vmem_shared>>
      tpu.wait_dma2 semaphore(%arg11 : memref<!tpu.dma_semaphore, #tpu.memory_space<semaphore_mem>>) src(%dma_wait3A_1059 : memref<32768xf32, #tpu.memory_space<vmem_shared>>) dst(%dma_wait3A_1058 : memref<32768xf32, #tpu.memory_space<hbm>>)
    } else {
    }
    %not3A_919 = arith.constant true
    %not3A_920 = arith.xori %eq3A_627, %not3A_919 : i1
    %convert_element_type3A_921 = arith.extui %not3A_920 : i1 to i32
    %cond3A_922 = arith.constant 0 : i32
    %cond3A_923 = arith.cmpi ne, %convert_element_type3A_921, %cond3A_922 : i32
    scf.if %cond3A_923 {
      %dma_start3A = tpu.memref_slice %arg7[%mul3A_6] : memref<1572864xf32, #tpu.memory_space<vmem_shared>> -> memref<32768xf32, #tpu.memory_space<vmem_shared>>
      %dma_start3A_1057 = arith.constant 0 : i32
      %dma_start3A_1058 = tpu.memref_slice %arg2[%select_n3A_566, %select_n3A_606, %select_n3A_622, %dma_start3A_1057] : memref<16x8x2x65536xf32, #tpu.memory_space<hbm>> -> memref<1x1x1x32768xf32, #tpu.memory_space<hbm>>
      %dma_start3A_1059 = tpu.memref_squeeze %dma_start3A_1058 : memref<1x1x1x32768xf32, #tpu.memory_space<hbm>> -> memref<32768xf32, #tpu.memory_space<hbm>>
      tpu.enqueue_dma source(%dma_start3A_1059 : memref<32768xf32, #tpu.memory_space<hbm>>) target(%dma_start3A : memref<32768xf32, #tpu.memory_space<vmem_shared>>) target_semaphore(%arg8 : memref<!tpu.dma_semaphore, #tpu.memory_space<semaphore_mem>>)
    } else {
    }
    %convert_element_type3A_924 = arith.extui %eq3A_538 : i1 to i32
    %cond3A_925 = arith.constant 0 : i32
    %cond3A_926 = arith.cmpi ne, %convert_element_type3A_924, %cond3A_925 : i32
    scf.if %cond3A_926 {
      %dma_start3A = arith.constant 32768 : i32
      %dma_start3A_1057 = tpu.memref_slice %arg4[%select_n3A_477, %select_n3A_517, %select_n3A_533, %dma_start3A] : memref<16x8x2x65536xf32, #tpu.memory_space<hbm>> -> memref<1x1x1x4096xf32, #tpu.memory_space<hbm>>
      %dma_start3A_1058 = tpu.memref_squeeze %dma_start3A_1057 : memref<1x1x1x4096xf32, #tpu.memory_space<hbm>> -> memref<4096xf32, #tpu.memory_space<hbm>>
      %dma_start3A_1059 = arith.constant 32768 : i32
      %dma_start3A_1060 = tpu.memref_slice %arg4[%select_n3A_477, %select_n3A_517, %select_n3A_533, %dma_start3A_1059] : memref<16x8x2x65536xf32, #tpu.memory_space<hbm>> -> memref<1x1x1x4096xf32, #tpu.memory_space<hbm>>
      %dma_start3A_1061 = tpu.memref_squeeze %dma_start3A_1060 : memref<1x1x1x4096xf32, #tpu.memory_space<hbm>> -> memref<4096xf32, #tpu.memory_space<hbm>>
      tpu.enqueue_dma source(%arg6 : memref<4096xf32, #tpu.memory_space<vmem>>) target(%dma_start3A_1061 : memref<4096xf32, #tpu.memory_space<hbm>>) target_semaphore(%arg14 : memref<!tpu.dma_semaphore, #tpu.memory_space<semaphore_mem>>)
      %dma_start3A_1062 = arith.constant 36864 : i32
      %dma_start3A_1063 = tpu.memref_slice %arg4[%select_n3A_477, %select_n3A_517, %select_n3A_533, %dma_start3A_1062] : memref<16x8x2x65536xf32, #tpu.memory_space<hbm>> -> memref<1x1x1x4096xf32, #tpu.memory_space<hbm>>
      %dma_start3A_1064 = tpu.memref_squeeze %dma_start3A_1063 : memref<1x1x1x4096xf32, #tpu.memory_space<hbm>> -> memref<4096xf32, #tpu.memory_space<hbm>>
      %dma_start3A_1065 = arith.constant 36864 : i32
      %dma_start3A_1066 = tpu.memref_slice %arg4[%select_n3A_477, %select_n3A_517, %select_n3A_533, %dma_start3A_1065] : memref<16x8x2x65536xf32, #tpu.memory_space<hbm>> -> memref<1x1x1x4096xf32, #tpu.memory_space<hbm>>
      %dma_start3A_1067 = tpu.memref_squeeze %dma_start3A_1066 : memref<1x1x1x4096xf32, #tpu.memory_space<hbm>> -> memref<4096xf32, #tpu.memory_space<hbm>>
      tpu.enqueue_dma source(%arg6 : memref<4096xf32, #tpu.memory_space<vmem>>) target(%dma_start3A_1067 : memref<4096xf32, #tpu.memory_space<hbm>>) target_semaphore(%arg14 : memref<!tpu.dma_semaphore, #tpu.memory_space<semaphore_mem>>)
      %dma_start3A_1068 = arith.constant 40960 : i32
      %dma_start3A_1069 = tpu.memref_slice %arg4[%select_n3A_477, %select_n3A_517, %select_n3A_533, %dma_start3A_1068] : memref<16x8x2x65536xf32, #tpu.memory_space<hbm>> -> memref<1x1x1x4096xf32, #tpu.memory_space<hbm>>
      %dma_start3A_1070 = tpu.memref_squeeze %dma_start3A_1069 : memref<1x1x1x4096xf32, #tpu.memory_space<hbm>> -> memref<4096xf32, #tpu.memory_space<hbm>>
      %dma_start3A_1071 = arith.constant 40960 : i32
      %dma_start3A_1072 = tpu.memref_slice %arg4[%select_n3A_477, %select_n3A_517, %select_n3A_533, %dma_start3A_1071] : memref<16x8x2x65536xf32, #tpu.memory_space<hbm>> -> memref<1x1x1x4096xf32, #tpu.memory_space<hbm>>
      %dma_start3A_1073 = tpu.memref_squeeze %dma_start3A_1072 : memref<1x1x1x4096xf32, #tpu.memory_space<hbm>> -> memref<4096xf32, #tpu.memory_space<hbm>>
      tpu.enqueue_dma source(%arg6 : memref<4096xf32, #tpu.memory_space<vmem>>) target(%dma_start3A_1073 : memref<4096xf32, #tpu.memory_space<hbm>>) target_semaphore(%arg14 : memref<!tpu.dma_semaphore, #tpu.memory_space<semaphore_mem>>)
      %dma_start3A_1074 = arith.constant 45056 : i32
      %dma_start3A_1075 = tpu.memref_slice %arg4[%select_n3A_477, %select_n3A_517, %select_n3A_533, %dma_start3A_1074] : memref<16x8x2x65536xf32, #tpu.memory_space<hbm>> -> memref<1x1x1x4096xf32, #tpu.memory_space<hbm>>
      %dma_start3A_1076 = tpu.memref_squeeze %dma_start3A_1075 : memref<1x1x1x4096xf32, #tpu.memory_space<hbm>> -> memref<4096xf32, #tpu.memory_space<hbm>>
      %dma_start3A_1077 = arith.constant 45056 : i32
      %dma_start3A_1078 = tpu.memref_slice %arg4[%select_n3A_477, %select_n3A_517, %select_n3A_533, %dma_start3A_1077] : memref<16x8x2x65536xf32, #tpu.memory_space<hbm>> -> memref<1x1x1x4096xf32, #tpu.memory_space<hbm>>
      %dma_start3A_1079 = tpu.memref_squeeze %dma_start3A_1078 : memref<1x1x1x4096xf32, #tpu.memory_space<hbm>> -> memref<4096xf32, #tpu.memory_space<hbm>>
      tpu.enqueue_dma source(%arg6 : memref<4096xf32, #tpu.memory_space<vmem>>) target(%dma_start3A_1079 : memref<4096xf32, #tpu.memory_space<hbm>>) target_semaphore(%arg14 : memref<!tpu.dma_semaphore, #tpu.memory_space<semaphore_mem>>)
      %dma_start3A_1080 = arith.constant 49152 : i32
      %dma_start3A_1081 = tpu.memref_slice %arg4[%select_n3A_477, %select_n3A_517, %select_n3A_533, %dma_start3A_1080] : memref<16x8x2x65536xf32, #tpu.memory_space<hbm>> -> memref<1x1x1x4096xf32, #tpu.memory_space<hbm>>
      %dma_start3A_1082 = tpu.memref_squeeze %dma_start3A_1081 : memref<1x1x1x4096xf32, #tpu.memory_space<hbm>> -> memref<4096xf32, #tpu.memory_space<hbm>>
      %dma_start3A_1083 = arith.constant 49152 : i32
      %dma_start3A_1084 = tpu.memref_slice %arg4[%select_n3A_477, %select_n3A_517, %select_n3A_533, %dma_start3A_1083] : memref<16x8x2x65536xf32, #tpu.memory_space<hbm>> -> memref<1x1x1x4096xf32, #tpu.memory_space<hbm>>
      %dma_start3A_1085 = tpu.memref_squeeze %dma_start3A_1084 : memref<1x1x1x4096xf32, #tpu.memory_space<hbm>> -> memref<4096xf32, #tpu.memory_space<hbm>>
      tpu.enqueue_dma source(%arg6 : memref<4096xf32, #tpu.memory_space<vmem>>) target(%dma_start3A_1085 : memref<4096xf32, #tpu.memory_space<hbm>>) target_semaphore(%arg14 : memref<!tpu.dma_semaphore, #tpu.memory_space<semaphore_mem>>)
      %dma_start3A_1086 = arith.constant 53248 : i32
      %dma_start3A_1087 = tpu.memref_slice %arg4[%select_n3A_477, %select_n3A_517, %select_n3A_533, %dma_start3A_1086] : memref<16x8x2x65536xf32, #tpu.memory_space<hbm>> -> memref<1x1x1x4096xf32, #tpu.memory_space<hbm>>
      %dma_start3A_1088 = tpu.memref_squeeze %dma_start3A_1087 : memref<1x1x1x4096xf32, #tpu.memory_space<hbm>> -> memref<4096xf32, #tpu.memory_space<hbm>>
      %dma_start3A_1089 = arith.constant 53248 : i32
      %dma_start3A_1090 = tpu.memref_slice %arg4[%select_n3A_477, %select_n3A_517, %select_n3A_533, %dma_start3A_1089] : memref<16x8x2x65536xf32, #tpu.memory_space<hbm>> -> memref<1x1x1x4096xf32, #tpu.memory_space<hbm>>
      %dma_start3A_1091 = tpu.memref_squeeze %dma_start3A_1090 : memref<1x1x1x4096xf32, #tpu.memory_space<hbm>> -> memref<4096xf32, #tpu.memory_space<hbm>>
      tpu.enqueue_dma source(%arg6 : memref<4096xf32, #tpu.memory_space<vmem>>) target(%dma_start3A_1091 : memref<4096xf32, #tpu.memory_space<hbm>>) target_semaphore(%arg14 : memref<!tpu.dma_semaphore, #tpu.memory_space<semaphore_mem>>)
      %dma_start3A_1092 = arith.constant 57344 : i32
      %dma_start3A_1093 = tpu.memref_slice %arg4[%select_n3A_477, %select_n3A_517, %select_n3A_533, %dma_start3A_1092] : memref<16x8x2x65536xf32, #tpu.memory_space<hbm>> -> memref<1x1x1x4096xf32, #tpu.memory_space<hbm>>
      %dma_start3A_1094 = tpu.memref_squeeze %dma_start3A_1093 : memref<1x1x1x4096xf32, #tpu.memory_space<hbm>> -> memref<4096xf32, #tpu.memory_space<hbm>>
      %dma_start3A_1095 = arith.constant 57344 : i32
      %dma_start3A_1096 = tpu.memref_slice %arg4[%select_n3A_477, %select_n3A_517, %select_n3A_533, %dma_start3A_1095] : memref<16x8x2x65536xf32, #tpu.memory_space<hbm>> -> memref<1x1x1x4096xf32, #tpu.memory_space<hbm>>
      %dma_start3A_1097 = tpu.memref_squeeze %dma_start3A_1096 : memref<1x1x1x4096xf32, #tpu.memory_space<hbm>> -> memref<4096xf32, #tpu.memory_space<hbm>>
      tpu.enqueue_dma source(%arg6 : memref<4096xf32, #tpu.memory_space<vmem>>) target(%dma_start3A_1097 : memref<4096xf32, #tpu.memory_space<hbm>>) target_semaphore(%arg14 : memref<!tpu.dma_semaphore, #tpu.memory_space<semaphore_mem>>)
      %dma_start3A_1098 = arith.constant 61440 : i32
      %dma_start3A_1099 = tpu.memref_slice %arg4[%select_n3A_477, %select_n3A_517, %select_n3A_533, %dma_start3A_1098] : memref<16x8x2x65536xf32, #tpu.memory_space<hbm>> -> memref<1x1x1x4096xf32, #tpu.memory_space<hbm>>
      %dma_start3A_1100 = tpu.memref_squeeze %dma_start3A_1099 : memref<1x1x1x4096xf32, #tpu.memory_space<hbm>> -> memref<4096xf32, #tpu.memory_space<hbm>>
      %dma_start3A_1101 = arith.constant 61440 : i32
      %dma_start3A_1102 = tpu.memref_slice %arg4[%select_n3A_477, %select_n3A_517, %select_n3A_533, %dma_start3A_1101] : memref<16x8x2x65536xf32, #tpu.memory_space<hbm>> -> memref<1x1x1x4096xf32, #tpu.memory_space<hbm>>
      %dma_start3A_1103 = tpu.memref_squeeze %dma_start3A_1102 : memref<1x1x1x4096xf32, #tpu.memory_space<hbm>> -> memref<4096xf32, #tpu.memory_space<hbm>>
      tpu.enqueue_dma source(%arg6 : memref<4096xf32, #tpu.memory_space<vmem>>) target(%dma_start3A_1103 : memref<4096xf32, #tpu.memory_space<hbm>>) target_semaphore(%arg14 : memref<!tpu.dma_semaphore, #tpu.memory_space<semaphore_mem>>)
    } else {
    }
    %not3A_927 = arith.constant true
    %not3A_928 = arith.xori %eq3A_538, %not3A_927 : i1
    %convert_element_type3A_929 = arith.extui %not3A_928 : i1 to i32
    %cond3A_930 = arith.constant 0 : i32
    %cond3A_931 = arith.cmpi ne, %convert_element_type3A_929, %cond3A_930 : i32
    scf.if %cond3A_931 {
      %dma_wait3A = tpu.memref_slice %arg7[%mul3A_18] : memref<1572864xf32, #tpu.memory_space<vmem_shared>> -> memref<32768xf32, #tpu.memory_space<vmem_shared>>
      %dma_wait3A_1057 = arith.constant 32768 : i32
      %dma_wait3A_1058 = tpu.memref_slice %arg2[%select_n3A_477, %select_n3A_517, %select_n3A_533, %dma_wait3A_1057] : memref<16x8x2x65536xf32, #tpu.memory_space<hbm>> -> memref<1x1x1x32768xf32, #tpu.memory_space<hbm>>
      %dma_wait3A_1059 = tpu.memref_squeeze %dma_wait3A_1058 : memref<1x1x1x32768xf32, #tpu.memory_space<hbm>> -> memref<32768xf32, #tpu.memory_space<hbm>>
      tpu.wait_dma2 semaphore(%arg10 : memref<!tpu.dma_semaphore, #tpu.memory_space<semaphore_mem>>) src(%dma_wait3A_1059 : memref<32768xf32, #tpu.memory_space<hbm>>) dst(%dma_wait3A : memref<32768xf32, #tpu.memory_space<vmem_shared>>)
      %dma_start3A = arith.constant 32768 : i32
      %dma_start3A_1060 = tpu.memref_slice %arg4[%select_n3A_477, %select_n3A_517, %select_n3A_533, %dma_start3A] : memref<16x8x2x65536xf32, #tpu.memory_space<hbm>> -> memref<1x1x1x32768xf32, #tpu.memory_space<hbm>>
      %dma_start3A_1061 = tpu.memref_squeeze %dma_start3A_1060 : memref<1x1x1x32768xf32, #tpu.memory_space<hbm>> -> memref<32768xf32, #tpu.memory_space<hbm>>
      %dma_start3A_1062 = tpu.memref_slice %arg7[%mul3A_18] : memref<1572864xf32, #tpu.memory_space<vmem_shared>> -> memref<32768xf32, #tpu.memory_space<vmem_shared>>
      tpu.enqueue_dma source(%dma_start3A_1062 : memref<32768xf32, #tpu.memory_space<vmem_shared>>) target(%dma_start3A_1061 : memref<32768xf32, #tpu.memory_space<hbm>>) target_semaphore(%arg13 : memref<!tpu.dma_semaphore, #tpu.memory_space<semaphore_mem>>)
    } else {
    }
    %not3A_932 = arith.constant true
    %not3A_933 = arith.xori %eq3A_538, %not3A_932 : i1
    %convert_element_type3A_934 = arith.extui %not3A_933 : i1 to i32
    %cond3A_935 = arith.constant 0 : i32
    %cond3A_936 = arith.cmpi ne, %convert_element_type3A_934, %cond3A_935 : i32
    scf.if %cond3A_936 {
      %dma_wait3A = arith.constant 0 : i32
      %dma_wait3A_1057 = tpu.memref_slice %arg4[%select_n3A_477, %select_n3A_517, %select_n3A_533, %dma_wait3A] : memref<16x8x2x65536xf32, #tpu.memory_space<hbm>> -> memref<1x1x1x32768xf32, #tpu.memory_space<hbm>>
      %dma_wait3A_1058 = tpu.memref_squeeze %dma_wait3A_1057 : memref<1x1x1x32768xf32, #tpu.memory_space<hbm>> -> memref<32768xf32, #tpu.memory_space<hbm>>
      %dma_wait3A_1059 = tpu.memref_slice %arg7[%mul3A_12] : memref<1572864xf32, #tpu.memory_space<vmem_shared>> -> memref<32768xf32, #tpu.memory_space<vmem_shared>>
      tpu.wait_dma2 semaphore(%arg12 : memref<!tpu.dma_semaphore, #tpu.memory_space<semaphore_mem>>) src(%dma_wait3A_1059 : memref<32768xf32, #tpu.memory_space<vmem_shared>>) dst(%dma_wait3A_1058 : memref<32768xf32, #tpu.memory_space<hbm>>)
    } else {
    }
    %not3A_937 = arith.constant true
    %not3A_938 = arith.xori %eq3A_627, %not3A_937 : i1
    %convert_element_type3A_939 = arith.extui %not3A_938 : i1 to i32
    %cond3A_940 = arith.constant 0 : i32
    %cond3A_941 = arith.cmpi ne, %convert_element_type3A_939, %cond3A_940 : i32
    scf.if %cond3A_941 {
      %dma_start3A = tpu.memref_slice %arg7[%mul3A_12] : memref<1572864xf32, #tpu.memory_space<vmem_shared>> -> memref<32768xf32, #tpu.memory_space<vmem_shared>>
      %dma_start3A_1057 = arith.constant 32768 : i32
      %dma_start3A_1058 = tpu.memref_slice %arg2[%select_n3A_566, %select_n3A_606, %select_n3A_622, %dma_start3A_1057] : memref<16x8x2x65536xf32, #tpu.memory_space<hbm>> -> memref<1x1x1x32768xf32, #tpu.memory_space<hbm>>
      %dma_start3A_1059 = tpu.memref_squeeze %dma_start3A_1058 : memref<1x1x1x32768xf32, #tpu.memory_space<hbm>> -> memref<32768xf32, #tpu.memory_space<hbm>>
      tpu.enqueue_dma source(%dma_start3A_1059 : memref<32768xf32, #tpu.memory_space<hbm>>) target(%dma_start3A : memref<32768xf32, #tpu.memory_space<vmem_shared>>) target_semaphore(%arg9 : memref<!tpu.dma_semaphore, #tpu.memory_space<semaphore_mem>>)
    } else {
    }
    %convert_element_type3A_942 = arith.extui %eq3A_627 : i1 to i32
    %cond3A_943 = arith.constant 0 : i32
    %cond3A_944 = arith.cmpi ne, %convert_element_type3A_942, %cond3A_943 : i32
    scf.if %cond3A_944 {
      %dma_start3A = arith.constant 0 : i32
      %dma_start3A_1057 = tpu.memref_slice %arg4[%select_n3A_566, %select_n3A_606, %select_n3A_622, %dma_start3A] : memref<16x8x2x65536xf32, #tpu.memory_space<hbm>> -> memref<1x1x1x4096xf32, #tpu.memory_space<hbm>>
      %dma_start3A_1058 = tpu.memref_squeeze %dma_start3A_1057 : memref<1x1x1x4096xf32, #tpu.memory_space<hbm>> -> memref<4096xf32, #tpu.memory_space<hbm>>
      %dma_start3A_1059 = arith.constant 0 : i32
      %dma_start3A_1060 = tpu.memref_slice %arg4[%select_n3A_566, %select_n3A_606, %select_n3A_622, %dma_start3A_1059] : memref<16x8x2x65536xf32, #tpu.memory_space<hbm>> -> memref<1x1x1x4096xf32, #tpu.memory_space<hbm>>
      %dma_start3A_1061 = tpu.memref_squeeze %dma_start3A_1060 : memref<1x1x1x4096xf32, #tpu.memory_space<hbm>> -> memref<4096xf32, #tpu.memory_space<hbm>>
      tpu.enqueue_dma source(%arg6 : memref<4096xf32, #tpu.memory_space<vmem>>) target(%dma_start3A_1061 : memref<4096xf32, #tpu.memory_space<hbm>>) target_semaphore(%arg14 : memref<!tpu.dma_semaphore, #tpu.memory_space<semaphore_mem>>)
      %dma_start3A_1062 = arith.constant 4096 : i32
      %dma_start3A_1063 = tpu.memref_slice %arg4[%select_n3A_566, %select_n3A_606, %select_n3A_622, %dma_start3A_1062] : memref<16x8x2x65536xf32, #tpu.memory_space<hbm>> -> memref<1x1x1x4096xf32, #tpu.memory_space<hbm>>
      %dma_start3A_1064 = tpu.memref_squeeze %dma_start3A_1063 : memref<1x1x1x4096xf32, #tpu.memory_space<hbm>> -> memref<4096xf32, #tpu.memory_space<hbm>>
      %dma_start3A_1065 = arith.constant 4096 : i32
      %dma_start3A_1066 = tpu.memref_slice %arg4[%select_n3A_566, %select_n3A_606, %select_n3A_622, %dma_start3A_1065] : memref<16x8x2x65536xf32, #tpu.memory_space<hbm>> -> memref<1x1x1x4096xf32, #tpu.memory_space<hbm>>
      %dma_start3A_1067 = tpu.memref_squeeze %dma_start3A_1066 : memref<1x1x1x4096xf32, #tpu.memory_space<hbm>> -> memref<4096xf32, #tpu.memory_space<hbm>>
      tpu.enqueue_dma source(%arg6 : memref<4096xf32, #tpu.memory_space<vmem>>) target(%dma_start3A_1067 : memref<4096xf32, #tpu.memory_space<hbm>>) target_semaphore(%arg14 : memref<!tpu.dma_semaphore, #tpu.memory_space<semaphore_mem>>)
      %dma_start3A_1068 = arith.constant 8192 : i32
      %dma_start3A_1069 = tpu.memref_slice %arg4[%select_n3A_566, %select_n3A_606, %select_n3A_622, %dma_start3A_1068] : memref<16x8x2x65536xf32, #tpu.memory_space<hbm>> -> memref<1x1x1x4096xf32, #tpu.memory_space<hbm>>
      %dma_start3A_1070 = tpu.memref_squeeze %dma_start3A_1069 : memref<1x1x1x4096xf32, #tpu.memory_space<hbm>> -> memref<4096xf32, #tpu.memory_space<hbm>>
      %dma_start3A_1071 = arith.constant 8192 : i32
      %dma_start3A_1072 = tpu.memref_slice %arg4[%select_n3A_566, %select_n3A_606, %select_n3A_622, %dma_start3A_1071] : memref<16x8x2x65536xf32, #tpu.memory_space<hbm>> -> memref<1x1x1x4096xf32, #tpu.memory_space<hbm>>
      %dma_start3A_1073 = tpu.memref_squeeze %dma_start3A_1072 : memref<1x1x1x4096xf32, #tpu.memory_space<hbm>> -> memref<4096xf32, #tpu.memory_space<hbm>>
      tpu.enqueue_dma source(%arg6 : memref<4096xf32, #tpu.memory_space<vmem>>) target(%dma_start3A_1073 : memref<4096xf32, #tpu.memory_space<hbm>>) target_semaphore(%arg14 : memref<!tpu.dma_semaphore, #tpu.memory_space<semaphore_mem>>)
      %dma_start3A_1074 = arith.constant 12288 : i32
      %dma_start3A_1075 = tpu.memref_slice %arg4[%select_n3A_566, %select_n3A_606, %select_n3A_622, %dma_start3A_1074] : memref<16x8x2x65536xf32, #tpu.memory_space<hbm>> -> memref<1x1x1x4096xf32, #tpu.memory_space<hbm>>
      %dma_start3A_1076 = tpu.memref_squeeze %dma_start3A_1075 : memref<1x1x1x4096xf32, #tpu.memory_space<hbm>> -> memref<4096xf32, #tpu.memory_space<hbm>>
      %dma_start3A_1077 = arith.constant 12288 : i32
      %dma_start3A_1078 = tpu.memref_slice %arg4[%select_n3A_566, %select_n3A_606, %select_n3A_622, %dma_start3A_1077] : memref<16x8x2x65536xf32, #tpu.memory_space<hbm>> -> memref<1x1x1x4096xf32, #tpu.memory_space<hbm>>
      %dma_start3A_1079 = tpu.memref_squeeze %dma_start3A_1078 : memref<1x1x1x4096xf32, #tpu.memory_space<hbm>> -> memref<4096xf32, #tpu.memory_space<hbm>>
      tpu.enqueue_dma source(%arg6 : memref<4096xf32, #tpu.memory_space<vmem>>) target(%dma_start3A_1079 : memref<4096xf32, #tpu.memory_space<hbm>>) target_semaphore(%arg14 : memref<!tpu.dma_semaphore, #tpu.memory_space<semaphore_mem>>)
      %dma_start3A_1080 = arith.constant 16384 : i32
      %dma_start3A_1081 = tpu.memref_slice %arg4[%select_n3A_566, %select_n3A_606, %select_n3A_622, %dma_start3A_1080] : memref<16x8x2x65536xf32, #tpu.memory_space<hbm>> -> memref<1x1x1x4096xf32, #tpu.memory_space<hbm>>
      %dma_start3A_1082 = tpu.memref_squeeze %dma_start3A_1081 : memref<1x1x1x4096xf32, #tpu.memory_space<hbm>> -> memref<4096xf32, #tpu.memory_space<hbm>>
      %dma_start3A_1083 = arith.constant 16384 : i32
      %dma_start3A_1084 = tpu.memref_slice %arg4[%select_n3A_566, %select_n3A_606, %select_n3A_622, %dma_start3A_1083] : memref<16x8x2x65536xf32, #tpu.memory_space<hbm>> -> memref<1x1x1x4096xf32, #tpu.memory_space<hbm>>
      %dma_start3A_1085 = tpu.memref_squeeze %dma_start3A_1084 : memref<1x1x1x4096xf32, #tpu.memory_space<hbm>> -> memref<4096xf32, #tpu.memory_space<hbm>>
      tpu.enqueue_dma source(%arg6 : memref<4096xf32, #tpu.memory_space<vmem>>) target(%dma_start3A_1085 : memref<4096xf32, #tpu.memory_space<hbm>>) target_semaphore(%arg14 : memref<!tpu.dma_semaphore, #tpu.memory_space<semaphore_mem>>)
      %dma_start3A_1086 = arith.constant 20480 : i32
      %dma_start3A_1087 = tpu.memref_slice %arg4[%select_n3A_566, %select_n3A_606, %select_n3A_622, %dma_start3A_1086] : memref<16x8x2x65536xf32, #tpu.memory_space<hbm>> -> memref<1x1x1x4096xf32, #tpu.memory_space<hbm>>
      %dma_start3A_1088 = tpu.memref_squeeze %dma_start3A_1087 : memref<1x1x1x4096xf32, #tpu.memory_space<hbm>> -> memref<4096xf32, #tpu.memory_space<hbm>>
      %dma_start3A_1089 = arith.constant 20480 : i32
      %dma_start3A_1090 = tpu.memref_slice %arg4[%select_n3A_566, %select_n3A_606, %select_n3A_622, %dma_start3A_1089] : memref<16x8x2x65536xf32, #tpu.memory_space<hbm>> -> memref<1x1x1x4096xf32, #tpu.memory_space<hbm>>
      %dma_start3A_1091 = tpu.memref_squeeze %dma_start3A_1090 : memref<1x1x1x4096xf32, #tpu.memory_space<hbm>> -> memref<4096xf32, #tpu.memory_space<hbm>>
      tpu.enqueue_dma source(%arg6 : memref<4096xf32, #tpu.memory_space<vmem>>) target(%dma_start3A_1091 : memref<4096xf32, #tpu.memory_space<hbm>>) target_semaphore(%arg14 : memref<!tpu.dma_semaphore, #tpu.memory_space<semaphore_mem>>)
      %dma_start3A_1092 = arith.constant 24576 : i32
      %dma_start3A_1093 = tpu.memref_slice %arg4[%select_n3A_566, %select_n3A_606, %select_n3A_622, %dma_start3A_1092] : memref<16x8x2x65536xf32, #tpu.memory_space<hbm>> -> memref<1x1x1x4096xf32, #tpu.memory_space<hbm>>
      %dma_start3A_1094 = tpu.memref_squeeze %dma_start3A_1093 : memref<1x1x1x4096xf32, #tpu.memory_space<hbm>> -> memref<4096xf32, #tpu.memory_space<hbm>>
      %dma_start3A_1095 = arith.constant 24576 : i32
      %dma_start3A_1096 = tpu.memref_slice %arg4[%select_n3A_566, %select_n3A_606, %select_n3A_622, %dma_start3A_1095] : memref<16x8x2x65536xf32, #tpu.memory_space<hbm>> -> memref<1x1x1x4096xf32, #tpu.memory_space<hbm>>
      %dma_start3A_1097 = tpu.memref_squeeze %dma_start3A_1096 : memref<1x1x1x4096xf32, #tpu.memory_space<hbm>> -> memref<4096xf32, #tpu.memory_space<hbm>>
      tpu.enqueue_dma source(%arg6 : memref<4096xf32, #tpu.memory_space<vmem>>) target(%dma_start3A_1097 : memref<4096xf32, #tpu.memory_space<hbm>>) target_semaphore(%arg14 : memref<!tpu.dma_semaphore, #tpu.memory_space<semaphore_mem>>)
      %dma_start3A_1098 = arith.constant 28672 : i32
      %dma_start3A_1099 = tpu.memref_slice %arg4[%select_n3A_566, %select_n3A_606, %select_n3A_622, %dma_start3A_1098] : memref<16x8x2x65536xf32, #tpu.memory_space<hbm>> -> memref<1x1x1x4096xf32, #tpu.memory_space<hbm>>
      %dma_start3A_1100 = tpu.memref_squeeze %dma_start3A_1099 : memref<1x1x1x4096xf32, #tpu.memory_space<hbm>> -> memref<4096xf32, #tpu.memory_space<hbm>>
      %dma_start3A_1101 = arith.constant 28672 : i32
      %dma_start3A_1102 = tpu.memref_slice %arg4[%select_n3A_566, %select_n3A_606, %select_n3A_622, %dma_start3A_1101] : memref<16x8x2x65536xf32, #tpu.memory_space<hbm>> -> memref<1x1x1x4096xf32, #tpu.memory_space<hbm>>
      %dma_start3A_1103 = tpu.memref_squeeze %dma_start3A_1102 : memref<1x1x1x4096xf32, #tpu.memory_space<hbm>> -> memref<4096xf32, #tpu.memory_space<hbm>>
      tpu.enqueue_dma source(%arg6 : memref<4096xf32, #tpu.memory_space<vmem>>) target(%dma_start3A_1103 : memref<4096xf32, #tpu.memory_space<hbm>>) target_semaphore(%arg14 : memref<!tpu.dma_semaphore, #tpu.memory_space<semaphore_mem>>)
    } else {
    }
    %not3A_945 = arith.constant true
    %not3A_946 = arith.xori %eq3A_627, %not3A_945 : i1
    %convert_element_type3A_947 = arith.extui %not3A_946 : i1 to i32
    %cond3A_948 = arith.constant 0 : i32
    %cond3A_949 = arith.cmpi ne, %convert_element_type3A_947, %cond3A_948 : i32
    scf.if %cond3A_949 {
      %dma_wait3A = tpu.memref_slice %arg7[%mul3A_6] : memref<1572864xf32, #tpu.memory_space<vmem_shared>> -> memref<32768xf32, #tpu.memory_space<vmem_shared>>
      %dma_wait3A_1057 = arith.constant 0 : i32
      %dma_wait3A_1058 = tpu.memref_slice %arg2[%select_n3A_566, %select_n3A_606, %select_n3A_622, %dma_wait3A_1057] : memref<16x8x2x65536xf32, #tpu.memory_space<hbm>> -> memref<1x1x1x32768xf32, #tpu.memory_space<hbm>>
      %dma_wait3A_1059 = tpu.memref_squeeze %dma_wait3A_1058 : memref<1x1x1x32768xf32, #tpu.memory_space<hbm>> -> memref<32768xf32, #tpu.memory_space<hbm>>
      tpu.wait_dma2 semaphore(%arg8 : memref<!tpu.dma_semaphore, #tpu.memory_space<semaphore_mem>>) src(%dma_wait3A_1059 : memref<32768xf32, #tpu.memory_space<hbm>>) dst(%dma_wait3A : memref<32768xf32, #tpu.memory_space<vmem_shared>>)
      %dma_start3A = arith.constant 0 : i32
      %dma_start3A_1060 = tpu.memref_slice %arg4[%select_n3A_566, %select_n3A_606, %select_n3A_622, %dma_start3A] : memref<16x8x2x65536xf32, #tpu.memory_space<hbm>> -> memref<1x1x1x32768xf32, #tpu.memory_space<hbm>>
      %dma_start3A_1061 = tpu.memref_squeeze %dma_start3A_1060 : memref<1x1x1x32768xf32, #tpu.memory_space<hbm>> -> memref<32768xf32, #tpu.memory_space<hbm>>
      %dma_start3A_1062 = tpu.memref_slice %arg7[%mul3A_6] : memref<1572864xf32, #tpu.memory_space<vmem_shared>> -> memref<32768xf32, #tpu.memory_space<vmem_shared>>
      tpu.enqueue_dma source(%dma_start3A_1062 : memref<32768xf32, #tpu.memory_space<vmem_shared>>) target(%dma_start3A_1061 : memref<32768xf32, #tpu.memory_space<hbm>>) target_semaphore(%arg11 : memref<!tpu.dma_semaphore, #tpu.memory_space<semaphore_mem>>)
    } else {
    }
    %not3A_950 = arith.constant true
    %not3A_951 = arith.xori %eq3A_538, %not3A_950 : i1
    %convert_element_type3A_952 = arith.extui %not3A_951 : i1 to i32
    %cond3A_953 = arith.constant 0 : i32
    %cond3A_954 = arith.cmpi ne, %convert_element_type3A_952, %cond3A_953 : i32
    scf.if %cond3A_954 {
      %dma_wait3A = arith.constant 32768 : i32
      %dma_wait3A_1057 = tpu.memref_slice %arg4[%select_n3A_477, %select_n3A_517, %select_n3A_533, %dma_wait3A] : memref<16x8x2x65536xf32, #tpu.memory_space<hbm>> -> memref<1x1x1x32768xf32, #tpu.memory_space<hbm>>
      %dma_wait3A_1058 = tpu.memref_squeeze %dma_wait3A_1057 : memref<1x1x1x32768xf32, #tpu.memory_space<hbm>> -> memref<32768xf32, #tpu.memory_space<hbm>>
      %dma_wait3A_1059 = tpu.memref_slice %arg7[%mul3A_18] : memref<1572864xf32, #tpu.memory_space<vmem_shared>> -> memref<32768xf32, #tpu.memory_space<vmem_shared>>
      tpu.wait_dma2 semaphore(%arg13 : memref<!tpu.dma_semaphore, #tpu.memory_space<semaphore_mem>>) src(%dma_wait3A_1059 : memref<32768xf32, #tpu.memory_space<vmem_shared>>) dst(%dma_wait3A_1058 : memref<32768xf32, #tpu.memory_space<hbm>>)
    } else {
    }
    %not3A_955 = arith.constant true
    %not3A_956 = arith.xori %eq3A_716, %not3A_955 : i1
    %convert_element_type3A_957 = arith.extui %not3A_956 : i1 to i32
    %cond3A_958 = arith.constant 0 : i32
    %cond3A_959 = arith.cmpi ne, %convert_element_type3A_957, %cond3A_958 : i32
    scf.if %cond3A_959 {
      %dma_start3A = tpu.memref_slice %arg7[%mul3A_18] : memref<1572864xf32, #tpu.memory_space<vmem_shared>> -> memref<32768xf32, #tpu.memory_space<vmem_shared>>
      %dma_start3A_1057 = arith.constant 0 : i32
      %dma_start3A_1058 = tpu.memref_slice %arg2[%select_n3A_655, %select_n3A_695, %select_n3A_711, %dma_start3A_1057] : memref<16x8x2x65536xf32, #tpu.memory_space<hbm>> -> memref<1x1x1x32768xf32, #tpu.memory_space<hbm>>
      %dma_start3A_1059 = tpu.memref_squeeze %dma_start3A_1058 : memref<1x1x1x32768xf32, #tpu.memory_space<hbm>> -> memref<32768xf32, #tpu.memory_space<hbm>>
      tpu.enqueue_dma source(%dma_start3A_1059 : memref<32768xf32, #tpu.memory_space<hbm>>) target(%dma_start3A : memref<32768xf32, #tpu.memory_space<vmem_shared>>) target_semaphore(%arg10 : memref<!tpu.dma_semaphore, #tpu.memory_space<semaphore_mem>>)
    } else {
    }
    %convert_element_type3A_960 = arith.extui %eq3A_627 : i1 to i32
    %cond3A_961 = arith.constant 0 : i32
    %cond3A_962 = arith.cmpi ne, %convert_element_type3A_960, %cond3A_961 : i32
    scf.if %cond3A_962 {
      %dma_start3A = arith.constant 32768 : i32
      %dma_start3A_1057 = tpu.memref_slice %arg4[%select_n3A_566, %select_n3A_606, %select_n3A_622, %dma_start3A] : memref<16x8x2x65536xf32, #tpu.memory_space<hbm>> -> memref<1x1x1x4096xf32, #tpu.memory_space<hbm>>
      %dma_start3A_1058 = tpu.memref_squeeze %dma_start3A_1057 : memref<1x1x1x4096xf32, #tpu.memory_space<hbm>> -> memref<4096xf32, #tpu.memory_space<hbm>>
      %dma_start3A_1059 = arith.constant 32768 : i32
      %dma_start3A_1060 = tpu.memref_slice %arg4[%select_n3A_566, %select_n3A_606, %select_n3A_622, %dma_start3A_1059] : memref<16x8x2x65536xf32, #tpu.memory_space<hbm>> -> memref<1x1x1x4096xf32, #tpu.memory_space<hbm>>
      %dma_start3A_1061 = tpu.memref_squeeze %dma_start3A_1060 : memref<1x1x1x4096xf32, #tpu.memory_space<hbm>> -> memref<4096xf32, #tpu.memory_space<hbm>>
      tpu.enqueue_dma source(%arg6 : memref<4096xf32, #tpu.memory_space<vmem>>) target(%dma_start3A_1061 : memref<4096xf32, #tpu.memory_space<hbm>>) target_semaphore(%arg14 : memref<!tpu.dma_semaphore, #tpu.memory_space<semaphore_mem>>)
      %dma_start3A_1062 = arith.constant 36864 : i32
      %dma_start3A_1063 = tpu.memref_slice %arg4[%select_n3A_566, %select_n3A_606, %select_n3A_622, %dma_start3A_1062] : memref<16x8x2x65536xf32, #tpu.memory_space<hbm>> -> memref<1x1x1x4096xf32, #tpu.memory_space<hbm>>
      %dma_start3A_1064 = tpu.memref_squeeze %dma_start3A_1063 : memref<1x1x1x4096xf32, #tpu.memory_space<hbm>> -> memref<4096xf32, #tpu.memory_space<hbm>>
      %dma_start3A_1065 = arith.constant 36864 : i32
      %dma_start3A_1066 = tpu.memref_slice %arg4[%select_n3A_566, %select_n3A_606, %select_n3A_622, %dma_start3A_1065] : memref<16x8x2x65536xf32, #tpu.memory_space<hbm>> -> memref<1x1x1x4096xf32, #tpu.memory_space<hbm>>
      %dma_start3A_1067 = tpu.memref_squeeze %dma_start3A_1066 : memref<1x1x1x4096xf32, #tpu.memory_space<hbm>> -> memref<4096xf32, #tpu.memory_space<hbm>>
      tpu.enqueue_dma source(%arg6 : memref<4096xf32, #tpu.memory_space<vmem>>) target(%dma_start3A_1067 : memref<4096xf32, #tpu.memory_space<hbm>>) target_semaphore(%arg14 : memref<!tpu.dma_semaphore, #tpu.memory_space<semaphore_mem>>)
      %dma_start3A_1068 = arith.constant 40960 : i32
      %dma_start3A_1069 = tpu.memref_slice %arg4[%select_n3A_566, %select_n3A_606, %select_n3A_622, %dma_start3A_1068] : memref<16x8x2x65536xf32, #tpu.memory_space<hbm>> -> memref<1x1x1x4096xf32, #tpu.memory_space<hbm>>
      %dma_start3A_1070 = tpu.memref_squeeze %dma_start3A_1069 : memref<1x1x1x4096xf32, #tpu.memory_space<hbm>> -> memref<4096xf32, #tpu.memory_space<hbm>>
      %dma_start3A_1071 = arith.constant 40960 : i32
      %dma_start3A_1072 = tpu.memref_slice %arg4[%select_n3A_566, %select_n3A_606, %select_n3A_622, %dma_start3A_1071] : memref<16x8x2x65536xf32, #tpu.memory_space<hbm>> -> memref<1x1x1x4096xf32, #tpu.memory_space<hbm>>
      %dma_start3A_1073 = tpu.memref_squeeze %dma_start3A_1072 : memref<1x1x1x4096xf32, #tpu.memory_space<hbm>> -> memref<4096xf32, #tpu.memory_space<hbm>>
      tpu.enqueue_dma source(%arg6 : memref<4096xf32, #tpu.memory_space<vmem>>) target(%dma_start3A_1073 : memref<4096xf32, #tpu.memory_space<hbm>>) target_semaphore(%arg14 : memref<!tpu.dma_semaphore, #tpu.memory_space<semaphore_mem>>)
      %dma_start3A_1074 = arith.constant 45056 : i32
      %dma_start3A_1075 = tpu.memref_slice %arg4[%select_n3A_566, %select_n3A_606, %select_n3A_622, %dma_start3A_1074] : memref<16x8x2x65536xf32, #tpu.memory_space<hbm>> -> memref<1x1x1x4096xf32, #tpu.memory_space<hbm>>
      %dma_start3A_1076 = tpu.memref_squeeze %dma_start3A_1075 : memref<1x1x1x4096xf32, #tpu.memory_space<hbm>> -> memref<4096xf32, #tpu.memory_space<hbm>>
      %dma_start3A_1077 = arith.constant 45056 : i32
      %dma_start3A_1078 = tpu.memref_slice %arg4[%select_n3A_566, %select_n3A_606, %select_n3A_622, %dma_start3A_1077] : memref<16x8x2x65536xf32, #tpu.memory_space<hbm>> -> memref<1x1x1x4096xf32, #tpu.memory_space<hbm>>
      %dma_start3A_1079 = tpu.memref_squeeze %dma_start3A_1078 : memref<1x1x1x4096xf32, #tpu.memory_space<hbm>> -> memref<4096xf32, #tpu.memory_space<hbm>>
      tpu.enqueue_dma source(%arg6 : memref<4096xf32, #tpu.memory_space<vmem>>) target(%dma_start3A_1079 : memref<4096xf32, #tpu.memory_space<hbm>>) target_semaphore(%arg14 : memref<!tpu.dma_semaphore, #tpu.memory_space<semaphore_mem>>)
      %dma_start3A_1080 = arith.constant 49152 : i32
      %dma_start3A_1081 = tpu.memref_slice %arg4[%select_n3A_566, %select_n3A_606, %select_n3A_622, %dma_start3A_1080] : memref<16x8x2x65536xf32, #tpu.memory_space<hbm>> -> memref<1x1x1x4096xf32, #tpu.memory_space<hbm>>
      %dma_start3A_1082 = tpu.memref_squeeze %dma_start3A_1081 : memref<1x1x1x4096xf32, #tpu.memory_space<hbm>> -> memref<4096xf32, #tpu.memory_space<hbm>>
      %dma_start3A_1083 = arith.constant 49152 : i32
      %dma_start3A_1084 = tpu.memref_slice %arg4[%select_n3A_566, %select_n3A_606, %select_n3A_622, %dma_start3A_1083] : memref<16x8x2x65536xf32, #tpu.memory_space<hbm>> -> memref<1x1x1x4096xf32, #tpu.memory_space<hbm>>
      %dma_start3A_1085 = tpu.memref_squeeze %dma_start3A_1084 : memref<1x1x1x4096xf32, #tpu.memory_space<hbm>> -> memref<4096xf32, #tpu.memory_space<hbm>>
      tpu.enqueue_dma source(%arg6 : memref<4096xf32, #tpu.memory_space<vmem>>) target(%dma_start3A_1085 : memref<4096xf32, #tpu.memory_space<hbm>>) target_semaphore(%arg14 : memref<!tpu.dma_semaphore, #tpu.memory_space<semaphore_mem>>)
      %dma_start3A_1086 = arith.constant 53248 : i32
      %dma_start3A_1087 = tpu.memref_slice %arg4[%select_n3A_566, %select_n3A_606, %select_n3A_622, %dma_start3A_1086] : memref<16x8x2x65536xf32, #tpu.memory_space<hbm>> -> memref<1x1x1x4096xf32, #tpu.memory_space<hbm>>
      %dma_start3A_1088 = tpu.memref_squeeze %dma_start3A_1087 : memref<1x1x1x4096xf32, #tpu.memory_space<hbm>> -> memref<4096xf32, #tpu.memory_space<hbm>>
      %dma_start3A_1089 = arith.constant 53248 : i32
      %dma_start3A_1090 = tpu.memref_slice %arg4[%select_n3A_566, %select_n3A_606, %select_n3A_622, %dma_start3A_1089] : memref<16x8x2x65536xf32, #tpu.memory_space<hbm>> -> memref<1x1x1x4096xf32, #tpu.memory_space<hbm>>
      %dma_start3A_1091 = tpu.memref_squeeze %dma_start3A_1090 : memref<1x1x1x4096xf32, #tpu.memory_space<hbm>> -> memref<4096xf32, #tpu.memory_space<hbm>>
      tpu.enqueue_dma source(%arg6 : memref<4096xf32, #tpu.memory_space<vmem>>) target(%dma_start3A_1091 : memref<4096xf32, #tpu.memory_space<hbm>>) target_semaphore(%arg14 : memref<!tpu.dma_semaphore, #tpu.memory_space<semaphore_mem>>)
      %dma_start3A_1092 = arith.constant 57344 : i32
      %dma_start3A_1093 = tpu.memref_slice %arg4[%select_n3A_566, %select_n3A_606, %select_n3A_622, %dma_start3A_1092] : memref<16x8x2x65536xf32, #tpu.memory_space<hbm>> -> memref<1x1x1x4096xf32, #tpu.memory_space<hbm>>
      %dma_start3A_1094 = tpu.memref_squeeze %dma_start3A_1093 : memref<1x1x1x4096xf32, #tpu.memory_space<hbm>> -> memref<4096xf32, #tpu.memory_space<hbm>>
      %dma_start3A_1095 = arith.constant 57344 : i32
      %dma_start3A_1096 = tpu.memref_slice %arg4[%select_n3A_566, %select_n3A_606, %select_n3A_622, %dma_start3A_1095] : memref<16x8x2x65536xf32, #tpu.memory_space<hbm>> -> memref<1x1x1x4096xf32, #tpu.memory_space<hbm>>
      %dma_start3A_1097 = tpu.memref_squeeze %dma_start3A_1096 : memref<1x1x1x4096xf32, #tpu.memory_space<hbm>> -> memref<4096xf32, #tpu.memory_space<hbm>>
      tpu.enqueue_dma source(%arg6 : memref<4096xf32, #tpu.memory_space<vmem>>) target(%dma_start3A_1097 : memref<4096xf32, #tpu.memory_space<hbm>>) target_semaphore(%arg14 : memref<!tpu.dma_semaphore, #tpu.memory_space<semaphore_mem>>)
      %dma_start3A_1098 = arith.constant 61440 : i32
      %dma_start3A_1099 = tpu.memref_slice %arg4[%select_n3A_566, %select_n3A_606, %select_n3A_622, %dma_start3A_1098] : memref<16x8x2x65536xf32, #tpu.memory_space<hbm>> -> memref<1x1x1x4096xf32, #tpu.memory_space<hbm>>
      %dma_start3A_1100 = tpu.memref_squeeze %dma_start3A_1099 : memref<1x1x1x4096xf32, #tpu.memory_space<hbm>> -> memref<4096xf32, #tpu.memory_space<hbm>>
      %dma_start3A_1101 = arith.constant 61440 : i32
      %dma_start3A_1102 = tpu.memref_slice %arg4[%select_n3A_566, %select_n3A_606, %select_n3A_622, %dma_start3A_1101] : memref<16x8x2x65536xf32, #tpu.memory_space<hbm>> -> memref<1x1x1x4096xf32, #tpu.memory_space<hbm>>
      %dma_start3A_1103 = tpu.memref_squeeze %dma_start3A_1102 : memref<1x1x1x4096xf32, #tpu.memory_space<hbm>> -> memref<4096xf32, #tpu.memory_space<hbm>>
      tpu.enqueue_dma source(%arg6 : memref<4096xf32, #tpu.memory_space<vmem>>) target(%dma_start3A_1103 : memref<4096xf32, #tpu.memory_space<hbm>>) target_semaphore(%arg14 : memref<!tpu.dma_semaphore, #tpu.memory_space<semaphore_mem>>)
    } else {
    }
    %not3A_963 = arith.constant true
    %not3A_964 = arith.xori %eq3A_627, %not3A_963 : i1
    %convert_element_type3A_965 = arith.extui %not3A_964 : i1 to i32
    %cond3A_966 = arith.constant 0 : i32
    %cond3A_967 = arith.cmpi ne, %convert_element_type3A_965, %cond3A_966 : i32
    scf.if %cond3A_967 {
      %dma_wait3A = tpu.memref_slice %arg7[%mul3A_12] : memref<1572864xf32, #tpu.memory_space<vmem_shared>> -> memref<32768xf32, #tpu.memory_space<vmem_shared>>
      %dma_wait3A_1057 = arith.constant 32768 : i32
      %dma_wait3A_1058 = tpu.memref_slice %arg2[%select_n3A_566, %select_n3A_606, %select_n3A_622, %dma_wait3A_1057] : memref<16x8x2x65536xf32, #tpu.memory_space<hbm>> -> memref<1x1x1x32768xf32, #tpu.memory_space<hbm>>
      %dma_wait3A_1059 = tpu.memref_squeeze %dma_wait3A_1058 : memref<1x1x1x32768xf32, #tpu.memory_space<hbm>> -> memref<32768xf32, #tpu.memory_space<hbm>>
      tpu.wait_dma2 semaphore(%arg9 : memref<!tpu.dma_semaphore, #tpu.memory_space<semaphore_mem>>) src(%dma_wait3A_1059 : memref<32768xf32, #tpu.memory_space<hbm>>) dst(%dma_wait3A : memref<32768xf32, #tpu.memory_space<vmem_shared>>)
      %dma_start3A = arith.constant 32768 : i32
      %dma_start3A_1060 = tpu.memref_slice %arg4[%select_n3A_566, %select_n3A_606, %select_n3A_622, %dma_start3A] : memref<16x8x2x65536xf32, #tpu.memory_space<hbm>> -> memref<1x1x1x32768xf32, #tpu.memory_space<hbm>>
      %dma_start3A_1061 = tpu.memref_squeeze %dma_start3A_1060 : memref<1x1x1x32768xf32, #tpu.memory_space<hbm>> -> memref<32768xf32, #tpu.memory_space<hbm>>
      %dma_start3A_1062 = tpu.memref_slice %arg7[%mul3A_12] : memref<1572864xf32, #tpu.memory_space<vmem_shared>> -> memref<32768xf32, #tpu.memory_space<vmem_shared>>
      tpu.enqueue_dma source(%dma_start3A_1062 : memref<32768xf32, #tpu.memory_space<vmem_shared>>) target(%dma_start3A_1061 : memref<32768xf32, #tpu.memory_space<hbm>>) target_semaphore(%arg12 : memref<!tpu.dma_semaphore, #tpu.memory_space<semaphore_mem>>)
    } else {
    }
    %not3A_968 = arith.constant true
    %not3A_969 = arith.xori %eq3A_627, %not3A_968 : i1
    %convert_element_type3A_970 = arith.extui %not3A_969 : i1 to i32
    %cond3A_971 = arith.constant 0 : i32
    %cond3A_972 = arith.cmpi ne, %convert_element_type3A_970, %cond3A_971 : i32
    scf.if %cond3A_972 {
      %dma_wait3A = arith.constant 0 : i32
      %dma_wait3A_1057 = tpu.memref_slice %arg4[%select_n3A_566, %select_n3A_606, %select_n3A_622, %dma_wait3A] : memref<16x8x2x65536xf32, #tpu.memory_space<hbm>> -> memref<1x1x1x32768xf32, #tpu.memory_space<hbm>>
      %dma_wait3A_1058 = tpu.memref_squeeze %dma_wait3A_1057 : memref<1x1x1x32768xf32, #tpu.memory_space<hbm>> -> memref<32768xf32, #tpu.memory_space<hbm>>
      %dma_wait3A_1059 = tpu.memref_slice %arg7[%mul3A_6] : memref<1572864xf32, #tpu.memory_space<vmem_shared>> -> memref<32768xf32, #tpu.memory_space<vmem_shared>>
      tpu.wait_dma2 semaphore(%arg11 : memref<!tpu.dma_semaphore, #tpu.memory_space<semaphore_mem>>) src(%dma_wait3A_1059 : memref<32768xf32, #tpu.memory_space<vmem_shared>>) dst(%dma_wait3A_1058 : memref<32768xf32, #tpu.memory_space<hbm>>)
    } else {
    }
    %not3A_973 = arith.constant true
    %not3A_974 = arith.xori %eq3A_716, %not3A_973 : i1
    %convert_element_type3A_975 = arith.extui %not3A_974 : i1 to i32
    %cond3A_976 = arith.constant 0 : i32
    %cond3A_977 = arith.cmpi ne, %convert_element_type3A_975, %cond3A_976 : i32
    scf.if %cond3A_977 {
      %dma_start3A = tpu.memref_slice %arg7[%mul3A_6] : memref<1572864xf32, #tpu.memory_space<vmem_shared>> -> memref<32768xf32, #tpu.memory_space<vmem_shared>>
      %dma_start3A_1057 = arith.constant 32768 : i32
      %dma_start3A_1058 = tpu.memref_slice %arg2[%select_n3A_655, %select_n3A_695, %select_n3A_711, %dma_start3A_1057] : memref<16x8x2x65536xf32, #tpu.memory_space<hbm>> -> memref<1x1x1x32768xf32, #tpu.memory_space<hbm>>
      %dma_start3A_1059 = tpu.memref_squeeze %dma_start3A_1058 : memref<1x1x1x32768xf32, #tpu.memory_space<hbm>> -> memref<32768xf32, #tpu.memory_space<hbm>>
      tpu.enqueue_dma source(%dma_start3A_1059 : memref<32768xf32, #tpu.memory_space<hbm>>) target(%dma_start3A : memref<32768xf32, #tpu.memory_space<vmem_shared>>) target_semaphore(%arg8 : memref<!tpu.dma_semaphore, #tpu.memory_space<semaphore_mem>>)
    } else {
    }
    %convert_element_type3A_978 = arith.extui %eq3A_716 : i1 to i32
    %cond3A_979 = arith.constant 0 : i32
    %cond3A_980 = arith.cmpi ne, %convert_element_type3A_978, %cond3A_979 : i32
    scf.if %cond3A_980 {
      %dma_start3A = arith.constant 0 : i32
      %dma_start3A_1057 = tpu.memref_slice %arg4[%select_n3A_655, %select_n3A_695, %select_n3A_711, %dma_start3A] : memref<16x8x2x65536xf32, #tpu.memory_space<hbm>> -> memref<1x1x1x4096xf32, #tpu.memory_space<hbm>>
      %dma_start3A_1058 = tpu.memref_squeeze %dma_start3A_1057 : memref<1x1x1x4096xf32, #tpu.memory_space<hbm>> -> memref<4096xf32, #tpu.memory_space<hbm>>
      %dma_start3A_1059 = arith.constant 0 : i32
      %dma_start3A_1060 = tpu.memref_slice %arg4[%select_n3A_655, %select_n3A_695, %select_n3A_711, %dma_start3A_1059] : memref<16x8x2x65536xf32, #tpu.memory_space<hbm>> -> memref<1x1x1x4096xf32, #tpu.memory_space<hbm>>
      %dma_start3A_1061 = tpu.memref_squeeze %dma_start3A_1060 : memref<1x1x1x4096xf32, #tpu.memory_space<hbm>> -> memref<4096xf32, #tpu.memory_space<hbm>>
      tpu.enqueue_dma source(%arg6 : memref<4096xf32, #tpu.memory_space<vmem>>) target(%dma_start3A_1061 : memref<4096xf32, #tpu.memory_space<hbm>>) target_semaphore(%arg14 : memref<!tpu.dma_semaphore, #tpu.memory_space<semaphore_mem>>)
      %dma_start3A_1062 = arith.constant 4096 : i32
      %dma_start3A_1063 = tpu.memref_slice %arg4[%select_n3A_655, %select_n3A_695, %select_n3A_711, %dma_start3A_1062] : memref<16x8x2x65536xf32, #tpu.memory_space<hbm>> -> memref<1x1x1x4096xf32, #tpu.memory_space<hbm>>
      %dma_start3A_1064 = tpu.memref_squeeze %dma_start3A_1063 : memref<1x1x1x4096xf32, #tpu.memory_space<hbm>> -> memref<4096xf32, #tpu.memory_space<hbm>>
      %dma_start3A_1065 = arith.constant 4096 : i32
      %dma_start3A_1066 = tpu.memref_slice %arg4[%select_n3A_655, %select_n3A_695, %select_n3A_711, %dma_start3A_1065] : memref<16x8x2x65536xf32, #tpu.memory_space<hbm>> -> memref<1x1x1x4096xf32, #tpu.memory_space<hbm>>
      %dma_start3A_1067 = tpu.memref_squeeze %dma_start3A_1066 : memref<1x1x1x4096xf32, #tpu.memory_space<hbm>> -> memref<4096xf32, #tpu.memory_space<hbm>>
      tpu.enqueue_dma source(%arg6 : memref<4096xf32, #tpu.memory_space<vmem>>) target(%dma_start3A_1067 : memref<4096xf32, #tpu.memory_space<hbm>>) target_semaphore(%arg14 : memref<!tpu.dma_semaphore, #tpu.memory_space<semaphore_mem>>)
      %dma_start3A_1068 = arith.constant 8192 : i32
      %dma_start3A_1069 = tpu.memref_slice %arg4[%select_n3A_655, %select_n3A_695, %select_n3A_711, %dma_start3A_1068] : memref<16x8x2x65536xf32, #tpu.memory_space<hbm>> -> memref<1x1x1x4096xf32, #tpu.memory_space<hbm>>
      %dma_start3A_1070 = tpu.memref_squeeze %dma_start3A_1069 : memref<1x1x1x4096xf32, #tpu.memory_space<hbm>> -> memref<4096xf32, #tpu.memory_space<hbm>>
      %dma_start3A_1071 = arith.constant 8192 : i32
      %dma_start3A_1072 = tpu.memref_slice %arg4[%select_n3A_655, %select_n3A_695, %select_n3A_711, %dma_start3A_1071] : memref<16x8x2x65536xf32, #tpu.memory_space<hbm>> -> memref<1x1x1x4096xf32, #tpu.memory_space<hbm>>
      %dma_start3A_1073 = tpu.memref_squeeze %dma_start3A_1072 : memref<1x1x1x4096xf32, #tpu.memory_space<hbm>> -> memref<4096xf32, #tpu.memory_space<hbm>>
      tpu.enqueue_dma source(%arg6 : memref<4096xf32, #tpu.memory_space<vmem>>) target(%dma_start3A_1073 : memref<4096xf32, #tpu.memory_space<hbm>>) target_semaphore(%arg14 : memref<!tpu.dma_semaphore, #tpu.memory_space<semaphore_mem>>)
      %dma_start3A_1074 = arith.constant 12288 : i32
      %dma_start3A_1075 = tpu.memref_slice %arg4[%select_n3A_655, %select_n3A_695, %select_n3A_711, %dma_start3A_1074] : memref<16x8x2x65536xf32, #tpu.memory_space<hbm>> -> memref<1x1x1x4096xf32, #tpu.memory_space<hbm>>
      %dma_start3A_1076 = tpu.memref_squeeze %dma_start3A_1075 : memref<1x1x1x4096xf32, #tpu.memory_space<hbm>> -> memref<4096xf32, #tpu.memory_space<hbm>>
      %dma_start3A_1077 = arith.constant 12288 : i32
      %dma_start3A_1078 = tpu.memref_slice %arg4[%select_n3A_655, %select_n3A_695, %select_n3A_711, %dma_start3A_1077] : memref<16x8x2x65536xf32, #tpu.memory_space<hbm>> -> memref<1x1x1x4096xf32, #tpu.memory_space<hbm>>
      %dma_start3A_1079 = tpu.memref_squeeze %dma_start3A_1078 : memref<1x1x1x4096xf32, #tpu.memory_space<hbm>> -> memref<4096xf32, #tpu.memory_space<hbm>>
      tpu.enqueue_dma source(%arg6 : memref<4096xf32, #tpu.memory_space<vmem>>) target(%dma_start3A_1079 : memref<4096xf32, #tpu.memory_space<hbm>>) target_semaphore(%arg14 : memref<!tpu.dma_semaphore, #tpu.memory_space<semaphore_mem>>)
      %dma_start3A_1080 = arith.constant 16384 : i32
      %dma_start3A_1081 = tpu.memref_slice %arg4[%select_n3A_655, %select_n3A_695, %select_n3A_711, %dma_start3A_1080] : memref<16x8x2x65536xf32, #tpu.memory_space<hbm>> -> memref<1x1x1x4096xf32, #tpu.memory_space<hbm>>
      %dma_start3A_1082 = tpu.memref_squeeze %dma_start3A_1081 : memref<1x1x1x4096xf32, #tpu.memory_space<hbm>> -> memref<4096xf32, #tpu.memory_space<hbm>>
      %dma_start3A_1083 = arith.constant 16384 : i32
      %dma_start3A_1084 = tpu.memref_slice %arg4[%select_n3A_655, %select_n3A_695, %select_n3A_711, %dma_start3A_1083] : memref<16x8x2x65536xf32, #tpu.memory_space<hbm>> -> memref<1x1x1x4096xf32, #tpu.memory_space<hbm>>
      %dma_start3A_1085 = tpu.memref_squeeze %dma_start3A_1084 : memref<1x1x1x4096xf32, #tpu.memory_space<hbm>> -> memref<4096xf32, #tpu.memory_space<hbm>>
      tpu.enqueue_dma source(%arg6 : memref<4096xf32, #tpu.memory_space<vmem>>) target(%dma_start3A_1085 : memref<4096xf32, #tpu.memory_space<hbm>>) target_semaphore(%arg14 : memref<!tpu.dma_semaphore, #tpu.memory_space<semaphore_mem>>)
      %dma_start3A_1086 = arith.constant 20480 : i32
      %dma_start3A_1087 = tpu.memref_slice %arg4[%select_n3A_655, %select_n3A_695, %select_n3A_711, %dma_start3A_1086] : memref<16x8x2x65536xf32, #tpu.memory_space<hbm>> -> memref<1x1x1x4096xf32, #tpu.memory_space<hbm>>
      %dma_start3A_1088 = tpu.memref_squeeze %dma_start3A_1087 : memref<1x1x1x4096xf32, #tpu.memory_space<hbm>> -> memref<4096xf32, #tpu.memory_space<hbm>>
      %dma_start3A_1089 = arith.constant 20480 : i32
      %dma_start3A_1090 = tpu.memref_slice %arg4[%select_n3A_655, %select_n3A_695, %select_n3A_711, %dma_start3A_1089] : memref<16x8x2x65536xf32, #tpu.memory_space<hbm>> -> memref<1x1x1x4096xf32, #tpu.memory_space<hbm>>
      %dma_start3A_1091 = tpu.memref_squeeze %dma_start3A_1090 : memref<1x1x1x4096xf32, #tpu.memory_space<hbm>> -> memref<4096xf32, #tpu.memory_space<hbm>>
      tpu.enqueue_dma source(%arg6 : memref<4096xf32, #tpu.memory_space<vmem>>) target(%dma_start3A_1091 : memref<4096xf32, #tpu.memory_space<hbm>>) target_semaphore(%arg14 : memref<!tpu.dma_semaphore, #tpu.memory_space<semaphore_mem>>)
      %dma_start3A_1092 = arith.constant 24576 : i32
      %dma_start3A_1093 = tpu.memref_slice %arg4[%select_n3A_655, %select_n3A_695, %select_n3A_711, %dma_start3A_1092] : memref<16x8x2x65536xf32, #tpu.memory_space<hbm>> -> memref<1x1x1x4096xf32, #tpu.memory_space<hbm>>
      %dma_start3A_1094 = tpu.memref_squeeze %dma_start3A_1093 : memref<1x1x1x4096xf32, #tpu.memory_space<hbm>> -> memref<4096xf32, #tpu.memory_space<hbm>>
      %dma_start3A_1095 = arith.constant 24576 : i32
      %dma_start3A_1096 = tpu.memref_slice %arg4[%select_n3A_655, %select_n3A_695, %select_n3A_711, %dma_start3A_1095] : memref<16x8x2x65536xf32, #tpu.memory_space<hbm>> -> memref<1x1x1x4096xf32, #tpu.memory_space<hbm>>
      %dma_start3A_1097 = tpu.memref_squeeze %dma_start3A_1096 : memref<1x1x1x4096xf32, #tpu.memory_space<hbm>> -> memref<4096xf32, #tpu.memory_space<hbm>>
      tpu.enqueue_dma source(%arg6 : memref<4096xf32, #tpu.memory_space<vmem>>) target(%dma_start3A_1097 : memref<4096xf32, #tpu.memory_space<hbm>>) target_semaphore(%arg14 : memref<!tpu.dma_semaphore, #tpu.memory_space<semaphore_mem>>)
      %dma_start3A_1098 = arith.constant 28672 : i32
      %dma_start3A_1099 = tpu.memref_slice %arg4[%select_n3A_655, %select_n3A_695, %select_n3A_711, %dma_start3A_1098] : memref<16x8x2x65536xf32, #tpu.memory_space<hbm>> -> memref<1x1x1x4096xf32, #tpu.memory_space<hbm>>
      %dma_start3A_1100 = tpu.memref_squeeze %dma_start3A_1099 : memref<1x1x1x4096xf32, #tpu.memory_space<hbm>> -> memref<4096xf32, #tpu.memory_space<hbm>>
      %dma_start3A_1101 = arith.constant 28672 : i32
      %dma_start3A_1102 = tpu.memref_slice %arg4[%select_n3A_655, %select_n3A_695, %select_n3A_711, %dma_start3A_1101] : memref<16x8x2x65536xf32, #tpu.memory_space<hbm>> -> memref<1x1x1x4096xf32, #tpu.memory_space<hbm>>
      %dma_start3A_1103 = tpu.memref_squeeze %dma_start3A_1102 : memref<1x1x1x4096xf32, #tpu.memory_space<hbm>> -> memref<4096xf32, #tpu.memory_space<hbm>>
      tpu.enqueue_dma source(%arg6 : memref<4096xf32, #tpu.memory_space<vmem>>) target(%dma_start3A_1103 : memref<4096xf32, #tpu.memory_space<hbm>>) target_semaphore(%arg14 : memref<!tpu.dma_semaphore, #tpu.memory_space<semaphore_mem>>)
    } else {
    }
    %not3A_981 = arith.constant true
    %not3A_982 = arith.xori %eq3A_716, %not3A_981 : i1
    %convert_element_type3A_983 = arith.extui %not3A_982 : i1 to i32
    %cond3A_984 = arith.constant 0 : i32
    %cond3A_985 = arith.cmpi ne, %convert_element_type3A_983, %cond3A_984 : i32
    scf.if %cond3A_985 {
      %dma_wait3A = tpu.memref_slice %arg7[%mul3A_18] : memref<1572864xf32, #tpu.memory_space<vmem_shared>> -> memref<32768xf32, #tpu.memory_space<vmem_shared>>
      %dma_wait3A_1057 = arith.constant 0 : i32
      %dma_wait3A_1058 = tpu.memref_slice %arg2[%select_n3A_655, %select_n3A_695, %select_n3A_711, %dma_wait3A_1057] : memref<16x8x2x65536xf32, #tpu.memory_space<hbm>> -> memref<1x1x1x32768xf32, #tpu.memory_space<hbm>>
      %dma_wait3A_1059 = tpu.memref_squeeze %dma_wait3A_1058 : memref<1x1x1x32768xf32, #tpu.memory_space<hbm>> -> memref<32768xf32, #tpu.memory_space<hbm>>
      tpu.wait_dma2 semaphore(%arg10 : memref<!tpu.dma_semaphore, #tpu.memory_space<semaphore_mem>>) src(%dma_wait3A_1059 : memref<32768xf32, #tpu.memory_space<hbm>>) dst(%dma_wait3A : memref<32768xf32, #tpu.memory_space<vmem_shared>>)
      %dma_start3A = arith.constant 0 : i32
      %dma_start3A_1060 = tpu.memref_slice %arg4[%select_n3A_655, %select_n3A_695, %select_n3A_711, %dma_start3A] : memref<16x8x2x65536xf32, #tpu.memory_space<hbm>> -> memref<1x1x1x32768xf32, #tpu.memory_space<hbm>>
      %dma_start3A_1061 = tpu.memref_squeeze %dma_start3A_1060 : memref<1x1x1x32768xf32, #tpu.memory_space<hbm>> -> memref<32768xf32, #tpu.memory_space<hbm>>
      %dma_start3A_1062 = tpu.memref_slice %arg7[%mul3A_18] : memref<1572864xf32, #tpu.memory_space<vmem_shared>> -> memref<32768xf32, #tpu.memory_space<vmem_shared>>
      tpu.enqueue_dma source(%dma_start3A_1062 : memref<32768xf32, #tpu.memory_space<vmem_shared>>) target(%dma_start3A_1061 : memref<32768xf32, #tpu.memory_space<hbm>>) target_semaphore(%arg13 : memref<!tpu.dma_semaphore, #tpu.memory_space<semaphore_mem>>)
    } else {
    }
    %convert_element_type3A_986 = arith.extui %eq3A_716 : i1 to i32
    %cond3A_987 = arith.constant 0 : i32
    %cond3A_988 = arith.cmpi ne, %convert_element_type3A_986, %cond3A_987 : i32
    scf.if %cond3A_988 {
      %dma_start3A = arith.constant 32768 : i32
      %dma_start3A_1057 = tpu.memref_slice %arg4[%select_n3A_655, %select_n3A_695, %select_n3A_711, %dma_start3A] : memref<16x8x2x65536xf32, #tpu.memory_space<hbm>> -> memref<1x1x1x4096xf32, #tpu.memory_space<hbm>>
      %dma_start3A_1058 = tpu.memref_squeeze %dma_start3A_1057 : memref<1x1x1x4096xf32, #tpu.memory_space<hbm>> -> memref<4096xf32, #tpu.memory_space<hbm>>
      %dma_start3A_1059 = arith.constant 32768 : i32
      %dma_start3A_1060 = tpu.memref_slice %arg4[%select_n3A_655, %select_n3A_695, %select_n3A_711, %dma_start3A_1059] : memref<16x8x2x65536xf32, #tpu.memory_space<hbm>> -> memref<1x1x1x4096xf32, #tpu.memory_space<hbm>>
      %dma_start3A_1061 = tpu.memref_squeeze %dma_start3A_1060 : memref<1x1x1x4096xf32, #tpu.memory_space<hbm>> -> memref<4096xf32, #tpu.memory_space<hbm>>
      tpu.enqueue_dma source(%arg6 : memref<4096xf32, #tpu.memory_space<vmem>>) target(%dma_start3A_1061 : memref<4096xf32, #tpu.memory_space<hbm>>) target_semaphore(%arg14 : memref<!tpu.dma_semaphore, #tpu.memory_space<semaphore_mem>>)
      %dma_start3A_1062 = arith.constant 36864 : i32
      %dma_start3A_1063 = tpu.memref_slice %arg4[%select_n3A_655, %select_n3A_695, %select_n3A_711, %dma_start3A_1062] : memref<16x8x2x65536xf32, #tpu.memory_space<hbm>> -> memref<1x1x1x4096xf32, #tpu.memory_space<hbm>>
      %dma_start3A_1064 = tpu.memref_squeeze %dma_start3A_1063 : memref<1x1x1x4096xf32, #tpu.memory_space<hbm>> -> memref<4096xf32, #tpu.memory_space<hbm>>
      %dma_start3A_1065 = arith.constant 36864 : i32
      %dma_start3A_1066 = tpu.memref_slice %arg4[%select_n3A_655, %select_n3A_695, %select_n3A_711, %dma_start3A_1065] : memref<16x8x2x65536xf32, #tpu.memory_space<hbm>> -> memref<1x1x1x4096xf32, #tpu.memory_space<hbm>>
      %dma_start3A_1067 = tpu.memref_squeeze %dma_start3A_1066 : memref<1x1x1x4096xf32, #tpu.memory_space<hbm>> -> memref<4096xf32, #tpu.memory_space<hbm>>
      tpu.enqueue_dma source(%arg6 : memref<4096xf32, #tpu.memory_space<vmem>>) target(%dma_start3A_1067 : memref<4096xf32, #tpu.memory_space<hbm>>) target_semaphore(%arg14 : memref<!tpu.dma_semaphore, #tpu.memory_space<semaphore_mem>>)
      %dma_start3A_1068 = arith.constant 40960 : i32
      %dma_start3A_1069 = tpu.memref_slice %arg4[%select_n3A_655, %select_n3A_695, %select_n3A_711, %dma_start3A_1068] : memref<16x8x2x65536xf32, #tpu.memory_space<hbm>> -> memref<1x1x1x4096xf32, #tpu.memory_space<hbm>>
      %dma_start3A_1070 = tpu.memref_squeeze %dma_start3A_1069 : memref<1x1x1x4096xf32, #tpu.memory_space<hbm>> -> memref<4096xf32, #tpu.memory_space<hbm>>
      %dma_start3A_1071 = arith.constant 40960 : i32
      %dma_start3A_1072 = tpu.memref_slice %arg4[%select_n3A_655, %select_n3A_695, %select_n3A_711, %dma_start3A_1071] : memref<16x8x2x65536xf32, #tpu.memory_space<hbm>> -> memref<1x1x1x4096xf32, #tpu.memory_space<hbm>>
      %dma_start3A_1073 = tpu.memref_squeeze %dma_start3A_1072 : memref<1x1x1x4096xf32, #tpu.memory_space<hbm>> -> memref<4096xf32, #tpu.memory_space<hbm>>
      tpu.enqueue_dma source(%arg6 : memref<4096xf32, #tpu.memory_space<vmem>>) target(%dma_start3A_1073 : memref<4096xf32, #tpu.memory_space<hbm>>) target_semaphore(%arg14 : memref<!tpu.dma_semaphore, #tpu.memory_space<semaphore_mem>>)
      %dma_start3A_1074 = arith.constant 45056 : i32
      %dma_start3A_1075 = tpu.memref_slice %arg4[%select_n3A_655, %select_n3A_695, %select_n3A_711, %dma_start3A_1074] : memref<16x8x2x65536xf32, #tpu.memory_space<hbm>> -> memref<1x1x1x4096xf32, #tpu.memory_space<hbm>>
      %dma_start3A_1076 = tpu.memref_squeeze %dma_start3A_1075 : memref<1x1x1x4096xf32, #tpu.memory_space<hbm>> -> memref<4096xf32, #tpu.memory_space<hbm>>
      %dma_start3A_1077 = arith.constant 45056 : i32
      %dma_start3A_1078 = tpu.memref_slice %arg4[%select_n3A_655, %select_n3A_695, %select_n3A_711, %dma_start3A_1077] : memref<16x8x2x65536xf32, #tpu.memory_space<hbm>> -> memref<1x1x1x4096xf32, #tpu.memory_space<hbm>>
      %dma_start3A_1079 = tpu.memref_squeeze %dma_start3A_1078 : memref<1x1x1x4096xf32, #tpu.memory_space<hbm>> -> memref<4096xf32, #tpu.memory_space<hbm>>
      tpu.enqueue_dma source(%arg6 : memref<4096xf32, #tpu.memory_space<vmem>>) target(%dma_start3A_1079 : memref<4096xf32, #tpu.memory_space<hbm>>) target_semaphore(%arg14 : memref<!tpu.dma_semaphore, #tpu.memory_space<semaphore_mem>>)
      %dma_start3A_1080 = arith.constant 49152 : i32
      %dma_start3A_1081 = tpu.memref_slice %arg4[%select_n3A_655, %select_n3A_695, %select_n3A_711, %dma_start3A_1080] : memref<16x8x2x65536xf32, #tpu.memory_space<hbm>> -> memref<1x1x1x4096xf32, #tpu.memory_space<hbm>>
      %dma_start3A_1082 = tpu.memref_squeeze %dma_start3A_1081 : memref<1x1x1x4096xf32, #tpu.memory_space<hbm>> -> memref<4096xf32, #tpu.memory_space<hbm>>
      %dma_start3A_1083 = arith.constant 49152 : i32
      %dma_start3A_1084 = tpu.memref_slice %arg4[%select_n3A_655, %select_n3A_695, %select_n3A_711, %dma_start3A_1083] : memref<16x8x2x65536xf32, #tpu.memory_space<hbm>> -> memref<1x1x1x4096xf32, #tpu.memory_space<hbm>>
      %dma_start3A_1085 = tpu.memref_squeeze %dma_start3A_1084 : memref<1x1x1x4096xf32, #tpu.memory_space<hbm>> -> memref<4096xf32, #tpu.memory_space<hbm>>
      tpu.enqueue_dma source(%arg6 : memref<4096xf32, #tpu.memory_space<vmem>>) target(%dma_start3A_1085 : memref<4096xf32, #tpu.memory_space<hbm>>) target_semaphore(%arg14 : memref<!tpu.dma_semaphore, #tpu.memory_space<semaphore_mem>>)
      %dma_start3A_1086 = arith.constant 53248 : i32
      %dma_start3A_1087 = tpu.memref_slice %arg4[%select_n3A_655, %select_n3A_695, %select_n3A_711, %dma_start3A_1086] : memref<16x8x2x65536xf32, #tpu.memory_space<hbm>> -> memref<1x1x1x4096xf32, #tpu.memory_space<hbm>>
      %dma_start3A_1088 = tpu.memref_squeeze %dma_start3A_1087 : memref<1x1x1x4096xf32, #tpu.memory_space<hbm>> -> memref<4096xf32, #tpu.memory_space<hbm>>
      %dma_start3A_1089 = arith.constant 53248 : i32
      %dma_start3A_1090 = tpu.memref_slice %arg4[%select_n3A_655, %select_n3A_695, %select_n3A_711, %dma_start3A_1089] : memref<16x8x2x65536xf32, #tpu.memory_space<hbm>> -> memref<1x1x1x4096xf32, #tpu.memory_space<hbm>>
      %dma_start3A_1091 = tpu.memref_squeeze %dma_start3A_1090 : memref<1x1x1x4096xf32, #tpu.memory_space<hbm>> -> memref<4096xf32, #tpu.memory_space<hbm>>
      tpu.enqueue_dma source(%arg6 : memref<4096xf32, #tpu.memory_space<vmem>>) target(%dma_start3A_1091 : memref<4096xf32, #tpu.memory_space<hbm>>) target_semaphore(%arg14 : memref<!tpu.dma_semaphore, #tpu.memory_space<semaphore_mem>>)
      %dma_start3A_1092 = arith.constant 57344 : i32
      %dma_start3A_1093 = tpu.memref_slice %arg4[%select_n3A_655, %select_n3A_695, %select_n3A_711, %dma_start3A_1092] : memref<16x8x2x65536xf32, #tpu.memory_space<hbm>> -> memref<1x1x1x4096xf32, #tpu.memory_space<hbm>>
      %dma_start3A_1094 = tpu.memref_squeeze %dma_start3A_1093 : memref<1x1x1x4096xf32, #tpu.memory_space<hbm>> -> memref<4096xf32, #tpu.memory_space<hbm>>
      %dma_start3A_1095 = arith.constant 57344 : i32
      %dma_start3A_1096 = tpu.memref_slice %arg4[%select_n3A_655, %select_n3A_695, %select_n3A_711, %dma_start3A_1095] : memref<16x8x2x65536xf32, #tpu.memory_space<hbm>> -> memref<1x1x1x4096xf32, #tpu.memory_space<hbm>>
      %dma_start3A_1097 = tpu.memref_squeeze %dma_start3A_1096 : memref<1x1x1x4096xf32, #tpu.memory_space<hbm>> -> memref<4096xf32, #tpu.memory_space<hbm>>
      tpu.enqueue_dma source(%arg6 : memref<4096xf32, #tpu.memory_space<vmem>>) target(%dma_start3A_1097 : memref<4096xf32, #tpu.memory_space<hbm>>) target_semaphore(%arg14 : memref<!tpu.dma_semaphore, #tpu.memory_space<semaphore_mem>>)
      %dma_start3A_1098 = arith.constant 61440 : i32
      %dma_start3A_1099 = tpu.memref_slice %arg4[%select_n3A_655, %select_n3A_695, %select_n3A_711, %dma_start3A_1098] : memref<16x8x2x65536xf32, #tpu.memory_space<hbm>> -> memref<1x1x1x4096xf32, #tpu.memory_space<hbm>>
      %dma_start3A_1100 = tpu.memref_squeeze %dma_start3A_1099 : memref<1x1x1x4096xf32, #tpu.memory_space<hbm>> -> memref<4096xf32, #tpu.memory_space<hbm>>
      %dma_start3A_1101 = arith.constant 61440 : i32
      %dma_start3A_1102 = tpu.memref_slice %arg4[%select_n3A_655, %select_n3A_695, %select_n3A_711, %dma_start3A_1101] : memref<16x8x2x65536xf32, #tpu.memory_space<hbm>> -> memref<1x1x1x4096xf32, #tpu.memory_space<hbm>>
      %dma_start3A_1103 = tpu.memref_squeeze %dma_start3A_1102 : memref<1x1x1x4096xf32, #tpu.memory_space<hbm>> -> memref<4096xf32, #tpu.memory_space<hbm>>
      tpu.enqueue_dma source(%arg6 : memref<4096xf32, #tpu.memory_space<vmem>>) target(%dma_start3A_1103 : memref<4096xf32, #tpu.memory_space<hbm>>) target_semaphore(%arg14 : memref<!tpu.dma_semaphore, #tpu.memory_space<semaphore_mem>>)
    } else {
    }
    %not3A_989 = arith.constant true
    %not3A_990 = arith.xori %eq3A_716, %not3A_989 : i1
    %convert_element_type3A_991 = arith.extui %not3A_990 : i1 to i32
    %cond3A_992 = arith.constant 0 : i32
    %cond3A_993 = arith.cmpi ne, %convert_element_type3A_991, %cond3A_992 : i32
    scf.if %cond3A_993 {
      %dma_wait3A = tpu.memref_slice %arg7[%mul3A_6] : memref<1572864xf32, #tpu.memory_space<vmem_shared>> -> memref<32768xf32, #tpu.memory_space<vmem_shared>>
      %dma_wait3A_1057 = arith.constant 32768 : i32
      %dma_wait3A_1058 = tpu.memref_slice %arg2[%select_n3A_655, %select_n3A_695, %select_n3A_711, %dma_wait3A_1057] : memref<16x8x2x65536xf32, #tpu.memory_space<hbm>> -> memref<1x1x1x32768xf32, #tpu.memory_space<hbm>>
      %dma_wait3A_1059 = tpu.memref_squeeze %dma_wait3A_1058 : memref<1x1x1x32768xf32, #tpu.memory_space<hbm>> -> memref<32768xf32, #tpu.memory_space<hbm>>
      tpu.wait_dma2 semaphore(%arg8 : memref<!tpu.dma_semaphore, #tpu.memory_space<semaphore_mem>>) src(%dma_wait3A_1059 : memref<32768xf32, #tpu.memory_space<hbm>>) dst(%dma_wait3A : memref<32768xf32, #tpu.memory_space<vmem_shared>>)
      %dma_start3A = arith.constant 32768 : i32
      %dma_start3A_1060 = tpu.memref_slice %arg4[%select_n3A_655, %select_n3A_695, %select_n3A_711, %dma_start3A] : memref<16x8x2x65536xf32, #tpu.memory_space<hbm>> -> memref<1x1x1x32768xf32, #tpu.memory_space<hbm>>
      %dma_start3A_1061 = tpu.memref_squeeze %dma_start3A_1060 : memref<1x1x1x32768xf32, #tpu.memory_space<hbm>> -> memref<32768xf32, #tpu.memory_space<hbm>>
      %dma_start3A_1062 = tpu.memref_slice %arg7[%mul3A_6] : memref<1572864xf32, #tpu.memory_space<vmem_shared>> -> memref<32768xf32, #tpu.memory_space<vmem_shared>>
      tpu.enqueue_dma source(%dma_start3A_1062 : memref<32768xf32, #tpu.memory_space<vmem_shared>>) target(%dma_start3A_1061 : memref<32768xf32, #tpu.memory_space<hbm>>) target_semaphore(%arg11 : memref<!tpu.dma_semaphore, #tpu.memory_space<semaphore_mem>>)
    } else {
    }
    %not3A_994 = arith.constant true
    %not3A_995 = arith.xori %eq3A_627, %not3A_994 : i1
    %convert_element_type3A_996 = arith.extui %not3A_995 : i1 to i32
    %cond3A_997 = arith.constant 0 : i32
    %cond3A_998 = arith.cmpi ne, %convert_element_type3A_996, %cond3A_997 : i32
    scf.if %cond3A_998 {
      %dma_wait3A = arith.constant 32768 : i32
      %dma_wait3A_1057 = tpu.memref_slice %arg4[%select_n3A_566, %select_n3A_606, %select_n3A_622, %dma_wait3A] : memref<16x8x2x65536xf32, #tpu.memory_space<hbm>> -> memref<1x1x1x32768xf32, #tpu.memory_space<hbm>>
      %dma_wait3A_1058 = tpu.memref_squeeze %dma_wait3A_1057 : memref<1x1x1x32768xf32, #tpu.memory_space<hbm>> -> memref<32768xf32, #tpu.memory_space<hbm>>
      %dma_wait3A_1059 = tpu.memref_slice %arg7[%mul3A_12] : memref<1572864xf32, #tpu.memory_space<vmem_shared>> -> memref<32768xf32, #tpu.memory_space<vmem_shared>>
      tpu.wait_dma2 semaphore(%arg12 : memref<!tpu.dma_semaphore, #tpu.memory_space<semaphore_mem>>) src(%dma_wait3A_1059 : memref<32768xf32, #tpu.memory_space<vmem_shared>>) dst(%dma_wait3A_1058 : memref<32768xf32, #tpu.memory_space<hbm>>)
    } else {
    }
    %not3A_999 = arith.constant true
    %not3A_1000 = arith.xori %eq3A_716, %not3A_999 : i1
    %convert_element_type3A_1001 = arith.extui %not3A_1000 : i1 to i32
    %cond3A_1002 = arith.constant 0 : i32
    %cond3A_1003 = arith.cmpi ne, %convert_element_type3A_1001, %cond3A_1002 : i32
    scf.if %cond3A_1003 {
      %dma_wait3A = arith.constant 0 : i32
      %dma_wait3A_1057 = tpu.memref_slice %arg4[%select_n3A_655, %select_n3A_695, %select_n3A_711, %dma_wait3A] : memref<16x8x2x65536xf32, #tpu.memory_space<hbm>> -> memref<1x1x1x32768xf32, #tpu.memory_space<hbm>>
      %dma_wait3A_1058 = tpu.memref_squeeze %dma_wait3A_1057 : memref<1x1x1x32768xf32, #tpu.memory_space<hbm>> -> memref<32768xf32, #tpu.memory_space<hbm>>
      %dma_wait3A_1059 = tpu.memref_slice %arg7[%mul3A_18] : memref<1572864xf32, #tpu.memory_space<vmem_shared>> -> memref<32768xf32, #tpu.memory_space<vmem_shared>>
      tpu.wait_dma2 semaphore(%arg13 : memref<!tpu.dma_semaphore, #tpu.memory_space<semaphore_mem>>) src(%dma_wait3A_1059 : memref<32768xf32, #tpu.memory_space<vmem_shared>>) dst(%dma_wait3A_1058 : memref<32768xf32, #tpu.memory_space<hbm>>)
    } else {
    }
    %not3A_1004 = arith.constant true
    %not3A_1005 = arith.xori %eq3A_716, %not3A_1004 : i1
    %convert_element_type3A_1006 = arith.extui %not3A_1005 : i1 to i32
    %cond3A_1007 = arith.constant 0 : i32
    %cond3A_1008 = arith.cmpi ne, %convert_element_type3A_1006, %cond3A_1007 : i32
    scf.if %cond3A_1008 {
      %dma_wait3A = arith.constant 32768 : i32
      %dma_wait3A_1057 = tpu.memref_slice %arg4[%select_n3A_655, %select_n3A_695, %select_n3A_711, %dma_wait3A] : memref<16x8x2x65536xf32, #tpu.memory_space<hbm>> -> memref<1x1x1x32768xf32, #tpu.memory_space<hbm>>
      %dma_wait3A_1058 = tpu.memref_squeeze %dma_wait3A_1057 : memref<1x1x1x32768xf32, #tpu.memory_space<hbm>> -> memref<32768xf32, #tpu.memory_space<hbm>>
      %dma_wait3A_1059 = tpu.memref_slice %arg7[%mul3A_6] : memref<1572864xf32, #tpu.memory_space<vmem_shared>> -> memref<32768xf32, #tpu.memory_space<vmem_shared>>
      tpu.wait_dma2 semaphore(%arg11 : memref<!tpu.dma_semaphore, #tpu.memory_space<semaphore_mem>>) src(%dma_wait3A_1059 : memref<32768xf32, #tpu.memory_space<vmem_shared>>) dst(%dma_wait3A_1058 : memref<32768xf32, #tpu.memory_space<hbm>>)
    } else {
    }
    %convert_element_type3A_1009 = arith.extui %eq3A_93 : i1 to i32
    %cond3A_1010 = arith.constant 0 : i32
    %cond3A_1011 = arith.cmpi ne, %convert_element_type3A_1009, %cond3A_1010 : i32
    scf.if %cond3A_1011 {
      %dma_wait3A = arith.constant 0 : i32
      %dma_wait3A_1057 = tpu.memref_slice %arg4[%select_n3A, %select_n3A_76, %select_n3A_92, %dma_wait3A] : memref<16x8x2x65536xf32, #tpu.memory_space<hbm>> -> memref<1x1x1x4096xf32, #tpu.memory_space<hbm>>
      %dma_wait3A_1058 = tpu.memref_squeeze %dma_wait3A_1057 : memref<1x1x1x4096xf32, #tpu.memory_space<hbm>> -> memref<4096xf32, #tpu.memory_space<hbm>>
      %dma_wait3A_1059 = arith.constant 0 : i32
      %dma_wait3A_1060 = tpu.memref_slice %arg4[%select_n3A, %select_n3A_76, %select_n3A_92, %dma_wait3A_1059] : memref<16x8x2x65536xf32, #tpu.memory_space<hbm>> -> memref<1x1x1x4096xf32, #tpu.memory_space<hbm>>
      %dma_wait3A_1061 = tpu.memref_squeeze %dma_wait3A_1060 : memref<1x1x1x4096xf32, #tpu.memory_space<hbm>> -> memref<4096xf32, #tpu.memory_space<hbm>>
      tpu.wait_dma2 semaphore(%arg14 : memref<!tpu.dma_semaphore, #tpu.memory_space<semaphore_mem>>) src(%arg6 : memref<4096xf32, #tpu.memory_space<vmem>>) dst(%dma_wait3A_1061 : memref<4096xf32, #tpu.memory_space<hbm>>)
      %dma_wait3A_1062 = arith.constant 4096 : i32
      %dma_wait3A_1063 = tpu.memref_slice %arg4[%select_n3A, %select_n3A_76, %select_n3A_92, %dma_wait3A_1062] : memref<16x8x2x65536xf32, #tpu.memory_space<hbm>> -> memref<1x1x1x4096xf32, #tpu.memory_space<hbm>>
      %dma_wait3A_1064 = tpu.memref_squeeze %dma_wait3A_1063 : memref<1x1x1x4096xf32, #tpu.memory_space<hbm>> -> memref<4096xf32, #tpu.memory_space<hbm>>
      %dma_wait3A_1065 = arith.constant 4096 : i32
      %dma_wait3A_1066 = tpu.memref_slice %arg4[%select_n3A, %select_n3A_76, %select_n3A_92, %dma_wait3A_1065] : memref<16x8x2x65536xf32, #tpu.memory_space<hbm>> -> memref<1x1x1x4096xf32, #tpu.memory_space<hbm>>
      %dma_wait3A_1067 = tpu.memref_squeeze %dma_wait3A_1066 : memref<1x1x1x4096xf32, #tpu.memory_space<hbm>> -> memref<4096xf32, #tpu.memory_space<hbm>>
      tpu.wait_dma2 semaphore(%arg14 : memref<!tpu.dma_semaphore, #tpu.memory_space<semaphore_mem>>) src(%arg6 : memref<4096xf32, #tpu.memory_space<vmem>>) dst(%dma_wait3A_1067 : memref<4096xf32, #tpu.memory_space<hbm>>)
      %dma_wait3A_1068 = arith.constant 8192 : i32
      %dma_wait3A_1069 = tpu.memref_slice %arg4[%select_n3A, %select_n3A_76, %select_n3A_92, %dma_wait3A_1068] : memref<16x8x2x65536xf32, #tpu.memory_space<hbm>> -> memref<1x1x1x4096xf32, #tpu.memory_space<hbm>>
      %dma_wait3A_1070 = tpu.memref_squeeze %dma_wait3A_1069 : memref<1x1x1x4096xf32, #tpu.memory_space<hbm>> -> memref<4096xf32, #tpu.memory_space<hbm>>
      %dma_wait3A_1071 = arith.constant 8192 : i32
      %dma_wait3A_1072 = tpu.memref_slice %arg4[%select_n3A, %select_n3A_76, %select_n3A_92, %dma_wait3A_1071] : memref<16x8x2x65536xf32, #tpu.memory_space<hbm>> -> memref<1x1x1x4096xf32, #tpu.memory_space<hbm>>
      %dma_wait3A_1073 = tpu.memref_squeeze %dma_wait3A_1072 : memref<1x1x1x4096xf32, #tpu.memory_space<hbm>> -> memref<4096xf32, #tpu.memory_space<hbm>>
      tpu.wait_dma2 semaphore(%arg14 : memref<!tpu.dma_semaphore, #tpu.memory_space<semaphore_mem>>) src(%arg6 : memref<4096xf32, #tpu.memory_space<vmem>>) dst(%dma_wait3A_1073 : memref<4096xf32, #tpu.memory_space<hbm>>)
      %dma_wait3A_1074 = arith.constant 12288 : i32
      %dma_wait3A_1075 = tpu.memref_slice %arg4[%select_n3A, %select_n3A_76, %select_n3A_92, %dma_wait3A_1074] : memref<16x8x2x65536xf32, #tpu.memory_space<hbm>> -> memref<1x1x1x4096xf32, #tpu.memory_space<hbm>>
      %dma_wait3A_1076 = tpu.memref_squeeze %dma_wait3A_1075 : memref<1x1x1x4096xf32, #tpu.memory_space<hbm>> -> memref<4096xf32, #tpu.memory_space<hbm>>
      %dma_wait3A_1077 = arith.constant 12288 : i32
      %dma_wait3A_1078 = tpu.memref_slice %arg4[%select_n3A, %select_n3A_76, %select_n3A_92, %dma_wait3A_1077] : memref<16x8x2x65536xf32, #tpu.memory_space<hbm>> -> memref<1x1x1x4096xf32, #tpu.memory_space<hbm>>
      %dma_wait3A_1079 = tpu.memref_squeeze %dma_wait3A_1078 : memref<1x1x1x4096xf32, #tpu.memory_space<hbm>> -> memref<4096xf32, #tpu.memory_space<hbm>>
      tpu.wait_dma2 semaphore(%arg14 : memref<!tpu.dma_semaphore, #tpu.memory_space<semaphore_mem>>) src(%arg6 : memref<4096xf32, #tpu.memory_space<vmem>>) dst(%dma_wait3A_1079 : memref<4096xf32, #tpu.memory_space<hbm>>)
      %dma_wait3A_1080 = arith.constant 16384 : i32
      %dma_wait3A_1081 = tpu.memref_slice %arg4[%select_n3A, %select_n3A_76, %select_n3A_92, %dma_wait3A_1080] : memref<16x8x2x65536xf32, #tpu.memory_space<hbm>> -> memref<1x1x1x4096xf32, #tpu.memory_space<hbm>>
      %dma_wait3A_1082 = tpu.memref_squeeze %dma_wait3A_1081 : memref<1x1x1x4096xf32, #tpu.memory_space<hbm>> -> memref<4096xf32, #tpu.memory_space<hbm>>
      %dma_wait3A_1083 = arith.constant 16384 : i32
      %dma_wait3A_1084 = tpu.memref_slice %arg4[%select_n3A, %select_n3A_76, %select_n3A_92, %dma_wait3A_1083] : memref<16x8x2x65536xf32, #tpu.memory_space<hbm>> -> memref<1x1x1x4096xf32, #tpu.memory_space<hbm>>
      %dma_wait3A_1085 = tpu.memref_squeeze %dma_wait3A_1084 : memref<1x1x1x4096xf32, #tpu.memory_space<hbm>> -> memref<4096xf32, #tpu.memory_space<hbm>>
      tpu.wait_dma2 semaphore(%arg14 : memref<!tpu.dma_semaphore, #tpu.memory_space<semaphore_mem>>) src(%arg6 : memref<4096xf32, #tpu.memory_space<vmem>>) dst(%dma_wait3A_1085 : memref<4096xf32, #tpu.memory_space<hbm>>)
      %dma_wait3A_1086 = arith.constant 20480 : i32
      %dma_wait3A_1087 = tpu.memref_slice %arg4[%select_n3A, %select_n3A_76, %select_n3A_92, %dma_wait3A_1086] : memref<16x8x2x65536xf32, #tpu.memory_space<hbm>> -> memref<1x1x1x4096xf32, #tpu.memory_space<hbm>>
      %dma_wait3A_1088 = tpu.memref_squeeze %dma_wait3A_1087 : memref<1x1x1x4096xf32, #tpu.memory_space<hbm>> -> memref<4096xf32, #tpu.memory_space<hbm>>
      %dma_wait3A_1089 = arith.constant 20480 : i32
      %dma_wait3A_1090 = tpu.memref_slice %arg4[%select_n3A, %select_n3A_76, %select_n3A_92, %dma_wait3A_1089] : memref<16x8x2x65536xf32, #tpu.memory_space<hbm>> -> memref<1x1x1x4096xf32, #tpu.memory_space<hbm>>
      %dma_wait3A_1091 = tpu.memref_squeeze %dma_wait3A_1090 : memref<1x1x1x4096xf32, #tpu.memory_space<hbm>> -> memref<4096xf32, #tpu.memory_space<hbm>>
      tpu.wait_dma2 semaphore(%arg14 : memref<!tpu.dma_semaphore, #tpu.memory_space<semaphore_mem>>) src(%arg6 : memref<4096xf32, #tpu.memory_space<vmem>>) dst(%dma_wait3A_1091 : memref<4096xf32, #tpu.memory_space<hbm>>)
      %dma_wait3A_1092 = arith.constant 24576 : i32
      %dma_wait3A_1093 = tpu.memref_slice %arg4[%select_n3A, %select_n3A_76, %select_n3A_92, %dma_wait3A_1092] : memref<16x8x2x65536xf32, #tpu.memory_space<hbm>> -> memref<1x1x1x4096xf32, #tpu.memory_space<hbm>>
      %dma_wait3A_1094 = tpu.memref_squeeze %dma_wait3A_1093 : memref<1x1x1x4096xf32, #tpu.memory_space<hbm>> -> memref<4096xf32, #tpu.memory_space<hbm>>
      %dma_wait3A_1095 = arith.constant 24576 : i32
      %dma_wait3A_1096 = tpu.memref_slice %arg4[%select_n3A, %select_n3A_76, %select_n3A_92, %dma_wait3A_1095] : memref<16x8x2x65536xf32, #tpu.memory_space<hbm>> -> memref<1x1x1x4096xf32, #tpu.memory_space<hbm>>
      %dma_wait3A_1097 = tpu.memref_squeeze %dma_wait3A_1096 : memref<1x1x1x4096xf32, #tpu.memory_space<hbm>> -> memref<4096xf32, #tpu.memory_space<hbm>>
      tpu.wait_dma2 semaphore(%arg14 : memref<!tpu.dma_semaphore, #tpu.memory_space<semaphore_mem>>) src(%arg6 : memref<4096xf32, #tpu.memory_space<vmem>>) dst(%dma_wait3A_1097 : memref<4096xf32, #tpu.memory_space<hbm>>)
      %dma_wait3A_1098 = arith.constant 28672 : i32
      %dma_wait3A_1099 = tpu.memref_slice %arg4[%select_n3A, %select_n3A_76, %select_n3A_92, %dma_wait3A_1098] : memref<16x8x2x65536xf32, #tpu.memory_space<hbm>> -> memref<1x1x1x4096xf32, #tpu.memory_space<hbm>>
      %dma_wait3A_1100 = tpu.memref_squeeze %dma_wait3A_1099 : memref<1x1x1x4096xf32, #tpu.memory_space<hbm>> -> memref<4096xf32, #tpu.memory_space<hbm>>
      %dma_wait3A_1101 = arith.constant 28672 : i32
      %dma_wait3A_1102 = tpu.memref_slice %arg4[%select_n3A, %select_n3A_76, %select_n3A_92, %dma_wait3A_1101] : memref<16x8x2x65536xf32, #tpu.memory_space<hbm>> -> memref<1x1x1x4096xf32, #tpu.memory_space<hbm>>
      %dma_wait3A_1103 = tpu.memref_squeeze %dma_wait3A_1102 : memref<1x1x1x4096xf32, #tpu.memory_space<hbm>> -> memref<4096xf32, #tpu.memory_space<hbm>>
      tpu.wait_dma2 semaphore(%arg14 : memref<!tpu.dma_semaphore, #tpu.memory_space<semaphore_mem>>) src(%arg6 : memref<4096xf32, #tpu.memory_space<vmem>>) dst(%dma_wait3A_1103 : memref<4096xf32, #tpu.memory_space<hbm>>)
    } else {
    }
    %convert_element_type3A_1012 = arith.extui %eq3A_93 : i1 to i32
    %cond3A_1013 = arith.constant 0 : i32
    %cond3A_1014 = arith.cmpi ne, %convert_element_type3A_1012, %cond3A_1013 : i32
    scf.if %cond3A_1014 {
      %dma_wait3A = arith.constant 32768 : i32
      %dma_wait3A_1057 = tpu.memref_slice %arg4[%select_n3A, %select_n3A_76, %select_n3A_92, %dma_wait3A] : memref<16x8x2x65536xf32, #tpu.memory_space<hbm>> -> memref<1x1x1x4096xf32, #tpu.memory_space<hbm>>
      %dma_wait3A_1058 = tpu.memref_squeeze %dma_wait3A_1057 : memref<1x1x1x4096xf32, #tpu.memory_space<hbm>> -> memref<4096xf32, #tpu.memory_space<hbm>>
      %dma_wait3A_1059 = arith.constant 32768 : i32
      %dma_wait3A_1060 = tpu.memref_slice %arg4[%select_n3A, %select_n3A_76, %select_n3A_92, %dma_wait3A_1059] : memref<16x8x2x65536xf32, #tpu.memory_space<hbm>> -> memref<1x1x1x4096xf32, #tpu.memory_space<hbm>>
      %dma_wait3A_1061 = tpu.memref_squeeze %dma_wait3A_1060 : memref<1x1x1x4096xf32, #tpu.memory_space<hbm>> -> memref<4096xf32, #tpu.memory_space<hbm>>
      tpu.wait_dma2 semaphore(%arg14 : memref<!tpu.dma_semaphore, #tpu.memory_space<semaphore_mem>>) src(%arg6 : memref<4096xf32, #tpu.memory_space<vmem>>) dst(%dma_wait3A_1061 : memref<4096xf32, #tpu.memory_space<hbm>>)
      %dma_wait3A_1062 = arith.constant 36864 : i32
      %dma_wait3A_1063 = tpu.memref_slice %arg4[%select_n3A, %select_n3A_76, %select_n3A_92, %dma_wait3A_1062] : memref<16x8x2x65536xf32, #tpu.memory_space<hbm>> -> memref<1x1x1x4096xf32, #tpu.memory_space<hbm>>
      %dma_wait3A_1064 = tpu.memref_squeeze %dma_wait3A_1063 : memref<1x1x1x4096xf32, #tpu.memory_space<hbm>> -> memref<4096xf32, #tpu.memory_space<hbm>>
      %dma_wait3A_1065 = arith.constant 36864 : i32
      %dma_wait3A_1066 = tpu.memref_slice %arg4[%select_n3A, %select_n3A_76, %select_n3A_92, %dma_wait3A_1065] : memref<16x8x2x65536xf32, #tpu.memory_space<hbm>> -> memref<1x1x1x4096xf32, #tpu.memory_space<hbm>>
      %dma_wait3A_1067 = tpu.memref_squeeze %dma_wait3A_1066 : memref<1x1x1x4096xf32, #tpu.memory_space<hbm>> -> memref<4096xf32, #tpu.memory_space<hbm>>
      tpu.wait_dma2 semaphore(%arg14 : memref<!tpu.dma_semaphore, #tpu.memory_space<semaphore_mem>>) src(%arg6 : memref<4096xf32, #tpu.memory_space<vmem>>) dst(%dma_wait3A_1067 : memref<4096xf32, #tpu.memory_space<hbm>>)
      %dma_wait3A_1068 = arith.constant 40960 : i32
      %dma_wait3A_1069 = tpu.memref_slice %arg4[%select_n3A, %select_n3A_76, %select_n3A_92, %dma_wait3A_1068] : memref<16x8x2x65536xf32, #tpu.memory_space<hbm>> -> memref<1x1x1x4096xf32, #tpu.memory_space<hbm>>
      %dma_wait3A_1070 = tpu.memref_squeeze %dma_wait3A_1069 : memref<1x1x1x4096xf32, #tpu.memory_space<hbm>> -> memref<4096xf32, #tpu.memory_space<hbm>>
      %dma_wait3A_1071 = arith.constant 40960 : i32
      %dma_wait3A_1072 = tpu.memref_slice %arg4[%select_n3A, %select_n3A_76, %select_n3A_92, %dma_wait3A_1071] : memref<16x8x2x65536xf32, #tpu.memory_space<hbm>> -> memref<1x1x1x4096xf32, #tpu.memory_space<hbm>>
      %dma_wait3A_1073 = tpu.memref_squeeze %dma_wait3A_1072 : memref<1x1x1x4096xf32, #tpu.memory_space<hbm>> -> memref<4096xf32, #tpu.memory_space<hbm>>
      tpu.wait_dma2 semaphore(%arg14 : memref<!tpu.dma_semaphore, #tpu.memory_space<semaphore_mem>>) src(%arg6 : memref<4096xf32, #tpu.memory_space<vmem>>) dst(%dma_wait3A_1073 : memref<4096xf32, #tpu.memory_space<hbm>>)
      %dma_wait3A_1074 = arith.constant 45056 : i32
      %dma_wait3A_1075 = tpu.memref_slice %arg4[%select_n3A, %select_n3A_76, %select_n3A_92, %dma_wait3A_1074] : memref<16x8x2x65536xf32, #tpu.memory_space<hbm>> -> memref<1x1x1x4096xf32, #tpu.memory_space<hbm>>
      %dma_wait3A_1076 = tpu.memref_squeeze %dma_wait3A_1075 : memref<1x1x1x4096xf32, #tpu.memory_space<hbm>> -> memref<4096xf32, #tpu.memory_space<hbm>>
      %dma_wait3A_1077 = arith.constant 45056 : i32
      %dma_wait3A_1078 = tpu.memref_slice %arg4[%select_n3A, %select_n3A_76, %select_n3A_92, %dma_wait3A_1077] : memref<16x8x2x65536xf32, #tpu.memory_space<hbm>> -> memref<1x1x1x4096xf32, #tpu.memory_space<hbm>>
      %dma_wait3A_1079 = tpu.memref_squeeze %dma_wait3A_1078 : memref<1x1x1x4096xf32, #tpu.memory_space<hbm>> -> memref<4096xf32, #tpu.memory_space<hbm>>
      tpu.wait_dma2 semaphore(%arg14 : memref<!tpu.dma_semaphore, #tpu.memory_space<semaphore_mem>>) src(%arg6 : memref<4096xf32, #tpu.memory_space<vmem>>) dst(%dma_wait3A_1079 : memref<4096xf32, #tpu.memory_space<hbm>>)
      %dma_wait3A_1080 = arith.constant 49152 : i32
      %dma_wait3A_1081 = tpu.memref_slice %arg4[%select_n3A, %select_n3A_76, %select_n3A_92, %dma_wait3A_1080] : memref<16x8x2x65536xf32, #tpu.memory_space<hbm>> -> memref<1x1x1x4096xf32, #tpu.memory_space<hbm>>
      %dma_wait3A_1082 = tpu.memref_squeeze %dma_wait3A_1081 : memref<1x1x1x4096xf32, #tpu.memory_space<hbm>> -> memref<4096xf32, #tpu.memory_space<hbm>>
      %dma_wait3A_1083 = arith.constant 49152 : i32
      %dma_wait3A_1084 = tpu.memref_slice %arg4[%select_n3A, %select_n3A_76, %select_n3A_92, %dma_wait3A_1083] : memref<16x8x2x65536xf32, #tpu.memory_space<hbm>> -> memref<1x1x1x4096xf32, #tpu.memory_space<hbm>>
      %dma_wait3A_1085 = tpu.memref_squeeze %dma_wait3A_1084 : memref<1x1x1x4096xf32, #tpu.memory_space<hbm>> -> memref<4096xf32, #tpu.memory_space<hbm>>
      tpu.wait_dma2 semaphore(%arg14 : memref<!tpu.dma_semaphore, #tpu.memory_space<semaphore_mem>>) src(%arg6 : memref<4096xf32, #tpu.memory_space<vmem>>) dst(%dma_wait3A_1085 : memref<4096xf32, #tpu.memory_space<hbm>>)
      %dma_wait3A_1086 = arith.constant 53248 : i32
      %dma_wait3A_1087 = tpu.memref_slice %arg4[%select_n3A, %select_n3A_76, %select_n3A_92, %dma_wait3A_1086] : memref<16x8x2x65536xf32, #tpu.memory_space<hbm>> -> memref<1x1x1x4096xf32, #tpu.memory_space<hbm>>
      %dma_wait3A_1088 = tpu.memref_squeeze %dma_wait3A_1087 : memref<1x1x1x4096xf32, #tpu.memory_space<hbm>> -> memref<4096xf32, #tpu.memory_space<hbm>>
      %dma_wait3A_1089 = arith.constant 53248 : i32
      %dma_wait3A_1090 = tpu.memref_slice %arg4[%select_n3A, %select_n3A_76, %select_n3A_92, %dma_wait3A_1089] : memref<16x8x2x65536xf32, #tpu.memory_space<hbm>> -> memref<1x1x1x4096xf32, #tpu.memory_space<hbm>>
      %dma_wait3A_1091 = tpu.memref_squeeze %dma_wait3A_1090 : memref<1x1x1x4096xf32, #tpu.memory_space<hbm>> -> memref<4096xf32, #tpu.memory_space<hbm>>
      tpu.wait_dma2 semaphore(%arg14 : memref<!tpu.dma_semaphore, #tpu.memory_space<semaphore_mem>>) src(%arg6 : memref<4096xf32, #tpu.memory_space<vmem>>) dst(%dma_wait3A_1091 : memref<4096xf32, #tpu.memory_space<hbm>>)
      %dma_wait3A_1092 = arith.constant 57344 : i32
      %dma_wait3A_1093 = tpu.memref_slice %arg4[%select_n3A, %select_n3A_76, %select_n3A_92, %dma_wait3A_1092] : memref<16x8x2x65536xf32, #tpu.memory_space<hbm>> -> memref<1x1x1x4096xf32, #tpu.memory_space<hbm>>
      %dma_wait3A_1094 = tpu.memref_squeeze %dma_wait3A_1093 : memref<1x1x1x4096xf32, #tpu.memory_space<hbm>> -> memref<4096xf32, #tpu.memory_space<hbm>>
      %dma_wait3A_1095 = arith.constant 57344 : i32
      %dma_wait3A_1096 = tpu.memref_slice %arg4[%select_n3A, %select_n3A_76, %select_n3A_92, %dma_wait3A_1095] : memref<16x8x2x65536xf32, #tpu.memory_space<hbm>> -> memref<1x1x1x4096xf32, #tpu.memory_space<hbm>>
      %dma_wait3A_1097 = tpu.memref_squeeze %dma_wait3A_1096 : memref<1x1x1x4096xf32, #tpu.memory_space<hbm>> -> memref<4096xf32, #tpu.memory_space<hbm>>
      tpu.wait_dma2 semaphore(%arg14 : memref<!tpu.dma_semaphore, #tpu.memory_space<semaphore_mem>>) src(%arg6 : memref<4096xf32, #tpu.memory_space<vmem>>) dst(%dma_wait3A_1097 : memref<4096xf32, #tpu.memory_space<hbm>>)
      %dma_wait3A_1098 = arith.constant 61440 : i32
      %dma_wait3A_1099 = tpu.memref_slice %arg4[%select_n3A, %select_n3A_76, %select_n3A_92, %dma_wait3A_1098] : memref<16x8x2x65536xf32, #tpu.memory_space<hbm>> -> memref<1x1x1x4096xf32, #tpu.memory_space<hbm>>
      %dma_wait3A_1100 = tpu.memref_squeeze %dma_wait3A_1099 : memref<1x1x1x4096xf32, #tpu.memory_space<hbm>> -> memref<4096xf32, #tpu.memory_space<hbm>>
      %dma_wait3A_1101 = arith.constant 61440 : i32
      %dma_wait3A_1102 = tpu.memref_slice %arg4[%select_n3A, %select_n3A_76, %select_n3A_92, %dma_wait3A_1101] : memref<16x8x2x65536xf32, #tpu.memory_space<hbm>> -> memref<1x1x1x4096xf32, #tpu.memory_space<hbm>>
      %dma_wait3A_1103 = tpu.memref_squeeze %dma_wait3A_1102 : memref<1x1x1x4096xf32, #tpu.memory_space<hbm>> -> memref<4096xf32, #tpu.memory_space<hbm>>
      tpu.wait_dma2 semaphore(%arg14 : memref<!tpu.dma_semaphore, #tpu.memory_space<semaphore_mem>>) src(%arg6 : memref<4096xf32, #tpu.memory_space<vmem>>) dst(%dma_wait3A_1103 : memref<4096xf32, #tpu.memory_space<hbm>>)
    } else {
    }
    %convert_element_type3A_1015 = arith.extui %eq3A_182 : i1 to i32
    %cond3A_1016 = arith.constant 0 : i32
    %cond3A_1017 = arith.cmpi ne, %convert_element_type3A_1015, %cond3A_1016 : i32
    scf.if %cond3A_1017 {
      %dma_wait3A = arith.constant 0 : i32
      %dma_wait3A_1057 = tpu.memref_slice %arg4[%select_n3A_121, %select_n3A_161, %select_n3A_177, %dma_wait3A] : memref<16x8x2x65536xf32, #tpu.memory_space<hbm>> -> memref<1x1x1x4096xf32, #tpu.memory_space<hbm>>
      %dma_wait3A_1058 = tpu.memref_squeeze %dma_wait3A_1057 : memref<1x1x1x4096xf32, #tpu.memory_space<hbm>> -> memref<4096xf32, #tpu.memory_space<hbm>>
      %dma_wait3A_1059 = arith.constant 0 : i32
      %dma_wait3A_1060 = tpu.memref_slice %arg4[%select_n3A_121, %select_n3A_161, %select_n3A_177, %dma_wait3A_1059] : memref<16x8x2x65536xf32, #tpu.memory_space<hbm>> -> memref<1x1x1x4096xf32, #tpu.memory_space<hbm>>
      %dma_wait3A_1061 = tpu.memref_squeeze %dma_wait3A_1060 : memref<1x1x1x4096xf32, #tpu.memory_space<hbm>> -> memref<4096xf32, #tpu.memory_space<hbm>>
      tpu.wait_dma2 semaphore(%arg14 : memref<!tpu.dma_semaphore, #tpu.memory_space<semaphore_mem>>) src(%arg6 : memref<4096xf32, #tpu.memory_space<vmem>>) dst(%dma_wait3A_1061 : memref<4096xf32, #tpu.memory_space<hbm>>)
      %dma_wait3A_1062 = arith.constant 4096 : i32
      %dma_wait3A_1063 = tpu.memref_slice %arg4[%select_n3A_121, %select_n3A_161, %select_n3A_177, %dma_wait3A_1062] : memref<16x8x2x65536xf32, #tpu.memory_space<hbm>> -> memref<1x1x1x4096xf32, #tpu.memory_space<hbm>>
      %dma_wait3A_1064 = tpu.memref_squeeze %dma_wait3A_1063 : memref<1x1x1x4096xf32, #tpu.memory_space<hbm>> -> memref<4096xf32, #tpu.memory_space<hbm>>
      %dma_wait3A_1065 = arith.constant 4096 : i32
      %dma_wait3A_1066 = tpu.memref_slice %arg4[%select_n3A_121, %select_n3A_161, %select_n3A_177, %dma_wait3A_1065] : memref<16x8x2x65536xf32, #tpu.memory_space<hbm>> -> memref<1x1x1x4096xf32, #tpu.memory_space<hbm>>
      %dma_wait3A_1067 = tpu.memref_squeeze %dma_wait3A_1066 : memref<1x1x1x4096xf32, #tpu.memory_space<hbm>> -> memref<4096xf32, #tpu.memory_space<hbm>>
      tpu.wait_dma2 semaphore(%arg14 : memref<!tpu.dma_semaphore, #tpu.memory_space<semaphore_mem>>) src(%arg6 : memref<4096xf32, #tpu.memory_space<vmem>>) dst(%dma_wait3A_1067 : memref<4096xf32, #tpu.memory_space<hbm>>)
      %dma_wait3A_1068 = arith.constant 8192 : i32
      %dma_wait3A_1069 = tpu.memref_slice %arg4[%select_n3A_121, %select_n3A_161, %select_n3A_177, %dma_wait3A_1068] : memref<16x8x2x65536xf32, #tpu.memory_space<hbm>> -> memref<1x1x1x4096xf32, #tpu.memory_space<hbm>>
      %dma_wait3A_1070 = tpu.memref_squeeze %dma_wait3A_1069 : memref<1x1x1x4096xf32, #tpu.memory_space<hbm>> -> memref<4096xf32, #tpu.memory_space<hbm>>
      %dma_wait3A_1071 = arith.constant 8192 : i32
      %dma_wait3A_1072 = tpu.memref_slice %arg4[%select_n3A_121, %select_n3A_161, %select_n3A_177, %dma_wait3A_1071] : memref<16x8x2x65536xf32, #tpu.memory_space<hbm>> -> memref<1x1x1x4096xf32, #tpu.memory_space<hbm>>
      %dma_wait3A_1073 = tpu.memref_squeeze %dma_wait3A_1072 : memref<1x1x1x4096xf32, #tpu.memory_space<hbm>> -> memref<4096xf32, #tpu.memory_space<hbm>>
      tpu.wait_dma2 semaphore(%arg14 : memref<!tpu.dma_semaphore, #tpu.memory_space<semaphore_mem>>) src(%arg6 : memref<4096xf32, #tpu.memory_space<vmem>>) dst(%dma_wait3A_1073 : memref<4096xf32, #tpu.memory_space<hbm>>)
      %dma_wait3A_1074 = arith.constant 12288 : i32
      %dma_wait3A_1075 = tpu.memref_slice %arg4[%select_n3A_121, %select_n3A_161, %select_n3A_177, %dma_wait3A_1074] : memref<16x8x2x65536xf32, #tpu.memory_space<hbm>> -> memref<1x1x1x4096xf32, #tpu.memory_space<hbm>>
      %dma_wait3A_1076 = tpu.memref_squeeze %dma_wait3A_1075 : memref<1x1x1x4096xf32, #tpu.memory_space<hbm>> -> memref<4096xf32, #tpu.memory_space<hbm>>
      %dma_wait3A_1077 = arith.constant 12288 : i32
      %dma_wait3A_1078 = tpu.memref_slice %arg4[%select_n3A_121, %select_n3A_161, %select_n3A_177, %dma_wait3A_1077] : memref<16x8x2x65536xf32, #tpu.memory_space<hbm>> -> memref<1x1x1x4096xf32, #tpu.memory_space<hbm>>
      %dma_wait3A_1079 = tpu.memref_squeeze %dma_wait3A_1078 : memref<1x1x1x4096xf32, #tpu.memory_space<hbm>> -> memref<4096xf32, #tpu.memory_space<hbm>>
      tpu.wait_dma2 semaphore(%arg14 : memref<!tpu.dma_semaphore, #tpu.memory_space<semaphore_mem>>) src(%arg6 : memref<4096xf32, #tpu.memory_space<vmem>>) dst(%dma_wait3A_1079 : memref<4096xf32, #tpu.memory_space<hbm>>)
      %dma_wait3A_1080 = arith.constant 16384 : i32
      %dma_wait3A_1081 = tpu.memref_slice %arg4[%select_n3A_121, %select_n3A_161, %select_n3A_177, %dma_wait3A_1080] : memref<16x8x2x65536xf32, #tpu.memory_space<hbm>> -> memref<1x1x1x4096xf32, #tpu.memory_space<hbm>>
      %dma_wait3A_1082 = tpu.memref_squeeze %dma_wait3A_1081 : memref<1x1x1x4096xf32, #tpu.memory_space<hbm>> -> memref<4096xf32, #tpu.memory_space<hbm>>
      %dma_wait3A_1083 = arith.constant 16384 : i32
      %dma_wait3A_1084 = tpu.memref_slice %arg4[%select_n3A_121, %select_n3A_161, %select_n3A_177, %dma_wait3A_1083] : memref<16x8x2x65536xf32, #tpu.memory_space<hbm>> -> memref<1x1x1x4096xf32, #tpu.memory_space<hbm>>
      %dma_wait3A_1085 = tpu.memref_squeeze %dma_wait3A_1084 : memref<1x1x1x4096xf32, #tpu.memory_space<hbm>> -> memref<4096xf32, #tpu.memory_space<hbm>>
      tpu.wait_dma2 semaphore(%arg14 : memref<!tpu.dma_semaphore, #tpu.memory_space<semaphore_mem>>) src(%arg6 : memref<4096xf32, #tpu.memory_space<vmem>>) dst(%dma_wait3A_1085 : memref<4096xf32, #tpu.memory_space<hbm>>)
      %dma_wait3A_1086 = arith.constant 20480 : i32
      %dma_wait3A_1087 = tpu.memref_slice %arg4[%select_n3A_121, %select_n3A_161, %select_n3A_177, %dma_wait3A_1086] : memref<16x8x2x65536xf32, #tpu.memory_space<hbm>> -> memref<1x1x1x4096xf32, #tpu.memory_space<hbm>>
      %dma_wait3A_1088 = tpu.memref_squeeze %dma_wait3A_1087 : memref<1x1x1x4096xf32, #tpu.memory_space<hbm>> -> memref<4096xf32, #tpu.memory_space<hbm>>
      %dma_wait3A_1089 = arith.constant 20480 : i32
      %dma_wait3A_1090 = tpu.memref_slice %arg4[%select_n3A_121, %select_n3A_161, %select_n3A_177, %dma_wait3A_1089] : memref<16x8x2x65536xf32, #tpu.memory_space<hbm>> -> memref<1x1x1x4096xf32, #tpu.memory_space<hbm>>
      %dma_wait3A_1091 = tpu.memref_squeeze %dma_wait3A_1090 : memref<1x1x1x4096xf32, #tpu.memory_space<hbm>> -> memref<4096xf32, #tpu.memory_space<hbm>>
      tpu.wait_dma2 semaphore(%arg14 : memref<!tpu.dma_semaphore, #tpu.memory_space<semaphore_mem>>) src(%arg6 : memref<4096xf32, #tpu.memory_space<vmem>>) dst(%dma_wait3A_1091 : memref<4096xf32, #tpu.memory_space<hbm>>)
      %dma_wait3A_1092 = arith.constant 24576 : i32
      %dma_wait3A_1093 = tpu.memref_slice %arg4[%select_n3A_121, %select_n3A_161, %select_n3A_177, %dma_wait3A_1092] : memref<16x8x2x65536xf32, #tpu.memory_space<hbm>> -> memref<1x1x1x4096xf32, #tpu.memory_space<hbm>>
      %dma_wait3A_1094 = tpu.memref_squeeze %dma_wait3A_1093 : memref<1x1x1x4096xf32, #tpu.memory_space<hbm>> -> memref<4096xf32, #tpu.memory_space<hbm>>
      %dma_wait3A_1095 = arith.constant 24576 : i32
      %dma_wait3A_1096 = tpu.memref_slice %arg4[%select_n3A_121, %select_n3A_161, %select_n3A_177, %dma_wait3A_1095] : memref<16x8x2x65536xf32, #tpu.memory_space<hbm>> -> memref<1x1x1x4096xf32, #tpu.memory_space<hbm>>
      %dma_wait3A_1097 = tpu.memref_squeeze %dma_wait3A_1096 : memref<1x1x1x4096xf32, #tpu.memory_space<hbm>> -> memref<4096xf32, #tpu.memory_space<hbm>>
      tpu.wait_dma2 semaphore(%arg14 : memref<!tpu.dma_semaphore, #tpu.memory_space<semaphore_mem>>) src(%arg6 : memref<4096xf32, #tpu.memory_space<vmem>>) dst(%dma_wait3A_1097 : memref<4096xf32, #tpu.memory_space<hbm>>)
      %dma_wait3A_1098 = arith.constant 28672 : i32
      %dma_wait3A_1099 = tpu.memref_slice %arg4[%select_n3A_121, %select_n3A_161, %select_n3A_177, %dma_wait3A_1098] : memref<16x8x2x65536xf32, #tpu.memory_space<hbm>> -> memref<1x1x1x4096xf32, #tpu.memory_space<hbm>>
      %dma_wait3A_1100 = tpu.memref_squeeze %dma_wait3A_1099 : memref<1x1x1x4096xf32, #tpu.memory_space<hbm>> -> memref<4096xf32, #tpu.memory_space<hbm>>
      %dma_wait3A_1101 = arith.constant 28672 : i32
      %dma_wait3A_1102 = tpu.memref_slice %arg4[%select_n3A_121, %select_n3A_161, %select_n3A_177, %dma_wait3A_1101] : memref<16x8x2x65536xf32, #tpu.memory_space<hbm>> -> memref<1x1x1x4096xf32, #tpu.memory_space<hbm>>
      %dma_wait3A_1103 = tpu.memref_squeeze %dma_wait3A_1102 : memref<1x1x1x4096xf32, #tpu.memory_space<hbm>> -> memref<4096xf32, #tpu.memory_space<hbm>>
      tpu.wait_dma2 semaphore(%arg14 : memref<!tpu.dma_semaphore, #tpu.memory_space<semaphore_mem>>) src(%arg6 : memref<4096xf32, #tpu.memory_space<vmem>>) dst(%dma_wait3A_1103 : memref<4096xf32, #tpu.memory_space<hbm>>)
    } else {
    }
    %convert_element_type3A_1018 = arith.extui %eq3A_182 : i1 to i32
    %cond3A_1019 = arith.constant 0 : i32
    %cond3A_1020 = arith.cmpi ne, %convert_element_type3A_1018, %cond3A_1019 : i32
    scf.if %cond3A_1020 {
      %dma_wait3A = arith.constant 32768 : i32
      %dma_wait3A_1057 = tpu.memref_slice %arg4[%select_n3A_121, %select_n3A_161, %select_n3A_177, %dma_wait3A] : memref<16x8x2x65536xf32, #tpu.memory_space<hbm>> -> memref<1x1x1x4096xf32, #tpu.memory_space<hbm>>
      %dma_wait3A_1058 = tpu.memref_squeeze %dma_wait3A_1057 : memref<1x1x1x4096xf32, #tpu.memory_space<hbm>> -> memref<4096xf32, #tpu.memory_space<hbm>>
      %dma_wait3A_1059 = arith.constant 32768 : i32
      %dma_wait3A_1060 = tpu.memref_slice %arg4[%select_n3A_121, %select_n3A_161, %select_n3A_177, %dma_wait3A_1059] : memref<16x8x2x65536xf32, #tpu.memory_space<hbm>> -> memref<1x1x1x4096xf32, #tpu.memory_space<hbm>>
      %dma_wait3A_1061 = tpu.memref_squeeze %dma_wait3A_1060 : memref<1x1x1x4096xf32, #tpu.memory_space<hbm>> -> memref<4096xf32, #tpu.memory_space<hbm>>
      tpu.wait_dma2 semaphore(%arg14 : memref<!tpu.dma_semaphore, #tpu.memory_space<semaphore_mem>>) src(%arg6 : memref<4096xf32, #tpu.memory_space<vmem>>) dst(%dma_wait3A_1061 : memref<4096xf32, #tpu.memory_space<hbm>>)
      %dma_wait3A_1062 = arith.constant 36864 : i32
      %dma_wait3A_1063 = tpu.memref_slice %arg4[%select_n3A_121, %select_n3A_161, %select_n3A_177, %dma_wait3A_1062] : memref<16x8x2x65536xf32, #tpu.memory_space<hbm>> -> memref<1x1x1x4096xf32, #tpu.memory_space<hbm>>
      %dma_wait3A_1064 = tpu.memref_squeeze %dma_wait3A_1063 : memref<1x1x1x4096xf32, #tpu.memory_space<hbm>> -> memref<4096xf32, #tpu.memory_space<hbm>>
      %dma_wait3A_1065 = arith.constant 36864 : i32
      %dma_wait3A_1066 = tpu.memref_slice %arg4[%select_n3A_121, %select_n3A_161, %select_n3A_177, %dma_wait3A_1065] : memref<16x8x2x65536xf32, #tpu.memory_space<hbm>> -> memref<1x1x1x4096xf32, #tpu.memory_space<hbm>>
      %dma_wait3A_1067 = tpu.memref_squeeze %dma_wait3A_1066 : memref<1x1x1x4096xf32, #tpu.memory_space<hbm>> -> memref<4096xf32, #tpu.memory_space<hbm>>
      tpu.wait_dma2 semaphore(%arg14 : memref<!tpu.dma_semaphore, #tpu.memory_space<semaphore_mem>>) src(%arg6 : memref<4096xf32, #tpu.memory_space<vmem>>) dst(%dma_wait3A_1067 : memref<4096xf32, #tpu.memory_space<hbm>>)
      %dma_wait3A_1068 = arith.constant 40960 : i32
      %dma_wait3A_1069 = tpu.memref_slice %arg4[%select_n3A_121, %select_n3A_161, %select_n3A_177, %dma_wait3A_1068] : memref<16x8x2x65536xf32, #tpu.memory_space<hbm>> -> memref<1x1x1x4096xf32, #tpu.memory_space<hbm>>
      %dma_wait3A_1070 = tpu.memref_squeeze %dma_wait3A_1069 : memref<1x1x1x4096xf32, #tpu.memory_space<hbm>> -> memref<4096xf32, #tpu.memory_space<hbm>>
      %dma_wait3A_1071 = arith.constant 40960 : i32
      %dma_wait3A_1072 = tpu.memref_slice %arg4[%select_n3A_121, %select_n3A_161, %select_n3A_177, %dma_wait3A_1071] : memref<16x8x2x65536xf32, #tpu.memory_space<hbm>> -> memref<1x1x1x4096xf32, #tpu.memory_space<hbm>>
      %dma_wait3A_1073 = tpu.memref_squeeze %dma_wait3A_1072 : memref<1x1x1x4096xf32, #tpu.memory_space<hbm>> -> memref<4096xf32, #tpu.memory_space<hbm>>
      tpu.wait_dma2 semaphore(%arg14 : memref<!tpu.dma_semaphore, #tpu.memory_space<semaphore_mem>>) src(%arg6 : memref<4096xf32, #tpu.memory_space<vmem>>) dst(%dma_wait3A_1073 : memref<4096xf32, #tpu.memory_space<hbm>>)
      %dma_wait3A_1074 = arith.constant 45056 : i32
      %dma_wait3A_1075 = tpu.memref_slice %arg4[%select_n3A_121, %select_n3A_161, %select_n3A_177, %dma_wait3A_1074] : memref<16x8x2x65536xf32, #tpu.memory_space<hbm>> -> memref<1x1x1x4096xf32, #tpu.memory_space<hbm>>
      %dma_wait3A_1076 = tpu.memref_squeeze %dma_wait3A_1075 : memref<1x1x1x4096xf32, #tpu.memory_space<hbm>> -> memref<4096xf32, #tpu.memory_space<hbm>>
      %dma_wait3A_1077 = arith.constant 45056 : i32
      %dma_wait3A_1078 = tpu.memref_slice %arg4[%select_n3A_121, %select_n3A_161, %select_n3A_177, %dma_wait3A_1077] : memref<16x8x2x65536xf32, #tpu.memory_space<hbm>> -> memref<1x1x1x4096xf32, #tpu.memory_space<hbm>>
      %dma_wait3A_1079 = tpu.memref_squeeze %dma_wait3A_1078 : memref<1x1x1x4096xf32, #tpu.memory_space<hbm>> -> memref<4096xf32, #tpu.memory_space<hbm>>
      tpu.wait_dma2 semaphore(%arg14 : memref<!tpu.dma_semaphore, #tpu.memory_space<semaphore_mem>>) src(%arg6 : memref<4096xf32, #tpu.memory_space<vmem>>) dst(%dma_wait3A_1079 : memref<4096xf32, #tpu.memory_space<hbm>>)
      %dma_wait3A_1080 = arith.constant 49152 : i32
      %dma_wait3A_1081 = tpu.memref_slice %arg4[%select_n3A_121, %select_n3A_161, %select_n3A_177, %dma_wait3A_1080] : memref<16x8x2x65536xf32, #tpu.memory_space<hbm>> -> memref<1x1x1x4096xf32, #tpu.memory_space<hbm>>
      %dma_wait3A_1082 = tpu.memref_squeeze %dma_wait3A_1081 : memref<1x1x1x4096xf32, #tpu.memory_space<hbm>> -> memref<4096xf32, #tpu.memory_space<hbm>>
      %dma_wait3A_1083 = arith.constant 49152 : i32
      %dma_wait3A_1084 = tpu.memref_slice %arg4[%select_n3A_121, %select_n3A_161, %select_n3A_177, %dma_wait3A_1083] : memref<16x8x2x65536xf32, #tpu.memory_space<hbm>> -> memref<1x1x1x4096xf32, #tpu.memory_space<hbm>>
      %dma_wait3A_1085 = tpu.memref_squeeze %dma_wait3A_1084 : memref<1x1x1x4096xf32, #tpu.memory_space<hbm>> -> memref<4096xf32, #tpu.memory_space<hbm>>
      tpu.wait_dma2 semaphore(%arg14 : memref<!tpu.dma_semaphore, #tpu.memory_space<semaphore_mem>>) src(%arg6 : memref<4096xf32, #tpu.memory_space<vmem>>) dst(%dma_wait3A_1085 : memref<4096xf32, #tpu.memory_space<hbm>>)
      %dma_wait3A_1086 = arith.constant 53248 : i32
      %dma_wait3A_1087 = tpu.memref_slice %arg4[%select_n3A_121, %select_n3A_161, %select_n3A_177, %dma_wait3A_1086] : memref<16x8x2x65536xf32, #tpu.memory_space<hbm>> -> memref<1x1x1x4096xf32, #tpu.memory_space<hbm>>
      %dma_wait3A_1088 = tpu.memref_squeeze %dma_wait3A_1087 : memref<1x1x1x4096xf32, #tpu.memory_space<hbm>> -> memref<4096xf32, #tpu.memory_space<hbm>>
      %dma_wait3A_1089 = arith.constant 53248 : i32
      %dma_wait3A_1090 = tpu.memref_slice %arg4[%select_n3A_121, %select_n3A_161, %select_n3A_177, %dma_wait3A_1089] : memref<16x8x2x65536xf32, #tpu.memory_space<hbm>> -> memref<1x1x1x4096xf32, #tpu.memory_space<hbm>>
      %dma_wait3A_1091 = tpu.memref_squeeze %dma_wait3A_1090 : memref<1x1x1x4096xf32, #tpu.memory_space<hbm>> -> memref<4096xf32, #tpu.memory_space<hbm>>
      tpu.wait_dma2 semaphore(%arg14 : memref<!tpu.dma_semaphore, #tpu.memory_space<semaphore_mem>>) src(%arg6 : memref<4096xf32, #tpu.memory_space<vmem>>) dst(%dma_wait3A_1091 : memref<4096xf32, #tpu.memory_space<hbm>>)
      %dma_wait3A_1092 = arith.constant 57344 : i32
      %dma_wait3A_1093 = tpu.memref_slice %arg4[%select_n3A_121, %select_n3A_161, %select_n3A_177, %dma_wait3A_1092] : memref<16x8x2x65536xf32, #tpu.memory_space<hbm>> -> memref<1x1x1x4096xf32, #tpu.memory_space<hbm>>
      %dma_wait3A_1094 = tpu.memref_squeeze %dma_wait3A_1093 : memref<1x1x1x4096xf32, #tpu.memory_space<hbm>> -> memref<4096xf32, #tpu.memory_space<hbm>>
      %dma_wait3A_1095 = arith.constant 57344 : i32
      %dma_wait3A_1096 = tpu.memref_slice %arg4[%select_n3A_121, %select_n3A_161, %select_n3A_177, %dma_wait3A_1095] : memref<16x8x2x65536xf32, #tpu.memory_space<hbm>> -> memref<1x1x1x4096xf32, #tpu.memory_space<hbm>>
      %dma_wait3A_1097 = tpu.memref_squeeze %dma_wait3A_1096 : memref<1x1x1x4096xf32, #tpu.memory_space<hbm>> -> memref<4096xf32, #tpu.memory_space<hbm>>
      tpu.wait_dma2 semaphore(%arg14 : memref<!tpu.dma_semaphore, #tpu.memory_space<semaphore_mem>>) src(%arg6 : memref<4096xf32, #tpu.memory_space<vmem>>) dst(%dma_wait3A_1097 : memref<4096xf32, #tpu.memory_space<hbm>>)
      %dma_wait3A_1098 = arith.constant 61440 : i32
      %dma_wait3A_1099 = tpu.memref_slice %arg4[%select_n3A_121, %select_n3A_161, %select_n3A_177, %dma_wait3A_1098] : memref<16x8x2x65536xf32, #tpu.memory_space<hbm>> -> memref<1x1x1x4096xf32, #tpu.memory_space<hbm>>
      %dma_wait3A_1100 = tpu.memref_squeeze %dma_wait3A_1099 : memref<1x1x1x4096xf32, #tpu.memory_space<hbm>> -> memref<4096xf32, #tpu.memory_space<hbm>>
      %dma_wait3A_1101 = arith.constant 61440 : i32
      %dma_wait3A_1102 = tpu.memref_slice %arg4[%select_n3A_121, %select_n3A_161, %select_n3A_177, %dma_wait3A_1101] : memref<16x8x2x65536xf32, #tpu.memory_space<hbm>> -> memref<1x1x1x4096xf32, #tpu.memory_space<hbm>>
      %dma_wait3A_1103 = tpu.memref_squeeze %dma_wait3A_1102 : memref<1x1x1x4096xf32, #tpu.memory_space<hbm>> -> memref<4096xf32, #tpu.memory_space<hbm>>
      tpu.wait_dma2 semaphore(%arg14 : memref<!tpu.dma_semaphore, #tpu.memory_space<semaphore_mem>>) src(%arg6 : memref<4096xf32, #tpu.memory_space<vmem>>) dst(%dma_wait3A_1103 : memref<4096xf32, #tpu.memory_space<hbm>>)
    } else {
    }
    %convert_element_type3A_1021 = arith.extui %eq3A_271 : i1 to i32
    %cond3A_1022 = arith.constant 0 : i32
    %cond3A_1023 = arith.cmpi ne, %convert_element_type3A_1021, %cond3A_1022 : i32
    scf.if %cond3A_1023 {
      %dma_wait3A = arith.constant 0 : i32
      %dma_wait3A_1057 = tpu.memref_slice %arg4[%select_n3A_210, %select_n3A_250, %select_n3A_266, %dma_wait3A] : memref<16x8x2x65536xf32, #tpu.memory_space<hbm>> -> memref<1x1x1x4096xf32, #tpu.memory_space<hbm>>
      %dma_wait3A_1058 = tpu.memref_squeeze %dma_wait3A_1057 : memref<1x1x1x4096xf32, #tpu.memory_space<hbm>> -> memref<4096xf32, #tpu.memory_space<hbm>>
      %dma_wait3A_1059 = arith.constant 0 : i32
      %dma_wait3A_1060 = tpu.memref_slice %arg4[%select_n3A_210, %select_n3A_250, %select_n3A_266, %dma_wait3A_1059] : memref<16x8x2x65536xf32, #tpu.memory_space<hbm>> -> memref<1x1x1x4096xf32, #tpu.memory_space<hbm>>
      %dma_wait3A_1061 = tpu.memref_squeeze %dma_wait3A_1060 : memref<1x1x1x4096xf32, #tpu.memory_space<hbm>> -> memref<4096xf32, #tpu.memory_space<hbm>>
      tpu.wait_dma2 semaphore(%arg14 : memref<!tpu.dma_semaphore, #tpu.memory_space<semaphore_mem>>) src(%arg6 : memref<4096xf32, #tpu.memory_space<vmem>>) dst(%dma_wait3A_1061 : memref<4096xf32, #tpu.memory_space<hbm>>)
      %dma_wait3A_1062 = arith.constant 4096 : i32
      %dma_wait3A_1063 = tpu.memref_slice %arg4[%select_n3A_210, %select_n3A_250, %select_n3A_266, %dma_wait3A_1062] : memref<16x8x2x65536xf32, #tpu.memory_space<hbm>> -> memref<1x1x1x4096xf32, #tpu.memory_space<hbm>>
      %dma_wait3A_1064 = tpu.memref_squeeze %dma_wait3A_1063 : memref<1x1x1x4096xf32, #tpu.memory_space<hbm>> -> memref<4096xf32, #tpu.memory_space<hbm>>
      %dma_wait3A_1065 = arith.constant 4096 : i32
      %dma_wait3A_1066 = tpu.memref_slice %arg4[%select_n3A_210, %select_n3A_250, %select_n3A_266, %dma_wait3A_1065] : memref<16x8x2x65536xf32, #tpu.memory_space<hbm>> -> memref<1x1x1x4096xf32, #tpu.memory_space<hbm>>
      %dma_wait3A_1067 = tpu.memref_squeeze %dma_wait3A_1066 : memref<1x1x1x4096xf32, #tpu.memory_space<hbm>> -> memref<4096xf32, #tpu.memory_space<hbm>>
      tpu.wait_dma2 semaphore(%arg14 : memref<!tpu.dma_semaphore, #tpu.memory_space<semaphore_mem>>) src(%arg6 : memref<4096xf32, #tpu.memory_space<vmem>>) dst(%dma_wait3A_1067 : memref<4096xf32, #tpu.memory_space<hbm>>)
      %dma_wait3A_1068 = arith.constant 8192 : i32
      %dma_wait3A_1069 = tpu.memref_slice %arg4[%select_n3A_210, %select_n3A_250, %select_n3A_266, %dma_wait3A_1068] : memref<16x8x2x65536xf32, #tpu.memory_space<hbm>> -> memref<1x1x1x4096xf32, #tpu.memory_space<hbm>>
      %dma_wait3A_1070 = tpu.memref_squeeze %dma_wait3A_1069 : memref<1x1x1x4096xf32, #tpu.memory_space<hbm>> -> memref<4096xf32, #tpu.memory_space<hbm>>
      %dma_wait3A_1071 = arith.constant 8192 : i32
      %dma_wait3A_1072 = tpu.memref_slice %arg4[%select_n3A_210, %select_n3A_250, %select_n3A_266, %dma_wait3A_1071] : memref<16x8x2x65536xf32, #tpu.memory_space<hbm>> -> memref<1x1x1x4096xf32, #tpu.memory_space<hbm>>
      %dma_wait3A_1073 = tpu.memref_squeeze %dma_wait3A_1072 : memref<1x1x1x4096xf32, #tpu.memory_space<hbm>> -> memref<4096xf32, #tpu.memory_space<hbm>>
      tpu.wait_dma2 semaphore(%arg14 : memref<!tpu.dma_semaphore, #tpu.memory_space<semaphore_mem>>) src(%arg6 : memref<4096xf32, #tpu.memory_space<vmem>>) dst(%dma_wait3A_1073 : memref<4096xf32, #tpu.memory_space<hbm>>)
      %dma_wait3A_1074 = arith.constant 12288 : i32
      %dma_wait3A_1075 = tpu.memref_slice %arg4[%select_n3A_210, %select_n3A_250, %select_n3A_266, %dma_wait3A_1074] : memref<16x8x2x65536xf32, #tpu.memory_space<hbm>> -> memref<1x1x1x4096xf32, #tpu.memory_space<hbm>>
      %dma_wait3A_1076 = tpu.memref_squeeze %dma_wait3A_1075 : memref<1x1x1x4096xf32, #tpu.memory_space<hbm>> -> memref<4096xf32, #tpu.memory_space<hbm>>
      %dma_wait3A_1077 = arith.constant 12288 : i32
      %dma_wait3A_1078 = tpu.memref_slice %arg4[%select_n3A_210, %select_n3A_250, %select_n3A_266, %dma_wait3A_1077] : memref<16x8x2x65536xf32, #tpu.memory_space<hbm>> -> memref<1x1x1x4096xf32, #tpu.memory_space<hbm>>
      %dma_wait3A_1079 = tpu.memref_squeeze %dma_wait3A_1078 : memref<1x1x1x4096xf32, #tpu.memory_space<hbm>> -> memref<4096xf32, #tpu.memory_space<hbm>>
      tpu.wait_dma2 semaphore(%arg14 : memref<!tpu.dma_semaphore, #tpu.memory_space<semaphore_mem>>) src(%arg6 : memref<4096xf32, #tpu.memory_space<vmem>>) dst(%dma_wait3A_1079 : memref<4096xf32, #tpu.memory_space<hbm>>)
      %dma_wait3A_1080 = arith.constant 16384 : i32
      %dma_wait3A_1081 = tpu.memref_slice %arg4[%select_n3A_210, %select_n3A_250, %select_n3A_266, %dma_wait3A_1080] : memref<16x8x2x65536xf32, #tpu.memory_space<hbm>> -> memref<1x1x1x4096xf32, #tpu.memory_space<hbm>>
      %dma_wait3A_1082 = tpu.memref_squeeze %dma_wait3A_1081 : memref<1x1x1x4096xf32, #tpu.memory_space<hbm>> -> memref<4096xf32, #tpu.memory_space<hbm>>
      %dma_wait3A_1083 = arith.constant 16384 : i32
      %dma_wait3A_1084 = tpu.memref_slice %arg4[%select_n3A_210, %select_n3A_250, %select_n3A_266, %dma_wait3A_1083] : memref<16x8x2x65536xf32, #tpu.memory_space<hbm>> -> memref<1x1x1x4096xf32, #tpu.memory_space<hbm>>
      %dma_wait3A_1085 = tpu.memref_squeeze %dma_wait3A_1084 : memref<1x1x1x4096xf32, #tpu.memory_space<hbm>> -> memref<4096xf32, #tpu.memory_space<hbm>>
      tpu.wait_dma2 semaphore(%arg14 : memref<!tpu.dma_semaphore, #tpu.memory_space<semaphore_mem>>) src(%arg6 : memref<4096xf32, #tpu.memory_space<vmem>>) dst(%dma_wait3A_1085 : memref<4096xf32, #tpu.memory_space<hbm>>)
      %dma_wait3A_1086 = arith.constant 20480 : i32
      %dma_wait3A_1087 = tpu.memref_slice %arg4[%select_n3A_210, %select_n3A_250, %select_n3A_266, %dma_wait3A_1086] : memref<16x8x2x65536xf32, #tpu.memory_space<hbm>> -> memref<1x1x1x4096xf32, #tpu.memory_space<hbm>>
      %dma_wait3A_1088 = tpu.memref_squeeze %dma_wait3A_1087 : memref<1x1x1x4096xf32, #tpu.memory_space<hbm>> -> memref<4096xf32, #tpu.memory_space<hbm>>
      %dma_wait3A_1089 = arith.constant 20480 : i32
      %dma_wait3A_1090 = tpu.memref_slice %arg4[%select_n3A_210, %select_n3A_250, %select_n3A_266, %dma_wait3A_1089] : memref<16x8x2x65536xf32, #tpu.memory_space<hbm>> -> memref<1x1x1x4096xf32, #tpu.memory_space<hbm>>
      %dma_wait3A_1091 = tpu.memref_squeeze %dma_wait3A_1090 : memref<1x1x1x4096xf32, #tpu.memory_space<hbm>> -> memref<4096xf32, #tpu.memory_space<hbm>>
      tpu.wait_dma2 semaphore(%arg14 : memref<!tpu.dma_semaphore, #tpu.memory_space<semaphore_mem>>) src(%arg6 : memref<4096xf32, #tpu.memory_space<vmem>>) dst(%dma_wait3A_1091 : memref<4096xf32, #tpu.memory_space<hbm>>)
      %dma_wait3A_1092 = arith.constant 24576 : i32
      %dma_wait3A_1093 = tpu.memref_slice %arg4[%select_n3A_210, %select_n3A_250, %select_n3A_266, %dma_wait3A_1092] : memref<16x8x2x65536xf32, #tpu.memory_space<hbm>> -> memref<1x1x1x4096xf32, #tpu.memory_space<hbm>>
      %dma_wait3A_1094 = tpu.memref_squeeze %dma_wait3A_1093 : memref<1x1x1x4096xf32, #tpu.memory_space<hbm>> -> memref<4096xf32, #tpu.memory_space<hbm>>
      %dma_wait3A_1095 = arith.constant 24576 : i32
      %dma_wait3A_1096 = tpu.memref_slice %arg4[%select_n3A_210, %select_n3A_250, %select_n3A_266, %dma_wait3A_1095] : memref<16x8x2x65536xf32, #tpu.memory_space<hbm>> -> memref<1x1x1x4096xf32, #tpu.memory_space<hbm>>
      %dma_wait3A_1097 = tpu.memref_squeeze %dma_wait3A_1096 : memref<1x1x1x4096xf32, #tpu.memory_space<hbm>> -> memref<4096xf32, #tpu.memory_space<hbm>>
      tpu.wait_dma2 semaphore(%arg14 : memref<!tpu.dma_semaphore, #tpu.memory_space<semaphore_mem>>) src(%arg6 : memref<4096xf32, #tpu.memory_space<vmem>>) dst(%dma_wait3A_1097 : memref<4096xf32, #tpu.memory_space<hbm>>)
      %dma_wait3A_1098 = arith.constant 28672 : i32
      %dma_wait3A_1099 = tpu.memref_slice %arg4[%select_n3A_210, %select_n3A_250, %select_n3A_266, %dma_wait3A_1098] : memref<16x8x2x65536xf32, #tpu.memory_space<hbm>> -> memref<1x1x1x4096xf32, #tpu.memory_space<hbm>>
      %dma_wait3A_1100 = tpu.memref_squeeze %dma_wait3A_1099 : memref<1x1x1x4096xf32, #tpu.memory_space<hbm>> -> memref<4096xf32, #tpu.memory_space<hbm>>
      %dma_wait3A_1101 = arith.constant 28672 : i32
      %dma_wait3A_1102 = tpu.memref_slice %arg4[%select_n3A_210, %select_n3A_250, %select_n3A_266, %dma_wait3A_1101] : memref<16x8x2x65536xf32, #tpu.memory_space<hbm>> -> memref<1x1x1x4096xf32, #tpu.memory_space<hbm>>
      %dma_wait3A_1103 = tpu.memref_squeeze %dma_wait3A_1102 : memref<1x1x1x4096xf32, #tpu.memory_space<hbm>> -> memref<4096xf32, #tpu.memory_space<hbm>>
      tpu.wait_dma2 semaphore(%arg14 : memref<!tpu.dma_semaphore, #tpu.memory_space<semaphore_mem>>) src(%arg6 : memref<4096xf32, #tpu.memory_space<vmem>>) dst(%dma_wait3A_1103 : memref<4096xf32, #tpu.memory_space<hbm>>)
    } else {
    }
    %convert_element_type3A_1024 = arith.extui %eq3A_271 : i1 to i32
    %cond3A_1025 = arith.constant 0 : i32
    %cond3A_1026 = arith.cmpi ne, %convert_element_type3A_1024, %cond3A_1025 : i32
    scf.if %cond3A_1026 {
      %dma_wait3A = arith.constant 32768 : i32
      %dma_wait3A_1057 = tpu.memref_slice %arg4[%select_n3A_210, %select_n3A_250, %select_n3A_266, %dma_wait3A] : memref<16x8x2x65536xf32, #tpu.memory_space<hbm>> -> memref<1x1x1x4096xf32, #tpu.memory_space<hbm>>
      %dma_wait3A_1058 = tpu.memref_squeeze %dma_wait3A_1057 : memref<1x1x1x4096xf32, #tpu.memory_space<hbm>> -> memref<4096xf32, #tpu.memory_space<hbm>>
      %dma_wait3A_1059 = arith.constant 32768 : i32
      %dma_wait3A_1060 = tpu.memref_slice %arg4[%select_n3A_210, %select_n3A_250, %select_n3A_266, %dma_wait3A_1059] : memref<16x8x2x65536xf32, #tpu.memory_space<hbm>> -> memref<1x1x1x4096xf32, #tpu.memory_space<hbm>>
      %dma_wait3A_1061 = tpu.memref_squeeze %dma_wait3A_1060 : memref<1x1x1x4096xf32, #tpu.memory_space<hbm>> -> memref<4096xf32, #tpu.memory_space<hbm>>
      tpu.wait_dma2 semaphore(%arg14 : memref<!tpu.dma_semaphore, #tpu.memory_space<semaphore_mem>>) src(%arg6 : memref<4096xf32, #tpu.memory_space<vmem>>) dst(%dma_wait3A_1061 : memref<4096xf32, #tpu.memory_space<hbm>>)
      %dma_wait3A_1062 = arith.constant 36864 : i32
      %dma_wait3A_1063 = tpu.memref_slice %arg4[%select_n3A_210, %select_n3A_250, %select_n3A_266, %dma_wait3A_1062] : memref<16x8x2x65536xf32, #tpu.memory_space<hbm>> -> memref<1x1x1x4096xf32, #tpu.memory_space<hbm>>
      %dma_wait3A_1064 = tpu.memref_squeeze %dma_wait3A_1063 : memref<1x1x1x4096xf32, #tpu.memory_space<hbm>> -> memref<4096xf32, #tpu.memory_space<hbm>>
      %dma_wait3A_1065 = arith.constant 36864 : i32
      %dma_wait3A_1066 = tpu.memref_slice %arg4[%select_n3A_210, %select_n3A_250, %select_n3A_266, %dma_wait3A_1065] : memref<16x8x2x65536xf32, #tpu.memory_space<hbm>> -> memref<1x1x1x4096xf32, #tpu.memory_space<hbm>>
      %dma_wait3A_1067 = tpu.memref_squeeze %dma_wait3A_1066 : memref<1x1x1x4096xf32, #tpu.memory_space<hbm>> -> memref<4096xf32, #tpu.memory_space<hbm>>
      tpu.wait_dma2 semaphore(%arg14 : memref<!tpu.dma_semaphore, #tpu.memory_space<semaphore_mem>>) src(%arg6 : memref<4096xf32, #tpu.memory_space<vmem>>) dst(%dma_wait3A_1067 : memref<4096xf32, #tpu.memory_space<hbm>>)
      %dma_wait3A_1068 = arith.constant 40960 : i32
      %dma_wait3A_1069 = tpu.memref_slice %arg4[%select_n3A_210, %select_n3A_250, %select_n3A_266, %dma_wait3A_1068] : memref<16x8x2x65536xf32, #tpu.memory_space<hbm>> -> memref<1x1x1x4096xf32, #tpu.memory_space<hbm>>
      %dma_wait3A_1070 = tpu.memref_squeeze %dma_wait3A_1069 : memref<1x1x1x4096xf32, #tpu.memory_space<hbm>> -> memref<4096xf32, #tpu.memory_space<hbm>>
      %dma_wait3A_1071 = arith.constant 40960 : i32
      %dma_wait3A_1072 = tpu.memref_slice %arg4[%select_n3A_210, %select_n3A_250, %select_n3A_266, %dma_wait3A_1071] : memref<16x8x2x65536xf32, #tpu.memory_space<hbm>> -> memref<1x1x1x4096xf32, #tpu.memory_space<hbm>>
      %dma_wait3A_1073 = tpu.memref_squeeze %dma_wait3A_1072 : memref<1x1x1x4096xf32, #tpu.memory_space<hbm>> -> memref<4096xf32, #tpu.memory_space<hbm>>
      tpu.wait_dma2 semaphore(%arg14 : memref<!tpu.dma_semaphore, #tpu.memory_space<semaphore_mem>>) src(%arg6 : memref<4096xf32, #tpu.memory_space<vmem>>) dst(%dma_wait3A_1073 : memref<4096xf32, #tpu.memory_space<hbm>>)
      %dma_wait3A_1074 = arith.constant 45056 : i32
      %dma_wait3A_1075 = tpu.memref_slice %arg4[%select_n3A_210, %select_n3A_250, %select_n3A_266, %dma_wait3A_1074] : memref<16x8x2x65536xf32, #tpu.memory_space<hbm>> -> memref<1x1x1x4096xf32, #tpu.memory_space<hbm>>
      %dma_wait3A_1076 = tpu.memref_squeeze %dma_wait3A_1075 : memref<1x1x1x4096xf32, #tpu.memory_space<hbm>> -> memref<4096xf32, #tpu.memory_space<hbm>>
      %dma_wait3A_1077 = arith.constant 45056 : i32
      %dma_wait3A_1078 = tpu.memref_slice %arg4[%select_n3A_210, %select_n3A_250, %select_n3A_266, %dma_wait3A_1077] : memref<16x8x2x65536xf32, #tpu.memory_space<hbm>> -> memref<1x1x1x4096xf32, #tpu.memory_space<hbm>>
      %dma_wait3A_1079 = tpu.memref_squeeze %dma_wait3A_1078 : memref<1x1x1x4096xf32, #tpu.memory_space<hbm>> -> memref<4096xf32, #tpu.memory_space<hbm>>
      tpu.wait_dma2 semaphore(%arg14 : memref<!tpu.dma_semaphore, #tpu.memory_space<semaphore_mem>>) src(%arg6 : memref<4096xf32, #tpu.memory_space<vmem>>) dst(%dma_wait3A_1079 : memref<4096xf32, #tpu.memory_space<hbm>>)
      %dma_wait3A_1080 = arith.constant 49152 : i32
      %dma_wait3A_1081 = tpu.memref_slice %arg4[%select_n3A_210, %select_n3A_250, %select_n3A_266, %dma_wait3A_1080] : memref<16x8x2x65536xf32, #tpu.memory_space<hbm>> -> memref<1x1x1x4096xf32, #tpu.memory_space<hbm>>
      %dma_wait3A_1082 = tpu.memref_squeeze %dma_wait3A_1081 : memref<1x1x1x4096xf32, #tpu.memory_space<hbm>> -> memref<4096xf32, #tpu.memory_space<hbm>>
      %dma_wait3A_1083 = arith.constant 49152 : i32
      %dma_wait3A_1084 = tpu.memref_slice %arg4[%select_n3A_210, %select_n3A_250, %select_n3A_266, %dma_wait3A_1083] : memref<16x8x2x65536xf32, #tpu.memory_space<hbm>> -> memref<1x1x1x4096xf32, #tpu.memory_space<hbm>>
      %dma_wait3A_1085 = tpu.memref_squeeze %dma_wait3A_1084 : memref<1x1x1x4096xf32, #tpu.memory_space<hbm>> -> memref<4096xf32, #tpu.memory_space<hbm>>
      tpu.wait_dma2 semaphore(%arg14 : memref<!tpu.dma_semaphore, #tpu.memory_space<semaphore_mem>>) src(%arg6 : memref<4096xf32, #tpu.memory_space<vmem>>) dst(%dma_wait3A_1085 : memref<4096xf32, #tpu.memory_space<hbm>>)
      %dma_wait3A_1086 = arith.constant 53248 : i32
      %dma_wait3A_1087 = tpu.memref_slice %arg4[%select_n3A_210, %select_n3A_250, %select_n3A_266, %dma_wait3A_1086] : memref<16x8x2x65536xf32, #tpu.memory_space<hbm>> -> memref<1x1x1x4096xf32, #tpu.memory_space<hbm>>
      %dma_wait3A_1088 = tpu.memref_squeeze %dma_wait3A_1087 : memref<1x1x1x4096xf32, #tpu.memory_space<hbm>> -> memref<4096xf32, #tpu.memory_space<hbm>>
      %dma_wait3A_1089 = arith.constant 53248 : i32
      %dma_wait3A_1090 = tpu.memref_slice %arg4[%select_n3A_210, %select_n3A_250, %select_n3A_266, %dma_wait3A_1089] : memref<16x8x2x65536xf32, #tpu.memory_space<hbm>> -> memref<1x1x1x4096xf32, #tpu.memory_space<hbm>>
      %dma_wait3A_1091 = tpu.memref_squeeze %dma_wait3A_1090 : memref<1x1x1x4096xf32, #tpu.memory_space<hbm>> -> memref<4096xf32, #tpu.memory_space<hbm>>
      tpu.wait_dma2 semaphore(%arg14 : memref<!tpu.dma_semaphore, #tpu.memory_space<semaphore_mem>>) src(%arg6 : memref<4096xf32, #tpu.memory_space<vmem>>) dst(%dma_wait3A_1091 : memref<4096xf32, #tpu.memory_space<hbm>>)
      %dma_wait3A_1092 = arith.constant 57344 : i32
      %dma_wait3A_1093 = tpu.memref_slice %arg4[%select_n3A_210, %select_n3A_250, %select_n3A_266, %dma_wait3A_1092] : memref<16x8x2x65536xf32, #tpu.memory_space<hbm>> -> memref<1x1x1x4096xf32, #tpu.memory_space<hbm>>
      %dma_wait3A_1094 = tpu.memref_squeeze %dma_wait3A_1093 : memref<1x1x1x4096xf32, #tpu.memory_space<hbm>> -> memref<4096xf32, #tpu.memory_space<hbm>>
      %dma_wait3A_1095 = arith.constant 57344 : i32
      %dma_wait3A_1096 = tpu.memref_slice %arg4[%select_n3A_210, %select_n3A_250, %select_n3A_266, %dma_wait3A_1095] : memref<16x8x2x65536xf32, #tpu.memory_space<hbm>> -> memref<1x1x1x4096xf32, #tpu.memory_space<hbm>>
      %dma_wait3A_1097 = tpu.memref_squeeze %dma_wait3A_1096 : memref<1x1x1x4096xf32, #tpu.memory_space<hbm>> -> memref<4096xf32, #tpu.memory_space<hbm>>
      tpu.wait_dma2 semaphore(%arg14 : memref<!tpu.dma_semaphore, #tpu.memory_space<semaphore_mem>>) src(%arg6 : memref<4096xf32, #tpu.memory_space<vmem>>) dst(%dma_wait3A_1097 : memref<4096xf32, #tpu.memory_space<hbm>>)
      %dma_wait3A_1098 = arith.constant 61440 : i32
      %dma_wait3A_1099 = tpu.memref_slice %arg4[%select_n3A_210, %select_n3A_250, %select_n3A_266, %dma_wait3A_1098] : memref<16x8x2x65536xf32, #tpu.memory_space<hbm>> -> memref<1x1x1x4096xf32, #tpu.memory_space<hbm>>
      %dma_wait3A_1100 = tpu.memref_squeeze %dma_wait3A_1099 : memref<1x1x1x4096xf32, #tpu.memory_space<hbm>> -> memref<4096xf32, #tpu.memory_space<hbm>>
      %dma_wait3A_1101 = arith.constant 61440 : i32
      %dma_wait3A_1102 = tpu.memref_slice %arg4[%select_n3A_210, %select_n3A_250, %select_n3A_266, %dma_wait3A_1101] : memref<16x8x2x65536xf32, #tpu.memory_space<hbm>> -> memref<1x1x1x4096xf32, #tpu.memory_space<hbm>>
      %dma_wait3A_1103 = tpu.memref_squeeze %dma_wait3A_1102 : memref<1x1x1x4096xf32, #tpu.memory_space<hbm>> -> memref<4096xf32, #tpu.memory_space<hbm>>
      tpu.wait_dma2 semaphore(%arg14 : memref<!tpu.dma_semaphore, #tpu.memory_space<semaphore_mem>>) src(%arg6 : memref<4096xf32, #tpu.memory_space<vmem>>) dst(%dma_wait3A_1103 : memref<4096xf32, #tpu.memory_space<hbm>>)
    } else {
    }
    %convert_element_type3A_1027 = arith.extui %eq3A_360 : i1 to i32
    %cond3A_1028 = arith.constant 0 : i32
    %cond3A_1029 = arith.cmpi ne, %convert_element_type3A_1027, %cond3A_1028 : i32
    scf.if %cond3A_1029 {
      %dma_wait3A = arith.constant 0 : i32
      %dma_wait3A_1057 = tpu.memref_slice %arg4[%select_n3A_299, %select_n3A_339, %select_n3A_355, %dma_wait3A] : memref<16x8x2x65536xf32, #tpu.memory_space<hbm>> -> memref<1x1x1x4096xf32, #tpu.memory_space<hbm>>
      %dma_wait3A_1058 = tpu.memref_squeeze %dma_wait3A_1057 : memref<1x1x1x4096xf32, #tpu.memory_space<hbm>> -> memref<4096xf32, #tpu.memory_space<hbm>>
      %dma_wait3A_1059 = arith.constant 0 : i32
      %dma_wait3A_1060 = tpu.memref_slice %arg4[%select_n3A_299, %select_n3A_339, %select_n3A_355, %dma_wait3A_1059] : memref<16x8x2x65536xf32, #tpu.memory_space<hbm>> -> memref<1x1x1x4096xf32, #tpu.memory_space<hbm>>
      %dma_wait3A_1061 = tpu.memref_squeeze %dma_wait3A_1060 : memref<1x1x1x4096xf32, #tpu.memory_space<hbm>> -> memref<4096xf32, #tpu.memory_space<hbm>>
      tpu.wait_dma2 semaphore(%arg14 : memref<!tpu.dma_semaphore, #tpu.memory_space<semaphore_mem>>) src(%arg6 : memref<4096xf32, #tpu.memory_space<vmem>>) dst(%dma_wait3A_1061 : memref<4096xf32, #tpu.memory_space<hbm>>)
      %dma_wait3A_1062 = arith.constant 4096 : i32
      %dma_wait3A_1063 = tpu.memref_slice %arg4[%select_n3A_299, %select_n3A_339, %select_n3A_355, %dma_wait3A_1062] : memref<16x8x2x65536xf32, #tpu.memory_space<hbm>> -> memref<1x1x1x4096xf32, #tpu.memory_space<hbm>>
      %dma_wait3A_1064 = tpu.memref_squeeze %dma_wait3A_1063 : memref<1x1x1x4096xf32, #tpu.memory_space<hbm>> -> memref<4096xf32, #tpu.memory_space<hbm>>
      %dma_wait3A_1065 = arith.constant 4096 : i32
      %dma_wait3A_1066 = tpu.memref_slice %arg4[%select_n3A_299, %select_n3A_339, %select_n3A_355, %dma_wait3A_1065] : memref<16x8x2x65536xf32, #tpu.memory_space<hbm>> -> memref<1x1x1x4096xf32, #tpu.memory_space<hbm>>
      %dma_wait3A_1067 = tpu.memref_squeeze %dma_wait3A_1066 : memref<1x1x1x4096xf32, #tpu.memory_space<hbm>> -> memref<4096xf32, #tpu.memory_space<hbm>>
      tpu.wait_dma2 semaphore(%arg14 : memref<!tpu.dma_semaphore, #tpu.memory_space<semaphore_mem>>) src(%arg6 : memref<4096xf32, #tpu.memory_space<vmem>>) dst(%dma_wait3A_1067 : memref<4096xf32, #tpu.memory_space<hbm>>)
      %dma_wait3A_1068 = arith.constant 8192 : i32
      %dma_wait3A_1069 = tpu.memref_slice %arg4[%select_n3A_299, %select_n3A_339, %select_n3A_355, %dma_wait3A_1068] : memref<16x8x2x65536xf32, #tpu.memory_space<hbm>> -> memref<1x1x1x4096xf32, #tpu.memory_space<hbm>>
      %dma_wait3A_1070 = tpu.memref_squeeze %dma_wait3A_1069 : memref<1x1x1x4096xf32, #tpu.memory_space<hbm>> -> memref<4096xf32, #tpu.memory_space<hbm>>
      %dma_wait3A_1071 = arith.constant 8192 : i32
      %dma_wait3A_1072 = tpu.memref_slice %arg4[%select_n3A_299, %select_n3A_339, %select_n3A_355, %dma_wait3A_1071] : memref<16x8x2x65536xf32, #tpu.memory_space<hbm>> -> memref<1x1x1x4096xf32, #tpu.memory_space<hbm>>
      %dma_wait3A_1073 = tpu.memref_squeeze %dma_wait3A_1072 : memref<1x1x1x4096xf32, #tpu.memory_space<hbm>> -> memref<4096xf32, #tpu.memory_space<hbm>>
      tpu.wait_dma2 semaphore(%arg14 : memref<!tpu.dma_semaphore, #tpu.memory_space<semaphore_mem>>) src(%arg6 : memref<4096xf32, #tpu.memory_space<vmem>>) dst(%dma_wait3A_1073 : memref<4096xf32, #tpu.memory_space<hbm>>)
      %dma_wait3A_1074 = arith.constant 12288 : i32
      %dma_wait3A_1075 = tpu.memref_slice %arg4[%select_n3A_299, %select_n3A_339, %select_n3A_355, %dma_wait3A_1074] : memref<16x8x2x65536xf32, #tpu.memory_space<hbm>> -> memref<1x1x1x4096xf32, #tpu.memory_space<hbm>>
      %dma_wait3A_1076 = tpu.memref_squeeze %dma_wait3A_1075 : memref<1x1x1x4096xf32, #tpu.memory_space<hbm>> -> memref<4096xf32, #tpu.memory_space<hbm>>
      %dma_wait3A_1077 = arith.constant 12288 : i32
      %dma_wait3A_1078 = tpu.memref_slice %arg4[%select_n3A_299, %select_n3A_339, %select_n3A_355, %dma_wait3A_1077] : memref<16x8x2x65536xf32, #tpu.memory_space<hbm>> -> memref<1x1x1x4096xf32, #tpu.memory_space<hbm>>
      %dma_wait3A_1079 = tpu.memref_squeeze %dma_wait3A_1078 : memref<1x1x1x4096xf32, #tpu.memory_space<hbm>> -> memref<4096xf32, #tpu.memory_space<hbm>>
      tpu.wait_dma2 semaphore(%arg14 : memref<!tpu.dma_semaphore, #tpu.memory_space<semaphore_mem>>) src(%arg6 : memref<4096xf32, #tpu.memory_space<vmem>>) dst(%dma_wait3A_1079 : memref<4096xf32, #tpu.memory_space<hbm>>)
      %dma_wait3A_1080 = arith.constant 16384 : i32
      %dma_wait3A_1081 = tpu.memref_slice %arg4[%select_n3A_299, %select_n3A_339, %select_n3A_355, %dma_wait3A_1080] : memref<16x8x2x65536xf32, #tpu.memory_space<hbm>> -> memref<1x1x1x4096xf32, #tpu.memory_space<hbm>>
      %dma_wait3A_1082 = tpu.memref_squeeze %dma_wait3A_1081 : memref<1x1x1x4096xf32, #tpu.memory_space<hbm>> -> memref<4096xf32, #tpu.memory_space<hbm>>
      %dma_wait3A_1083 = arith.constant 16384 : i32
      %dma_wait3A_1084 = tpu.memref_slice %arg4[%select_n3A_299, %select_n3A_339, %select_n3A_355, %dma_wait3A_1083] : memref<16x8x2x65536xf32, #tpu.memory_space<hbm>> -> memref<1x1x1x4096xf32, #tpu.memory_space<hbm>>
      %dma_wait3A_1085 = tpu.memref_squeeze %dma_wait3A_1084 : memref<1x1x1x4096xf32, #tpu.memory_space<hbm>> -> memref<4096xf32, #tpu.memory_space<hbm>>
      tpu.wait_dma2 semaphore(%arg14 : memref<!tpu.dma_semaphore, #tpu.memory_space<semaphore_mem>>) src(%arg6 : memref<4096xf32, #tpu.memory_space<vmem>>) dst(%dma_wait3A_1085 : memref<4096xf32, #tpu.memory_space<hbm>>)
      %dma_wait3A_1086 = arith.constant 20480 : i32
      %dma_wait3A_1087 = tpu.memref_slice %arg4[%select_n3A_299, %select_n3A_339, %select_n3A_355, %dma_wait3A_1086] : memref<16x8x2x65536xf32, #tpu.memory_space<hbm>> -> memref<1x1x1x4096xf32, #tpu.memory_space<hbm>>
      %dma_wait3A_1088 = tpu.memref_squeeze %dma_wait3A_1087 : memref<1x1x1x4096xf32, #tpu.memory_space<hbm>> -> memref<4096xf32, #tpu.memory_space<hbm>>
      %dma_wait3A_1089 = arith.constant 20480 : i32
      %dma_wait3A_1090 = tpu.memref_slice %arg4[%select_n3A_299, %select_n3A_339, %select_n3A_355, %dma_wait3A_1089] : memref<16x8x2x65536xf32, #tpu.memory_space<hbm>> -> memref<1x1x1x4096xf32, #tpu.memory_space<hbm>>
      %dma_wait3A_1091 = tpu.memref_squeeze %dma_wait3A_1090 : memref<1x1x1x4096xf32, #tpu.memory_space<hbm>> -> memref<4096xf32, #tpu.memory_space<hbm>>
      tpu.wait_dma2 semaphore(%arg14 : memref<!tpu.dma_semaphore, #tpu.memory_space<semaphore_mem>>) src(%arg6 : memref<4096xf32, #tpu.memory_space<vmem>>) dst(%dma_wait3A_1091 : memref<4096xf32, #tpu.memory_space<hbm>>)
      %dma_wait3A_1092 = arith.constant 24576 : i32
      %dma_wait3A_1093 = tpu.memref_slice %arg4[%select_n3A_299, %select_n3A_339, %select_n3A_355, %dma_wait3A_1092] : memref<16x8x2x65536xf32, #tpu.memory_space<hbm>> -> memref<1x1x1x4096xf32, #tpu.memory_space<hbm>>
      %dma_wait3A_1094 = tpu.memref_squeeze %dma_wait3A_1093 : memref<1x1x1x4096xf32, #tpu.memory_space<hbm>> -> memref<4096xf32, #tpu.memory_space<hbm>>
      %dma_wait3A_1095 = arith.constant 24576 : i32
      %dma_wait3A_1096 = tpu.memref_slice %arg4[%select_n3A_299, %select_n3A_339, %select_n3A_355, %dma_wait3A_1095] : memref<16x8x2x65536xf32, #tpu.memory_space<hbm>> -> memref<1x1x1x4096xf32, #tpu.memory_space<hbm>>
      %dma_wait3A_1097 = tpu.memref_squeeze %dma_wait3A_1096 : memref<1x1x1x4096xf32, #tpu.memory_space<hbm>> -> memref<4096xf32, #tpu.memory_space<hbm>>
      tpu.wait_dma2 semaphore(%arg14 : memref<!tpu.dma_semaphore, #tpu.memory_space<semaphore_mem>>) src(%arg6 : memref<4096xf32, #tpu.memory_space<vmem>>) dst(%dma_wait3A_1097 : memref<4096xf32, #tpu.memory_space<hbm>>)
      %dma_wait3A_1098 = arith.constant 28672 : i32
      %dma_wait3A_1099 = tpu.memref_slice %arg4[%select_n3A_299, %select_n3A_339, %select_n3A_355, %dma_wait3A_1098] : memref<16x8x2x65536xf32, #tpu.memory_space<hbm>> -> memref<1x1x1x4096xf32, #tpu.memory_space<hbm>>
      %dma_wait3A_1100 = tpu.memref_squeeze %dma_wait3A_1099 : memref<1x1x1x4096xf32, #tpu.memory_space<hbm>> -> memref<4096xf32, #tpu.memory_space<hbm>>
      %dma_wait3A_1101 = arith.constant 28672 : i32
      %dma_wait3A_1102 = tpu.memref_slice %arg4[%select_n3A_299, %select_n3A_339, %select_n3A_355, %dma_wait3A_1101] : memref<16x8x2x65536xf32, #tpu.memory_space<hbm>> -> memref<1x1x1x4096xf32, #tpu.memory_space<hbm>>
      %dma_wait3A_1103 = tpu.memref_squeeze %dma_wait3A_1102 : memref<1x1x1x4096xf32, #tpu.memory_space<hbm>> -> memref<4096xf32, #tpu.memory_space<hbm>>
      tpu.wait_dma2 semaphore(%arg14 : memref<!tpu.dma_semaphore, #tpu.memory_space<semaphore_mem>>) src(%arg6 : memref<4096xf32, #tpu.memory_space<vmem>>) dst(%dma_wait3A_1103 : memref<4096xf32, #tpu.memory_space<hbm>>)
    } else {
    }
    %convert_element_type3A_1030 = arith.extui %eq3A_360 : i1 to i32
    %cond3A_1031 = arith.constant 0 : i32
    %cond3A_1032 = arith.cmpi ne, %convert_element_type3A_1030, %cond3A_1031 : i32
    scf.if %cond3A_1032 {
      %dma_wait3A = arith.constant 32768 : i32
      %dma_wait3A_1057 = tpu.memref_slice %arg4[%select_n3A_299, %select_n3A_339, %select_n3A_355, %dma_wait3A] : memref<16x8x2x65536xf32, #tpu.memory_space<hbm>> -> memref<1x1x1x4096xf32, #tpu.memory_space<hbm>>
      %dma_wait3A_1058 = tpu.memref_squeeze %dma_wait3A_1057 : memref<1x1x1x4096xf32, #tpu.memory_space<hbm>> -> memref<4096xf32, #tpu.memory_space<hbm>>
      %dma_wait3A_1059 = arith.constant 32768 : i32
      %dma_wait3A_1060 = tpu.memref_slice %arg4[%select_n3A_299, %select_n3A_339, %select_n3A_355, %dma_wait3A_1059] : memref<16x8x2x65536xf32, #tpu.memory_space<hbm>> -> memref<1x1x1x4096xf32, #tpu.memory_space<hbm>>
      %dma_wait3A_1061 = tpu.memref_squeeze %dma_wait3A_1060 : memref<1x1x1x4096xf32, #tpu.memory_space<hbm>> -> memref<4096xf32, #tpu.memory_space<hbm>>
      tpu.wait_dma2 semaphore(%arg14 : memref<!tpu.dma_semaphore, #tpu.memory_space<semaphore_mem>>) src(%arg6 : memref<4096xf32, #tpu.memory_space<vmem>>) dst(%dma_wait3A_1061 : memref<4096xf32, #tpu.memory_space<hbm>>)
      %dma_wait3A_1062 = arith.constant 36864 : i32
      %dma_wait3A_1063 = tpu.memref_slice %arg4[%select_n3A_299, %select_n3A_339, %select_n3A_355, %dma_wait3A_1062] : memref<16x8x2x65536xf32, #tpu.memory_space<hbm>> -> memref<1x1x1x4096xf32, #tpu.memory_space<hbm>>
      %dma_wait3A_1064 = tpu.memref_squeeze %dma_wait3A_1063 : memref<1x1x1x4096xf32, #tpu.memory_space<hbm>> -> memref<4096xf32, #tpu.memory_space<hbm>>
      %dma_wait3A_1065 = arith.constant 36864 : i32
      %dma_wait3A_1066 = tpu.memref_slice %arg4[%select_n3A_299, %select_n3A_339, %select_n3A_355, %dma_wait3A_1065] : memref<16x8x2x65536xf32, #tpu.memory_space<hbm>> -> memref<1x1x1x4096xf32, #tpu.memory_space<hbm>>
      %dma_wait3A_1067 = tpu.memref_squeeze %dma_wait3A_1066 : memref<1x1x1x4096xf32, #tpu.memory_space<hbm>> -> memref<4096xf32, #tpu.memory_space<hbm>>
      tpu.wait_dma2 semaphore(%arg14 : memref<!tpu.dma_semaphore, #tpu.memory_space<semaphore_mem>>) src(%arg6 : memref<4096xf32, #tpu.memory_space<vmem>>) dst(%dma_wait3A_1067 : memref<4096xf32, #tpu.memory_space<hbm>>)
      %dma_wait3A_1068 = arith.constant 40960 : i32
      %dma_wait3A_1069 = tpu.memref_slice %arg4[%select_n3A_299, %select_n3A_339, %select_n3A_355, %dma_wait3A_1068] : memref<16x8x2x65536xf32, #tpu.memory_space<hbm>> -> memref<1x1x1x4096xf32, #tpu.memory_space<hbm>>
      %dma_wait3A_1070 = tpu.memref_squeeze %dma_wait3A_1069 : memref<1x1x1x4096xf32, #tpu.memory_space<hbm>> -> memref<4096xf32, #tpu.memory_space<hbm>>
      %dma_wait3A_1071 = arith.constant 40960 : i32
      %dma_wait3A_1072 = tpu.memref_slice %arg4[%select_n3A_299, %select_n3A_339, %select_n3A_355, %dma_wait3A_1071] : memref<16x8x2x65536xf32, #tpu.memory_space<hbm>> -> memref<1x1x1x4096xf32, #tpu.memory_space<hbm>>
      %dma_wait3A_1073 = tpu.memref_squeeze %dma_wait3A_1072 : memref<1x1x1x4096xf32, #tpu.memory_space<hbm>> -> memref<4096xf32, #tpu.memory_space<hbm>>
      tpu.wait_dma2 semaphore(%arg14 : memref<!tpu.dma_semaphore, #tpu.memory_space<semaphore_mem>>) src(%arg6 : memref<4096xf32, #tpu.memory_space<vmem>>) dst(%dma_wait3A_1073 : memref<4096xf32, #tpu.memory_space<hbm>>)
      %dma_wait3A_1074 = arith.constant 45056 : i32
      %dma_wait3A_1075 = tpu.memref_slice %arg4[%select_n3A_299, %select_n3A_339, %select_n3A_355, %dma_wait3A_1074] : memref<16x8x2x65536xf32, #tpu.memory_space<hbm>> -> memref<1x1x1x4096xf32, #tpu.memory_space<hbm>>
      %dma_wait3A_1076 = tpu.memref_squeeze %dma_wait3A_1075 : memref<1x1x1x4096xf32, #tpu.memory_space<hbm>> -> memref<4096xf32, #tpu.memory_space<hbm>>
      %dma_wait3A_1077 = arith.constant 45056 : i32
      %dma_wait3A_1078 = tpu.memref_slice %arg4[%select_n3A_299, %select_n3A_339, %select_n3A_355, %dma_wait3A_1077] : memref<16x8x2x65536xf32, #tpu.memory_space<hbm>> -> memref<1x1x1x4096xf32, #tpu.memory_space<hbm>>
      %dma_wait3A_1079 = tpu.memref_squeeze %dma_wait3A_1078 : memref<1x1x1x4096xf32, #tpu.memory_space<hbm>> -> memref<4096xf32, #tpu.memory_space<hbm>>
      tpu.wait_dma2 semaphore(%arg14 : memref<!tpu.dma_semaphore, #tpu.memory_space<semaphore_mem>>) src(%arg6 : memref<4096xf32, #tpu.memory_space<vmem>>) dst(%dma_wait3A_1079 : memref<4096xf32, #tpu.memory_space<hbm>>)
      %dma_wait3A_1080 = arith.constant 49152 : i32
      %dma_wait3A_1081 = tpu.memref_slice %arg4[%select_n3A_299, %select_n3A_339, %select_n3A_355, %dma_wait3A_1080] : memref<16x8x2x65536xf32, #tpu.memory_space<hbm>> -> memref<1x1x1x4096xf32, #tpu.memory_space<hbm>>
      %dma_wait3A_1082 = tpu.memref_squeeze %dma_wait3A_1081 : memref<1x1x1x4096xf32, #tpu.memory_space<hbm>> -> memref<4096xf32, #tpu.memory_space<hbm>>
      %dma_wait3A_1083 = arith.constant 49152 : i32
      %dma_wait3A_1084 = tpu.memref_slice %arg4[%select_n3A_299, %select_n3A_339, %select_n3A_355, %dma_wait3A_1083] : memref<16x8x2x65536xf32, #tpu.memory_space<hbm>> -> memref<1x1x1x4096xf32, #tpu.memory_space<hbm>>
      %dma_wait3A_1085 = tpu.memref_squeeze %dma_wait3A_1084 : memref<1x1x1x4096xf32, #tpu.memory_space<hbm>> -> memref<4096xf32, #tpu.memory_space<hbm>>
      tpu.wait_dma2 semaphore(%arg14 : memref<!tpu.dma_semaphore, #tpu.memory_space<semaphore_mem>>) src(%arg6 : memref<4096xf32, #tpu.memory_space<vmem>>) dst(%dma_wait3A_1085 : memref<4096xf32, #tpu.memory_space<hbm>>)
      %dma_wait3A_1086 = arith.constant 53248 : i32
      %dma_wait3A_1087 = tpu.memref_slice %arg4[%select_n3A_299, %select_n3A_339, %select_n3A_355, %dma_wait3A_1086] : memref<16x8x2x65536xf32, #tpu.memory_space<hbm>> -> memref<1x1x1x4096xf32, #tpu.memory_space<hbm>>
      %dma_wait3A_1088 = tpu.memref_squeeze %dma_wait3A_1087 : memref<1x1x1x4096xf32, #tpu.memory_space<hbm>> -> memref<4096xf32, #tpu.memory_space<hbm>>
      %dma_wait3A_1089 = arith.constant 53248 : i32
      %dma_wait3A_1090 = tpu.memref_slice %arg4[%select_n3A_299, %select_n3A_339, %select_n3A_355, %dma_wait3A_1089] : memref<16x8x2x65536xf32, #tpu.memory_space<hbm>> -> memref<1x1x1x4096xf32, #tpu.memory_space<hbm>>
      %dma_wait3A_1091 = tpu.memref_squeeze %dma_wait3A_1090 : memref<1x1x1x4096xf32, #tpu.memory_space<hbm>> -> memref<4096xf32, #tpu.memory_space<hbm>>
      tpu.wait_dma2 semaphore(%arg14 : memref<!tpu.dma_semaphore, #tpu.memory_space<semaphore_mem>>) src(%arg6 : memref<4096xf32, #tpu.memory_space<vmem>>) dst(%dma_wait3A_1091 : memref<4096xf32, #tpu.memory_space<hbm>>)
      %dma_wait3A_1092 = arith.constant 57344 : i32
      %dma_wait3A_1093 = tpu.memref_slice %arg4[%select_n3A_299, %select_n3A_339, %select_n3A_355, %dma_wait3A_1092] : memref<16x8x2x65536xf32, #tpu.memory_space<hbm>> -> memref<1x1x1x4096xf32, #tpu.memory_space<hbm>>
      %dma_wait3A_1094 = tpu.memref_squeeze %dma_wait3A_1093 : memref<1x1x1x4096xf32, #tpu.memory_space<hbm>> -> memref<4096xf32, #tpu.memory_space<hbm>>
      %dma_wait3A_1095 = arith.constant 57344 : i32
      %dma_wait3A_1096 = tpu.memref_slice %arg4[%select_n3A_299, %select_n3A_339, %select_n3A_355, %dma_wait3A_1095] : memref<16x8x2x65536xf32, #tpu.memory_space<hbm>> -> memref<1x1x1x4096xf32, #tpu.memory_space<hbm>>
      %dma_wait3A_1097 = tpu.memref_squeeze %dma_wait3A_1096 : memref<1x1x1x4096xf32, #tpu.memory_space<hbm>> -> memref<4096xf32, #tpu.memory_space<hbm>>
      tpu.wait_dma2 semaphore(%arg14 : memref<!tpu.dma_semaphore, #tpu.memory_space<semaphore_mem>>) src(%arg6 : memref<4096xf32, #tpu.memory_space<vmem>>) dst(%dma_wait3A_1097 : memref<4096xf32, #tpu.memory_space<hbm>>)
      %dma_wait3A_1098 = arith.constant 61440 : i32
      %dma_wait3A_1099 = tpu.memref_slice %arg4[%select_n3A_299, %select_n3A_339, %select_n3A_355, %dma_wait3A_1098] : memref<16x8x2x65536xf32, #tpu.memory_space<hbm>> -> memref<1x1x1x4096xf32, #tpu.memory_space<hbm>>
      %dma_wait3A_1100 = tpu.memref_squeeze %dma_wait3A_1099 : memref<1x1x1x4096xf32, #tpu.memory_space<hbm>> -> memref<4096xf32, #tpu.memory_space<hbm>>
      %dma_wait3A_1101 = arith.constant 61440 : i32
      %dma_wait3A_1102 = tpu.memref_slice %arg4[%select_n3A_299, %select_n3A_339, %select_n3A_355, %dma_wait3A_1101] : memref<16x8x2x65536xf32, #tpu.memory_space<hbm>> -> memref<1x1x1x4096xf32, #tpu.memory_space<hbm>>
      %dma_wait3A_1103 = tpu.memref_squeeze %dma_wait3A_1102 : memref<1x1x1x4096xf32, #tpu.memory_space<hbm>> -> memref<4096xf32, #tpu.memory_space<hbm>>
      tpu.wait_dma2 semaphore(%arg14 : memref<!tpu.dma_semaphore, #tpu.memory_space<semaphore_mem>>) src(%arg6 : memref<4096xf32, #tpu.memory_space<vmem>>) dst(%dma_wait3A_1103 : memref<4096xf32, #tpu.memory_space<hbm>>)
    } else {
    }
    %convert_element_type3A_1033 = arith.extui %eq3A_449 : i1 to i32
    %cond3A_1034 = arith.constant 0 : i32
    %cond3A_1035 = arith.cmpi ne, %convert_element_type3A_1033, %cond3A_1034 : i32
    scf.if %cond3A_1035 {
      %dma_wait3A = arith.constant 0 : i32
      %dma_wait3A_1057 = tpu.memref_slice %arg4[%select_n3A_388, %select_n3A_428, %select_n3A_444, %dma_wait3A] : memref<16x8x2x65536xf32, #tpu.memory_space<hbm>> -> memref<1x1x1x4096xf32, #tpu.memory_space<hbm>>
      %dma_wait3A_1058 = tpu.memref_squeeze %dma_wait3A_1057 : memref<1x1x1x4096xf32, #tpu.memory_space<hbm>> -> memref<4096xf32, #tpu.memory_space<hbm>>
      %dma_wait3A_1059 = arith.constant 0 : i32
      %dma_wait3A_1060 = tpu.memref_slice %arg4[%select_n3A_388, %select_n3A_428, %select_n3A_444, %dma_wait3A_1059] : memref<16x8x2x65536xf32, #tpu.memory_space<hbm>> -> memref<1x1x1x4096xf32, #tpu.memory_space<hbm>>
      %dma_wait3A_1061 = tpu.memref_squeeze %dma_wait3A_1060 : memref<1x1x1x4096xf32, #tpu.memory_space<hbm>> -> memref<4096xf32, #tpu.memory_space<hbm>>
      tpu.wait_dma2 semaphore(%arg14 : memref<!tpu.dma_semaphore, #tpu.memory_space<semaphore_mem>>) src(%arg6 : memref<4096xf32, #tpu.memory_space<vmem>>) dst(%dma_wait3A_1061 : memref<4096xf32, #tpu.memory_space<hbm>>)
      %dma_wait3A_1062 = arith.constant 4096 : i32
      %dma_wait3A_1063 = tpu.memref_slice %arg4[%select_n3A_388, %select_n3A_428, %select_n3A_444, %dma_wait3A_1062] : memref<16x8x2x65536xf32, #tpu.memory_space<hbm>> -> memref<1x1x1x4096xf32, #tpu.memory_space<hbm>>
      %dma_wait3A_1064 = tpu.memref_squeeze %dma_wait3A_1063 : memref<1x1x1x4096xf32, #tpu.memory_space<hbm>> -> memref<4096xf32, #tpu.memory_space<hbm>>
      %dma_wait3A_1065 = arith.constant 4096 : i32
      %dma_wait3A_1066 = tpu.memref_slice %arg4[%select_n3A_388, %select_n3A_428, %select_n3A_444, %dma_wait3A_1065] : memref<16x8x2x65536xf32, #tpu.memory_space<hbm>> -> memref<1x1x1x4096xf32, #tpu.memory_space<hbm>>
      %dma_wait3A_1067 = tpu.memref_squeeze %dma_wait3A_1066 : memref<1x1x1x4096xf32, #tpu.memory_space<hbm>> -> memref<4096xf32, #tpu.memory_space<hbm>>
      tpu.wait_dma2 semaphore(%arg14 : memref<!tpu.dma_semaphore, #tpu.memory_space<semaphore_mem>>) src(%arg6 : memref<4096xf32, #tpu.memory_space<vmem>>) dst(%dma_wait3A_1067 : memref<4096xf32, #tpu.memory_space<hbm>>)
      %dma_wait3A_1068 = arith.constant 8192 : i32
      %dma_wait3A_1069 = tpu.memref_slice %arg4[%select_n3A_388, %select_n3A_428, %select_n3A_444, %dma_wait3A_1068] : memref<16x8x2x65536xf32, #tpu.memory_space<hbm>> -> memref<1x1x1x4096xf32, #tpu.memory_space<hbm>>
      %dma_wait3A_1070 = tpu.memref_squeeze %dma_wait3A_1069 : memref<1x1x1x4096xf32, #tpu.memory_space<hbm>> -> memref<4096xf32, #tpu.memory_space<hbm>>
      %dma_wait3A_1071 = arith.constant 8192 : i32
      %dma_wait3A_1072 = tpu.memref_slice %arg4[%select_n3A_388, %select_n3A_428, %select_n3A_444, %dma_wait3A_1071] : memref<16x8x2x65536xf32, #tpu.memory_space<hbm>> -> memref<1x1x1x4096xf32, #tpu.memory_space<hbm>>
      %dma_wait3A_1073 = tpu.memref_squeeze %dma_wait3A_1072 : memref<1x1x1x4096xf32, #tpu.memory_space<hbm>> -> memref<4096xf32, #tpu.memory_space<hbm>>
      tpu.wait_dma2 semaphore(%arg14 : memref<!tpu.dma_semaphore, #tpu.memory_space<semaphore_mem>>) src(%arg6 : memref<4096xf32, #tpu.memory_space<vmem>>) dst(%dma_wait3A_1073 : memref<4096xf32, #tpu.memory_space<hbm>>)
      %dma_wait3A_1074 = arith.constant 12288 : i32
      %dma_wait3A_1075 = tpu.memref_slice %arg4[%select_n3A_388, %select_n3A_428, %select_n3A_444, %dma_wait3A_1074] : memref<16x8x2x65536xf32, #tpu.memory_space<hbm>> -> memref<1x1x1x4096xf32, #tpu.memory_space<hbm>>
      %dma_wait3A_1076 = tpu.memref_squeeze %dma_wait3A_1075 : memref<1x1x1x4096xf32, #tpu.memory_space<hbm>> -> memref<4096xf32, #tpu.memory_space<hbm>>
      %dma_wait3A_1077 = arith.constant 12288 : i32
      %dma_wait3A_1078 = tpu.memref_slice %arg4[%select_n3A_388, %select_n3A_428, %select_n3A_444, %dma_wait3A_1077] : memref<16x8x2x65536xf32, #tpu.memory_space<hbm>> -> memref<1x1x1x4096xf32, #tpu.memory_space<hbm>>
      %dma_wait3A_1079 = tpu.memref_squeeze %dma_wait3A_1078 : memref<1x1x1x4096xf32, #tpu.memory_space<hbm>> -> memref<4096xf32, #tpu.memory_space<hbm>>
      tpu.wait_dma2 semaphore(%arg14 : memref<!tpu.dma_semaphore, #tpu.memory_space<semaphore_mem>>) src(%arg6 : memref<4096xf32, #tpu.memory_space<vmem>>) dst(%dma_wait3A_1079 : memref<4096xf32, #tpu.memory_space<hbm>>)
      %dma_wait3A_1080 = arith.constant 16384 : i32
      %dma_wait3A_1081 = tpu.memref_slice %arg4[%select_n3A_388, %select_n3A_428, %select_n3A_444, %dma_wait3A_1080] : memref<16x8x2x65536xf32, #tpu.memory_space<hbm>> -> memref<1x1x1x4096xf32, #tpu.memory_space<hbm>>
      %dma_wait3A_1082 = tpu.memref_squeeze %dma_wait3A_1081 : memref<1x1x1x4096xf32, #tpu.memory_space<hbm>> -> memref<4096xf32, #tpu.memory_space<hbm>>
      %dma_wait3A_1083 = arith.constant 16384 : i32
      %dma_wait3A_1084 = tpu.memref_slice %arg4[%select_n3A_388, %select_n3A_428, %select_n3A_444, %dma_wait3A_1083] : memref<16x8x2x65536xf32, #tpu.memory_space<hbm>> -> memref<1x1x1x4096xf32, #tpu.memory_space<hbm>>
      %dma_wait3A_1085 = tpu.memref_squeeze %dma_wait3A_1084 : memref<1x1x1x4096xf32, #tpu.memory_space<hbm>> -> memref<4096xf32, #tpu.memory_space<hbm>>
      tpu.wait_dma2 semaphore(%arg14 : memref<!tpu.dma_semaphore, #tpu.memory_space<semaphore_mem>>) src(%arg6 : memref<4096xf32, #tpu.memory_space<vmem>>) dst(%dma_wait3A_1085 : memref<4096xf32, #tpu.memory_space<hbm>>)
      %dma_wait3A_1086 = arith.constant 20480 : i32
      %dma_wait3A_1087 = tpu.memref_slice %arg4[%select_n3A_388, %select_n3A_428, %select_n3A_444, %dma_wait3A_1086] : memref<16x8x2x65536xf32, #tpu.memory_space<hbm>> -> memref<1x1x1x4096xf32, #tpu.memory_space<hbm>>
      %dma_wait3A_1088 = tpu.memref_squeeze %dma_wait3A_1087 : memref<1x1x1x4096xf32, #tpu.memory_space<hbm>> -> memref<4096xf32, #tpu.memory_space<hbm>>
      %dma_wait3A_1089 = arith.constant 20480 : i32
      %dma_wait3A_1090 = tpu.memref_slice %arg4[%select_n3A_388, %select_n3A_428, %select_n3A_444, %dma_wait3A_1089] : memref<16x8x2x65536xf32, #tpu.memory_space<hbm>> -> memref<1x1x1x4096xf32, #tpu.memory_space<hbm>>
      %dma_wait3A_1091 = tpu.memref_squeeze %dma_wait3A_1090 : memref<1x1x1x4096xf32, #tpu.memory_space<hbm>> -> memref<4096xf32, #tpu.memory_space<hbm>>
      tpu.wait_dma2 semaphore(%arg14 : memref<!tpu.dma_semaphore, #tpu.memory_space<semaphore_mem>>) src(%arg6 : memref<4096xf32, #tpu.memory_space<vmem>>) dst(%dma_wait3A_1091 : memref<4096xf32, #tpu.memory_space<hbm>>)
      %dma_wait3A_1092 = arith.constant 24576 : i32
      %dma_wait3A_1093 = tpu.memref_slice %arg4[%select_n3A_388, %select_n3A_428, %select_n3A_444, %dma_wait3A_1092] : memref<16x8x2x65536xf32, #tpu.memory_space<hbm>> -> memref<1x1x1x4096xf32, #tpu.memory_space<hbm>>
      %dma_wait3A_1094 = tpu.memref_squeeze %dma_wait3A_1093 : memref<1x1x1x4096xf32, #tpu.memory_space<hbm>> -> memref<4096xf32, #tpu.memory_space<hbm>>
      %dma_wait3A_1095 = arith.constant 24576 : i32
      %dma_wait3A_1096 = tpu.memref_slice %arg4[%select_n3A_388, %select_n3A_428, %select_n3A_444, %dma_wait3A_1095] : memref<16x8x2x65536xf32, #tpu.memory_space<hbm>> -> memref<1x1x1x4096xf32, #tpu.memory_space<hbm>>
      %dma_wait3A_1097 = tpu.memref_squeeze %dma_wait3A_1096 : memref<1x1x1x4096xf32, #tpu.memory_space<hbm>> -> memref<4096xf32, #tpu.memory_space<hbm>>
      tpu.wait_dma2 semaphore(%arg14 : memref<!tpu.dma_semaphore, #tpu.memory_space<semaphore_mem>>) src(%arg6 : memref<4096xf32, #tpu.memory_space<vmem>>) dst(%dma_wait3A_1097 : memref<4096xf32, #tpu.memory_space<hbm>>)
      %dma_wait3A_1098 = arith.constant 28672 : i32
      %dma_wait3A_1099 = tpu.memref_slice %arg4[%select_n3A_388, %select_n3A_428, %select_n3A_444, %dma_wait3A_1098] : memref<16x8x2x65536xf32, #tpu.memory_space<hbm>> -> memref<1x1x1x4096xf32, #tpu.memory_space<hbm>>
      %dma_wait3A_1100 = tpu.memref_squeeze %dma_wait3A_1099 : memref<1x1x1x4096xf32, #tpu.memory_space<hbm>> -> memref<4096xf32, #tpu.memory_space<hbm>>
      %dma_wait3A_1101 = arith.constant 28672 : i32
      %dma_wait3A_1102 = tpu.memref_slice %arg4[%select_n3A_388, %select_n3A_428, %select_n3A_444, %dma_wait3A_1101] : memref<16x8x2x65536xf32, #tpu.memory_space<hbm>> -> memref<1x1x1x4096xf32, #tpu.memory_space<hbm>>
      %dma_wait3A_1103 = tpu.memref_squeeze %dma_wait3A_1102 : memref<1x1x1x4096xf32, #tpu.memory_space<hbm>> -> memref<4096xf32, #tpu.memory_space<hbm>>
      tpu.wait_dma2 semaphore(%arg14 : memref<!tpu.dma_semaphore, #tpu.memory_space<semaphore_mem>>) src(%arg6 : memref<4096xf32, #tpu.memory_space<vmem>>) dst(%dma_wait3A_1103 : memref<4096xf32, #tpu.memory_space<hbm>>)
    } else {
    }
    %convert_element_type3A_1036 = arith.extui %eq3A_449 : i1 to i32
    %cond3A_1037 = arith.constant 0 : i32
    %cond3A_1038 = arith.cmpi ne, %convert_element_type3A_1036, %cond3A_1037 : i32
    scf.if %cond3A_1038 {
      %dma_wait3A = arith.constant 32768 : i32
      %dma_wait3A_1057 = tpu.memref_slice %arg4[%select_n3A_388, %select_n3A_428, %select_n3A_444, %dma_wait3A] : memref<16x8x2x65536xf32, #tpu.memory_space<hbm>> -> memref<1x1x1x4096xf32, #tpu.memory_space<hbm>>
      %dma_wait3A_1058 = tpu.memref_squeeze %dma_wait3A_1057 : memref<1x1x1x4096xf32, #tpu.memory_space<hbm>> -> memref<4096xf32, #tpu.memory_space<hbm>>
      %dma_wait3A_1059 = arith.constant 32768 : i32
      %dma_wait3A_1060 = tpu.memref_slice %arg4[%select_n3A_388, %select_n3A_428, %select_n3A_444, %dma_wait3A_1059] : memref<16x8x2x65536xf32, #tpu.memory_space<hbm>> -> memref<1x1x1x4096xf32, #tpu.memory_space<hbm>>
      %dma_wait3A_1061 = tpu.memref_squeeze %dma_wait3A_1060 : memref<1x1x1x4096xf32, #tpu.memory_space<hbm>> -> memref<4096xf32, #tpu.memory_space<hbm>>
      tpu.wait_dma2 semaphore(%arg14 : memref<!tpu.dma_semaphore, #tpu.memory_space<semaphore_mem>>) src(%arg6 : memref<4096xf32, #tpu.memory_space<vmem>>) dst(%dma_wait3A_1061 : memref<4096xf32, #tpu.memory_space<hbm>>)
      %dma_wait3A_1062 = arith.constant 36864 : i32
      %dma_wait3A_1063 = tpu.memref_slice %arg4[%select_n3A_388, %select_n3A_428, %select_n3A_444, %dma_wait3A_1062] : memref<16x8x2x65536xf32, #tpu.memory_space<hbm>> -> memref<1x1x1x4096xf32, #tpu.memory_space<hbm>>
      %dma_wait3A_1064 = tpu.memref_squeeze %dma_wait3A_1063 : memref<1x1x1x4096xf32, #tpu.memory_space<hbm>> -> memref<4096xf32, #tpu.memory_space<hbm>>
      %dma_wait3A_1065 = arith.constant 36864 : i32
      %dma_wait3A_1066 = tpu.memref_slice %arg4[%select_n3A_388, %select_n3A_428, %select_n3A_444, %dma_wait3A_1065] : memref<16x8x2x65536xf32, #tpu.memory_space<hbm>> -> memref<1x1x1x4096xf32, #tpu.memory_space<hbm>>
      %dma_wait3A_1067 = tpu.memref_squeeze %dma_wait3A_1066 : memref<1x1x1x4096xf32, #tpu.memory_space<hbm>> -> memref<4096xf32, #tpu.memory_space<hbm>>
      tpu.wait_dma2 semaphore(%arg14 : memref<!tpu.dma_semaphore, #tpu.memory_space<semaphore_mem>>) src(%arg6 : memref<4096xf32, #tpu.memory_space<vmem>>) dst(%dma_wait3A_1067 : memref<4096xf32, #tpu.memory_space<hbm>>)
      %dma_wait3A_1068 = arith.constant 40960 : i32
      %dma_wait3A_1069 = tpu.memref_slice %arg4[%select_n3A_388, %select_n3A_428, %select_n3A_444, %dma_wait3A_1068] : memref<16x8x2x65536xf32, #tpu.memory_space<hbm>> -> memref<1x1x1x4096xf32, #tpu.memory_space<hbm>>
      %dma_wait3A_1070 = tpu.memref_squeeze %dma_wait3A_1069 : memref<1x1x1x4096xf32, #tpu.memory_space<hbm>> -> memref<4096xf32, #tpu.memory_space<hbm>>
      %dma_wait3A_1071 = arith.constant 40960 : i32
      %dma_wait3A_1072 = tpu.memref_slice %arg4[%select_n3A_388, %select_n3A_428, %select_n3A_444, %dma_wait3A_1071] : memref<16x8x2x65536xf32, #tpu.memory_space<hbm>> -> memref<1x1x1x4096xf32, #tpu.memory_space<hbm>>
      %dma_wait3A_1073 = tpu.memref_squeeze %dma_wait3A_1072 : memref<1x1x1x4096xf32, #tpu.memory_space<hbm>> -> memref<4096xf32, #tpu.memory_space<hbm>>
      tpu.wait_dma2 semaphore(%arg14 : memref<!tpu.dma_semaphore, #tpu.memory_space<semaphore_mem>>) src(%arg6 : memref<4096xf32, #tpu.memory_space<vmem>>) dst(%dma_wait3A_1073 : memref<4096xf32, #tpu.memory_space<hbm>>)
      %dma_wait3A_1074 = arith.constant 45056 : i32
      %dma_wait3A_1075 = tpu.memref_slice %arg4[%select_n3A_388, %select_n3A_428, %select_n3A_444, %dma_wait3A_1074] : memref<16x8x2x65536xf32, #tpu.memory_space<hbm>> -> memref<1x1x1x4096xf32, #tpu.memory_space<hbm>>
      %dma_wait3A_1076 = tpu.memref_squeeze %dma_wait3A_1075 : memref<1x1x1x4096xf32, #tpu.memory_space<hbm>> -> memref<4096xf32, #tpu.memory_space<hbm>>
      %dma_wait3A_1077 = arith.constant 45056 : i32
      %dma_wait3A_1078 = tpu.memref_slice %arg4[%select_n3A_388, %select_n3A_428, %select_n3A_444, %dma_wait3A_1077] : memref<16x8x2x65536xf32, #tpu.memory_space<hbm>> -> memref<1x1x1x4096xf32, #tpu.memory_space<hbm>>
      %dma_wait3A_1079 = tpu.memref_squeeze %dma_wait3A_1078 : memref<1x1x1x4096xf32, #tpu.memory_space<hbm>> -> memref<4096xf32, #tpu.memory_space<hbm>>
      tpu.wait_dma2 semaphore(%arg14 : memref<!tpu.dma_semaphore, #tpu.memory_space<semaphore_mem>>) src(%arg6 : memref<4096xf32, #tpu.memory_space<vmem>>) dst(%dma_wait3A_1079 : memref<4096xf32, #tpu.memory_space<hbm>>)
      %dma_wait3A_1080 = arith.constant 49152 : i32
      %dma_wait3A_1081 = tpu.memref_slice %arg4[%select_n3A_388, %select_n3A_428, %select_n3A_444, %dma_wait3A_1080] : memref<16x8x2x65536xf32, #tpu.memory_space<hbm>> -> memref<1x1x1x4096xf32, #tpu.memory_space<hbm>>
      %dma_wait3A_1082 = tpu.memref_squeeze %dma_wait3A_1081 : memref<1x1x1x4096xf32, #tpu.memory_space<hbm>> -> memref<4096xf32, #tpu.memory_space<hbm>>
      %dma_wait3A_1083 = arith.constant 49152 : i32
      %dma_wait3A_1084 = tpu.memref_slice %arg4[%select_n3A_388, %select_n3A_428, %select_n3A_444, %dma_wait3A_1083] : memref<16x8x2x65536xf32, #tpu.memory_space<hbm>> -> memref<1x1x1x4096xf32, #tpu.memory_space<hbm>>
      %dma_wait3A_1085 = tpu.memref_squeeze %dma_wait3A_1084 : memref<1x1x1x4096xf32, #tpu.memory_space<hbm>> -> memref<4096xf32, #tpu.memory_space<hbm>>
      tpu.wait_dma2 semaphore(%arg14 : memref<!tpu.dma_semaphore, #tpu.memory_space<semaphore_mem>>) src(%arg6 : memref<4096xf32, #tpu.memory_space<vmem>>) dst(%dma_wait3A_1085 : memref<4096xf32, #tpu.memory_space<hbm>>)
      %dma_wait3A_1086 = arith.constant 53248 : i32
      %dma_wait3A_1087 = tpu.memref_slice %arg4[%select_n3A_388, %select_n3A_428, %select_n3A_444, %dma_wait3A_1086] : memref<16x8x2x65536xf32, #tpu.memory_space<hbm>> -> memref<1x1x1x4096xf32, #tpu.memory_space<hbm>>
      %dma_wait3A_1088 = tpu.memref_squeeze %dma_wait3A_1087 : memref<1x1x1x4096xf32, #tpu.memory_space<hbm>> -> memref<4096xf32, #tpu.memory_space<hbm>>
      %dma_wait3A_1089 = arith.constant 53248 : i32
      %dma_wait3A_1090 = tpu.memref_slice %arg4[%select_n3A_388, %select_n3A_428, %select_n3A_444, %dma_wait3A_1089] : memref<16x8x2x65536xf32, #tpu.memory_space<hbm>> -> memref<1x1x1x4096xf32, #tpu.memory_space<hbm>>
      %dma_wait3A_1091 = tpu.memref_squeeze %dma_wait3A_1090 : memref<1x1x1x4096xf32, #tpu.memory_space<hbm>> -> memref<4096xf32, #tpu.memory_space<hbm>>
      tpu.wait_dma2 semaphore(%arg14 : memref<!tpu.dma_semaphore, #tpu.memory_space<semaphore_mem>>) src(%arg6 : memref<4096xf32, #tpu.memory_space<vmem>>) dst(%dma_wait3A_1091 : memref<4096xf32, #tpu.memory_space<hbm>>)
      %dma_wait3A_1092 = arith.constant 57344 : i32
      %dma_wait3A_1093 = tpu.memref_slice %arg4[%select_n3A_388, %select_n3A_428, %select_n3A_444, %dma_wait3A_1092] : memref<16x8x2x65536xf32, #tpu.memory_space<hbm>> -> memref<1x1x1x4096xf32, #tpu.memory_space<hbm>>
      %dma_wait3A_1094 = tpu.memref_squeeze %dma_wait3A_1093 : memref<1x1x1x4096xf32, #tpu.memory_space<hbm>> -> memref<4096xf32, #tpu.memory_space<hbm>>
      %dma_wait3A_1095 = arith.constant 57344 : i32
      %dma_wait3A_1096 = tpu.memref_slice %arg4[%select_n3A_388, %select_n3A_428, %select_n3A_444, %dma_wait3A_1095] : memref<16x8x2x65536xf32, #tpu.memory_space<hbm>> -> memref<1x1x1x4096xf32, #tpu.memory_space<hbm>>
      %dma_wait3A_1097 = tpu.memref_squeeze %dma_wait3A_1096 : memref<1x1x1x4096xf32, #tpu.memory_space<hbm>> -> memref<4096xf32, #tpu.memory_space<hbm>>
      tpu.wait_dma2 semaphore(%arg14 : memref<!tpu.dma_semaphore, #tpu.memory_space<semaphore_mem>>) src(%arg6 : memref<4096xf32, #tpu.memory_space<vmem>>) dst(%dma_wait3A_1097 : memref<4096xf32, #tpu.memory_space<hbm>>)
      %dma_wait3A_1098 = arith.constant 61440 : i32
      %dma_wait3A_1099 = tpu.memref_slice %arg4[%select_n3A_388, %select_n3A_428, %select_n3A_444, %dma_wait3A_1098] : memref<16x8x2x65536xf32, #tpu.memory_space<hbm>> -> memref<1x1x1x4096xf32, #tpu.memory_space<hbm>>
      %dma_wait3A_1100 = tpu.memref_squeeze %dma_wait3A_1099 : memref<1x1x1x4096xf32, #tpu.memory_space<hbm>> -> memref<4096xf32, #tpu.memory_space<hbm>>
      %dma_wait3A_1101 = arith.constant 61440 : i32
      %dma_wait3A_1102 = tpu.memref_slice %arg4[%select_n3A_388, %select_n3A_428, %select_n3A_444, %dma_wait3A_1101] : memref<16x8x2x65536xf32, #tpu.memory_space<hbm>> -> memref<1x1x1x4096xf32, #tpu.memory_space<hbm>>
      %dma_wait3A_1103 = tpu.memref_squeeze %dma_wait3A_1102 : memref<1x1x1x4096xf32, #tpu.memory_space<hbm>> -> memref<4096xf32, #tpu.memory_space<hbm>>
      tpu.wait_dma2 semaphore(%arg14 : memref<!tpu.dma_semaphore, #tpu.memory_space<semaphore_mem>>) src(%arg6 : memref<4096xf32, #tpu.memory_space<vmem>>) dst(%dma_wait3A_1103 : memref<4096xf32, #tpu.memory_space<hbm>>)
    } else {
    }
    %convert_element_type3A_1039 = arith.extui %eq3A_538 : i1 to i32
    %cond3A_1040 = arith.constant 0 : i32
    %cond3A_1041 = arith.cmpi ne, %convert_element_type3A_1039, %cond3A_1040 : i32
    scf.if %cond3A_1041 {
      %dma_wait3A = arith.constant 0 : i32
      %dma_wait3A_1057 = tpu.memref_slice %arg4[%select_n3A_477, %select_n3A_517, %select_n3A_533, %dma_wait3A] : memref<16x8x2x65536xf32, #tpu.memory_space<hbm>> -> memref<1x1x1x4096xf32, #tpu.memory_space<hbm>>
      %dma_wait3A_1058 = tpu.memref_squeeze %dma_wait3A_1057 : memref<1x1x1x4096xf32, #tpu.memory_space<hbm>> -> memref<4096xf32, #tpu.memory_space<hbm>>
      %dma_wait3A_1059 = arith.constant 0 : i32
      %dma_wait3A_1060 = tpu.memref_slice %arg4[%select_n3A_477, %select_n3A_517, %select_n3A_533, %dma_wait3A_1059] : memref<16x8x2x65536xf32, #tpu.memory_space<hbm>> -> memref<1x1x1x4096xf32, #tpu.memory_space<hbm>>
      %dma_wait3A_1061 = tpu.memref_squeeze %dma_wait3A_1060 : memref<1x1x1x4096xf32, #tpu.memory_space<hbm>> -> memref<4096xf32, #tpu.memory_space<hbm>>
      tpu.wait_dma2 semaphore(%arg14 : memref<!tpu.dma_semaphore, #tpu.memory_space<semaphore_mem>>) src(%arg6 : memref<4096xf32, #tpu.memory_space<vmem>>) dst(%dma_wait3A_1061 : memref<4096xf32, #tpu.memory_space<hbm>>)
      %dma_wait3A_1062 = arith.constant 4096 : i32
      %dma_wait3A_1063 = tpu.memref_slice %arg4[%select_n3A_477, %select_n3A_517, %select_n3A_533, %dma_wait3A_1062] : memref<16x8x2x65536xf32, #tpu.memory_space<hbm>> -> memref<1x1x1x4096xf32, #tpu.memory_space<hbm>>
      %dma_wait3A_1064 = tpu.memref_squeeze %dma_wait3A_1063 : memref<1x1x1x4096xf32, #tpu.memory_space<hbm>> -> memref<4096xf32, #tpu.memory_space<hbm>>
      %dma_wait3A_1065 = arith.constant 4096 : i32
      %dma_wait3A_1066 = tpu.memref_slice %arg4[%select_n3A_477, %select_n3A_517, %select_n3A_533, %dma_wait3A_1065] : memref<16x8x2x65536xf32, #tpu.memory_space<hbm>> -> memref<1x1x1x4096xf32, #tpu.memory_space<hbm>>
      %dma_wait3A_1067 = tpu.memref_squeeze %dma_wait3A_1066 : memref<1x1x1x4096xf32, #tpu.memory_space<hbm>> -> memref<4096xf32, #tpu.memory_space<hbm>>
      tpu.wait_dma2 semaphore(%arg14 : memref<!tpu.dma_semaphore, #tpu.memory_space<semaphore_mem>>) src(%arg6 : memref<4096xf32, #tpu.memory_space<vmem>>) dst(%dma_wait3A_1067 : memref<4096xf32, #tpu.memory_space<hbm>>)
      %dma_wait3A_1068 = arith.constant 8192 : i32
      %dma_wait3A_1069 = tpu.memref_slice %arg4[%select_n3A_477, %select_n3A_517, %select_n3A_533, %dma_wait3A_1068] : memref<16x8x2x65536xf32, #tpu.memory_space<hbm>> -> memref<1x1x1x4096xf32, #tpu.memory_space<hbm>>
      %dma_wait3A_1070 = tpu.memref_squeeze %dma_wait3A_1069 : memref<1x1x1x4096xf32, #tpu.memory_space<hbm>> -> memref<4096xf32, #tpu.memory_space<hbm>>
      %dma_wait3A_1071 = arith.constant 8192 : i32
      %dma_wait3A_1072 = tpu.memref_slice %arg4[%select_n3A_477, %select_n3A_517, %select_n3A_533, %dma_wait3A_1071] : memref<16x8x2x65536xf32, #tpu.memory_space<hbm>> -> memref<1x1x1x4096xf32, #tpu.memory_space<hbm>>
      %dma_wait3A_1073 = tpu.memref_squeeze %dma_wait3A_1072 : memref<1x1x1x4096xf32, #tpu.memory_space<hbm>> -> memref<4096xf32, #tpu.memory_space<hbm>>
      tpu.wait_dma2 semaphore(%arg14 : memref<!tpu.dma_semaphore, #tpu.memory_space<semaphore_mem>>) src(%arg6 : memref<4096xf32, #tpu.memory_space<vmem>>) dst(%dma_wait3A_1073 : memref<4096xf32, #tpu.memory_space<hbm>>)
      %dma_wait3A_1074 = arith.constant 12288 : i32
      %dma_wait3A_1075 = tpu.memref_slice %arg4[%select_n3A_477, %select_n3A_517, %select_n3A_533, %dma_wait3A_1074] : memref<16x8x2x65536xf32, #tpu.memory_space<hbm>> -> memref<1x1x1x4096xf32, #tpu.memory_space<hbm>>
      %dma_wait3A_1076 = tpu.memref_squeeze %dma_wait3A_1075 : memref<1x1x1x4096xf32, #tpu.memory_space<hbm>> -> memref<4096xf32, #tpu.memory_space<hbm>>
      %dma_wait3A_1077 = arith.constant 12288 : i32
      %dma_wait3A_1078 = tpu.memref_slice %arg4[%select_n3A_477, %select_n3A_517, %select_n3A_533, %dma_wait3A_1077] : memref<16x8x2x65536xf32, #tpu.memory_space<hbm>> -> memref<1x1x1x4096xf32, #tpu.memory_space<hbm>>
      %dma_wait3A_1079 = tpu.memref_squeeze %dma_wait3A_1078 : memref<1x1x1x4096xf32, #tpu.memory_space<hbm>> -> memref<4096xf32, #tpu.memory_space<hbm>>
      tpu.wait_dma2 semaphore(%arg14 : memref<!tpu.dma_semaphore, #tpu.memory_space<semaphore_mem>>) src(%arg6 : memref<4096xf32, #tpu.memory_space<vmem>>) dst(%dma_wait3A_1079 : memref<4096xf32, #tpu.memory_space<hbm>>)
      %dma_wait3A_1080 = arith.constant 16384 : i32
      %dma_wait3A_1081 = tpu.memref_slice %arg4[%select_n3A_477, %select_n3A_517, %select_n3A_533, %dma_wait3A_1080] : memref<16x8x2x65536xf32, #tpu.memory_space<hbm>> -> memref<1x1x1x4096xf32, #tpu.memory_space<hbm>>
      %dma_wait3A_1082 = tpu.memref_squeeze %dma_wait3A_1081 : memref<1x1x1x4096xf32, #tpu.memory_space<hbm>> -> memref<4096xf32, #tpu.memory_space<hbm>>
      %dma_wait3A_1083 = arith.constant 16384 : i32
      %dma_wait3A_1084 = tpu.memref_slice %arg4[%select_n3A_477, %select_n3A_517, %select_n3A_533, %dma_wait3A_1083] : memref<16x8x2x65536xf32, #tpu.memory_space<hbm>> -> memref<1x1x1x4096xf32, #tpu.memory_space<hbm>>
      %dma_wait3A_1085 = tpu.memref_squeeze %dma_wait3A_1084 : memref<1x1x1x4096xf32, #tpu.memory_space<hbm>> -> memref<4096xf32, #tpu.memory_space<hbm>>
      tpu.wait_dma2 semaphore(%arg14 : memref<!tpu.dma_semaphore, #tpu.memory_space<semaphore_mem>>) src(%arg6 : memref<4096xf32, #tpu.memory_space<vmem>>) dst(%dma_wait3A_1085 : memref<4096xf32, #tpu.memory_space<hbm>>)
      %dma_wait3A_1086 = arith.constant 20480 : i32
      %dma_wait3A_1087 = tpu.memref_slice %arg4[%select_n3A_477, %select_n3A_517, %select_n3A_533, %dma_wait3A_1086] : memref<16x8x2x65536xf32, #tpu.memory_space<hbm>> -> memref<1x1x1x4096xf32, #tpu.memory_space<hbm>>
      %dma_wait3A_1088 = tpu.memref_squeeze %dma_wait3A_1087 : memref<1x1x1x4096xf32, #tpu.memory_space<hbm>> -> memref<4096xf32, #tpu.memory_space<hbm>>
      %dma_wait3A_1089 = arith.constant 20480 : i32
      %dma_wait3A_1090 = tpu.memref_slice %arg4[%select_n3A_477, %select_n3A_517, %select_n3A_533, %dma_wait3A_1089] : memref<16x8x2x65536xf32, #tpu.memory_space<hbm>> -> memref<1x1x1x4096xf32, #tpu.memory_space<hbm>>
      %dma_wait3A_1091 = tpu.memref_squeeze %dma_wait3A_1090 : memref<1x1x1x4096xf32, #tpu.memory_space<hbm>> -> memref<4096xf32, #tpu.memory_space<hbm>>
      tpu.wait_dma2 semaphore(%arg14 : memref<!tpu.dma_semaphore, #tpu.memory_space<semaphore_mem>>) src(%arg6 : memref<4096xf32, #tpu.memory_space<vmem>>) dst(%dma_wait3A_1091 : memref<4096xf32, #tpu.memory_space<hbm>>)
      %dma_wait3A_1092 = arith.constant 24576 : i32
      %dma_wait3A_1093 = tpu.memref_slice %arg4[%select_n3A_477, %select_n3A_517, %select_n3A_533, %dma_wait3A_1092] : memref<16x8x2x65536xf32, #tpu.memory_space<hbm>> -> memref<1x1x1x4096xf32, #tpu.memory_space<hbm>>
      %dma_wait3A_1094 = tpu.memref_squeeze %dma_wait3A_1093 : memref<1x1x1x4096xf32, #tpu.memory_space<hbm>> -> memref<4096xf32, #tpu.memory_space<hbm>>
      %dma_wait3A_1095 = arith.constant 24576 : i32
      %dma_wait3A_1096 = tpu.memref_slice %arg4[%select_n3A_477, %select_n3A_517, %select_n3A_533, %dma_wait3A_1095] : memref<16x8x2x65536xf32, #tpu.memory_space<hbm>> -> memref<1x1x1x4096xf32, #tpu.memory_space<hbm>>
      %dma_wait3A_1097 = tpu.memref_squeeze %dma_wait3A_1096 : memref<1x1x1x4096xf32, #tpu.memory_space<hbm>> -> memref<4096xf32, #tpu.memory_space<hbm>>
      tpu.wait_dma2 semaphore(%arg14 : memref<!tpu.dma_semaphore, #tpu.memory_space<semaphore_mem>>) src(%arg6 : memref<4096xf32, #tpu.memory_space<vmem>>) dst(%dma_wait3A_1097 : memref<4096xf32, #tpu.memory_space<hbm>>)
      %dma_wait3A_1098 = arith.constant 28672 : i32
      %dma_wait3A_1099 = tpu.memref_slice %arg4[%select_n3A_477, %select_n3A_517, %select_n3A_533, %dma_wait3A_1098] : memref<16x8x2x65536xf32, #tpu.memory_space<hbm>> -> memref<1x1x1x4096xf32, #tpu.memory_space<hbm>>
      %dma_wait3A_1100 = tpu.memref_squeeze %dma_wait3A_1099 : memref<1x1x1x4096xf32, #tpu.memory_space<hbm>> -> memref<4096xf32, #tpu.memory_space<hbm>>
      %dma_wait3A_1101 = arith.constant 28672 : i32
      %dma_wait3A_1102 = tpu.memref_slice %arg4[%select_n3A_477, %select_n3A_517, %select_n3A_533, %dma_wait3A_1101] : memref<16x8x2x65536xf32, #tpu.memory_space<hbm>> -> memref<1x1x1x4096xf32, #tpu.memory_space<hbm>>
      %dma_wait3A_1103 = tpu.memref_squeeze %dma_wait3A_1102 : memref<1x1x1x4096xf32, #tpu.memory_space<hbm>> -> memref<4096xf32, #tpu.memory_space<hbm>>
      tpu.wait_dma2 semaphore(%arg14 : memref<!tpu.dma_semaphore, #tpu.memory_space<semaphore_mem>>) src(%arg6 : memref<4096xf32, #tpu.memory_space<vmem>>) dst(%dma_wait3A_1103 : memref<4096xf32, #tpu.memory_space<hbm>>)
    } else {
    }
    %convert_element_type3A_1042 = arith.extui %eq3A_538 : i1 to i32
    %cond3A_1043 = arith.constant 0 : i32
    %cond3A_1044 = arith.cmpi ne, %convert_element_type3A_1042, %cond3A_1043 : i32
    scf.if %cond3A_1044 {
      %dma_wait3A = arith.constant 32768 : i32
      %dma_wait3A_1057 = tpu.memref_slice %arg4[%select_n3A_477, %select_n3A_517, %select_n3A_533, %dma_wait3A] : memref<16x8x2x65536xf32, #tpu.memory_space<hbm>> -> memref<1x1x1x4096xf32, #tpu.memory_space<hbm>>
      %dma_wait3A_1058 = tpu.memref_squeeze %dma_wait3A_1057 : memref<1x1x1x4096xf32, #tpu.memory_space<hbm>> -> memref<4096xf32, #tpu.memory_space<hbm>>
      %dma_wait3A_1059 = arith.constant 32768 : i32
      %dma_wait3A_1060 = tpu.memref_slice %arg4[%select_n3A_477, %select_n3A_517, %select_n3A_533, %dma_wait3A_1059] : memref<16x8x2x65536xf32, #tpu.memory_space<hbm>> -> memref<1x1x1x4096xf32, #tpu.memory_space<hbm>>
      %dma_wait3A_1061 = tpu.memref_squeeze %dma_wait3A_1060 : memref<1x1x1x4096xf32, #tpu.memory_space<hbm>> -> memref<4096xf32, #tpu.memory_space<hbm>>
      tpu.wait_dma2 semaphore(%arg14 : memref<!tpu.dma_semaphore, #tpu.memory_space<semaphore_mem>>) src(%arg6 : memref<4096xf32, #tpu.memory_space<vmem>>) dst(%dma_wait3A_1061 : memref<4096xf32, #tpu.memory_space<hbm>>)
      %dma_wait3A_1062 = arith.constant 36864 : i32
      %dma_wait3A_1063 = tpu.memref_slice %arg4[%select_n3A_477, %select_n3A_517, %select_n3A_533, %dma_wait3A_1062] : memref<16x8x2x65536xf32, #tpu.memory_space<hbm>> -> memref<1x1x1x4096xf32, #tpu.memory_space<hbm>>
      %dma_wait3A_1064 = tpu.memref_squeeze %dma_wait3A_1063 : memref<1x1x1x4096xf32, #tpu.memory_space<hbm>> -> memref<4096xf32, #tpu.memory_space<hbm>>
      %dma_wait3A_1065 = arith.constant 36864 : i32
      %dma_wait3A_1066 = tpu.memref_slice %arg4[%select_n3A_477, %select_n3A_517, %select_n3A_533, %dma_wait3A_1065] : memref<16x8x2x65536xf32, #tpu.memory_space<hbm>> -> memref<1x1x1x4096xf32, #tpu.memory_space<hbm>>
      %dma_wait3A_1067 = tpu.memref_squeeze %dma_wait3A_1066 : memref<1x1x1x4096xf32, #tpu.memory_space<hbm>> -> memref<4096xf32, #tpu.memory_space<hbm>>
      tpu.wait_dma2 semaphore(%arg14 : memref<!tpu.dma_semaphore, #tpu.memory_space<semaphore_mem>>) src(%arg6 : memref<4096xf32, #tpu.memory_space<vmem>>) dst(%dma_wait3A_1067 : memref<4096xf32, #tpu.memory_space<hbm>>)
      %dma_wait3A_1068 = arith.constant 40960 : i32
      %dma_wait3A_1069 = tpu.memref_slice %arg4[%select_n3A_477, %select_n3A_517, %select_n3A_533, %dma_wait3A_1068] : memref<16x8x2x65536xf32, #tpu.memory_space<hbm>> -> memref<1x1x1x4096xf32, #tpu.memory_space<hbm>>
      %dma_wait3A_1070 = tpu.memref_squeeze %dma_wait3A_1069 : memref<1x1x1x4096xf32, #tpu.memory_space<hbm>> -> memref<4096xf32, #tpu.memory_space<hbm>>
      %dma_wait3A_1071 = arith.constant 40960 : i32
      %dma_wait3A_1072 = tpu.memref_slice %arg4[%select_n3A_477, %select_n3A_517, %select_n3A_533, %dma_wait3A_1071] : memref<16x8x2x65536xf32, #tpu.memory_space<hbm>> -> memref<1x1x1x4096xf32, #tpu.memory_space<hbm>>
      %dma_wait3A_1073 = tpu.memref_squeeze %dma_wait3A_1072 : memref<1x1x1x4096xf32, #tpu.memory_space<hbm>> -> memref<4096xf32, #tpu.memory_space<hbm>>
      tpu.wait_dma2 semaphore(%arg14 : memref<!tpu.dma_semaphore, #tpu.memory_space<semaphore_mem>>) src(%arg6 : memref<4096xf32, #tpu.memory_space<vmem>>) dst(%dma_wait3A_1073 : memref<4096xf32, #tpu.memory_space<hbm>>)
      %dma_wait3A_1074 = arith.constant 45056 : i32
      %dma_wait3A_1075 = tpu.memref_slice %arg4[%select_n3A_477, %select_n3A_517, %select_n3A_533, %dma_wait3A_1074] : memref<16x8x2x65536xf32, #tpu.memory_space<hbm>> -> memref<1x1x1x4096xf32, #tpu.memory_space<hbm>>
      %dma_wait3A_1076 = tpu.memref_squeeze %dma_wait3A_1075 : memref<1x1x1x4096xf32, #tpu.memory_space<hbm>> -> memref<4096xf32, #tpu.memory_space<hbm>>
      %dma_wait3A_1077 = arith.constant 45056 : i32
      %dma_wait3A_1078 = tpu.memref_slice %arg4[%select_n3A_477, %select_n3A_517, %select_n3A_533, %dma_wait3A_1077] : memref<16x8x2x65536xf32, #tpu.memory_space<hbm>> -> memref<1x1x1x4096xf32, #tpu.memory_space<hbm>>
      %dma_wait3A_1079 = tpu.memref_squeeze %dma_wait3A_1078 : memref<1x1x1x4096xf32, #tpu.memory_space<hbm>> -> memref<4096xf32, #tpu.memory_space<hbm>>
      tpu.wait_dma2 semaphore(%arg14 : memref<!tpu.dma_semaphore, #tpu.memory_space<semaphore_mem>>) src(%arg6 : memref<4096xf32, #tpu.memory_space<vmem>>) dst(%dma_wait3A_1079 : memref<4096xf32, #tpu.memory_space<hbm>>)
      %dma_wait3A_1080 = arith.constant 49152 : i32
      %dma_wait3A_1081 = tpu.memref_slice %arg4[%select_n3A_477, %select_n3A_517, %select_n3A_533, %dma_wait3A_1080] : memref<16x8x2x65536xf32, #tpu.memory_space<hbm>> -> memref<1x1x1x4096xf32, #tpu.memory_space<hbm>>
      %dma_wait3A_1082 = tpu.memref_squeeze %dma_wait3A_1081 : memref<1x1x1x4096xf32, #tpu.memory_space<hbm>> -> memref<4096xf32, #tpu.memory_space<hbm>>
      %dma_wait3A_1083 = arith.constant 49152 : i32
      %dma_wait3A_1084 = tpu.memref_slice %arg4[%select_n3A_477, %select_n3A_517, %select_n3A_533, %dma_wait3A_1083] : memref<16x8x2x65536xf32, #tpu.memory_space<hbm>> -> memref<1x1x1x4096xf32, #tpu.memory_space<hbm>>
      %dma_wait3A_1085 = tpu.memref_squeeze %dma_wait3A_1084 : memref<1x1x1x4096xf32, #tpu.memory_space<hbm>> -> memref<4096xf32, #tpu.memory_space<hbm>>
      tpu.wait_dma2 semaphore(%arg14 : memref<!tpu.dma_semaphore, #tpu.memory_space<semaphore_mem>>) src(%arg6 : memref<4096xf32, #tpu.memory_space<vmem>>) dst(%dma_wait3A_1085 : memref<4096xf32, #tpu.memory_space<hbm>>)
      %dma_wait3A_1086 = arith.constant 53248 : i32
      %dma_wait3A_1087 = tpu.memref_slice %arg4[%select_n3A_477, %select_n3A_517, %select_n3A_533, %dma_wait3A_1086] : memref<16x8x2x65536xf32, #tpu.memory_space<hbm>> -> memref<1x1x1x4096xf32, #tpu.memory_space<hbm>>
      %dma_wait3A_1088 = tpu.memref_squeeze %dma_wait3A_1087 : memref<1x1x1x4096xf32, #tpu.memory_space<hbm>> -> memref<4096xf32, #tpu.memory_space<hbm>>
      %dma_wait3A_1089 = arith.constant 53248 : i32
      %dma_wait3A_1090 = tpu.memref_slice %arg4[%select_n3A_477, %select_n3A_517, %select_n3A_533, %dma_wait3A_1089] : memref<16x8x2x65536xf32, #tpu.memory_space<hbm>> -> memref<1x1x1x4096xf32, #tpu.memory_space<hbm>>
      %dma_wait3A_1091 = tpu.memref_squeeze %dma_wait3A_1090 : memref<1x1x1x4096xf32, #tpu.memory_space<hbm>> -> memref<4096xf32, #tpu.memory_space<hbm>>
      tpu.wait_dma2 semaphore(%arg14 : memref<!tpu.dma_semaphore, #tpu.memory_space<semaphore_mem>>) src(%arg6 : memref<4096xf32, #tpu.memory_space<vmem>>) dst(%dma_wait3A_1091 : memref<4096xf32, #tpu.memory_space<hbm>>)
      %dma_wait3A_1092 = arith.constant 57344 : i32
      %dma_wait3A_1093 = tpu.memref_slice %arg4[%select_n3A_477, %select_n3A_517, %select_n3A_533, %dma_wait3A_1092] : memref<16x8x2x65536xf32, #tpu.memory_space<hbm>> -> memref<1x1x1x4096xf32, #tpu.memory_space<hbm>>
      %dma_wait3A_1094 = tpu.memref_squeeze %dma_wait3A_1093 : memref<1x1x1x4096xf32, #tpu.memory_space<hbm>> -> memref<4096xf32, #tpu.memory_space<hbm>>
      %dma_wait3A_1095 = arith.constant 57344 : i32
      %dma_wait3A_1096 = tpu.memref_slice %arg4[%select_n3A_477, %select_n3A_517, %select_n3A_533, %dma_wait3A_1095] : memref<16x8x2x65536xf32, #tpu.memory_space<hbm>> -> memref<1x1x1x4096xf32, #tpu.memory_space<hbm>>
      %dma_wait3A_1097 = tpu.memref_squeeze %dma_wait3A_1096 : memref<1x1x1x4096xf32, #tpu.memory_space<hbm>> -> memref<4096xf32, #tpu.memory_space<hbm>>
      tpu.wait_dma2 semaphore(%arg14 : memref<!tpu.dma_semaphore, #tpu.memory_space<semaphore_mem>>) src(%arg6 : memref<4096xf32, #tpu.memory_space<vmem>>) dst(%dma_wait3A_1097 : memref<4096xf32, #tpu.memory_space<hbm>>)
      %dma_wait3A_1098 = arith.constant 61440 : i32
      %dma_wait3A_1099 = tpu.memref_slice %arg4[%select_n3A_477, %select_n3A_517, %select_n3A_533, %dma_wait3A_1098] : memref<16x8x2x65536xf32, #tpu.memory_space<hbm>> -> memref<1x1x1x4096xf32, #tpu.memory_space<hbm>>
      %dma_wait3A_1100 = tpu.memref_squeeze %dma_wait3A_1099 : memref<1x1x1x4096xf32, #tpu.memory_space<hbm>> -> memref<4096xf32, #tpu.memory_space<hbm>>
      %dma_wait3A_1101 = arith.constant 61440 : i32
      %dma_wait3A_1102 = tpu.memref_slice %arg4[%select_n3A_477, %select_n3A_517, %select_n3A_533, %dma_wait3A_1101] : memref<16x8x2x65536xf32, #tpu.memory_space<hbm>> -> memref<1x1x1x4096xf32, #tpu.memory_space<hbm>>
      %dma_wait3A_1103 = tpu.memref_squeeze %dma_wait3A_1102 : memref<1x1x1x4096xf32, #tpu.memory_space<hbm>> -> memref<4096xf32, #tpu.memory_space<hbm>>
      tpu.wait_dma2 semaphore(%arg14 : memref<!tpu.dma_semaphore, #tpu.memory_space<semaphore_mem>>) src(%arg6 : memref<4096xf32, #tpu.memory_space<vmem>>) dst(%dma_wait3A_1103 : memref<4096xf32, #tpu.memory_space<hbm>>)
    } else {
    }
    %convert_element_type3A_1045 = arith.extui %eq3A_627 : i1 to i32
    %cond3A_1046 = arith.constant 0 : i32
    %cond3A_1047 = arith.cmpi ne, %convert_element_type3A_1045, %cond3A_1046 : i32
    scf.if %cond3A_1047 {
      %dma_wait3A = arith.constant 0 : i32
      %dma_wait3A_1057 = tpu.memref_slice %arg4[%select_n3A_566, %select_n3A_606, %select_n3A_622, %dma_wait3A] : memref<16x8x2x65536xf32, #tpu.memory_space<hbm>> -> memref<1x1x1x4096xf32, #tpu.memory_space<hbm>>
      %dma_wait3A_1058 = tpu.memref_squeeze %dma_wait3A_1057 : memref<1x1x1x4096xf32, #tpu.memory_space<hbm>> -> memref<4096xf32, #tpu.memory_space<hbm>>
      %dma_wait3A_1059 = arith.constant 0 : i32
      %dma_wait3A_1060 = tpu.memref_slice %arg4[%select_n3A_566, %select_n3A_606, %select_n3A_622, %dma_wait3A_1059] : memref<16x8x2x65536xf32, #tpu.memory_space<hbm>> -> memref<1x1x1x4096xf32, #tpu.memory_space<hbm>>
      %dma_wait3A_1061 = tpu.memref_squeeze %dma_wait3A_1060 : memref<1x1x1x4096xf32, #tpu.memory_space<hbm>> -> memref<4096xf32, #tpu.memory_space<hbm>>
      tpu.wait_dma2 semaphore(%arg14 : memref<!tpu.dma_semaphore, #tpu.memory_space<semaphore_mem>>) src(%arg6 : memref<4096xf32, #tpu.memory_space<vmem>>) dst(%dma_wait3A_1061 : memref<4096xf32, #tpu.memory_space<hbm>>)
      %dma_wait3A_1062 = arith.constant 4096 : i32
      %dma_wait3A_1063 = tpu.memref_slice %arg4[%select_n3A_566, %select_n3A_606, %select_n3A_622, %dma_wait3A_1062] : memref<16x8x2x65536xf32, #tpu.memory_space<hbm>> -> memref<1x1x1x4096xf32, #tpu.memory_space<hbm>>
      %dma_wait3A_1064 = tpu.memref_squeeze %dma_wait3A_1063 : memref<1x1x1x4096xf32, #tpu.memory_space<hbm>> -> memref<4096xf32, #tpu.memory_space<hbm>>
      %dma_wait3A_1065 = arith.constant 4096 : i32
      %dma_wait3A_1066 = tpu.memref_slice %arg4[%select_n3A_566, %select_n3A_606, %select_n3A_622, %dma_wait3A_1065] : memref<16x8x2x65536xf32, #tpu.memory_space<hbm>> -> memref<1x1x1x4096xf32, #tpu.memory_space<hbm>>
      %dma_wait3A_1067 = tpu.memref_squeeze %dma_wait3A_1066 : memref<1x1x1x4096xf32, #tpu.memory_space<hbm>> -> memref<4096xf32, #tpu.memory_space<hbm>>
      tpu.wait_dma2 semaphore(%arg14 : memref<!tpu.dma_semaphore, #tpu.memory_space<semaphore_mem>>) src(%arg6 : memref<4096xf32, #tpu.memory_space<vmem>>) dst(%dma_wait3A_1067 : memref<4096xf32, #tpu.memory_space<hbm>>)
      %dma_wait3A_1068 = arith.constant 8192 : i32
      %dma_wait3A_1069 = tpu.memref_slice %arg4[%select_n3A_566, %select_n3A_606, %select_n3A_622, %dma_wait3A_1068] : memref<16x8x2x65536xf32, #tpu.memory_space<hbm>> -> memref<1x1x1x4096xf32, #tpu.memory_space<hbm>>
      %dma_wait3A_1070 = tpu.memref_squeeze %dma_wait3A_1069 : memref<1x1x1x4096xf32, #tpu.memory_space<hbm>> -> memref<4096xf32, #tpu.memory_space<hbm>>
      %dma_wait3A_1071 = arith.constant 8192 : i32
      %dma_wait3A_1072 = tpu.memref_slice %arg4[%select_n3A_566, %select_n3A_606, %select_n3A_622, %dma_wait3A_1071] : memref<16x8x2x65536xf32, #tpu.memory_space<hbm>> -> memref<1x1x1x4096xf32, #tpu.memory_space<hbm>>
      %dma_wait3A_1073 = tpu.memref_squeeze %dma_wait3A_1072 : memref<1x1x1x4096xf32, #tpu.memory_space<hbm>> -> memref<4096xf32, #tpu.memory_space<hbm>>
      tpu.wait_dma2 semaphore(%arg14 : memref<!tpu.dma_semaphore, #tpu.memory_space<semaphore_mem>>) src(%arg6 : memref<4096xf32, #tpu.memory_space<vmem>>) dst(%dma_wait3A_1073 : memref<4096xf32, #tpu.memory_space<hbm>>)
      %dma_wait3A_1074 = arith.constant 12288 : i32
      %dma_wait3A_1075 = tpu.memref_slice %arg4[%select_n3A_566, %select_n3A_606, %select_n3A_622, %dma_wait3A_1074] : memref<16x8x2x65536xf32, #tpu.memory_space<hbm>> -> memref<1x1x1x4096xf32, #tpu.memory_space<hbm>>
      %dma_wait3A_1076 = tpu.memref_squeeze %dma_wait3A_1075 : memref<1x1x1x4096xf32, #tpu.memory_space<hbm>> -> memref<4096xf32, #tpu.memory_space<hbm>>
      %dma_wait3A_1077 = arith.constant 12288 : i32
      %dma_wait3A_1078 = tpu.memref_slice %arg4[%select_n3A_566, %select_n3A_606, %select_n3A_622, %dma_wait3A_1077] : memref<16x8x2x65536xf32, #tpu.memory_space<hbm>> -> memref<1x1x1x4096xf32, #tpu.memory_space<hbm>>
      %dma_wait3A_1079 = tpu.memref_squeeze %dma_wait3A_1078 : memref<1x1x1x4096xf32, #tpu.memory_space<hbm>> -> memref<4096xf32, #tpu.memory_space<hbm>>
      tpu.wait_dma2 semaphore(%arg14 : memref<!tpu.dma_semaphore, #tpu.memory_space<semaphore_mem>>) src(%arg6 : memref<4096xf32, #tpu.memory_space<vmem>>) dst(%dma_wait3A_1079 : memref<4096xf32, #tpu.memory_space<hbm>>)
      %dma_wait3A_1080 = arith.constant 16384 : i32
      %dma_wait3A_1081 = tpu.memref_slice %arg4[%select_n3A_566, %select_n3A_606, %select_n3A_622, %dma_wait3A_1080] : memref<16x8x2x65536xf32, #tpu.memory_space<hbm>> -> memref<1x1x1x4096xf32, #tpu.memory_space<hbm>>
      %dma_wait3A_1082 = tpu.memref_squeeze %dma_wait3A_1081 : memref<1x1x1x4096xf32, #tpu.memory_space<hbm>> -> memref<4096xf32, #tpu.memory_space<hbm>>
      %dma_wait3A_1083 = arith.constant 16384 : i32
      %dma_wait3A_1084 = tpu.memref_slice %arg4[%select_n3A_566, %select_n3A_606, %select_n3A_622, %dma_wait3A_1083] : memref<16x8x2x65536xf32, #tpu.memory_space<hbm>> -> memref<1x1x1x4096xf32, #tpu.memory_space<hbm>>
      %dma_wait3A_1085 = tpu.memref_squeeze %dma_wait3A_1084 : memref<1x1x1x4096xf32, #tpu.memory_space<hbm>> -> memref<4096xf32, #tpu.memory_space<hbm>>
      tpu.wait_dma2 semaphore(%arg14 : memref<!tpu.dma_semaphore, #tpu.memory_space<semaphore_mem>>) src(%arg6 : memref<4096xf32, #tpu.memory_space<vmem>>) dst(%dma_wait3A_1085 : memref<4096xf32, #tpu.memory_space<hbm>>)
      %dma_wait3A_1086 = arith.constant 20480 : i32
      %dma_wait3A_1087 = tpu.memref_slice %arg4[%select_n3A_566, %select_n3A_606, %select_n3A_622, %dma_wait3A_1086] : memref<16x8x2x65536xf32, #tpu.memory_space<hbm>> -> memref<1x1x1x4096xf32, #tpu.memory_space<hbm>>
      %dma_wait3A_1088 = tpu.memref_squeeze %dma_wait3A_1087 : memref<1x1x1x4096xf32, #tpu.memory_space<hbm>> -> memref<4096xf32, #tpu.memory_space<hbm>>
      %dma_wait3A_1089 = arith.constant 20480 : i32
      %dma_wait3A_1090 = tpu.memref_slice %arg4[%select_n3A_566, %select_n3A_606, %select_n3A_622, %dma_wait3A_1089] : memref<16x8x2x65536xf32, #tpu.memory_space<hbm>> -> memref<1x1x1x4096xf32, #tpu.memory_space<hbm>>
      %dma_wait3A_1091 = tpu.memref_squeeze %dma_wait3A_1090 : memref<1x1x1x4096xf32, #tpu.memory_space<hbm>> -> memref<4096xf32, #tpu.memory_space<hbm>>
      tpu.wait_dma2 semaphore(%arg14 : memref<!tpu.dma_semaphore, #tpu.memory_space<semaphore_mem>>) src(%arg6 : memref<4096xf32, #tpu.memory_space<vmem>>) dst(%dma_wait3A_1091 : memref<4096xf32, #tpu.memory_space<hbm>>)
      %dma_wait3A_1092 = arith.constant 24576 : i32
      %dma_wait3A_1093 = tpu.memref_slice %arg4[%select_n3A_566, %select_n3A_606, %select_n3A_622, %dma_wait3A_1092] : memref<16x8x2x65536xf32, #tpu.memory_space<hbm>> -> memref<1x1x1x4096xf32, #tpu.memory_space<hbm>>
      %dma_wait3A_1094 = tpu.memref_squeeze %dma_wait3A_1093 : memref<1x1x1x4096xf32, #tpu.memory_space<hbm>> -> memref<4096xf32, #tpu.memory_space<hbm>>
      %dma_wait3A_1095 = arith.constant 24576 : i32
      %dma_wait3A_1096 = tpu.memref_slice %arg4[%select_n3A_566, %select_n3A_606, %select_n3A_622, %dma_wait3A_1095] : memref<16x8x2x65536xf32, #tpu.memory_space<hbm>> -> memref<1x1x1x4096xf32, #tpu.memory_space<hbm>>
      %dma_wait3A_1097 = tpu.memref_squeeze %dma_wait3A_1096 : memref<1x1x1x4096xf32, #tpu.memory_space<hbm>> -> memref<4096xf32, #tpu.memory_space<hbm>>
      tpu.wait_dma2 semaphore(%arg14 : memref<!tpu.dma_semaphore, #tpu.memory_space<semaphore_mem>>) src(%arg6 : memref<4096xf32, #tpu.memory_space<vmem>>) dst(%dma_wait3A_1097 : memref<4096xf32, #tpu.memory_space<hbm>>)
      %dma_wait3A_1098 = arith.constant 28672 : i32
      %dma_wait3A_1099 = tpu.memref_slice %arg4[%select_n3A_566, %select_n3A_606, %select_n3A_622, %dma_wait3A_1098] : memref<16x8x2x65536xf32, #tpu.memory_space<hbm>> -> memref<1x1x1x4096xf32, #tpu.memory_space<hbm>>
      %dma_wait3A_1100 = tpu.memref_squeeze %dma_wait3A_1099 : memref<1x1x1x4096xf32, #tpu.memory_space<hbm>> -> memref<4096xf32, #tpu.memory_space<hbm>>
      %dma_wait3A_1101 = arith.constant 28672 : i32
      %dma_wait3A_1102 = tpu.memref_slice %arg4[%select_n3A_566, %select_n3A_606, %select_n3A_622, %dma_wait3A_1101] : memref<16x8x2x65536xf32, #tpu.memory_space<hbm>> -> memref<1x1x1x4096xf32, #tpu.memory_space<hbm>>
      %dma_wait3A_1103 = tpu.memref_squeeze %dma_wait3A_1102 : memref<1x1x1x4096xf32, #tpu.memory_space<hbm>> -> memref<4096xf32, #tpu.memory_space<hbm>>
      tpu.wait_dma2 semaphore(%arg14 : memref<!tpu.dma_semaphore, #tpu.memory_space<semaphore_mem>>) src(%arg6 : memref<4096xf32, #tpu.memory_space<vmem>>) dst(%dma_wait3A_1103 : memref<4096xf32, #tpu.memory_space<hbm>>)
    } else {
    }
    %convert_element_type3A_1048 = arith.extui %eq3A_627 : i1 to i32
    %cond3A_1049 = arith.constant 0 : i32
    %cond3A_1050 = arith.cmpi ne, %convert_element_type3A_1048, %cond3A_1049 : i32
    scf.if %cond3A_1050 {
      %dma_wait3A = arith.constant 32768 : i32
      %dma_wait3A_1057 = tpu.memref_slice %arg4[%select_n3A_566, %select_n3A_606, %select_n3A_622, %dma_wait3A] : memref<16x8x2x65536xf32, #tpu.memory_space<hbm>> -> memref<1x1x1x4096xf32, #tpu.memory_space<hbm>>
      %dma_wait3A_1058 = tpu.memref_squeeze %dma_wait3A_1057 : memref<1x1x1x4096xf32, #tpu.memory_space<hbm>> -> memref<4096xf32, #tpu.memory_space<hbm>>
      %dma_wait3A_1059 = arith.constant 32768 : i32
      %dma_wait3A_1060 = tpu.memref_slice %arg4[%select_n3A_566, %select_n3A_606, %select_n3A_622, %dma_wait3A_1059] : memref<16x8x2x65536xf32, #tpu.memory_space<hbm>> -> memref<1x1x1x4096xf32, #tpu.memory_space<hbm>>
      %dma_wait3A_1061 = tpu.memref_squeeze %dma_wait3A_1060 : memref<1x1x1x4096xf32, #tpu.memory_space<hbm>> -> memref<4096xf32, #tpu.memory_space<hbm>>
      tpu.wait_dma2 semaphore(%arg14 : memref<!tpu.dma_semaphore, #tpu.memory_space<semaphore_mem>>) src(%arg6 : memref<4096xf32, #tpu.memory_space<vmem>>) dst(%dma_wait3A_1061 : memref<4096xf32, #tpu.memory_space<hbm>>)
      %dma_wait3A_1062 = arith.constant 36864 : i32
      %dma_wait3A_1063 = tpu.memref_slice %arg4[%select_n3A_566, %select_n3A_606, %select_n3A_622, %dma_wait3A_1062] : memref<16x8x2x65536xf32, #tpu.memory_space<hbm>> -> memref<1x1x1x4096xf32, #tpu.memory_space<hbm>>
      %dma_wait3A_1064 = tpu.memref_squeeze %dma_wait3A_1063 : memref<1x1x1x4096xf32, #tpu.memory_space<hbm>> -> memref<4096xf32, #tpu.memory_space<hbm>>
      %dma_wait3A_1065 = arith.constant 36864 : i32
      %dma_wait3A_1066 = tpu.memref_slice %arg4[%select_n3A_566, %select_n3A_606, %select_n3A_622, %dma_wait3A_1065] : memref<16x8x2x65536xf32, #tpu.memory_space<hbm>> -> memref<1x1x1x4096xf32, #tpu.memory_space<hbm>>
      %dma_wait3A_1067 = tpu.memref_squeeze %dma_wait3A_1066 : memref<1x1x1x4096xf32, #tpu.memory_space<hbm>> -> memref<4096xf32, #tpu.memory_space<hbm>>
      tpu.wait_dma2 semaphore(%arg14 : memref<!tpu.dma_semaphore, #tpu.memory_space<semaphore_mem>>) src(%arg6 : memref<4096xf32, #tpu.memory_space<vmem>>) dst(%dma_wait3A_1067 : memref<4096xf32, #tpu.memory_space<hbm>>)
      %dma_wait3A_1068 = arith.constant 40960 : i32
      %dma_wait3A_1069 = tpu.memref_slice %arg4[%select_n3A_566, %select_n3A_606, %select_n3A_622, %dma_wait3A_1068] : memref<16x8x2x65536xf32, #tpu.memory_space<hbm>> -> memref<1x1x1x4096xf32, #tpu.memory_space<hbm>>
      %dma_wait3A_1070 = tpu.memref_squeeze %dma_wait3A_1069 : memref<1x1x1x4096xf32, #tpu.memory_space<hbm>> -> memref<4096xf32, #tpu.memory_space<hbm>>
      %dma_wait3A_1071 = arith.constant 40960 : i32
      %dma_wait3A_1072 = tpu.memref_slice %arg4[%select_n3A_566, %select_n3A_606, %select_n3A_622, %dma_wait3A_1071] : memref<16x8x2x65536xf32, #tpu.memory_space<hbm>> -> memref<1x1x1x4096xf32, #tpu.memory_space<hbm>>
      %dma_wait3A_1073 = tpu.memref_squeeze %dma_wait3A_1072 : memref<1x1x1x4096xf32, #tpu.memory_space<hbm>> -> memref<4096xf32, #tpu.memory_space<hbm>>
      tpu.wait_dma2 semaphore(%arg14 : memref<!tpu.dma_semaphore, #tpu.memory_space<semaphore_mem>>) src(%arg6 : memref<4096xf32, #tpu.memory_space<vmem>>) dst(%dma_wait3A_1073 : memref<4096xf32, #tpu.memory_space<hbm>>)
      %dma_wait3A_1074 = arith.constant 45056 : i32
      %dma_wait3A_1075 = tpu.memref_slice %arg4[%select_n3A_566, %select_n3A_606, %select_n3A_622, %dma_wait3A_1074] : memref<16x8x2x65536xf32, #tpu.memory_space<hbm>> -> memref<1x1x1x4096xf32, #tpu.memory_space<hbm>>
      %dma_wait3A_1076 = tpu.memref_squeeze %dma_wait3A_1075 : memref<1x1x1x4096xf32, #tpu.memory_space<hbm>> -> memref<4096xf32, #tpu.memory_space<hbm>>
      %dma_wait3A_1077 = arith.constant 45056 : i32
      %dma_wait3A_1078 = tpu.memref_slice %arg4[%select_n3A_566, %select_n3A_606, %select_n3A_622, %dma_wait3A_1077] : memref<16x8x2x65536xf32, #tpu.memory_space<hbm>> -> memref<1x1x1x4096xf32, #tpu.memory_space<hbm>>
      %dma_wait3A_1079 = tpu.memref_squeeze %dma_wait3A_1078 : memref<1x1x1x4096xf32, #tpu.memory_space<hbm>> -> memref<4096xf32, #tpu.memory_space<hbm>>
      tpu.wait_dma2 semaphore(%arg14 : memref<!tpu.dma_semaphore, #tpu.memory_space<semaphore_mem>>) src(%arg6 : memref<4096xf32, #tpu.memory_space<vmem>>) dst(%dma_wait3A_1079 : memref<4096xf32, #tpu.memory_space<hbm>>)
      %dma_wait3A_1080 = arith.constant 49152 : i32
      %dma_wait3A_1081 = tpu.memref_slice %arg4[%select_n3A_566, %select_n3A_606, %select_n3A_622, %dma_wait3A_1080] : memref<16x8x2x65536xf32, #tpu.memory_space<hbm>> -> memref<1x1x1x4096xf32, #tpu.memory_space<hbm>>
      %dma_wait3A_1082 = tpu.memref_squeeze %dma_wait3A_1081 : memref<1x1x1x4096xf32, #tpu.memory_space<hbm>> -> memref<4096xf32, #tpu.memory_space<hbm>>
      %dma_wait3A_1083 = arith.constant 49152 : i32
      %dma_wait3A_1084 = tpu.memref_slice %arg4[%select_n3A_566, %select_n3A_606, %select_n3A_622, %dma_wait3A_1083] : memref<16x8x2x65536xf32, #tpu.memory_space<hbm>> -> memref<1x1x1x4096xf32, #tpu.memory_space<hbm>>
      %dma_wait3A_1085 = tpu.memref_squeeze %dma_wait3A_1084 : memref<1x1x1x4096xf32, #tpu.memory_space<hbm>> -> memref<4096xf32, #tpu.memory_space<hbm>>
      tpu.wait_dma2 semaphore(%arg14 : memref<!tpu.dma_semaphore, #tpu.memory_space<semaphore_mem>>) src(%arg6 : memref<4096xf32, #tpu.memory_space<vmem>>) dst(%dma_wait3A_1085 : memref<4096xf32, #tpu.memory_space<hbm>>)
      %dma_wait3A_1086 = arith.constant 53248 : i32
      %dma_wait3A_1087 = tpu.memref_slice %arg4[%select_n3A_566, %select_n3A_606, %select_n3A_622, %dma_wait3A_1086] : memref<16x8x2x65536xf32, #tpu.memory_space<hbm>> -> memref<1x1x1x4096xf32, #tpu.memory_space<hbm>>
      %dma_wait3A_1088 = tpu.memref_squeeze %dma_wait3A_1087 : memref<1x1x1x4096xf32, #tpu.memory_space<hbm>> -> memref<4096xf32, #tpu.memory_space<hbm>>
      %dma_wait3A_1089 = arith.constant 53248 : i32
      %dma_wait3A_1090 = tpu.memref_slice %arg4[%select_n3A_566, %select_n3A_606, %select_n3A_622, %dma_wait3A_1089] : memref<16x8x2x65536xf32, #tpu.memory_space<hbm>> -> memref<1x1x1x4096xf32, #tpu.memory_space<hbm>>
      %dma_wait3A_1091 = tpu.memref_squeeze %dma_wait3A_1090 : memref<1x1x1x4096xf32, #tpu.memory_space<hbm>> -> memref<4096xf32, #tpu.memory_space<hbm>>
      tpu.wait_dma2 semaphore(%arg14 : memref<!tpu.dma_semaphore, #tpu.memory_space<semaphore_mem>>) src(%arg6 : memref<4096xf32, #tpu.memory_space<vmem>>) dst(%dma_wait3A_1091 : memref<4096xf32, #tpu.memory_space<hbm>>)
      %dma_wait3A_1092 = arith.constant 57344 : i32
      %dma_wait3A_1093 = tpu.memref_slice %arg4[%select_n3A_566, %select_n3A_606, %select_n3A_622, %dma_wait3A_1092] : memref<16x8x2x65536xf32, #tpu.memory_space<hbm>> -> memref<1x1x1x4096xf32, #tpu.memory_space<hbm>>
      %dma_wait3A_1094 = tpu.memref_squeeze %dma_wait3A_1093 : memref<1x1x1x4096xf32, #tpu.memory_space<hbm>> -> memref<4096xf32, #tpu.memory_space<hbm>>
      %dma_wait3A_1095 = arith.constant 57344 : i32
      %dma_wait3A_1096 = tpu.memref_slice %arg4[%select_n3A_566, %select_n3A_606, %select_n3A_622, %dma_wait3A_1095] : memref<16x8x2x65536xf32, #tpu.memory_space<hbm>> -> memref<1x1x1x4096xf32, #tpu.memory_space<hbm>>
      %dma_wait3A_1097 = tpu.memref_squeeze %dma_wait3A_1096 : memref<1x1x1x4096xf32, #tpu.memory_space<hbm>> -> memref<4096xf32, #tpu.memory_space<hbm>>
      tpu.wait_dma2 semaphore(%arg14 : memref<!tpu.dma_semaphore, #tpu.memory_space<semaphore_mem>>) src(%arg6 : memref<4096xf32, #tpu.memory_space<vmem>>) dst(%dma_wait3A_1097 : memref<4096xf32, #tpu.memory_space<hbm>>)
      %dma_wait3A_1098 = arith.constant 61440 : i32
      %dma_wait3A_1099 = tpu.memref_slice %arg4[%select_n3A_566, %select_n3A_606, %select_n3A_622, %dma_wait3A_1098] : memref<16x8x2x65536xf32, #tpu.memory_space<hbm>> -> memref<1x1x1x4096xf32, #tpu.memory_space<hbm>>
      %dma_wait3A_1100 = tpu.memref_squeeze %dma_wait3A_1099 : memref<1x1x1x4096xf32, #tpu.memory_space<hbm>> -> memref<4096xf32, #tpu.memory_space<hbm>>
      %dma_wait3A_1101 = arith.constant 61440 : i32
      %dma_wait3A_1102 = tpu.memref_slice %arg4[%select_n3A_566, %select_n3A_606, %select_n3A_622, %dma_wait3A_1101] : memref<16x8x2x65536xf32, #tpu.memory_space<hbm>> -> memref<1x1x1x4096xf32, #tpu.memory_space<hbm>>
      %dma_wait3A_1103 = tpu.memref_squeeze %dma_wait3A_1102 : memref<1x1x1x4096xf32, #tpu.memory_space<hbm>> -> memref<4096xf32, #tpu.memory_space<hbm>>
      tpu.wait_dma2 semaphore(%arg14 : memref<!tpu.dma_semaphore, #tpu.memory_space<semaphore_mem>>) src(%arg6 : memref<4096xf32, #tpu.memory_space<vmem>>) dst(%dma_wait3A_1103 : memref<4096xf32, #tpu.memory_space<hbm>>)
    } else {
    }
    %convert_element_type3A_1051 = arith.extui %eq3A_716 : i1 to i32
    %cond3A_1052 = arith.constant 0 : i32
    %cond3A_1053 = arith.cmpi ne, %convert_element_type3A_1051, %cond3A_1052 : i32
    scf.if %cond3A_1053 {
      %dma_wait3A = arith.constant 0 : i32
      %dma_wait3A_1057 = tpu.memref_slice %arg4[%select_n3A_655, %select_n3A_695, %select_n3A_711, %dma_wait3A] : memref<16x8x2x65536xf32, #tpu.memory_space<hbm>> -> memref<1x1x1x4096xf32, #tpu.memory_space<hbm>>
      %dma_wait3A_1058 = tpu.memref_squeeze %dma_wait3A_1057 : memref<1x1x1x4096xf32, #tpu.memory_space<hbm>> -> memref<4096xf32, #tpu.memory_space<hbm>>
      %dma_wait3A_1059 = arith.constant 0 : i32
      %dma_wait3A_1060 = tpu.memref_slice %arg4[%select_n3A_655, %select_n3A_695, %select_n3A_711, %dma_wait3A_1059] : memref<16x8x2x65536xf32, #tpu.memory_space<hbm>> -> memref<1x1x1x4096xf32, #tpu.memory_space<hbm>>
      %dma_wait3A_1061 = tpu.memref_squeeze %dma_wait3A_1060 : memref<1x1x1x4096xf32, #tpu.memory_space<hbm>> -> memref<4096xf32, #tpu.memory_space<hbm>>
      tpu.wait_dma2 semaphore(%arg14 : memref<!tpu.dma_semaphore, #tpu.memory_space<semaphore_mem>>) src(%arg6 : memref<4096xf32, #tpu.memory_space<vmem>>) dst(%dma_wait3A_1061 : memref<4096xf32, #tpu.memory_space<hbm>>)
      %dma_wait3A_1062 = arith.constant 4096 : i32
      %dma_wait3A_1063 = tpu.memref_slice %arg4[%select_n3A_655, %select_n3A_695, %select_n3A_711, %dma_wait3A_1062] : memref<16x8x2x65536xf32, #tpu.memory_space<hbm>> -> memref<1x1x1x4096xf32, #tpu.memory_space<hbm>>
      %dma_wait3A_1064 = tpu.memref_squeeze %dma_wait3A_1063 : memref<1x1x1x4096xf32, #tpu.memory_space<hbm>> -> memref<4096xf32, #tpu.memory_space<hbm>>
      %dma_wait3A_1065 = arith.constant 4096 : i32
      %dma_wait3A_1066 = tpu.memref_slice %arg4[%select_n3A_655, %select_n3A_695, %select_n3A_711, %dma_wait3A_1065] : memref<16x8x2x65536xf32, #tpu.memory_space<hbm>> -> memref<1x1x1x4096xf32, #tpu.memory_space<hbm>>
      %dma_wait3A_1067 = tpu.memref_squeeze %dma_wait3A_1066 : memref<1x1x1x4096xf32, #tpu.memory_space<hbm>> -> memref<4096xf32, #tpu.memory_space<hbm>>
      tpu.wait_dma2 semaphore(%arg14 : memref<!tpu.dma_semaphore, #tpu.memory_space<semaphore_mem>>) src(%arg6 : memref<4096xf32, #tpu.memory_space<vmem>>) dst(%dma_wait3A_1067 : memref<4096xf32, #tpu.memory_space<hbm>>)
      %dma_wait3A_1068 = arith.constant 8192 : i32
      %dma_wait3A_1069 = tpu.memref_slice %arg4[%select_n3A_655, %select_n3A_695, %select_n3A_711, %dma_wait3A_1068] : memref<16x8x2x65536xf32, #tpu.memory_space<hbm>> -> memref<1x1x1x4096xf32, #tpu.memory_space<hbm>>
      %dma_wait3A_1070 = tpu.memref_squeeze %dma_wait3A_1069 : memref<1x1x1x4096xf32, #tpu.memory_space<hbm>> -> memref<4096xf32, #tpu.memory_space<hbm>>
      %dma_wait3A_1071 = arith.constant 8192 : i32
      %dma_wait3A_1072 = tpu.memref_slice %arg4[%select_n3A_655, %select_n3A_695, %select_n3A_711, %dma_wait3A_1071] : memref<16x8x2x65536xf32, #tpu.memory_space<hbm>> -> memref<1x1x1x4096xf32, #tpu.memory_space<hbm>>
      %dma_wait3A_1073 = tpu.memref_squeeze %dma_wait3A_1072 : memref<1x1x1x4096xf32, #tpu.memory_space<hbm>> -> memref<4096xf32, #tpu.memory_space<hbm>>
      tpu.wait_dma2 semaphore(%arg14 : memref<!tpu.dma_semaphore, #tpu.memory_space<semaphore_mem>>) src(%arg6 : memref<4096xf32, #tpu.memory_space<vmem>>) dst(%dma_wait3A_1073 : memref<4096xf32, #tpu.memory_space<hbm>>)
      %dma_wait3A_1074 = arith.constant 12288 : i32
      %dma_wait3A_1075 = tpu.memref_slice %arg4[%select_n3A_655, %select_n3A_695, %select_n3A_711, %dma_wait3A_1074] : memref<16x8x2x65536xf32, #tpu.memory_space<hbm>> -> memref<1x1x1x4096xf32, #tpu.memory_space<hbm>>
      %dma_wait3A_1076 = tpu.memref_squeeze %dma_wait3A_1075 : memref<1x1x1x4096xf32, #tpu.memory_space<hbm>> -> memref<4096xf32, #tpu.memory_space<hbm>>
      %dma_wait3A_1077 = arith.constant 12288 : i32
      %dma_wait3A_1078 = tpu.memref_slice %arg4[%select_n3A_655, %select_n3A_695, %select_n3A_711, %dma_wait3A_1077] : memref<16x8x2x65536xf32, #tpu.memory_space<hbm>> -> memref<1x1x1x4096xf32, #tpu.memory_space<hbm>>
      %dma_wait3A_1079 = tpu.memref_squeeze %dma_wait3A_1078 : memref<1x1x1x4096xf32, #tpu.memory_space<hbm>> -> memref<4096xf32, #tpu.memory_space<hbm>>
      tpu.wait_dma2 semaphore(%arg14 : memref<!tpu.dma_semaphore, #tpu.memory_space<semaphore_mem>>) src(%arg6 : memref<4096xf32, #tpu.memory_space<vmem>>) dst(%dma_wait3A_1079 : memref<4096xf32, #tpu.memory_space<hbm>>)
      %dma_wait3A_1080 = arith.constant 16384 : i32
      %dma_wait3A_1081 = tpu.memref_slice %arg4[%select_n3A_655, %select_n3A_695, %select_n3A_711, %dma_wait3A_1080] : memref<16x8x2x65536xf32, #tpu.memory_space<hbm>> -> memref<1x1x1x4096xf32, #tpu.memory_space<hbm>>
      %dma_wait3A_1082 = tpu.memref_squeeze %dma_wait3A_1081 : memref<1x1x1x4096xf32, #tpu.memory_space<hbm>> -> memref<4096xf32, #tpu.memory_space<hbm>>
      %dma_wait3A_1083 = arith.constant 16384 : i32
      %dma_wait3A_1084 = tpu.memref_slice %arg4[%select_n3A_655, %select_n3A_695, %select_n3A_711, %dma_wait3A_1083] : memref<16x8x2x65536xf32, #tpu.memory_space<hbm>> -> memref<1x1x1x4096xf32, #tpu.memory_space<hbm>>
      %dma_wait3A_1085 = tpu.memref_squeeze %dma_wait3A_1084 : memref<1x1x1x4096xf32, #tpu.memory_space<hbm>> -> memref<4096xf32, #tpu.memory_space<hbm>>
      tpu.wait_dma2 semaphore(%arg14 : memref<!tpu.dma_semaphore, #tpu.memory_space<semaphore_mem>>) src(%arg6 : memref<4096xf32, #tpu.memory_space<vmem>>) dst(%dma_wait3A_1085 : memref<4096xf32, #tpu.memory_space<hbm>>)
      %dma_wait3A_1086 = arith.constant 20480 : i32
      %dma_wait3A_1087 = tpu.memref_slice %arg4[%select_n3A_655, %select_n3A_695, %select_n3A_711, %dma_wait3A_1086] : memref<16x8x2x65536xf32, #tpu.memory_space<hbm>> -> memref<1x1x1x4096xf32, #tpu.memory_space<hbm>>
      %dma_wait3A_1088 = tpu.memref_squeeze %dma_wait3A_1087 : memref<1x1x1x4096xf32, #tpu.memory_space<hbm>> -> memref<4096xf32, #tpu.memory_space<hbm>>
      %dma_wait3A_1089 = arith.constant 20480 : i32
      %dma_wait3A_1090 = tpu.memref_slice %arg4[%select_n3A_655, %select_n3A_695, %select_n3A_711, %dma_wait3A_1089] : memref<16x8x2x65536xf32, #tpu.memory_space<hbm>> -> memref<1x1x1x4096xf32, #tpu.memory_space<hbm>>
      %dma_wait3A_1091 = tpu.memref_squeeze %dma_wait3A_1090 : memref<1x1x1x4096xf32, #tpu.memory_space<hbm>> -> memref<4096xf32, #tpu.memory_space<hbm>>
      tpu.wait_dma2 semaphore(%arg14 : memref<!tpu.dma_semaphore, #tpu.memory_space<semaphore_mem>>) src(%arg6 : memref<4096xf32, #tpu.memory_space<vmem>>) dst(%dma_wait3A_1091 : memref<4096xf32, #tpu.memory_space<hbm>>)
      %dma_wait3A_1092 = arith.constant 24576 : i32
      %dma_wait3A_1093 = tpu.memref_slice %arg4[%select_n3A_655, %select_n3A_695, %select_n3A_711, %dma_wait3A_1092] : memref<16x8x2x65536xf32, #tpu.memory_space<hbm>> -> memref<1x1x1x4096xf32, #tpu.memory_space<hbm>>
      %dma_wait3A_1094 = tpu.memref_squeeze %dma_wait3A_1093 : memref<1x1x1x4096xf32, #tpu.memory_space<hbm>> -> memref<4096xf32, #tpu.memory_space<hbm>>
      %dma_wait3A_1095 = arith.constant 24576 : i32
      %dma_wait3A_1096 = tpu.memref_slice %arg4[%select_n3A_655, %select_n3A_695, %select_n3A_711, %dma_wait3A_1095] : memref<16x8x2x65536xf32, #tpu.memory_space<hbm>> -> memref<1x1x1x4096xf32, #tpu.memory_space<hbm>>
      %dma_wait3A_1097 = tpu.memref_squeeze %dma_wait3A_1096 : memref<1x1x1x4096xf32, #tpu.memory_space<hbm>> -> memref<4096xf32, #tpu.memory_space<hbm>>
      tpu.wait_dma2 semaphore(%arg14 : memref<!tpu.dma_semaphore, #tpu.memory_space<semaphore_mem>>) src(%arg6 : memref<4096xf32, #tpu.memory_space<vmem>>) dst(%dma_wait3A_1097 : memref<4096xf32, #tpu.memory_space<hbm>>)
      %dma_wait3A_1098 = arith.constant 28672 : i32
      %dma_wait3A_1099 = tpu.memref_slice %arg4[%select_n3A_655, %select_n3A_695, %select_n3A_711, %dma_wait3A_1098] : memref<16x8x2x65536xf32, #tpu.memory_space<hbm>> -> memref<1x1x1x4096xf32, #tpu.memory_space<hbm>>
      %dma_wait3A_1100 = tpu.memref_squeeze %dma_wait3A_1099 : memref<1x1x1x4096xf32, #tpu.memory_space<hbm>> -> memref<4096xf32, #tpu.memory_space<hbm>>
      %dma_wait3A_1101 = arith.constant 28672 : i32
      %dma_wait3A_1102 = tpu.memref_slice %arg4[%select_n3A_655, %select_n3A_695, %select_n3A_711, %dma_wait3A_1101] : memref<16x8x2x65536xf32, #tpu.memory_space<hbm>> -> memref<1x1x1x4096xf32, #tpu.memory_space<hbm>>
      %dma_wait3A_1103 = tpu.memref_squeeze %dma_wait3A_1102 : memref<1x1x1x4096xf32, #tpu.memory_space<hbm>> -> memref<4096xf32, #tpu.memory_space<hbm>>
      tpu.wait_dma2 semaphore(%arg14 : memref<!tpu.dma_semaphore, #tpu.memory_space<semaphore_mem>>) src(%arg6 : memref<4096xf32, #tpu.memory_space<vmem>>) dst(%dma_wait3A_1103 : memref<4096xf32, #tpu.memory_space<hbm>>)
    } else {
    }
    %convert_element_type3A_1054 = arith.extui %eq3A_716 : i1 to i32
    %cond3A_1055 = arith.constant 0 : i32
    %cond3A_1056 = arith.cmpi ne, %convert_element_type3A_1054, %cond3A_1055 : i32
    scf.if %cond3A_1056 {
      %dma_wait3A = arith.constant 32768 : i32
      %dma_wait3A_1057 = tpu.memref_slice %arg4[%select_n3A_655, %select_n3A_695, %select_n3A_711, %dma_wait3A] : memref<16x8x2x65536xf32, #tpu.memory_space<hbm>> -> memref<1x1x1x4096xf32, #tpu.memory_space<hbm>>
      %dma_wait3A_1058 = tpu.memref_squeeze %dma_wait3A_1057 : memref<1x1x1x4096xf32, #tpu.memory_space<hbm>> -> memref<4096xf32, #tpu.memory_space<hbm>>
      %dma_wait3A_1059 = arith.constant 32768 : i32
      %dma_wait3A_1060 = tpu.memref_slice %arg4[%select_n3A_655, %select_n3A_695, %select_n3A_711, %dma_wait3A_1059] : memref<16x8x2x65536xf32, #tpu.memory_space<hbm>> -> memref<1x1x1x4096xf32, #tpu.memory_space<hbm>>
      %dma_wait3A_1061 = tpu.memref_squeeze %dma_wait3A_1060 : memref<1x1x1x4096xf32, #tpu.memory_space<hbm>> -> memref<4096xf32, #tpu.memory_space<hbm>>
      tpu.wait_dma2 semaphore(%arg14 : memref<!tpu.dma_semaphore, #tpu.memory_space<semaphore_mem>>) src(%arg6 : memref<4096xf32, #tpu.memory_space<vmem>>) dst(%dma_wait3A_1061 : memref<4096xf32, #tpu.memory_space<hbm>>)
      %dma_wait3A_1062 = arith.constant 36864 : i32
      %dma_wait3A_1063 = tpu.memref_slice %arg4[%select_n3A_655, %select_n3A_695, %select_n3A_711, %dma_wait3A_1062] : memref<16x8x2x65536xf32, #tpu.memory_space<hbm>> -> memref<1x1x1x4096xf32, #tpu.memory_space<hbm>>
      %dma_wait3A_1064 = tpu.memref_squeeze %dma_wait3A_1063 : memref<1x1x1x4096xf32, #tpu.memory_space<hbm>> -> memref<4096xf32, #tpu.memory_space<hbm>>
      %dma_wait3A_1065 = arith.constant 36864 : i32
      %dma_wait3A_1066 = tpu.memref_slice %arg4[%select_n3A_655, %select_n3A_695, %select_n3A_711, %dma_wait3A_1065] : memref<16x8x2x65536xf32, #tpu.memory_space<hbm>> -> memref<1x1x1x4096xf32, #tpu.memory_space<hbm>>
      %dma_wait3A_1067 = tpu.memref_squeeze %dma_wait3A_1066 : memref<1x1x1x4096xf32, #tpu.memory_space<hbm>> -> memref<4096xf32, #tpu.memory_space<hbm>>
      tpu.wait_dma2 semaphore(%arg14 : memref<!tpu.dma_semaphore, #tpu.memory_space<semaphore_mem>>) src(%arg6 : memref<4096xf32, #tpu.memory_space<vmem>>) dst(%dma_wait3A_1067 : memref<4096xf32, #tpu.memory_space<hbm>>)
      %dma_wait3A_1068 = arith.constant 40960 : i32
      %dma_wait3A_1069 = tpu.memref_slice %arg4[%select_n3A_655, %select_n3A_695, %select_n3A_711, %dma_wait3A_1068] : memref<16x8x2x65536xf32, #tpu.memory_space<hbm>> -> memref<1x1x1x4096xf32, #tpu.memory_space<hbm>>
      %dma_wait3A_1070 = tpu.memref_squeeze %dma_wait3A_1069 : memref<1x1x1x4096xf32, #tpu.memory_space<hbm>> -> memref<4096xf32, #tpu.memory_space<hbm>>
      %dma_wait3A_1071 = arith.constant 40960 : i32
      %dma_wait3A_1072 = tpu.memref_slice %arg4[%select_n3A_655, %select_n3A_695, %select_n3A_711, %dma_wait3A_1071] : memref<16x8x2x65536xf32, #tpu.memory_space<hbm>> -> memref<1x1x1x4096xf32, #tpu.memory_space<hbm>>
      %dma_wait3A_1073 = tpu.memref_squeeze %dma_wait3A_1072 : memref<1x1x1x4096xf32, #tpu.memory_space<hbm>> -> memref<4096xf32, #tpu.memory_space<hbm>>
      tpu.wait_dma2 semaphore(%arg14 : memref<!tpu.dma_semaphore, #tpu.memory_space<semaphore_mem>>) src(%arg6 : memref<4096xf32, #tpu.memory_space<vmem>>) dst(%dma_wait3A_1073 : memref<4096xf32, #tpu.memory_space<hbm>>)
      %dma_wait3A_1074 = arith.constant 45056 : i32
      %dma_wait3A_1075 = tpu.memref_slice %arg4[%select_n3A_655, %select_n3A_695, %select_n3A_711, %dma_wait3A_1074] : memref<16x8x2x65536xf32, #tpu.memory_space<hbm>> -> memref<1x1x1x4096xf32, #tpu.memory_space<hbm>>
      %dma_wait3A_1076 = tpu.memref_squeeze %dma_wait3A_1075 : memref<1x1x1x4096xf32, #tpu.memory_space<hbm>> -> memref<4096xf32, #tpu.memory_space<hbm>>
      %dma_wait3A_1077 = arith.constant 45056 : i32
      %dma_wait3A_1078 = tpu.memref_slice %arg4[%select_n3A_655, %select_n3A_695, %select_n3A_711, %dma_wait3A_1077] : memref<16x8x2x65536xf32, #tpu.memory_space<hbm>> -> memref<1x1x1x4096xf32, #tpu.memory_space<hbm>>
      %dma_wait3A_1079 = tpu.memref_squeeze %dma_wait3A_1078 : memref<1x1x1x4096xf32, #tpu.memory_space<hbm>> -> memref<4096xf32, #tpu.memory_space<hbm>>
      tpu.wait_dma2 semaphore(%arg14 : memref<!tpu.dma_semaphore, #tpu.memory_space<semaphore_mem>>) src(%arg6 : memref<4096xf32, #tpu.memory_space<vmem>>) dst(%dma_wait3A_1079 : memref<4096xf32, #tpu.memory_space<hbm>>)
      %dma_wait3A_1080 = arith.constant 49152 : i32
      %dma_wait3A_1081 = tpu.memref_slice %arg4[%select_n3A_655, %select_n3A_695, %select_n3A_711, %dma_wait3A_1080] : memref<16x8x2x65536xf32, #tpu.memory_space<hbm>> -> memref<1x1x1x4096xf32, #tpu.memory_space<hbm>>
      %dma_wait3A_1082 = tpu.memref_squeeze %dma_wait3A_1081 : memref<1x1x1x4096xf32, #tpu.memory_space<hbm>> -> memref<4096xf32, #tpu.memory_space<hbm>>
      %dma_wait3A_1083 = arith.constant 49152 : i32
      %dma_wait3A_1084 = tpu.memref_slice %arg4[%select_n3A_655, %select_n3A_695, %select_n3A_711, %dma_wait3A_1083] : memref<16x8x2x65536xf32, #tpu.memory_space<hbm>> -> memref<1x1x1x4096xf32, #tpu.memory_space<hbm>>
      %dma_wait3A_1085 = tpu.memref_squeeze %dma_wait3A_1084 : memref<1x1x1x4096xf32, #tpu.memory_space<hbm>> -> memref<4096xf32, #tpu.memory_space<hbm>>
      tpu.wait_dma2 semaphore(%arg14 : memref<!tpu.dma_semaphore, #tpu.memory_space<semaphore_mem>>) src(%arg6 : memref<4096xf32, #tpu.memory_space<vmem>>) dst(%dma_wait3A_1085 : memref<4096xf32, #tpu.memory_space<hbm>>)
      %dma_wait3A_1086 = arith.constant 53248 : i32
      %dma_wait3A_1087 = tpu.memref_slice %arg4[%select_n3A_655, %select_n3A_695, %select_n3A_711, %dma_wait3A_1086] : memref<16x8x2x65536xf32, #tpu.memory_space<hbm>> -> memref<1x1x1x4096xf32, #tpu.memory_space<hbm>>
      %dma_wait3A_1088 = tpu.memref_squeeze %dma_wait3A_1087 : memref<1x1x1x4096xf32, #tpu.memory_space<hbm>> -> memref<4096xf32, #tpu.memory_space<hbm>>
      %dma_wait3A_1089 = arith.constant 53248 : i32
      %dma_wait3A_1090 = tpu.memref_slice %arg4[%select_n3A_655, %select_n3A_695, %select_n3A_711, %dma_wait3A_1089] : memref<16x8x2x65536xf32, #tpu.memory_space<hbm>> -> memref<1x1x1x4096xf32, #tpu.memory_space<hbm>>
      %dma_wait3A_1091 = tpu.memref_squeeze %dma_wait3A_1090 : memref<1x1x1x4096xf32, #tpu.memory_space<hbm>> -> memref<4096xf32, #tpu.memory_space<hbm>>
      tpu.wait_dma2 semaphore(%arg14 : memref<!tpu.dma_semaphore, #tpu.memory_space<semaphore_mem>>) src(%arg6 : memref<4096xf32, #tpu.memory_space<vmem>>) dst(%dma_wait3A_1091 : memref<4096xf32, #tpu.memory_space<hbm>>)
      %dma_wait3A_1092 = arith.constant 57344 : i32
      %dma_wait3A_1093 = tpu.memref_slice %arg4[%select_n3A_655, %select_n3A_695, %select_n3A_711, %dma_wait3A_1092] : memref<16x8x2x65536xf32, #tpu.memory_space<hbm>> -> memref<1x1x1x4096xf32, #tpu.memory_space<hbm>>
      %dma_wait3A_1094 = tpu.memref_squeeze %dma_wait3A_1093 : memref<1x1x1x4096xf32, #tpu.memory_space<hbm>> -> memref<4096xf32, #tpu.memory_space<hbm>>
      %dma_wait3A_1095 = arith.constant 57344 : i32
      %dma_wait3A_1096 = tpu.memref_slice %arg4[%select_n3A_655, %select_n3A_695, %select_n3A_711, %dma_wait3A_1095] : memref<16x8x2x65536xf32, #tpu.memory_space<hbm>> -> memref<1x1x1x4096xf32, #tpu.memory_space<hbm>>
      %dma_wait3A_1097 = tpu.memref_squeeze %dma_wait3A_1096 : memref<1x1x1x4096xf32, #tpu.memory_space<hbm>> -> memref<4096xf32, #tpu.memory_space<hbm>>
      tpu.wait_dma2 semaphore(%arg14 : memref<!tpu.dma_semaphore, #tpu.memory_space<semaphore_mem>>) src(%arg6 : memref<4096xf32, #tpu.memory_space<vmem>>) dst(%dma_wait3A_1097 : memref<4096xf32, #tpu.memory_space<hbm>>)
      %dma_wait3A_1098 = arith.constant 61440 : i32
      %dma_wait3A_1099 = tpu.memref_slice %arg4[%select_n3A_655, %select_n3A_695, %select_n3A_711, %dma_wait3A_1098] : memref<16x8x2x65536xf32, #tpu.memory_space<hbm>> -> memref<1x1x1x4096xf32, #tpu.memory_space<hbm>>
      %dma_wait3A_1100 = tpu.memref_squeeze %dma_wait3A_1099 : memref<1x1x1x4096xf32, #tpu.memory_space<hbm>> -> memref<4096xf32, #tpu.memory_space<hbm>>
      %dma_wait3A_1101 = arith.constant 61440 : i32
      %dma_wait3A_1102 = tpu.memref_slice %arg4[%select_n3A_655, %select_n3A_695, %select_n3A_711, %dma_wait3A_1101] : memref<16x8x2x65536xf32, #tpu.memory_space<hbm>> -> memref<1x1x1x4096xf32, #tpu.memory_space<hbm>>
      %dma_wait3A_1103 = tpu.memref_squeeze %dma_wait3A_1102 : memref<1x1x1x4096xf32, #tpu.memory_space<hbm>> -> memref<4096xf32, #tpu.memory_space<hbm>>
      tpu.wait_dma2 semaphore(%arg14 : memref<!tpu.dma_semaphore, #tpu.memory_space<semaphore_mem>>) src(%arg6 : memref<4096xf32, #tpu.memory_space<vmem>>) dst(%dma_wait3A_1103 : memref<4096xf32, #tpu.memory_space<hbm>>)
    } else {
    }
    return
  }
}

</mosaic_0001>

<sc_bundles>
// kernel: kernel.3.cloned.1.call-start
scs
__scs_entry_jumppad:
0x0: {  	(pc) =	sbr.rel $0x88, $3  }
0x1: {  	(tag) =	ssettag $0x0;
	lr =	simm.s32 $0x1  }
0x2: {  	[smem:$0x3F9F] =	sst lr;
	_ =	strace $0xD0000000  }
0x3: {  	_ = 	snop  }
0x4: {  	_ = 	snop  }
0x5: {  	_ = 	snop  }
0x6: {  	_ = 	snop  }
0x7: {  	_ = 	snop  }
__scs_overlays_trampoline_lowered:
0x8: {  	[smem:$0x3FAE] =	sst s0  }
0x9: {  	[smem:$0x3FAF] =	sst s1  }
0xa: {  	[smem:$0x3FB0] =	sst s2  }
0xb: {  	[smem:$0x3FB1] =	sst s3  }
0xc: {  	[smem:$0x3FB2] =	sst s4  }
0xd: {  	[smem:$0x3FB3] =	sst s5  }
0xe: {  	[smem:$0x3FB4] =	sst s6  }
0xf: {  	[smem:$0x3FB5] =	sst s7  }
0x10: {  	[smem:$0x3FB6] =	sst s8  }
0x11: {  	[smem:$0x3FB7] =	sst s9;
	s0 =	simm.s32 @!p0 $0x0  }
0x12: {  	s1 =	sld [smem:$0x3F9D];
	s0 =	simm.s32 @p0 $0x1  }
0x13: {  	[smem:$0x3FB8] =	sst s0;
	s0 =	simm.s32 @!p1 $0x0  }
0x14: {  	s2 =	sld [smem:$0x3F9C];
	s0 =	simm.s32 @p1 $0x1  }
0x15: {  	[smem:$0x3FB9] =	sst s0;
	s0 =	simm.s32 @!p2 $0x0  }
0x16: {  	s3 =	sld [smem:$0x3FDB];
	s0 =	simm.s32 @p2 $0x1  }
0x17: {  	s4 =	simm.s32 $0x1BF5;
	[smem:$0x3FBB] =	sst s0  }
0x18: {  	s0 =	sld [smem:$0x3F9E];
	_ =	swait.ge [sflag:s4], $0x0  }
0x19: {  	s7 =	sld [smem:$0x3F9F]  }
0x1a: {  	s8 =	sadd.s32 $0xFFFFE003, lr  }
0x1b: {  	s9 =	sadd.s32 $0xFFFFFEF7, lr;
	s5 =	simm.s32 $0xFFFFFFFF;
	p2 =	slt.u32 s8, $0xFFFFF086  }
0x1c: {  	p1 =	slt.u32 s9, $0xF7A;
	s5 =	simm.s32 @!p2 $0x0  }
0x1d: {  	s5 =	simm.s32 @p1 $0x1;
	p0 =	seq.s32 s7, s2  }
0x1e: {  	s7 =	smul.u32 @!p0 $0xF7A, s2;
	p2 =	seq.s32 @!p0 s5, $0x0  }
0x1f: {  	s9 =	smul.u32 $0xF7A, s1;
	s8 =	simm.s32 @!p0 $0x1BF5;
	p2 =	por !p2, p0  }
0x20: {  	[sflag:s8] =	ssyncset.s32 @!p0 $0xFFFFF086;
	s6 =	sadd.s32 @!p0 s3, s7;
	s7 =	simm.s32 @!p0 $0x108  }
0x21: {  	s3 =	sadd.s32 s3, s9;
	s6 =	sadd.s32 @!p0 $0x88, s6;
	s7 =	simm.s32 @p2 $0x1082  }
0x22: {  	[simem:s7], [sflag:s8] =	dma.local @!p0 [hbm:s6], $0xF7A  }
0x23: {  	s9 =	sor.u32 $0xD0000000, s2;
	s6 =	simm.s32 $0x108;
	_ =	swait.ge @!p0 [sflag:s8], $0x0  }
0x24: {  	s3 =	sadd.s32 $0x88, s3;
	s6 =	simm.s32 @!p1 $0x1082;
	[sflag:s4] =	ssyncset.s32 $0xFFFFF086  }
0x25: {  	[simem:s6], [sflag:s4] =	dma.local [hbm:s3], $0xF7A  }
0x26: {  	[smem:$0x3F9F] =	sst s1;
	(tag) =	ssettag s2;
	_ =	strace s9  }
0x27: {  	s1 =	sld [smem:$0x3FAF]  }
0x28: {  	s2 =	sld [smem:$0x3FB0]  }
0x29: {  	s4 =	sld [smem:$0x3FB2]  }
0x2a: {  	p0 =	seq.s32 s5, $0x0;
	s5 =	sld [smem:$0x3FB3]  }
0x2b: {  	s6 =	sld [smem:$0x3FB4]  }
0x2c: {  	s7 =	sld [smem:$0x3FB5]  }
0x2d: {  	s3 =	simm.s32 $0x108;
	s8 =	sld [smem:$0x3FB6]  }
0x2e: {  	s3 =	simm.s32 @!p0 $0x1082;
	s9 =	sld [smem:$0x3FB7]  }
0x2f: {  	lr =	sadd.s32 s0, s3;
	s0 =	sld [smem:$0x3FAE]  }
0x30: {  	s3 =	sld [smem:$0x3FB1]  }
0x31: {  	[smem:$0x3FBA] =	sst s10  }
0x32: {  	s10 =	sld [smem:$0x3FB8];
	_ =	sdelay $0x3  }
0x33: {  	p0 =	seq.s32 s10, $0x1;
	s10 =	sld [smem:$0x3FBA];
	_ =	sdelay $0x3  }
0x34: {  	[smem:$0x3FBA] =	sst s10  }
0x35: {  	s10 =	sld [smem:$0x3FB9];
	_ =	sdelay $0x3  }
0x36: {  	p1 =	seq.s32 s10, $0x1;
	s10 =	sld [smem:$0x3FBA];
	_ =	sdelay $0x3  }
0x37: {  	[smem:$0x3FBA] =	sst s10  }
0x38: {  	s10 =	sld [smem:$0x3FBB]  }
0x39: {  	_ = 	snop;
	(pc) =	sbr.ind lr, $3  }
0x3a: {  	_ = 	snop  }
0x3b: {  	_ = 	snop  }
0x3c: {  	p2 =	seq.s32 s10, $0x1;
	s10 =	sld [smem:$0x3FBA]  }
0x3d: {  	_ =	shalt  }
0x3e: {  	_ =	shalt  }
0x3f: {  	_ =	shalt  }
0x40: {  	_ =	shalt  }
0x41: {  	_ =	shalt  }
0x42: {  	_ =	shalt  }
0x43: {  	_ =	shalt  }
0x44: {  	_ =	shalt  }
0x45: {  	_ =	shalt  }
0x46: {  	_ =	shalt  }
0x47: {  	_ =	shalt  }
0x48: {  	_ =	shalt  }
0x49: {  	_ =	shalt  }
0x4a: {  	_ =	shalt  }
0x4b: {  	_ =	shalt  }
0x4c: {  	_ =	shalt  }
0x4d: {  	_ =	shalt  }
0x4e: {  	_ =	shalt  }
0x4f: {  	_ =	shalt  }
0x50: {  	_ =	shalt  }
0x51: {  	_ =	shalt  }
0x52: {  	_ =	shalt  }
0x53: {  	_ =	shalt  }
0x54: {  	_ =	shalt  }
0x55: {  	_ =	shalt  }
0x56: {  	_ =	shalt  }
0x57: {  	_ =	shalt  }
0x58: {  	_ =	shalt  }
0x59: {  	_ =	shalt  }
0x5a: {  	_ =	shalt  }
0x5b: {  	_ =	shalt  }
0x5c: {  	_ =	shalt  }
0x5d: {  	_ =	shalt  }
0x5e: {  	_ =	shalt  }
0x5f: {  	_ =	shalt  }
0x60: {  	_ =	shalt  }
0x61: {  	_ =	shalt  }
0x62: {  	_ =	shalt  }
0x63: {  	_ =	shalt  }
0x64: {  	_ =	shalt  }
0x65: {  	_ =	shalt  }
0x66: {  	_ =	shalt  }
0x67: {  	_ =	shalt  }
0x68: {  	_ =	shalt  }
0x69: {  	_ =	shalt  }
0x6a: {  	_ =	shalt  }
0x6b: {  	_ =	shalt  }
0x6c: {  	_ =	shalt  }
0x6d: {  	_ =	shalt  }
0x6e: {  	_ =	shalt  }
0x6f: {  	_ =	shalt  }
0x70: {  	_ =	shalt  }
0x71: {  	_ =	shalt  }
0x72: {  	_ =	shalt  }
0x73: {  	_ =	shalt  }
0x74: {  	_ =	shalt  }
0x75: {  	_ =	shalt  }
0x76: {  	_ =	shalt  }
0x77: {  	_ =	shalt  }
0x78: {  	_ =	shalt  }
0x79: {  	_ =	shalt  }
0x7a: {  	_ =	shalt  }
0x7b: {  	_ =	shalt  }
0x7c: {  	_ =	shalt  }
0x7d: {  	_ =	shalt  }
0x7e: {  	_ =	shalt  }
0x7f: {  	_ =	shalt  }
0x80: {  	_ =	shalt  }
0x81: {  	_ =	shalt  }
0x82: {  	_ =	shalt  }
0x83: {  	_ =	shalt  }
0x84: {  	_ =	shalt  }
0x85: {  	_ =	shalt  }
0x86: {  	_ =	shalt  }
0x87: {  	_ =	shalt  }
.Lfunc_end0:
.L_simem_size_0:
called_computation_lowered:
.L_overlay_start_0:
0x88: {  	s2 =	sld [smem:$0x3FD9]  }
0x89: {  	s3 =	sld [smem:$0x3FFE];
	_ =	sdelay $0x1  }
0x8a: {  	s1 =	srdreg.scid  }
0x8b: {  	s0 =	sand.u32 $0x1, s1  }
0x8c: {  	s18 =	sshll.u32 s0, $0xA;
	s2 =	sadd.s32 s3, s2  }
0x8d: {  	s2 =	sadd.s32 s2, s18  }
0x8e: {  	[smem:$0x3FC6] =	sst s2  }
0x8f: {  	_ = 	snop  }
0x90: {  	s2 =	sld [smem:$0x3FC9]  }
0x91: {  	s19 =	sld [smem:$0x3FC8]  }
0x92: {  	s4 =	sld [smem:$0x3FD0];
	(tm) =	ssettm $0x1  }
0x93: {  	s5 =	sld [smem:$0x3FFB];
	_ =	sdelay $0x3  }
0x94: {  	_ =	strace s5  }
0x95: {  	s5 =	sld [smem:$0x3FFC];
	_ =	sdelay $0x3  }
0x96: {  	_ =	strace s5  }
0x97: {  	s5 =	sld [smem:$0x3FFD];
	_ =	sdelay $0x3  }
0x98: {  	_ =	strace s5  }
0x99: {  	_ =	strace $0x8FFFFFFF  }
0x9a: {  	s20 =	sld [smem:$0x3FDB];
	_ =	sdelay $0x1  }
0x9b: {  	s6 =	simm.s32 $_scs_section_size  }
0x9c: {  	s7 =	simm.s32 $_size__tile_overlayer_lowered;
	s8 =	simm.s32 $_tile_overlayer_lowered  }
0x9d: {  	s23 =	simm.s32 $0x1BFF;
	s22 =	sshll.u32 s8, $0x1;
	s5 =	sadd.s32 s6, s20  }
0x9e: {  	s9 =	simm.s32 $0x0;
	s21 =	sshll.u32 s7, $0x1;
	s7 =	sadd.s32 s22, s5  }
0x9f: {  	[timem:s9], [sflag:s23] =	dma.local [hbm:s7], s21  }
0xa0: {  	_ =	swait.ge [sflag:s23], s21  }
0xa1: {  	s6 =	ssub.s32 $0x0, s21;
	[sflag:s23] =	ssyncset.done $0x0  }
0xa2: {  	[sflag:s23] =	ssyncadd.s32 s6;
	_ =	sdelay $0x1  }
0xa3: {  	s24 =	simm.s32 $0x1B8B  }
0xa4: {  	_ =	swait.ge [sflag:s24], $0x1  }
0xa5: {  	[sflag:s24] =	ssyncset.done $0x0  }
0xa6: {  	s25 =	simm.s32 $0x1B8E;
	[sflag:s24] =	ssyncadd.s32 $0xFFFFFFFF  }
0xa7: {  	s26 =	simm.s32 $execute0_lowered;
	[smem:$0x3FD2] =	sst s25  }
0xa8: {  	s6 =	sshll.u32 s26, $0x1;
	_ =	strace $0x80000046;
	[dreg:$0x1] =	wrdreg $0xFFFFFFFF  }
0xa9: {  	s28 =	simm.s32 $_size_execute0_lowered;
	s5 =	sadd.s32 s5, s6;
	[dreg:$0x0] =	wrdreg $0x0  }
0xaa: {  	s6 =	sshll.u32 s28, $0x1;
	[dreg:$0x2] =	wrdreg s5  }
0xab: {  	[dreg:$0x3] =	wrdreg s6  }
0xac: {  	[dreg:$0x4] =	wrdreg $0xC0  }
0xad: {  	_ =	task [dreg:s9], $0x5FFFF  }
0xae: {  	[dreg:$0x1] =	wrdreg $0xFFFFFFFF  }
0xaf: {  	[dreg:$0x0] =	wrdreg $0x60  }
0xb0: {  	[dreg:$0x2] =	wrdreg s2  }
0xb1: {  	[dreg:$0x3] =	wrdreg s19  }
0xb2: {  	[dreg:$0x4] =	wrdreg s4  }
0xb3: {  	[dreg:$0x5] =	wrdreg $0x10800  }
0xb4: {  	[dreg:$0x6] =	wrdreg $0x9  }
0xb5: {  	_ =	task.clear_ibuf [dreg:s9], $0x7FFFF;
	_ =	strace $0x90000046  }
0xb6: {  	s29 =	simm.s32 $0x9;
	_ =	strace $0x80000048  }
0xb7: {  	_ =	swait.ge [sflag:s29], $0x1  }
0xb8: {  	[sflag:s29] =	ssyncadd.s32 $0xFFFFFFFF  }
0xb9: {  	_ =	strace $0x90000048  }
0xba: {  	_ =	sfence  }
0xbb: {  	s30 =	sld [smem:$0x0];
	_ =	sdelay $0x2  }
0xbc: {  	s31 =	sshll.u32 s1, $0xD;
	s1 =	sshrl.u32 s1, $0x2  }
0xbd: {  	s3 =	sand.u32 $0x4000, s31;
	s1 =	sadd.s32 s1, s30  }
0xbe: {  	s0 =	sor.u32 s3, s0;
	s1 =	sshll.u32 s1, $0x11  }
0xbf: {  	s0 =	sor.u32 s1, s0  }
0xc0: {  	s0 =	sadd.s32 $0x8F2B, s0  }
0xc1: {  	[sflag:s0] =	ssyncadd.remote.s32 $0x1  }
0xc2: {  	_ =	sfence.sel $0xFFFF  }
0xc3: {  	[dreg:$0x0] =	wrdreg $0xFFFFFFFF;
	(pc) =	sbr.abs _section_cstart, $3  }
0xc4: {  	[dreg:$0x1] =	wrdreg $0xFFFFFFFF  }
0xc5: {  	_ =	task.clear_ibuf [dreg:s9], $0x2FFFF;
	_ =	strace $0x9FFFFFFF  }
0xc6: {  	(tm) =	ssettm $0x7FFFFFFF  }
0xc7: {  	_ =	shalt  }
tec
execute0_lowered:
.L_overlay_start_1:
0x0: {  	(tag) =	ssettag $0x1  }
0x1: {  	s1 =	srdreg.scid;
	s6 =	rddreg [dreg:$0x0]  }
0x2: {  	s0 =	stileid.u32;
	s7 =	rddreg [dreg:$0x2]  }
0x3: {  	s2 =	simm.s32 $0x1;
	s8 =	rddreg [dreg:$0x3];
	s5 =	sand.u32 $0x1, s1  }
0x4: {  	s11 =	smul.u32 $0x60000, s0;
	s12 =	sshll.u32 s0, $0x11;
	s14 =	sadd.s32 $0x2010, s7  }
0x5: {  	s1 =	sor.u32 s5, s0;
	p1 =	seq.s32 s5, $0x1;
	s28 =	ssub.s32 $0x2, s5  }
0x6: {  	s10 =	sshll.u32 s5, $0x13;
	s13 =	sadd.s32 s6, s12;
	s17 =	sshll.u32 s5, $0x10  }
0x7: {  	[smem:$0x79D] =	sst s14;
	p0 =	seq.s32 s1, $0x0;
	s3 =	sshrl.u32 s28, $0x1  }
0x8: {  	s16 =	sshrl.u32 s11, $0x2;
	s15 =	sadd.s32 $0x10, s13;
	s1 =	ssub.s32 s28, s3  }
0x9: {  	p0 =	por !p0, !p1;
	s18 =	sadd.s32 s17, s15;
	[smem:$0x7FC] =	sst s1  }
0xa: {  	s28 =	sadd.s32 $0x10, s7;
	s1 =	sshll.u32 s5, $0x2;
	[dreg:$0x5] =	wrdreg s18  }
0xb: {  	p0 =	por !p0, !p0;
	[smem:$0x7B9] =	sst s28;
	s29 =	sor.u32 $0x1, s1  }
0xc: {  	s2 =	simm.s32 @!p0 $0x0;
	s3 =	sor.u32 $0x2, s1;
	[smem:$0x7D5] =	sst s29  }
0xd: {  	s18 =	sadd.s32 s12, s28;
	s4 =	ssub.s32 s0, s2;
	[smem:$0x7D7] =	sst s3  }
0xe: {  	s20 =	sadd.s32 s17, s18;
	[smem:$0x7FD] =	sst s4;
	s9 =	sshll.u32 s4, $0x14  }
0xf: {  	s4 =	sshllo.u32 s5, $0x2;
	s5 =	sadd.s32 s16, s8;
	s16 =	sadd.s32 $0x2010, s13  }
0x10: {  	[dreg:$0x7] =	wrdreg s20;
	s19 =	sadd.s32 s17, s16  }
0x11: {  	s10 =	sor.u32 s10, s9;
	[dreg:$0x6] =	wrdreg s19;
	s19 =	sadd.s32 s12, s14  }
0x12: {  	[smem:$0x7D9] =	sst s4;
	s10 =	sshrl.u32 s10, $0x3;
	s11 =	sadd.s32 s17, s19  }
0x13: {  	s8 =	sadd.s32 $0x2000, s6;
	s6 =	sadd.s32 s6, s10;
	[dreg:$0x8] =	wrdreg s11  }
0x14: {  	s11 =	sshll.u32 s29, $0xE;
	[smem:$0x75F] =	sst s6;
	s6 =	sadd.s32 $0x3400, s7  }
0x15: {  	s20 =	sadd.s32 s12, s8;
	s21 =	sadd.s32 s11, s13;
	[smem:$0x7E7] =	sst s6  }
0x16: {  	s22 =	sadd.s32 s11, s20;
	[dreg:$0x9] =	wrdreg s21  }
0x17: {  	s26 =	sadd.s32 $0x2000, s7;
	s24 =	sadd.s32 s11, s15;
	[dreg:$0xa] =	wrdreg s22  }
0x18: {  	s9 =	sor.u32 s17, s12;
	s29 =	sadd.s32 s11, s16;
	[dreg:$0xc] =	wrdreg s24  }
0x19: {  	s2 =	sadd.s32 s11, s18;
	s21 =	sadd.s32 s7, s12;
	[dreg:$0xe] =	wrdreg s29  }
0x1a: {  	s22 =	sadd.s32 s12, s26;
	[dreg:$0xf] =	wrdreg s2;
	s23 =	sadd.s32 s11, s21  }
0x1b: {  	s17 =	sor.u32 s12, s11;
	s25 =	sadd.s32 s11, s22;
	[dreg:$0xb] =	wrdreg s23  }
0x1c: {  	s11 =	sadd.s32 s11, s19;
	[dreg:$0xd] =	wrdreg s25;
	s23 =	sshll.u32 s3, $0xE  }
0x1d: {  	s24 =	sshll.u32 s4, $0xE;
	[dreg:$0x10] =	wrdreg s11;
	s4 =	sadd.s32 s23, s13  }
0x1e: {  	s13 =	sadd.s32 s24, s13;
	[dreg:$0x11] =	wrdreg s4  }
0x1f: {  	s14 =	sadd.s32 s23, s20;
	[dreg:$0x12] =	wrdreg s13  }
0x20: {  	s25 =	sadd.s32 s23, s21;
	[dreg:$0x13] =	wrdreg s14  }
0x21: {  	s29 =	sadd.s32 s23, s15;
	[dreg:$0x14] =	wrdreg s25  }
0x22: {  	s2 =	sadd.s32 s23, s22;
	[dreg:$0x15] =	wrdreg s29  }
0x23: {  	s3 =	sadd.s32 s23, s16;
	[dreg:$0x16] =	wrdreg s2  }
0x24: {  	s20 =	sadd.s32 s24, s20;
	[dreg:$0x17] =	wrdreg s3  }
0x25: {  	s4 =	sadd.s32 s23, s18;
	[dreg:$0x1a] =	wrdreg s20  }
0x26: {  	s13 =	sadd.s32 s23, s19;
	[dreg:$0x18] =	wrdreg s4  }
0x27: {  	s14 =	sor.u32 s12, s23;
	s23 =	sadd.s32 s24, s21;
	[dreg:$0x19] =	wrdreg s13  }
0x28: {  	s25 =	sadd.s32 s24, s15;
	[dreg:$0x1b] =	wrdreg s23  }
0x29: {  	s29 =	sadd.s32 s24, s22;
	[dreg:$0x1c] =	wrdreg s25  }
0x2a: {  	s2 =	sadd.s32 s24, s16;
	[dreg:$0x1d] =	wrdreg s29  }
0x2b: {  	s3 =	sadd.s32 s24, s18;
	[dreg:$0x1e] =	wrdreg s2  }
0x2c: {  	s30 =	sor.u32 s12, s24;
	s12 =	simm.s32 $0x0;
	[dreg:$0x1f] =	wrdreg s3  }
0x2d: {  	s11 =	sadd.s32 $0x1400, s7;
	s15 =	sadd.s32 s7, s10;
	[smem:$0x7FF] =	sst s12  }
0x2e: {  	s21 =	sadd.s32 s10, s11;
	[smem:$0x7E3] =	sst s15  }
0x2f: {  	s4 =	sadd.s32 s24, s19;
	[smem:$0x765] =	sst s21  }
0x30: {  	s13 =	sadd.s32 s10, s8;
	[smem:$0x75E] =	sst s4  }
0x31: {  	s31 =	sadd.s32 $0xC00, s7;
	s12 =	sadd.s32 $0x400, s7;
	[smem:$0x760] =	sst s13  }
0x32: {  	s19 =	sadd.s32 s10, s31;
	[smem:$0x7A9] =	sst s12  }
0x33: {  	s24 =	sadd.s32 s10, s26;
	[smem:$0x763] =	sst s19  }
0x34: {  	s8 =	sadd.s32 $0x3800, s7;
	[smem:$0x7EE] =	sst s24  }
0x35: {  	s21 =	sadd.s32 $0x2800, s7;
	[smem:$0x7E9] =	sst s8  }
0x36: {  	s25 =	sadd.s32 $0x800, s7;
	s16 =	sadd.s32 s10, s12;
	[smem:$0x7E1] =	sst s21  }
0x37: {  	s15 =	sadd.s32 $0x1800, s7;
	s18 =	sadd.s32 s10, s25;
	[smem:$0x761] =	sst s16  }
0x38: {  	s22 =	sadd.s32 s10, s15;
	[smem:$0x762] =	sst s18  }
0x39: {  	s2 =	sadd.s32 s10, s21;
	[smem:$0x766] =	sst s22  }
0x3a: {  	s19 =	sadd.s32 $0x3C00, s7;
	[smem:$0x769] =	sst s2  }
0x3b: {  	s24 =	sadd.s32 s10, s6;
	[smem:$0x78E] =	sst s19  }
0x3c: {  	s13 =	sadd.s32 $0x1000, s7;
	s6 =	sadd.s32 $0x3C10, s7;
	[smem:$0x76C] =	sst s24  }
0x3d: {  	s20 =	sadd.s32 s10, s13;
	[smem:$0x7A6] =	sst s6  }
0x3e: {  	s2 =	sadd.s32 s9, s28;
	[smem:$0x764] =	sst s20  }
0x3f: {  	s24 =	sadd.s32 $0xC10, s7;
	[smem:$0x76F] =	sst s2  }
0x40: {  	s18 =	sadd.s32 $0x1C00, s7;
	[smem:$0x795] =	sst s24  }
0x41: {  	s16 =	sadd.s32 $0x2400, s7;
	[smem:$0x7DB] =	sst s18  }
0x42: {  	s23 =	sadd.s32 s10, s18;
	[smem:$0x7DF] =	sst s16  }
0x43: {  	s22 =	sadd.s32 $0x2C00, s7;
	s29 =	sadd.s32 s10, s16;
	[smem:$0x767] =	sst s23  }
0x44: {  	s3 =	sadd.s32 s10, s22;
	[smem:$0x768] =	sst s29  }
0x45: {  	s20 =	smov.u32 s26;
	s26 =	sadd.s32 s10, s8;
	[smem:$0x76A] =	sst s3  }
0x46: {  	[smem:$0x76D] =	sst s26  }
0x47: {  	s29 =	sadd.s32 s10, s19;
	[smem:$0x7DD] =	sst s20  }
0x48: {  	s3 =	sadd.s32 $0x410, s7;
	[smem:$0x76E] =	sst s29  }
0x49: {  	s26 =	sadd.s32 s9, s24;
	[smem:$0x791] =	sst s3  }
0x4a: {  	s19 =	smov.u32 s28;
	s28 =	sadd.s32 $0x1010, s7;
	[smem:$0x772] =	sst s26  }
0x4b: {  	s24 =	sadd.s32 $0x1C10, s7;
	[smem:$0x797] =	sst s28  }
0x4c: {  	s23 =	sadd.s32 $0x3000, s7;
	[smem:$0x7C2] =	sst s24  }
0x4d: {  	s4 =	sadd.s32 s10, s23;
	[smem:$0x7E5] =	sst s23  }
0x4e: {  	s8 =	sadd.s32 s9, s3;
	[smem:$0x76B] =	sst s4  }
0x4f: {  	s29 =	sadd.s32 $0x1410, s7;
	[smem:$0x770] =	sst s8  }
0x50: {  	s2 =	sadd.s32 s9, s28;
	[smem:$0x799] =	sst s29  }
0x51: {  	s26 =	sadd.s32 $0x2410, s7;
	[smem:$0x773] =	sst s2  }
0x52: {  	s28 =	sadd.s32 s9, s24;
	[smem:$0x7C5] =	sst s26  }
0x53: {  	s3 =	sadd.s32 $0x3410, s7;
	[smem:$0x776] =	sst s28  }
0x54: {  	s19 =	sadd.s32 s17, s19;
	[smem:$0x7A3] =	sst s3  }
0x55: {  	[smem:$0x790] =	sst s19  }
0x56: {  	s4 =	sadd.s32 $0x810, s7;
	s19 =	sld [smem:$0x791]  }
0x57: {  	s8 =	sadd.s32 $0x1810, s7;
	[smem:$0x793] =	sst s4  }
0x58: {  	[smem:$0x7C0] =	sst s8  }
0x59: {  	s10 =	sadd.s32 s9, s4;
	s4 =	sadd.s32 s9, s29;
	s29 =	sld [smem:$0x79D]  }
0x5a: {  	[smem:$0x771] =	sst s10  }
0x5b: {  	[smem:$0x774] =	sst s4;
	s10 =	sadd.s32 s9, s8  }
0x5c: {  	s8 =	sadd.s32 s9, s26;
	[smem:$0x775] =	sst s10  }
0x5d: {  	s26 =	sadd.s32 $0x3010, s7;
	[smem:$0x778] =	sst s8  }
0x5e: {  	s10 =	sadd.s32 $0x2C10, s7;
	[smem:$0x7CB] =	sst s26  }
0x5f: {  	s2 =	sadd.s32 s9, s26;
	[smem:$0x7C9] =	sst s10  }
0x60: {  	s8 =	sadd.s32 s9, s3;
	[smem:$0x77B] =	sst s2  }
0x61: {  	s3 =	sadd.s32 s7, s17;
	[smem:$0x77C] =	sst s8  }
0x62: {  	s26 =	sadd.s32 s17, s26;
	[smem:$0x77F] =	sst s3  }
0x63: {  	[smem:$0x7A2] =	sst s26  }
0x64: {  	s4 =	sadd.s32 s9, s29;
	s26 =	sld [smem:$0x7A3]  }
0x65: {  	s29 =	sadd.s32 $0x2810, s7;
	[smem:$0x777] =	sst s4  }
0x66: {  	s28 =	sadd.s32 s9, s10;
	[smem:$0x7C7] =	sst s29  }
0x67: {  	s8 =	sadd.s32 s17, s31;
	[smem:$0x77A] =	sst s28  }
0x68: {  	s3 =	smov.u32 s11;
	s11 =	sadd.s32 s17, s11;
	[smem:$0x782] =	sst s8  }
0x69: {  	s24 =	sadd.s32 s9, s29;
	[smem:$0x784] =	sst s11  }
0x6a: {  	s4 =	sadd.s32 s17, s12;
	[smem:$0x779] =	sst s24  }
0x6b: {  	s12 =	sadd.s32 s17, s15;
	[smem:$0x780] =	sst s4  }
0x6c: {  	s29 =	sadd.s32 s17, s29;
	[smem:$0x785] =	sst s12  }
0x6d: {  	[smem:$0x7A0] =	sst s29  }
0x6e: {  	s24 =	sadd.s32 $0x3810, s7;
	s29 =	sld [smem:$0x7C9]  }
0x6f: {  	s4 =	smov.u32 s15;
	s15 =	sadd.s32 s17, s20;
	[smem:$0x7CE] =	sst s24  }
0x70: {  	s8 =	smov.u32 s18;
	[smem:$0x787] =	sst s15  }
0x71: {  	s8 =	sadd.s32 s14, s8;
	s15 =	sld [smem:$0x7E7]  }
0x72: {  	s10 =	sadd.s32 s9, s24;
	[smem:$0x7B0] =	sst s8  }
0x73: {  	s9 =	sadd.s32 s9, s6;
	[smem:$0x77D] =	sst s10  }
0x74: {  	[smem:$0x77E] =	sst s9;
	s10 =	sadd.s32 s17, s13  }
0x75: {  	[smem:$0x783] =	sst s10;
	s10 =	smov.u32 s20;
	s20 =	sadd.s32 s17, s22  }
0x76: {  	[smem:$0x78A] =	sst s20;
	s20 =	sadd.s32 s17, s19  }
0x77: {  	[smem:$0x792] =	sst s20  }
0x78: {  	s2 =	smov.u32 s13;
	s6 =	sadd.s32 s17, s25;
	s20 =	sld [smem:$0x793]  }
0x79: {  	s11 =	smov.u32 s21;
	[smem:$0x781] =	sst s6;
	s13 =	sadd.s32 s17, s18  }
0x7a: {  	s18 =	sadd.s32 s17, s21;
	s21 =	sadd.s32 s17, s23;
	[smem:$0x786] =	sst s13  }
0x7b: {  	[smem:$0x78B] =	sst s21;
	s21 =	sadd.s32 s17, s20  }
0x7c: {  	[smem:$0x794] =	sst s21  }
0x7d: {  	s6 =	smov.u32 s16;
	s16 =	sadd.s32 s17, s16;
	s21 =	sld [smem:$0x795]  }
0x7e: {  	[smem:$0x788] =	sst s16  }
0x7f: {  	s12 =	smov.u32 s22;
	s16 =	sld [smem:$0x7E9];
	s22 =	sadd.s32 s17, s15  }
0x80: {  	[smem:$0x78C] =	sst s22;
	s22 =	sadd.s32 s17, s21  }
0x81: {  	[smem:$0x796] =	sst s22  }
0x82: {  	s22 =	sld [smem:$0x797]  }
0x83: {  	[smem:$0x789] =	sst s18  }
0x84: {  	s13 =	smov.u32 s23;
	s18 =	sld [smem:$0x78E];
	s23 =	sadd.s32 s17, s16  }
0x85: {  	[smem:$0x78D] =	sst s23;
	s23 =	sadd.s32 s17, s22  }
0x86: {  	[smem:$0x798] =	sst s23  }
0x87: {  	s8 =	sadd.s32 s14, s12;
	s23 =	sld [smem:$0x799]  }
0x88: {  	[smem:$0x7B4] =	sst s8;
	s10 =	sadd.s32 s14, s10  }
0x89: {  	[smem:$0x7B1] =	sst s10;
	s28 =	sadd.s32 s17, s18  }
0x8a: {  	[smem:$0x78F] =	sst s28;
	s28 =	sadd.s32 s17, s23  }
0x8b: {  	[smem:$0x79A] =	sst s28  }
0x8c: {  	s10 =	sadd.s32 s14, s13;
	s28 =	sld [smem:$0x7C0]  }
0x8d: {  	[smem:$0x7B5] =	sst s10;
	s13 =	sadd.s32 s14, s16  }
0x8e: {  	[smem:$0x7B7] =	sst s13  }
0x8f: {  	s8 =	sadd.s32 s14, s20;
	s9 =	sadd.s32 s17, s28;
	s28 =	sld [smem:$0x7C2]  }
0x90: {  	[smem:$0x7BC] =	sst s8  }
0x91: {  	[smem:$0x79B] =	sst s9  }
0x92: {  	s10 =	sadd.s32 s14, s21;
	s9 =	sadd.s32 s17, s28;
	s28 =	sld [smem:$0x79D]  }
0x93: {  	[smem:$0x7BD] =	sst s10  }
0x94: {  	s10 =	sld [smem:$0x7C2]  }
0x95: {  	[smem:$0x79C] =	sst s9;
	s9 =	sadd.s32 s17, s28  }
0x96: {  	[smem:$0x79E] =	sst s9  }
0x97: {  	s13 =	sadd.s32 s14, s23;
	s9 =	sld [smem:$0x7C5]  }
0x98: {  	[smem:$0x7BF] =	sst s13;
	s8 =	sadd.s32 s14, s28  }
0x99: {  	[smem:$0x7C4] =	sst s8  }
0x9a: {  	s8 =	sld [smem:$0x7C5];
	s9 =	sadd.s32 s17, s9  }
0x9b: {  	[smem:$0x79F] =	sst s9;
	s9 =	sadd.s32 s17, s29;
	s29 =	sadd.s32 s17, s26  }
0x9c: {  	[smem:$0x7A4] =	sst s29  }
0x9d: {  	s29 =	sadd.s32 s17, s24;
	s24 =	sld [smem:$0x7A6]  }
0x9e: {  	[smem:$0x7A5] =	sst s29;
	s29 =	sadd.s32 s7, s14  }
0x9f: {  	[smem:$0x7A8] =	sst s29  }
0xa0: {  	s29 =	sld [smem:$0x7A9]  }
0xa1: {  	[smem:$0x7A1] =	sst s9;
	s7 =	sadd.s32 s7, s30  }
0xa2: {  	[smem:$0x7D1] =	sst s7;
	s17 =	sadd.s32 s17, s24  }
0xa3: {  	[smem:$0x7A7] =	sst s17;
	s17 =	sadd.s32 s14, s29  }
0xa4: {  	s29 =	sadd.s32 s30, s29;
	[smem:$0x7AA] =	sst s17  }
0xa5: {  	s17 =	sadd.s32 s14, s25;
	[smem:$0x7D2] =	sst s29  }
0xa6: {  	s29 =	sadd.s32 s30, s3;
	[smem:$0x7AB] =	sst s17  }
0xa7: {  	s17 =	sadd.s32 s14, s31;
	[smem:$0x7D8] =	sst s29  }
0xa8: {  	[smem:$0x7AC] =	sst s17;
	s17 =	sadd.s32 s14, s2  }
0xa9: {  	[smem:$0x7AD] =	sst s17;
	s17 =	sadd.s32 s14, s3  }
0xaa: {  	[smem:$0x7AE] =	sst s17;
	s17 =	sadd.s32 s14, s4  }
0xab: {  	[smem:$0x7AF] =	sst s17;
	s17 =	sadd.s32 s14, s6  }
0xac: {  	s6 =	sadd.s32 s14, s11;
	s11 =	sadd.s32 s14, s15;
	[smem:$0x7B2] =	sst s17  }
0xad: {  	[smem:$0x7B6] =	sst s11;
	s11 =	sadd.s32 s14, s22  }
0xae: {  	[smem:$0x7BE] =	sst s11;
	s11 =	sadd.s32 s14, s8  }
0xaf: {  	[smem:$0x7C6] =	sst s11  }
0xb0: {  	s11 =	sld [smem:$0x7C7]  }
0xb1: {  	[smem:$0x7B3] =	sst s6;
	s6 =	sadd.s32 s14, s19  }
0xb2: {  	[smem:$0x7BB] =	sst s6  }
0xb3: {  	s6 =	sld [smem:$0x7C0];
	s13 =	sadd.s32 s14, s11  }
0xb4: {  	[smem:$0x7C8] =	sst s13  }
0xb5: {  	s15 =	sadd.s32 s14, s18;
	s13 =	sld [smem:$0x7C9]  }
0xb6: {  	[smem:$0x7B8] =	sst s15  }
0xb7: {  	s17 =	sld [smem:$0x7B9];
	s15 =	sadd.s32 s14, s6  }
0xb8: {  	[smem:$0x7C1] =	sst s15;
	s15 =	sadd.s32 s14, s13  }
0xb9: {  	[smem:$0x7CA] =	sst s15  }
0xba: {  	s15 =	sld [smem:$0x7CB]  }
0xbb: {  	s29 =	sld [smem:$0x7DF];
	s16 =	sadd.s32 s14, s17  }
0xbc: {  	[smem:$0x7BA] =	sst s16;
	s16 =	sadd.s32 s14, s10  }
0xbd: {  	[smem:$0x7C3] =	sst s16;
	s16 =	sadd.s32 s14, s15  }
0xbe: {  	[smem:$0x7CC] =	sst s16;
	s16 =	sadd.s32 s14, s26  }
0xbf: {  	[smem:$0x7CD] =	sst s16  }
0xc0: {  	s16 =	sld [smem:$0x7CE]  }
0xc1: {  	s3 =	sld [smem:$0x7D7];
	s17 =	sadd.s32 s30, s17  }
0xc2: {  	[smem:$0x7EC] =	sst s17;
	s17 =	sadd.s32 s30, s10  }
0xc3: {  	[smem:$0x7F4] =	sst s17;
	s9 =	sadd.s32 s14, s16  }
0xc4: {  	s14 =	sadd.s32 s14, s24;
	[smem:$0x7CF] =	sst s9  }
0xc5: {  	[smem:$0x7D0] =	sst s14  }
0xc6: {  	s9 =	sadd.s32 s30, s25;
	s25 =	sadd.s32 s30, s2;
	s2 =	sld [smem:$0x7D5]  }
0xc7: {  	s14 =	sadd.s32 s30, s31;
	[smem:$0x7D3] =	sst s9  }
0xc8: {  	[smem:$0x7D4] =	sst s14  }
0xc9: {  	[smem:$0x7D6] =	sst s25  }
0xca: {  	s9 =	sadd.s32 s30, s4;
	s4 =	sld [smem:$0x7D9]  }
0xcb: {  	s14 =	sld [smem:$0x7DB]  }
0xcc: {  	s25 =	sld [smem:$0x7DD]  }
0xcd: {  	[smem:$0x7DA] =	sst s9  }
0xce: {  	s9 =	sld [smem:$0x7E1]  }
0xcf: {  	s7 =	sadd.s32 s30, s14;
	s14 =	sadd.s32 s30, s12;
	s12 =	sld [smem:$0x7E3]  }
0xd0: {  	[smem:$0x7DC] =	sst s7  }
0xd1: {  	[smem:$0x7E4] =	sst s14  }
0xd2: {  	s7 =	sadd.s32 s30, s25;
	s25 =	sld [smem:$0x7E5]  }
0xd3: {  	[smem:$0x7DE] =	sst s7  }
0xd4: {  	s14 =	sadd.s32 s30, s18;
	s7 =	sadd.s32 s30, s29;
	s29 =	sld [smem:$0x7E7]  }
0xd5: {  	s18 =	sadd.s32 s30, s19;
	[smem:$0x7EB] =	sst s14  }
0xd6: {  	s19 =	sadd.s32 s30, s20;
	[smem:$0x7ED] =	sst s18  }
0xd7: {  	[smem:$0x7EF] =	sst s19  }
0xd8: {  	[smem:$0x7E0] =	sst s7  }
0xd9: {  	s14 =	sadd.s32 s30, s6;
	s7 =	sadd.s32 s30, s9;
	s9 =	sld [smem:$0x7E9]  }
0xda: {  	s18 =	sadd.s32 s30, s28;
	[smem:$0x7F3] =	sst s14  }
0xdb: {  	s19 =	sadd.s32 s30, s8;
	[smem:$0x7F5] =	sst s18  }
0xdc: {  	[smem:$0x7F6] =	sst s19  }
0xdd: {  	[smem:$0x7E2] =	sst s7;
	s7 =	sadd.s32 s30, s25  }
0xde: {  	s25 =	sadd.s32 s30, s21;
	[smem:$0x7E6] =	sst s7  }
0xdf: {  	s21 =	sadd.s32 s30, s11;
	[smem:$0x7F0] =	sst s25  }
0xe0: {  	s7 =	sadd.s32 s30, s29;
	[smem:$0x7F7] =	sst s21  }
0xe1: {  	s29 =	sadd.s32 s30, s22;
	[smem:$0x7E8] =	sst s7  }
0xe2: {  	s22 =	sadd.s32 s30, s13;
	[smem:$0x7F1] =	sst s29  }
0xe3: {  	s25 =	sadd.s32 s30, s26;
	[smem:$0x7F8] =	sst s22  }
0xe4: {  	s26 =	sadd.s32 s30, s16;
	[smem:$0x7FA] =	sst s25  }
0xe5: {  	s7 =	sadd.s32 s30, s9;
	[smem:$0x7FB] =	sst s26  }
0xe6: {  	s9 =	sadd.s32 s30, s23;
	[smem:$0x7EA] =	sst s7  }
0xe7: {  	s23 =	sadd.s32 s30, s15;
	[smem:$0x7F2] =	sst s9  }
0xe8: {  	[smem:$0x7F9] =	sst s23  }
0xe9: {  	s20 =	sld [smem:$0x7EE];
	_ =	strace $0x80000047  }
.Ltmp0:
0xea: {  	s28 =	sld [smem:$0x7FC];
	(pc) =	sbr.rel .LBB2_1-.Ltmp0, $4  }
0xeb: {  	s29 =	sld [smem:$0x7FD]  }
0xec: {  	s10 =	simm.s32 $0x7;
	s31 =	simm.s32 $0x0  }
0xed: {  	s6 =	sadd.s32 $0x8000, s5;
	s8 =	simm.s32 $0x8;
	s11 =	simm.s32 $0x0  }
0xee: {  	v2 =	vimm.f32 $0.0e+00;
	v1 =	vmov s0;
	s30 =	sadd.s32 s30, s24;
	s7 =	sadd.s32 $0x10000, s5;
	s25 =	smax.u32 s28, $0x1;
	v0 =	vmov s29  }
.LBB2_9:
0xef: {  	s11 =	sadd.s32 $0x1, s11  }
0xf0: {  	p0 =	sne.s32 s11, s25  }
.Ltmp1:
0xf1: {  	_ = 	snop;
	(pc) =	sbr.rel @!p0 .LBB2_10-.Ltmp1, $1  }
0xf2: {  	_ =	sdelay $0x3  }
.LBB2_1:
0xf3: {  	s9 =	rddreg [dreg:$0x1]  }
0xf4: {  	[tilespmem:s31], [sflag:$0x8] =	stream.linear.gather [hbm4b:s9+s31], $0x80, $0x38;
	[tilespmem:$0x19080] =	vst v63  }
0xf5: {  	_ =	swait.ge [sflag:s8], $0x80  }
0xf6: {  	[sflag:s8] =	ssyncset.done $0x0  }
0xf7: {  	[sflag:s8] =	ssyncadd.s32 $0xFFFFFF80  }
0xf8: {  	v3 =	vld.idx.msk [tilespmem:v0+s31+$0x0], $0xffff  }
0xf9: {  	v4 =	vld.idx.msk [tilespmem:v1+s31+$0x0], $0xffff;
	_ =	sdelay $0x3  }
0xfa: {  	(v2sf) =	vpush v3, $0x0  }
0xfb: {  	(v2sf) =	vpush v4, $0x0;
	_ =	sdelay $0xd  }
0xfc: {  	s14 =	spop (v2sf)  }
0xfd: {  	s9 =	sld [smem:$0x75F];
	p3 =	seq.s32 s14, s1;
	s13 =	spop (v2sf)  }
0xfe: {  	s15 =	sshll.u32 @!p3 s0, $0x6;
	s16 =	sshrl.u32 @!p3 s5, $0x3;
	s17 =	simm.s32 @!p3 $0x1  }
0xff: {  	s18 =	simm.s32 @!p3 $0x10;
	s19 =	simm.s32 @!p3 $0x20;
	s15 =	sor.u32 @!p3 $0x1C01, s15  }
0x100: {  	[spmem:s16@s18], [sflag:s15] =	dma.strided @!p3 [hbm:s9@s19], $0x1000, s17, $0x10   }
0x101: {  	s15 =	simm.s32 $0x0;
	s16 =	simm.s32 $0x400  }
.LBB2_2:
0x102: {  	p0 =	sne.s32 s16, $0x3C00;
	[tilespmem:s15+$0x170] =	vst v2  }
0x103: {  	[tilespmem:s15+$0x80] =	vst v2  }
0x104: {  	[tilespmem:s15+$0x90] =	vst v2  }
0x105: {  	[tilespmem:s15+$0xA0] =	vst v2  }
0x106: {  	[tilespmem:s15+$0xB0] =	vst v2  }
0x107: {  	[tilespmem:s15+$0xC0] =	vst v2  }
0x108: {  	[tilespmem:s15+$0xD0] =	vst v2  }
0x109: {  	[tilespmem:s15+$0xE0] =	vst v2  }
0x10a: {  	[tilespmem:s15+$0xF0] =	vst v2  }
0x10b: {  	[tilespmem:s15+$0x100] =	vst v2  }
0x10c: {  	[tilespmem:s15+$0x110] =	vst v2  }
.Ltmp2:
0x10d: {  	[tilespmem:s15+$0x120] =	vst v2;
	(pc) =	sbr.rel @p0 .LBB2_2-.Ltmp2, $4  }
0x10e: {  	[tilespmem:s15+$0x130] =	vst v2  }
0x10f: {  	[tilespmem:s15+$0x140] =	vst v2  }
0x110: {  	[tilespmem:s15+$0x150] =	vst v2  }
0x111: {  	[tilespmem:s15+$0x160] =	vst v2;
	s15 =	sshra.s32 s16, $0x2;
	s16 =	sadd.s32 $0x400, s16  }
0x112: {  	[tilespmem:s15+$0x170] =	vst v2  }
0x113: {  	[tilespmem:s15+$0x80] =	vst v2  }
0x114: {  	[tilespmem:s15+$0x90] =	vst v2  }
0x115: {  	[tilespmem:s15+$0xA0] =	vst v2  }
0x116: {  	[tilespmem:s15+$0xB0] =	vst v2  }
0x117: {  	[tilespmem:s15+$0xC0] =	vst v2  }
0x118: {  	[tilespmem:s15+$0xD0] =	vst v2  }
0x119: {  	[tilespmem:s15+$0xE0] =	vst v2  }
0x11a: {  	[tilespmem:s15+$0xF0] =	vst v2  }
0x11b: {  	[tilespmem:s15+$0x100] =	vst v2  }
0x11c: {  	[tilespmem:s15+$0x110] =	vst v2  }
0x11d: {  	[tilespmem:s15+$0x120] =	vst v2  }
0x11e: {  	[tilespmem:s15+$0x130] =	vst v2  }
0x11f: {  	[tilespmem:s15+$0x140] =	vst v2  }
0x120: {  	p0 =	sne.s32 s14, s1;
	[tilespmem:s15+$0x150] =	vst v2;
	s9 =	sld [smem:$0x760]  }
0x121: {  	[tilespmem:s15+$0x160] =	vst v2;
	s14 =	sshll.u32 @p0 s0, $0x6;
	s17 =	sshrl.u32 @p0 s6, $0x3;
	s15 =	simm.s32 @p0 $0x1  }
0x122: {  	s18 =	simm.s32 @p0 $0x10;
	s19 =	simm.s32 @p0 $0x20;
	s16 =	sor.u32 @p0 $0x1C02, s14  }
0x123: {  	[spmem:s17@s18], [sflag:s16] =	dma.strided @p0 [hbm:s9@s19], $0x1000, s15, $0x10   }
0x124: {  	_ =	swait.ge @p0 [sflag:s15], $0x1000  }
0x125: {  	[sflag:s15] =	ssyncset.done @p0 $0x0  }
0x126: {  	s21 =	sshrl.u32 @p0 s5, $0x3;
	s16 =	sor.u32 @p0 $0x1C04, s14;
	[sflag:s15] =	ssyncadd.s32 @p0 $0xFFFFF000  }
0x127: {  	[hbm:s12@s19], [sflag:s16] =	dma.strided @p0 [spmem:s21@s18], $0x1000, s15, $0x10   }
0x128: {  	s16 =	simm.s32 @!p0 $0x100;
	s21 =	simm.s32 @!p0 $0x80;
	s9 =	sld [smem:$0x761]  }
0x129: {  	[hbm4b:s12+s21] =	stream.strided.scatter @!p0 [tilespmem:s21], [sflag:$0x7], $0x1000, s16, s21, $0x38;
	[tilespmem:$0x19080] =	vst v63  }
0x12a: {  	_ = 	snop  }
0x12b: {  	[hbm4b:s9+s21] =	stream.strided.scatter @!p0 [tilespmem:s21], [sflag:$0x7], $0x1000, s16, s21, $0x38;
	[tilespmem:$0x19080] =	vst v63  }
0x12c: {  	s9 =	sld [smem:$0x762];
	_ =	sdelay $0x2  }
0x12d: {  	[hbm4b:s9+s21] =	stream.strided.scatter @!p0 [tilespmem:s21], [sflag:$0x7], $0x1000, s16, s21, $0x38;
	[tilespmem:$0x19080] =	vst v63  }
0x12e: {  	s9 =	sld [smem:$0x763];
	_ =	sdelay $0x2  }
0x12f: {  	[hbm4b:s9+s21] =	stream.strided.scatter @!p0 [tilespmem:s21], [sflag:$0x7], $0x1000, s16, s21, $0x38;
	[tilespmem:$0x19080] =	vst v63  }
0x130: {  	s9 =	sld [smem:$0x764];
	_ =	sdelay $0x2  }
0x131: {  	[hbm4b:s9+s21] =	stream.strided.scatter @!p0 [tilespmem:s21], [sflag:$0x7], $0x1000, s16, s21, $0x38;
	[tilespmem:$0x19080] =	vst v63  }
0x132: {  	s9 =	sld [smem:$0x765];
	_ =	sdelay $0x2  }
0x133: {  	[hbm4b:s9+s21] =	stream.strided.scatter @!p0 [tilespmem:s21], [sflag:$0x7], $0x1000, s16, s21, $0x38;
	[tilespmem:$0x19080] =	vst v63  }
0x134: {  	s9 =	sld [smem:$0x766];
	_ =	sdelay $0x2  }
0x135: {  	[hbm4b:s9+s21] =	stream.strided.scatter @!p0 [tilespmem:s21], [sflag:$0x7], $0x1000, s16, s21, $0x38;
	[tilespmem:$0x19080] =	vst v63  }
0x136: {  	p5 =	seq.s32 s13, s1;
	s9 =	sld [smem:$0x767]  }
0x137: {  	s22 =	sshll.u32 @!p5 s0, $0x6  }
0x138: {  	s23 =	sshrl.u32 @!p5 s7, $0x3;
	s24 =	simm.s32 @!p5 $0x1;
	s26 =	simm.s32 @!p5 $0x20  }
0x139: {  	[hbm4b:s9+s21] =	stream.strided.scatter @!p0 [tilespmem:s21], [sflag:$0x7], $0x1000, s16, s21, $0x38;
	[tilespmem:$0x19080] =	vst v63  }
0x13a: {  	s22 =	sor.u32 @!p5 $0x1C03, s22;
	s28 =	rddreg [dreg:$0x5];
	s9 =	simm.s32 @!p5 $0x10  }
0x13b: {  	[spmem:s23@s9], [sflag:s22] =	dma.strided @!p5 [hbm:s28@s26], $0x1000, s24, $0x10   }
0x13c: {  	s9 =	simm.s32 @p0 $0x2  }
0x13d: {  	_ =	swait.ge @p0 [sflag:s9], $0x1000  }
0x13e: {  	[sflag:s9] =	ssyncset.done @p0 $0x0  }
0x13f: {  	[sflag:s9] =	ssyncadd.s32 @p0 $0xFFFFF000;
	s9 =	sor.u32 @p0 $0x1C05, s14  }
0x140: {  	[hbm:s20@s19], [sflag:s9] =	dma.strided @p0 [spmem:s17@s18], $0x1000, s15, $0x10   }
0x141: {  	s9 =	simm.s32 @p0 $0x4  }
0x142: {  	_ =	swait.ge @p0 [sflag:s9], $0x1000  }
0x143: {  	[sflag:s9] =	ssyncset.done @p0 $0x0  }
0x144: {  	[sflag:s9] =	ssyncadd.s32 @p0 $0xFFFFF000;
	s9 =	sld [smem:$0x768]  }
0x145: {  	[hbm4b:s20+s21] =	stream.strided.scatter @!p0 [tilespmem:s21], [sflag:$0x7], $0x1000, s16, s21, $0x38;
	[tilespmem:$0x19080] =	vst v63  }
0x146: {  	_ = 	snop  }
0x147: {  	[hbm4b:s9+s21] =	stream.strided.scatter @!p0 [tilespmem:s21], [sflag:$0x7], $0x1000, s16, s21, $0x38;
	[tilespmem:$0x19080] =	vst v63  }
0x148: {  	s9 =	sld [smem:$0x769];
	_ =	sdelay $0x2  }
0x149: {  	[hbm4b:s9+s21] =	stream.strided.scatter @!p0 [tilespmem:s21], [sflag:$0x7], $0x1000, s16, s21, $0x38;
	[tilespmem:$0x19080] =	vst v63  }
0x14a: {  	s9 =	sld [smem:$0x76A];
	_ =	sdelay $0x2  }
0x14b: {  	[hbm4b:s9+s21] =	stream.strided.scatter @!p0 [tilespmem:s21], [sflag:$0x7], $0x1000, s16, s21, $0x38;
	[tilespmem:$0x19080] =	vst v63  }
0x14c: {  	s9 =	sld [smem:$0x76B];
	_ =	sdelay $0x2  }
0x14d: {  	[hbm4b:s9+s21] =	stream.strided.scatter @!p0 [tilespmem:s21], [sflag:$0x7], $0x1000, s16, s21, $0x38;
	[tilespmem:$0x19080] =	vst v63  }
0x14e: {  	s9 =	sld [smem:$0x76C];
	_ =	sdelay $0x2  }
0x14f: {  	[hbm4b:s9+s21] =	stream.strided.scatter @!p0 [tilespmem:s21], [sflag:$0x7], $0x1000, s16, s21, $0x38;
	[tilespmem:$0x19080] =	vst v63  }
0x150: {  	s9 =	sld [smem:$0x76D];
	_ =	sdelay $0x2  }
0x151: {  	[hbm4b:s9+s21] =	stream.strided.scatter @!p0 [tilespmem:s21], [sflag:$0x7], $0x1000, s16, s21, $0x38;
	[tilespmem:$0x19080] =	vst v63  }
0x152: {  	s9 =	sld [smem:$0x76E]  }
0x153: {  	p1 =	sne.s32 s13, s1  }
0x154: {  	s15 =	sshrl.u32 @p1 s5, $0x3  }
0x155: {  	[hbm4b:s9+s21] =	stream.strided.scatter @!p0 [tilespmem:s21], [sflag:$0x7], $0x1000, s16, s21, $0x38;
	[tilespmem:$0x19080] =	vst v63  }
0x156: {  	s17 =	simm.s32 @p1 $0x10;
	s18 =	simm.s32 @p1 $0x20;
	s9 =	sshll.u32 @p1 s0, $0x6  }
0x157: {  	s19 =	rddreg [dreg:$0x6];
	s16 =	simm.s32 @p1 $0x1;
	s14 =	sor.u32 @p1 $0x1C01, s9  }
0x158: {  	[spmem:s15@s17], [sflag:s14] =	dma.strided @p1 [hbm:s19@s18], $0x1000, s16, $0x10   }
0x159: {  	s14 =	simm.s32 @p1 $0x3  }
0x15a: {  	_ =	swait.ge @p1 [sflag:s14], $0x1000  }
0x15b: {  	s19 =	sshrl.u32 @p1 s7, $0x3;
	[sflag:s14] =	ssyncset.done @p1 $0x0  }
0x15c: {  	s21 =	rddreg [dreg:$0x7];
	[sflag:s14] =	ssyncadd.s32 @p1 $0xFFFFF000;
	s14 =	sor.u32 @p1 $0x1C06, s9  }
0x15d: {  	[hbm:s21@s18], [sflag:s14] =	dma.strided @p1 [spmem:s19@s17], $0x1000, s16, $0x10   }
0x15e: {  	s21 =	sld [smem:$0x76F];
	_ =	sdelay $0x1  }
0x15f: {  	s14 =	simm.s32 @!p1 $0x100;
	s19 =	simm.s32 @!p1 $0x80  }
0x160: {  	[hbm4b:s21+s19] =	stream.strided.scatter @!p1 [tilespmem:s19], [sflag:$0x7], $0x1000, s14, s19, $0x38;
	[tilespmem:$0x19080] =	vst v63  }
0x161: {  	s21 =	sld [smem:$0x770];
	_ =	sdelay $0x2  }
0x162: {  	[hbm4b:s21+s19] =	stream.strided.scatter @!p1 [tilespmem:s19], [sflag:$0x7], $0x1000, s14, s19, $0x38;
	[tilespmem:$0x19080] =	vst v63  }
0x163: {  	s21 =	sld [smem:$0x771];
	_ =	sdelay $0x2  }
0x164: {  	[hbm4b:s21+s19] =	stream.strided.scatter @!p1 [tilespmem:s19], [sflag:$0x7], $0x1000, s14, s19, $0x38;
	[tilespmem:$0x19080] =	vst v63  }
0x165: {  	s21 =	sld [smem:$0x772];
	_ =	sdelay $0x2  }
0x166: {  	[hbm4b:s21+s19] =	stream.strided.scatter @!p1 [tilespmem:s19], [sflag:$0x7], $0x1000, s14, s19, $0x38;
	[tilespmem:$0x19080] =	vst v63  }
0x167: {  	s21 =	sld [smem:$0x773];
	_ =	sdelay $0x2  }
0x168: {  	[hbm4b:s21+s19] =	stream.strided.scatter @!p1 [tilespmem:s19], [sflag:$0x7], $0x1000, s14, s19, $0x38;
	[tilespmem:$0x19080] =	vst v63  }
0x169: {  	s21 =	sld [smem:$0x774];
	_ =	sdelay $0x2  }
0x16a: {  	[hbm4b:s21+s19] =	stream.strided.scatter @!p1 [tilespmem:s19], [sflag:$0x7], $0x1000, s14, s19, $0x38;
	[tilespmem:$0x19080] =	vst v63  }
0x16b: {  	s21 =	sld [smem:$0x775];
	_ =	sdelay $0x2  }
0x16c: {  	[hbm4b:s21+s19] =	stream.strided.scatter @!p1 [tilespmem:s19], [sflag:$0x7], $0x1000, s14, s19, $0x38;
	[tilespmem:$0x19080] =	vst v63  }
0x16d: {  	s21 =	sld [smem:$0x776];
	_ =	sdelay $0x1  }
0x16e: {  	p2 =	seq.s32 s13, s2  }
0x16f: {  	[hbm4b:s21+s19] =	stream.strided.scatter @!p1 [tilespmem:s19], [sflag:$0x7], $0x1000, s14, s19, $0x38;
	[tilespmem:$0x19080] =	vst v63  }
0x170: {  	s22 =	sshll.u32 @!p2 s0, $0x6;
	s21 =	simm.s32 @!p3 $0x5  }
0x171: {  	s23 =	simm.s32 @!p2 $0x1;
	s24 =	simm.s32 @!p2 $0x10;
	_ =	swait.ge @!p3 [sflag:s21], $0x1000  }
0x172: {  	s26 =	simm.s32 @!p2 $0x20;
	[sflag:s21] =	ssyncset.done @!p3 $0x0;
	s28 =	rddreg [dreg:$0x9]  }
0x173: {  	[sflag:s21] =	ssyncadd.s32 @!p3 $0xFFFFF000;
	s21 =	sor.u32 @!p2 $0x1C02, s22;
	s22 =	sshrl.u32 @!p2 s6, $0x3  }
0x174: {  	[spmem:s22@s24], [sflag:s21] =	dma.strided @!p2 [hbm:s28@s26], $0x1000, s23, $0x10   }
0x175: {  	_ =	swait.ge @p1 [sflag:s16], $0x1000  }
0x176: {  	[sflag:s16] =	ssyncset.done @p1 $0x0  }
0x177: {  	s9 =	sor.u32 @p1 $0x1C04, s9;
	s21 =	rddreg [dreg:$0x8];
	[sflag:s16] =	ssyncadd.s32 @p1 $0xFFFFF000  }
0x178: {  	[hbm:s21@s18], [sflag:s9] =	dma.strided @p1 [spmem:s15@s17], $0x1000, s16, $0x10   }
0x179: {  	s9 =	simm.s32 @p1 $0x6  }
0x17a: {  	_ =	swait.ge @p1 [sflag:s9], $0x1000  }
0x17b: {  	[sflag:s9] =	ssyncset.done @p1 $0x0  }
0x17c: {  	[sflag:s9] =	ssyncadd.s32 @p1 $0xFFFFF000;
	s9 =	sld [smem:$0x777];
	_ =	sdelay $0x2  }
0x17d: {  	[hbm4b:s9+s19] =	stream.strided.scatter @!p1 [tilespmem:s19], [sflag:$0x7], $0x1000, s14, s19, $0x38;
	[tilespmem:$0x19080] =	vst v63  }
0x17e: {  	s9 =	sld [smem:$0x778];
	_ =	sdelay $0x2  }
0x17f: {  	[hbm4b:s9+s19] =	stream.strided.scatter @!p1 [tilespmem:s19], [sflag:$0x7], $0x1000, s14, s19, $0x38;
	[tilespmem:$0x19080] =	vst v63  }
0x180: {  	s9 =	sld [smem:$0x779];
	_ =	sdelay $0x2  }
0x181: {  	[hbm4b:s9+s19] =	stream.strided.scatter @!p1 [tilespmem:s19], [sflag:$0x7], $0x1000, s14, s19, $0x38;
	[tilespmem:$0x19080] =	vst v63  }
0x182: {  	s9 =	sld [smem:$0x77A];
	_ =	sdelay $0x2  }
0x183: {  	[hbm4b:s9+s19] =	stream.strided.scatter @!p1 [tilespmem:s19], [sflag:$0x7], $0x1000, s14, s19, $0x38;
	[tilespmem:$0x19080] =	vst v63  }
0x184: {  	s9 =	sld [smem:$0x77B];
	_ =	sdelay $0x2  }
0x185: {  	[hbm4b:s9+s19] =	stream.strided.scatter @!p1 [tilespmem:s19], [sflag:$0x7], $0x1000, s14, s19, $0x38;
	[tilespmem:$0x19080] =	vst v63  }
0x186: {  	s9 =	sld [smem:$0x77C];
	_ =	sdelay $0x2  }
0x187: {  	[hbm4b:s9+s19] =	stream.strided.scatter @!p1 [tilespmem:s19], [sflag:$0x7], $0x1000, s14, s19, $0x38;
	[tilespmem:$0x19080] =	vst v63  }
0x188: {  	s9 =	sld [smem:$0x77D];
	_ =	sdelay $0x2  }
0x189: {  	[hbm4b:s9+s19] =	stream.strided.scatter @!p1 [tilespmem:s19], [sflag:$0x7], $0x1000, s14, s19, $0x38;
	[tilespmem:$0x19080] =	vst v63  }
0x18a: {  	s9 =	sld [smem:$0x77E]  }
0x18b: {  	p4 =	sne.s32 s13, s2  }
0x18c: {  	s23 =	sshrl.u32 @p4 s7, $0x3;
	s16 =	simm.s32 @p4 $0x1  }
0x18d: {  	[hbm4b:s9+s19] =	stream.strided.scatter @!p1 [tilespmem:s19], [sflag:$0x7], $0x1000, s14, s19, $0x38;
	[tilespmem:$0x19080] =	vst v63  }
0x18e: {  	s17 =	simm.s32 @p4 $0x10;
	s18 =	rddreg [dreg:$0xa];
	s9 =	sshll.u32 @p4 s0, $0x6  }
0x18f: {  	s14 =	simm.s32 @p4 $0x20;
	s19 =	simm.s32 @p4 $0x2;
	s15 =	sor.u32 @p4 $0x1C03, s9  }
0x190: {  	[spmem:s23@s17], [sflag:s15] =	dma.strided @p4 [hbm:s18@s14], $0x1000, s16, $0x10   }
0x191: {  	_ =	swait.ge @p4 [sflag:s19], $0x1000  }
0x192: {  	s22 =	sshrl.u32 @p4 s6, $0x3;
	[sflag:s19] =	ssyncset.done @p4 $0x0  }
0x193: {  	s21 =	sor.u32 @p4 $0x1C05, s9;
	s15 =	rddreg [dreg:$0xb];
	[sflag:s19] =	ssyncadd.s32 @p4 $0xFFFFF000  }
0x194: {  	[hbm:s15@s14], [sflag:s21] =	dma.strided @p4 [spmem:s22@s17], $0x1000, s16, $0x10   }
0x195: {  	s24 =	sld [smem:$0x77F];
	_ =	sdelay $0x1  }
0x196: {  	s18 =	simm.s32 @!p4 $0x80;
	s15 =	simm.s32 @!p4 $0x100  }
0x197: {  	[hbm4b:s24+s18] =	stream.strided.scatter @!p4 [tilespmem:s18], [sflag:$0x7], $0x1000, s15, s18, $0x38;
	[tilespmem:$0x19080] =	vst v63  }
0x198: {  	s24 =	sld [smem:$0x780];
	_ =	sdelay $0x2  }
0x199: {  	[hbm4b:s24+s18] =	stream.strided.scatter @!p4 [tilespmem:s18], [sflag:$0x7], $0x1000, s15, s18, $0x38;
	[tilespmem:$0x19080] =	vst v63  }
0x19a: {  	s24 =	sld [smem:$0x781];
	_ =	sdelay $0x2  }
0x19b: {  	[hbm4b:s24+s18] =	stream.strided.scatter @!p4 [tilespmem:s18], [sflag:$0x7], $0x1000, s15, s18, $0x38;
	[tilespmem:$0x19080] =	vst v63  }
0x19c: {  	s24 =	sld [smem:$0x782];
	_ =	sdelay $0x2  }
0x19d: {  	[hbm4b:s24+s18] =	stream.strided.scatter @!p4 [tilespmem:s18], [sflag:$0x7], $0x1000, s15, s18, $0x38;
	[tilespmem:$0x19080] =	vst v63  }
0x19e: {  	s24 =	sld [smem:$0x783];
	_ =	sdelay $0x2  }
0x19f: {  	[hbm4b:s24+s18] =	stream.strided.scatter @!p4 [tilespmem:s18], [sflag:$0x7], $0x1000, s15, s18, $0x38;
	[tilespmem:$0x19080] =	vst v63  }
0x1a0: {  	s24 =	sld [smem:$0x784];
	_ =	sdelay $0x2  }
0x1a1: {  	[hbm4b:s24+s18] =	stream.strided.scatter @!p4 [tilespmem:s18], [sflag:$0x7], $0x1000, s15, s18, $0x38;
	[tilespmem:$0x19080] =	vst v63  }
0x1a2: {  	s24 =	sld [smem:$0x785];
	_ =	sdelay $0x2  }
0x1a3: {  	[hbm4b:s24+s18] =	stream.strided.scatter @!p4 [tilespmem:s18], [sflag:$0x7], $0x1000, s15, s18, $0x38;
	[tilespmem:$0x19080] =	vst v63  }
0x1a4: {  	s24 =	sld [smem:$0x786];
	_ =	sdelay $0x2  }
0x1a5: {  	[hbm4b:s24+s18] =	stream.strided.scatter @!p4 [tilespmem:s18], [sflag:$0x7], $0x1000, s15, s18, $0x38;
	[tilespmem:$0x19080] =	vst v63  }
0x1a6: {  	s24 =	simm.s32 @!p5 $0x4  }
0x1a7: {  	_ =	swait.ge @!p5 [sflag:s24], $0x1000  }
0x1a8: {  	s26 =	sshrl.u32 @p4 s5, $0x3;
	[sflag:s24] =	ssyncset.done @!p5 $0x0  }
0x1a9: {  	s28 =	rddreg [dreg:$0xc];
	[sflag:s24] =	ssyncadd.s32 @!p5 $0xFFFFF000;
	s24 =	sor.u32 @p4 $0x1C01, s9  }
0x1aa: {  	[spmem:s26@s17], [sflag:s24] =	dma.strided @p4 [hbm:s28@s14], $0x1000, s16, $0x10   }
0x1ab: {  	s24 =	simm.s32 @p4 $0x3  }
0x1ac: {  	_ =	swait.ge @p4 [sflag:s24], $0x1000  }
0x1ad: {  	[sflag:s24] =	ssyncset.done @p4 $0x0  }
0x1ae: {  	s28 =	rddreg [dreg:$0xd];
	[sflag:s24] =	ssyncadd.s32 @p4 $0xFFFFF000;
	s24 =	sor.u32 @p4 $0x1C06, s9  }
0x1af: {  	[hbm:s28@s14], [sflag:s24] =	dma.strided @p4 [spmem:s23@s17], $0x1000, s16, $0x10   }
0x1b0: {  	s23 =	simm.s32 @p4 $0x5  }
0x1b1: {  	_ =	swait.ge @p4 [sflag:s23], $0x1000  }
0x1b2: {  	[sflag:s23] =	ssyncset.done @p4 $0x0  }
0x1b3: {  	s24 =	rddreg [dreg:$0xe];
	[sflag:s23] =	ssyncadd.s32 @p4 $0xFFFFF000;
	s23 =	sor.u32 @p4 $0x1C02, s9  }
0x1b4: {  	[spmem:s22@s17], [sflag:s23] =	dma.strided @p4 [hbm:s24@s14], $0x1000, s16, $0x10   }
0x1b5: {  	_ =	swait.ge @p4 [sflag:s16], $0x1000  }
0x1b6: {  	[sflag:s16] =	ssyncset.done @p4 $0x0  }
0x1b7: {  	s9 =	sor.u32 @p4 $0x1C04, s9;
	s23 =	rddreg [dreg:$0xf];
	[sflag:s16] =	ssyncadd.s32 @p4 $0xFFFFF000  }
0x1b8: {  	[hbm:s23@s14], [sflag:s9] =	dma.strided @p4 [spmem:s26@s17], $0x1000, s16, $0x10   }
0x1b9: {  	s9 =	simm.s32 @p4 $0x6  }
0x1ba: {  	_ =	swait.ge @p4 [sflag:s9], $0x1000  }
0x1bb: {  	[sflag:s9] =	ssyncset.done @p4 $0x0  }
0x1bc: {  	[sflag:s9] =	ssyncadd.s32 @p4 $0xFFFFF000;
	s9 =	sld [smem:$0x787];
	_ =	sdelay $0x2  }
0x1bd: {  	[hbm4b:s9+s18] =	stream.strided.scatter @!p4 [tilespmem:s18], [sflag:$0x7], $0x1000, s15, s18, $0x38;
	[tilespmem:$0x19080] =	vst v63  }
0x1be: {  	s9 =	sld [smem:$0x788];
	_ =	sdelay $0x2  }
0x1bf: {  	[hbm4b:s9+s18] =	stream.strided.scatter @!p4 [tilespmem:s18], [sflag:$0x7], $0x1000, s15, s18, $0x38;
	[tilespmem:$0x19080] =	vst v63  }
0x1c0: {  	s9 =	sld [smem:$0x789];
	_ =	sdelay $0x2  }
0x1c1: {  	[hbm4b:s9+s18] =	stream.strided.scatter @!p4 [tilespmem:s18], [sflag:$0x7], $0x1000, s15, s18, $0x38;
	[tilespmem:$0x19080] =	vst v63  }
0x1c2: {  	s9 =	sld [smem:$0x78A];
	_ =	sdelay $0x2  }
0x1c3: {  	[hbm4b:s9+s18] =	stream.strided.scatter @!p4 [tilespmem:s18], [sflag:$0x7], $0x1000, s15, s18, $0x38;
	[tilespmem:$0x19080] =	vst v63  }
0x1c4: {  	s9 =	sld [smem:$0x78B];
	_ =	sdelay $0x2  }
0x1c5: {  	[hbm4b:s9+s18] =	stream.strided.scatter @!p4 [tilespmem:s18], [sflag:$0x7], $0x1000, s15, s18, $0x38;
	[tilespmem:$0x19080] =	vst v63  }
0x1c6: {  	s9 =	sld [smem:$0x78C];
	_ =	sdelay $0x2  }
0x1c7: {  	[hbm4b:s9+s18] =	stream.strided.scatter @!p4 [tilespmem:s18], [sflag:$0x7], $0x1000, s15, s18, $0x38;
	[tilespmem:$0x19080] =	vst v63  }
0x1c8: {  	s9 =	sld [smem:$0x78D];
	_ =	sdelay $0x2  }
0x1c9: {  	[hbm4b:s9+s18] =	stream.strided.scatter @!p4 [tilespmem:s18], [sflag:$0x7], $0x1000, s15, s18, $0x38;
	[tilespmem:$0x19080] =	vst v63  }
0x1ca: {  	s9 =	sld [smem:$0x78F];
	_ =	sdelay $0x2  }
0x1cb: {  	[hbm4b:s9+s18] =	stream.strided.scatter @!p4 [tilespmem:s18], [sflag:$0x7], $0x1000, s15, s18, $0x38;
	[tilespmem:$0x19080] =	vst v63  }
0x1cc: {  	s9 =	sld [smem:$0x790];
	_ =	sdelay $0x2  }
0x1cd: {  	[hbm4b:s9+s18] =	stream.strided.scatter @!p4 [tilespmem:s18], [sflag:$0x7], $0x1000, s15, s18, $0x38;
	[tilespmem:$0x19080] =	vst v63  }
0x1ce: {  	s9 =	sld [smem:$0x792];
	_ =	sdelay $0x2  }
0x1cf: {  	[hbm4b:s9+s18] =	stream.strided.scatter @!p4 [tilespmem:s18], [sflag:$0x7], $0x1000, s15, s18, $0x38;
	[tilespmem:$0x19080] =	vst v63  }
0x1d0: {  	s9 =	sld [smem:$0x794];
	_ =	sdelay $0x2  }
0x1d1: {  	[hbm4b:s9+s18] =	stream.strided.scatter @!p4 [tilespmem:s18], [sflag:$0x7], $0x1000, s15, s18, $0x38;
	[tilespmem:$0x19080] =	vst v63  }
0x1d2: {  	s9 =	sld [smem:$0x796];
	_ =	sdelay $0x2  }
0x1d3: {  	[hbm4b:s9+s18] =	stream.strided.scatter @!p4 [tilespmem:s18], [sflag:$0x7], $0x1000, s15, s18, $0x38;
	[tilespmem:$0x19080] =	vst v63  }
0x1d4: {  	s9 =	sld [smem:$0x798];
	_ =	sdelay $0x2  }
0x1d5: {  	[hbm4b:s9+s18] =	stream.strided.scatter @!p4 [tilespmem:s18], [sflag:$0x7], $0x1000, s15, s18, $0x38;
	[tilespmem:$0x19080] =	vst v63  }
0x1d6: {  	s9 =	sld [smem:$0x79A];
	_ =	sdelay $0x2  }
0x1d7: {  	[hbm4b:s9+s18] =	stream.strided.scatter @!p4 [tilespmem:s18], [sflag:$0x7], $0x1000, s15, s18, $0x38;
	[tilespmem:$0x19080] =	vst v63  }
0x1d8: {  	s9 =	sld [smem:$0x79B];
	_ =	sdelay $0x2  }
0x1d9: {  	[hbm4b:s9+s18] =	stream.strided.scatter @!p4 [tilespmem:s18], [sflag:$0x7], $0x1000, s15, s18, $0x38;
	[tilespmem:$0x19080] =	vst v63  }
0x1da: {  	s9 =	sld [smem:$0x79C]  }
0x1db: {  	p5 =	seq.s32 s13, s3  }
0x1dc: {  	s28 =	simm.s32 @!p5 $0x20  }
0x1dd: {  	[hbm4b:s9+s18] =	stream.strided.scatter @!p4 [tilespmem:s18], [sflag:$0x7], $0x1000, s15, s18, $0x38;
	[tilespmem:$0x19080] =	vst v63  }
0x1de: {  	s24 =	simm.s32 @!p5 $0x1;
	s23 =	sshrl.u32 @!p5 s7, $0x3;
	s9 =	sshll.u32 @!p5 s0, $0x6  }
0x1df: {  	s26 =	simm.s32 @!p5 $0x10;
	s29 =	rddreg [dreg:$0x11];
	s9 =	sor.u32 @!p5 $0x1C03, s9  }
0x1e0: {  	[spmem:s23@s26], [sflag:s9] =	dma.strided @!p5 [hbm:s29@s28], $0x1000, s24, $0x10   }
0x1e1: {  	_ =	swait.ge @p4 [sflag:s19], $0x1000  }
0x1e2: {  	[sflag:s19] =	ssyncset.done @p4 $0x0  }
0x1e3: {  	s9 =	rddreg [dreg:$0x10];
	[sflag:s19] =	ssyncadd.s32 @p4 $0xFFFFF000  }
0x1e4: {  	[hbm:s9@s14], [sflag:s21] =	dma.strided @p4 [spmem:s22@s17], $0x1000, s16, $0x10   }
0x1e5: {  	s9 =	simm.s32 @p4 $0x4  }
0x1e6: {  	_ =	swait.ge @p4 [sflag:s9], $0x1000  }
0x1e7: {  	[sflag:s9] =	ssyncset.done @p4 $0x0  }
0x1e8: {  	[sflag:s9] =	ssyncadd.s32 @p4 $0xFFFFF000;
	s9 =	sld [smem:$0x79E];
	_ =	sdelay $0x2  }
0x1e9: {  	[hbm4b:s9+s18] =	stream.strided.scatter @!p4 [tilespmem:s18], [sflag:$0x7], $0x1000, s15, s18, $0x38;
	[tilespmem:$0x19080] =	vst v63  }
0x1ea: {  	s9 =	sld [smem:$0x79F];
	_ =	sdelay $0x2  }
0x1eb: {  	[hbm4b:s9+s18] =	stream.strided.scatter @!p4 [tilespmem:s18], [sflag:$0x7], $0x1000, s15, s18, $0x38;
	[tilespmem:$0x19080] =	vst v63  }
0x1ec: {  	s9 =	sld [smem:$0x7A0];
	_ =	sdelay $0x2  }
0x1ed: {  	[hbm4b:s9+s18] =	stream.strided.scatter @!p4 [tilespmem:s18], [sflag:$0x7], $0x1000, s15, s18, $0x38;
	[tilespmem:$0x19080] =	vst v63  }
0x1ee: {  	s9 =	sld [smem:$0x7A1];
	_ =	sdelay $0x2  }
0x1ef: {  	[hbm4b:s9+s18] =	stream.strided.scatter @!p4 [tilespmem:s18], [sflag:$0x7], $0x1000, s15, s18, $0x38;
	[tilespmem:$0x19080] =	vst v63  }
0x1f0: {  	s9 =	sld [smem:$0x7A2];
	_ =	sdelay $0x2  }
0x1f1: {  	[hbm4b:s9+s18] =	stream.strided.scatter @!p4 [tilespmem:s18], [sflag:$0x7], $0x1000, s15, s18, $0x38;
	[tilespmem:$0x19080] =	vst v63  }
0x1f2: {  	s9 =	sld [smem:$0x7A4];
	_ =	sdelay $0x2  }
0x1f3: {  	[hbm4b:s9+s18] =	stream.strided.scatter @!p4 [tilespmem:s18], [sflag:$0x7], $0x1000, s15, s18, $0x38;
	[tilespmem:$0x19080] =	vst v63  }
0x1f4: {  	s9 =	sld [smem:$0x7A5];
	_ =	sdelay $0x2  }
0x1f5: {  	[hbm4b:s9+s18] =	stream.strided.scatter @!p4 [tilespmem:s18], [sflag:$0x7], $0x1000, s15, s18, $0x38;
	[tilespmem:$0x19080] =	vst v63  }
0x1f6: {  	s9 =	sld [smem:$0x7A7]  }
0x1f7: {  	p3 =	sne.s32 s13, s3  }
0x1f8: {  	s23 =	sshrl.u32 @p3 s5, $0x3;
	s19 =	simm.s32 @p3 $0x3  }
0x1f9: {  	[hbm4b:s9+s18] =	stream.strided.scatter @!p4 [tilespmem:s18], [sflag:$0x7], $0x1000, s15, s18, $0x38;
	[tilespmem:$0x19080] =	vst v63  }
0x1fa: {  	s16 =	simm.s32 @p3 $0x1;
	s17 =	simm.s32 @p3 $0x10;
	s9 =	sshll.u32 @p3 s0, $0x6  }
0x1fb: {  	s14 =	simm.s32 @p3 $0x20;
	s18 =	rddreg [dreg:$0x13];
	s15 =	sor.u32 @p3 $0x1C01, s9  }
0x1fc: {  	[spmem:s23@s17], [sflag:s15] =	dma.strided @p3 [hbm:s18@s14], $0x1000, s16, $0x10   }
0x1fd: {  	_ =	swait.ge @p3 [sflag:s19], $0x1000  }
0x1fe: {  	s22 =	sshrl.u32 @p3 s7, $0x3;
	[sflag:s19] =	ssyncset.done @p3 $0x0  }
0x1ff: {  	s21 =	sor.u32 @p3 $0x1C06, s9;
	s15 =	rddreg [dreg:$0x14];
	[sflag:s19] =	ssyncadd.s32 @p3 $0xFFFFF000  }
0x200: {  	[hbm:s15@s14], [sflag:s21] =	dma.strided @p3 [spmem:s22@s17], $0x1000, s16, $0x10   }
0x201: {  	s24 =	sld [smem:$0x7A8];
	_ =	sdelay $0x1  }
0x202: {  	s18 =	simm.s32 @!p3 $0x80;
	s15 =	simm.s32 @!p3 $0x100  }
0x203: {  	[hbm4b:s24+s18] =	stream.strided.scatter @!p3 [tilespmem:s18], [sflag:$0x7], $0x1000, s15, s18, $0x38;
	[tilespmem:$0x19080] =	vst v63  }
0x204: {  	s24 =	sld [smem:$0x7AA];
	_ =	sdelay $0x2  }
0x205: {  	[hbm4b:s24+s18] =	stream.strided.scatter @!p3 [tilespmem:s18], [sflag:$0x7], $0x1000, s15, s18, $0x38;
	[tilespmem:$0x19080] =	vst v63  }
0x206: {  	s24 =	sld [smem:$0x7AB];
	_ =	sdelay $0x2  }
0x207: {  	[hbm4b:s24+s18] =	stream.strided.scatter @!p3 [tilespmem:s18], [sflag:$0x7], $0x1000, s15, s18, $0x38;
	[tilespmem:$0x19080] =	vst v63  }
0x208: {  	s24 =	sld [smem:$0x7AC];
	_ =	sdelay $0x2  }
0x209: {  	[hbm4b:s24+s18] =	stream.strided.scatter @!p3 [tilespmem:s18], [sflag:$0x7], $0x1000, s15, s18, $0x38;
	[tilespmem:$0x19080] =	vst v63  }
0x20a: {  	s24 =	sld [smem:$0x7AD];
	_ =	sdelay $0x2  }
0x20b: {  	[hbm4b:s24+s18] =	stream.strided.scatter @!p3 [tilespmem:s18], [sflag:$0x7], $0x1000, s15, s18, $0x38;
	[tilespmem:$0x19080] =	vst v63  }
0x20c: {  	s24 =	sld [smem:$0x7AE];
	_ =	sdelay $0x2  }
0x20d: {  	[hbm4b:s24+s18] =	stream.strided.scatter @!p3 [tilespmem:s18], [sflag:$0x7], $0x1000, s15, s18, $0x38;
	[tilespmem:$0x19080] =	vst v63  }
0x20e: {  	s24 =	sld [smem:$0x7AF];
	_ =	sdelay $0x2  }
0x20f: {  	[hbm4b:s24+s18] =	stream.strided.scatter @!p3 [tilespmem:s18], [sflag:$0x7], $0x1000, s15, s18, $0x38;
	[tilespmem:$0x19080] =	vst v63  }
0x210: {  	s24 =	sld [smem:$0x7B0];
	_ =	sdelay $0x2  }
0x211: {  	[hbm4b:s24+s18] =	stream.strided.scatter @!p3 [tilespmem:s18], [sflag:$0x7], $0x1000, s15, s18, $0x38;
	[tilespmem:$0x19080] =	vst v63  }
0x212: {  	s24 =	simm.s32 @!p2 $0x5  }
0x213: {  	_ =	swait.ge @!p2 [sflag:s24], $0x1000  }
0x214: {  	s26 =	sshrl.u32 @p3 s6, $0x3;
	[sflag:s24] =	ssyncset.done @!p2 $0x0  }
0x215: {  	s28 =	rddreg [dreg:$0x15];
	[sflag:s24] =	ssyncadd.s32 @!p2 $0xFFFFF000;
	s24 =	sor.u32 @p3 $0x1C02, s9  }
0x216: {  	[spmem:s26@s17], [sflag:s24] =	dma.strided @p3 [hbm:s28@s14], $0x1000, s16, $0x10   }
0x217: {  	_ =	swait.ge @p3 [sflag:s16], $0x1000  }
0x218: {  	[sflag:s16] =	ssyncset.done @p3 $0x0  }
0x219: {  	s24 =	sor.u32 @p3 $0x1C04, s9;
	s28 =	rddreg [dreg:$0x16];
	[sflag:s16] =	ssyncadd.s32 @p3 $0xFFFFF000  }
0x21a: {  	[hbm:s28@s14], [sflag:s24] =	dma.strided @p3 [spmem:s23@s17], $0x1000, s16, $0x10   }
0x21b: {  	s23 =	simm.s32 @p3 $0x6  }
0x21c: {  	_ =	swait.ge @p3 [sflag:s23], $0x1000  }
0x21d: {  	[sflag:s23] =	ssyncset.done @p3 $0x0  }
0x21e: {  	s24 =	rddreg [dreg:$0x17];
	[sflag:s23] =	ssyncadd.s32 @p3 $0xFFFFF000;
	s23 =	sor.u32 @p3 $0x1C03, s9  }
0x21f: {  	[spmem:s22@s17], [sflag:s23] =	dma.strided @p3 [hbm:s24@s14], $0x1000, s16, $0x10   }
0x220: {  	s23 =	simm.s32 @p3 $0x2  }
0x221: {  	_ =	swait.ge @p3 [sflag:s23], $0x1000  }
0x222: {  	[sflag:s23] =	ssyncset.done @p3 $0x0  }
0x223: {  	s9 =	sor.u32 @p3 $0x1C05, s9;
	[sflag:s23] =	ssyncadd.s32 @p3 $0xFFFFF000;
	s23 =	rddreg [dreg:$0x18]  }
0x224: {  	[hbm:s23@s14], [sflag:s9] =	dma.strided @p3 [spmem:s26@s17], $0x1000, s16, $0x10   }
0x225: {  	s9 =	simm.s32 @p3 $0x4  }
0x226: {  	_ =	swait.ge @p3 [sflag:s9], $0x1000  }
0x227: {  	[sflag:s9] =	ssyncset.done @p3 $0x0  }
0x228: {  	[sflag:s9] =	ssyncadd.s32 @p3 $0xFFFFF000;
	s9 =	sld [smem:$0x7B1];
	_ =	sdelay $0x2  }
0x229: {  	[hbm4b:s9+s18] =	stream.strided.scatter @!p3 [tilespmem:s18], [sflag:$0x7], $0x1000, s15, s18, $0x38;
	[tilespmem:$0x19080] =	vst v63  }
0x22a: {  	s9 =	sld [smem:$0x7B2];
	_ =	sdelay $0x2  }
0x22b: {  	[hbm4b:s9+s18] =	stream.strided.scatter @!p3 [tilespmem:s18], [sflag:$0x7], $0x1000, s15, s18, $0x38;
	[tilespmem:$0x19080] =	vst v63  }
0x22c: {  	s9 =	sld [smem:$0x7B3];
	_ =	sdelay $0x2  }
0x22d: {  	[hbm4b:s9+s18] =	stream.strided.scatter @!p3 [tilespmem:s18], [sflag:$0x7], $0x1000, s15, s18, $0x38;
	[tilespmem:$0x19080] =	vst v63  }
0x22e: {  	s9 =	sld [smem:$0x7B4];
	_ =	sdelay $0x2  }
0x22f: {  	[hbm4b:s9+s18] =	stream.strided.scatter @!p3 [tilespmem:s18], [sflag:$0x7], $0x1000, s15, s18, $0x38;
	[tilespmem:$0x19080] =	vst v63  }
0x230: {  	s9 =	sld [smem:$0x7B5];
	_ =	sdelay $0x2  }
0x231: {  	[hbm4b:s9+s18] =	stream.strided.scatter @!p3 [tilespmem:s18], [sflag:$0x7], $0x1000, s15, s18, $0x38;
	[tilespmem:$0x19080] =	vst v63  }
0x232: {  	s9 =	sld [smem:$0x7B6];
	_ =	sdelay $0x2  }
0x233: {  	[hbm4b:s9+s18] =	stream.strided.scatter @!p3 [tilespmem:s18], [sflag:$0x7], $0x1000, s15, s18, $0x38;
	[tilespmem:$0x19080] =	vst v63  }
0x234: {  	s9 =	sld [smem:$0x7B7];
	_ =	sdelay $0x2  }
0x235: {  	[hbm4b:s9+s18] =	stream.strided.scatter @!p3 [tilespmem:s18], [sflag:$0x7], $0x1000, s15, s18, $0x38;
	[tilespmem:$0x19080] =	vst v63  }
0x236: {  	s9 =	sld [smem:$0x7B8];
	_ =	sdelay $0x2  }
0x237: {  	[hbm4b:s9+s18] =	stream.strided.scatter @!p3 [tilespmem:s18], [sflag:$0x7], $0x1000, s15, s18, $0x38;
	[tilespmem:$0x19080] =	vst v63  }
0x238: {  	s9 =	sld [smem:$0x7BA];
	_ =	sdelay $0x2  }
0x239: {  	[hbm4b:s9+s18] =	stream.strided.scatter @!p3 [tilespmem:s18], [sflag:$0x7], $0x1000, s15, s18, $0x38;
	[tilespmem:$0x19080] =	vst v63  }
0x23a: {  	s9 =	sld [smem:$0x7BB];
	_ =	sdelay $0x2  }
0x23b: {  	[hbm4b:s9+s18] =	stream.strided.scatter @!p3 [tilespmem:s18], [sflag:$0x7], $0x1000, s15, s18, $0x38;
	[tilespmem:$0x19080] =	vst v63  }
0x23c: {  	s9 =	sld [smem:$0x7BC];
	_ =	sdelay $0x2  }
0x23d: {  	[hbm4b:s9+s18] =	stream.strided.scatter @!p3 [tilespmem:s18], [sflag:$0x7], $0x1000, s15, s18, $0x38;
	[tilespmem:$0x19080] =	vst v63  }
0x23e: {  	s9 =	sld [smem:$0x7BD];
	_ =	sdelay $0x2  }
0x23f: {  	[hbm4b:s9+s18] =	stream.strided.scatter @!p3 [tilespmem:s18], [sflag:$0x7], $0x1000, s15, s18, $0x38;
	[tilespmem:$0x19080] =	vst v63  }
0x240: {  	s9 =	sld [smem:$0x7BE];
	_ =	sdelay $0x2  }
0x241: {  	[hbm4b:s9+s18] =	stream.strided.scatter @!p3 [tilespmem:s18], [sflag:$0x7], $0x1000, s15, s18, $0x38;
	[tilespmem:$0x19080] =	vst v63  }
0x242: {  	s9 =	sld [smem:$0x7BF];
	_ =	sdelay $0x2  }
0x243: {  	[hbm4b:s9+s18] =	stream.strided.scatter @!p3 [tilespmem:s18], [sflag:$0x7], $0x1000, s15, s18, $0x38;
	[tilespmem:$0x19080] =	vst v63  }
0x244: {  	s9 =	sld [smem:$0x7C1];
	_ =	sdelay $0x2  }
0x245: {  	[hbm4b:s9+s18] =	stream.strided.scatter @!p3 [tilespmem:s18], [sflag:$0x7], $0x1000, s15, s18, $0x38;
	[tilespmem:$0x19080] =	vst v63  }
0x246: {  	s9 =	sld [smem:$0x7C3]  }
0x247: {  	p2 =	seq.s32 s13, s4  }
0x248: {  	s28 =	simm.s32 @!p2 $0x20  }
0x249: {  	[hbm4b:s9+s18] =	stream.strided.scatter @!p3 [tilespmem:s18], [sflag:$0x7], $0x1000, s15, s18, $0x38;
	[tilespmem:$0x19080] =	vst v63  }
0x24a: {  	s24 =	simm.s32 @!p2 $0x1;
	s23 =	sshrl.u32 @!p2 s5, $0x3;
	s9 =	sshll.u32 @!p2 s0, $0x6  }
0x24b: {  	s26 =	simm.s32 @!p2 $0x10;
	s29 =	rddreg [dreg:$0x12];
	s9 =	sor.u32 @!p2 $0x1C01, s9  }
0x24c: {  	[spmem:s23@s26], [sflag:s9] =	dma.strided @!p2 [hbm:s29@s28], $0x1000, s24, $0x10   }
0x24d: {  	_ =	swait.ge @p3 [sflag:s19], $0x1000  }
0x24e: {  	[sflag:s19] =	ssyncset.done @p3 $0x0  }
0x24f: {  	s9 =	rddreg [dreg:$0x19];
	[sflag:s19] =	ssyncadd.s32 @p3 $0xFFFFF000  }
0x250: {  	[hbm:s9@s14], [sflag:s21] =	dma.strided @p3 [spmem:s22@s17], $0x1000, s16, $0x10   }
0x251: {  	s9 =	simm.s32 @p3 $0x5  }
0x252: {  	_ =	swait.ge @p3 [sflag:s9], $0x1000  }
0x253: {  	[sflag:s9] =	ssyncset.done @p3 $0x0  }
0x254: {  	[sflag:s9] =	ssyncadd.s32 @p3 $0xFFFFF000;
	s9 =	sld [smem:$0x7C4];
	_ =	sdelay $0x2  }
0x255: {  	[hbm4b:s9+s18] =	stream.strided.scatter @!p3 [tilespmem:s18], [sflag:$0x7], $0x1000, s15, s18, $0x38;
	[tilespmem:$0x19080] =	vst v63  }
0x256: {  	s9 =	sld [smem:$0x7C6];
	_ =	sdelay $0x2  }
0x257: {  	[hbm4b:s9+s18] =	stream.strided.scatter @!p3 [tilespmem:s18], [sflag:$0x7], $0x1000, s15, s18, $0x38;
	[tilespmem:$0x19080] =	vst v63  }
0x258: {  	s9 =	sld [smem:$0x7C8];
	_ =	sdelay $0x2  }
0x259: {  	[hbm4b:s9+s18] =	stream.strided.scatter @!p3 [tilespmem:s18], [sflag:$0x7], $0x1000, s15, s18, $0x38;
	[tilespmem:$0x19080] =	vst v63  }
0x25a: {  	s9 =	sld [smem:$0x7CA];
	_ =	sdelay $0x2  }
0x25b: {  	[hbm4b:s9+s18] =	stream.strided.scatter @!p3 [tilespmem:s18], [sflag:$0x7], $0x1000, s15, s18, $0x38;
	[tilespmem:$0x19080] =	vst v63  }
0x25c: {  	s9 =	sld [smem:$0x7CC];
	_ =	sdelay $0x2  }
0x25d: {  	[hbm4b:s9+s18] =	stream.strided.scatter @!p3 [tilespmem:s18], [sflag:$0x7], $0x1000, s15, s18, $0x38;
	[tilespmem:$0x19080] =	vst v63  }
0x25e: {  	s9 =	sld [smem:$0x7CD];
	_ =	sdelay $0x2  }
0x25f: {  	[hbm4b:s9+s18] =	stream.strided.scatter @!p3 [tilespmem:s18], [sflag:$0x7], $0x1000, s15, s18, $0x38;
	[tilespmem:$0x19080] =	vst v63  }
0x260: {  	s9 =	sld [smem:$0x7CF];
	_ =	sdelay $0x2  }
0x261: {  	[hbm4b:s9+s18] =	stream.strided.scatter @!p3 [tilespmem:s18], [sflag:$0x7], $0x1000, s15, s18, $0x38;
	[tilespmem:$0x19080] =	vst v63  }
0x262: {  	s9 =	sld [smem:$0x7D0]  }
0x263: {  	p2 =	sne.s32 s13, s4  }
0x264: {  	s16 =	simm.s32 @p2 $0x1  }
0x265: {  	[hbm4b:s9+s18] =	stream.strided.scatter @!p3 [tilespmem:s18], [sflag:$0x7], $0x1000, s15, s18, $0x38;
	[tilespmem:$0x19080] =	vst v63  }
0x266: {  	s17 =	simm.s32 @p2 $0x10;
	s14 =	rddreg [dreg:$0x1a];
	s9 =	sshll.u32 @p2 s0, $0x6  }
0x267: {  	s15 =	sshrl.u32 @p2 s6, $0x3;
	s18 =	simm.s32 @p2 $0x20;
	s13 =	sor.u32 @p2 $0x1C02, s9  }
0x268: {  	[spmem:s15@s17], [sflag:s13] =	dma.strided @p2 [hbm:s14@s18], $0x1000, s16, $0x10   }
0x269: {  	_ =	swait.ge @p2 [sflag:s16], $0x1000  }
0x26a: {  	s21 =	sshrl.u32 @p2 s5, $0x3;
	[sflag:s16] =	ssyncset.done @p2 $0x0  }
0x26b: {  	s19 =	sor.u32 @p2 $0x1C04, s9;
	s13 =	rddreg [dreg:$0x1b];
	[sflag:s16] =	ssyncadd.s32 @p2 $0xFFFFF000  }
0x26c: {  	[hbm:s13@s18], [sflag:s19] =	dma.strided @p2 [spmem:s21@s17], $0x1000, s16, $0x10   }
0x26d: {  	s22 =	sld [smem:$0x7D1];
	_ =	sdelay $0x1  }
0x26e: {  	s14 =	simm.s32 @!p2 $0x80;
	s13 =	simm.s32 @!p2 $0x100  }
0x26f: {  	[hbm4b:s22+s14] =	stream.strided.scatter @!p2 [tilespmem:s14], [sflag:$0x7], $0x1000, s13, s14, $0x38;
	[tilespmem:$0x19080] =	vst v63  }
0x270: {  	s22 =	sld [smem:$0x7D2];
	_ =	sdelay $0x2  }
0x271: {  	[hbm4b:s22+s14] =	stream.strided.scatter @!p2 [tilespmem:s14], [sflag:$0x7], $0x1000, s13, s14, $0x38;
	[tilespmem:$0x19080] =	vst v63  }
0x272: {  	s22 =	sld [smem:$0x7D3];
	_ =	sdelay $0x2  }
0x273: {  	[hbm4b:s22+s14] =	stream.strided.scatter @!p2 [tilespmem:s14], [sflag:$0x7], $0x1000, s13, s14, $0x38;
	[tilespmem:$0x19080] =	vst v63  }
0x274: {  	s22 =	sld [smem:$0x7D4];
	_ =	sdelay $0x2  }
0x275: {  	[hbm4b:s22+s14] =	stream.strided.scatter @!p2 [tilespmem:s14], [sflag:$0x7], $0x1000, s13, s14, $0x38;
	[tilespmem:$0x19080] =	vst v63  }
0x276: {  	s22 =	sld [smem:$0x7D6];
	_ =	sdelay $0x2  }
0x277: {  	[hbm4b:s22+s14] =	stream.strided.scatter @!p2 [tilespmem:s14], [sflag:$0x7], $0x1000, s13, s14, $0x38;
	[tilespmem:$0x19080] =	vst v63  }
0x278: {  	s22 =	sld [smem:$0x7D8];
	_ =	sdelay $0x2  }
0x279: {  	[hbm4b:s22+s14] =	stream.strided.scatter @!p2 [tilespmem:s14], [sflag:$0x7], $0x1000, s13, s14, $0x38;
	[tilespmem:$0x19080] =	vst v63  }
0x27a: {  	s22 =	sld [smem:$0x7DA];
	_ =	sdelay $0x2  }
0x27b: {  	[hbm4b:s22+s14] =	stream.strided.scatter @!p2 [tilespmem:s14], [sflag:$0x7], $0x1000, s13, s14, $0x38;
	[tilespmem:$0x19080] =	vst v63  }
0x27c: {  	s22 =	sld [smem:$0x7DC];
	_ =	sdelay $0x2  }
0x27d: {  	[hbm4b:s22+s14] =	stream.strided.scatter @!p2 [tilespmem:s14], [sflag:$0x7], $0x1000, s13, s14, $0x38;
	[tilespmem:$0x19080] =	vst v63  }
0x27e: {  	s22 =	simm.s32 @!p5 $0x6  }
0x27f: {  	_ =	swait.ge @!p5 [sflag:s22], $0x1000  }
0x280: {  	s23 =	sshrl.u32 @p2 s7, $0x3;
	[sflag:s22] =	ssyncset.done @!p5 $0x0  }
0x281: {  	s24 =	rddreg [dreg:$0x1c];
	[sflag:s22] =	ssyncadd.s32 @!p5 $0xFFFFF000;
	s22 =	sor.u32 @p2 $0x1C03, s9  }
0x282: {  	[spmem:s23@s17], [sflag:s22] =	dma.strided @p2 [hbm:s24@s18], $0x1000, s16, $0x10   }
0x283: {  	s22 =	simm.s32 @p2 $0x2  }
0x284: {  	_ =	swait.ge @p2 [sflag:s22], $0x1000  }
0x285: {  	[sflag:s22] =	ssyncset.done @p2 $0x0  }
0x286: {  	s24 =	rddreg [dreg:$0x1d];
	[sflag:s22] =	ssyncadd.s32 @p2 $0xFFFFF000;
	s22 =	sor.u32 @p2 $0x1C05, s9  }
0x287: {  	[hbm:s24@s18], [sflag:s22] =	dma.strided @p2 [spmem:s15@s17], $0x1000, s16, $0x10   }
0x288: {  	s15 =	simm.s32 @p2 $0x4  }
0x289: {  	_ =	swait.ge @p2 [sflag:s15], $0x1000  }
0x28a: {  	[sflag:s15] =	ssyncset.done @p2 $0x0  }
0x28b: {  	s22 =	sor.u32 @p2 $0x1C01, s9;
	s24 =	rddreg [dreg:$0x1e];
	[sflag:s15] =	ssyncadd.s32 @p2 $0xFFFFF000  }
0x28c: {  	[spmem:s21@s17], [sflag:s22] =	dma.strided @p2 [hbm:s24@s18], $0x1000, s16, $0x10   }
0x28d: {  	s22 =	simm.s32 @p2 $0x3  }
0x28e: {  	_ =	swait.ge @p2 [sflag:s22], $0x1000  }
0x28f: {  	[sflag:s22] =	ssyncset.done @p2 $0x0  }
0x290: {  	s9 =	sor.u32 @p2 $0x1C06, s9;
	[sflag:s22] =	ssyncadd.s32 @p2 $0xFFFFF000;
	s22 =	rddreg [dreg:$0x1f]  }
0x291: {  	[hbm:s22@s18], [sflag:s9] =	dma.strided @p2 [spmem:s23@s17], $0x1000, s16, $0x10   }
0x292: {  	_ =	swait.ge @p2 [sflag:s16], $0x1000  }
0x293: {  	s9 =	sld [smem:$0x75E]  }
0x294: {  	[sflag:s16] =	ssyncset.done @p2 $0x0  }
0x295: {  	[sflag:s16] =	ssyncadd.s32 @p2 $0xFFFFF000  }
0x296: {  	[hbm:s9@s18], [sflag:s19] =	dma.strided @p2 [spmem:s21@s17], $0x1000, s16, $0x10   }
0x297: {  	s9 =	simm.s32 @p2 $0x5  }
0x298: {  	_ =	swait.ge @p2 [sflag:s9], $0x1000  }
0x299: {  	[sflag:s9] =	ssyncset.done @p2 $0x0  }
0x29a: {  	[sflag:s9] =	ssyncadd.s32 @p2 $0xFFFFF000;
	s9 =	simm.s32 @p2 $0x6  }
0x29b: {  	_ =	swait.ge @p2 [sflag:s9], $0x1000  }
0x29c: {  	[sflag:s9] =	ssyncset.done @p2 $0x0  }
0x29d: {  	[sflag:s9] =	ssyncadd.s32 @p2 $0xFFFFF000  }
0x29e: {  	_ =	swait.ge @p2 [sflag:s15], $0x1000  }
0x29f: {  	s9 =	sld [smem:$0x7DE]  }
0x2a0: {  	[sflag:s15] =	ssyncset.done @p2 $0x0  }
0x2a1: {  	[sflag:s15] =	ssyncadd.s32 @p2 $0xFFFFF000  }
0x2a2: {  	[hbm4b:s9+s14] =	stream.strided.scatter @!p2 [tilespmem:s14], [sflag:$0x7], $0x1000, s13, s14, $0x38;
	[tilespmem:$0x19080] =	vst v63  }
0x2a3: {  	s9 =	sld [smem:$0x7E0];
	_ =	sdelay $0x2  }
0x2a4: {  	[hbm4b:s9+s14] =	stream.strided.scatter @!p2 [tilespmem:s14], [sflag:$0x7], $0x1000, s13, s14, $0x38;
	[tilespmem:$0x19080] =	vst v63  }
0x2a5: {  	s9 =	sld [smem:$0x7E2];
	_ =	sdelay $0x2  }
0x2a6: {  	[hbm4b:s9+s14] =	stream.strided.scatter @!p2 [tilespmem:s14], [sflag:$0x7], $0x1000, s13, s14, $0x38;
	[tilespmem:$0x19080] =	vst v63  }
0x2a7: {  	s9 =	sld [smem:$0x7E4];
	_ =	sdelay $0x2  }
0x2a8: {  	[hbm4b:s9+s14] =	stream.strided.scatter @!p2 [tilespmem:s14], [sflag:$0x7], $0x1000, s13, s14, $0x38;
	[tilespmem:$0x19080] =	vst v63  }
0x2a9: {  	s9 =	sld [smem:$0x7E6];
	_ =	sdelay $0x2  }
0x2aa: {  	[hbm4b:s9+s14] =	stream.strided.scatter @!p2 [tilespmem:s14], [sflag:$0x7], $0x1000, s13, s14, $0x38;
	[tilespmem:$0x19080] =	vst v63  }
0x2ab: {  	s9 =	sld [smem:$0x7E8];
	_ =	sdelay $0x2  }
0x2ac: {  	[hbm4b:s9+s14] =	stream.strided.scatter @!p2 [tilespmem:s14], [sflag:$0x7], $0x1000, s13, s14, $0x38;
	[tilespmem:$0x19080] =	vst v63  }
0x2ad: {  	s9 =	sld [smem:$0x7EA];
	_ =	sdelay $0x2  }
0x2ae: {  	[hbm4b:s9+s14] =	stream.strided.scatter @!p2 [tilespmem:s14], [sflag:$0x7], $0x1000, s13, s14, $0x38;
	[tilespmem:$0x19080] =	vst v63  }
0x2af: {  	s9 =	sld [smem:$0x7EB];
	_ =	sdelay $0x2  }
0x2b0: {  	[hbm4b:s9+s14] =	stream.strided.scatter @!p2 [tilespmem:s14], [sflag:$0x7], $0x1000, s13, s14, $0x38;
	[tilespmem:$0x19080] =	vst v63  }
0x2b1: {  	s9 =	sld [smem:$0x7EC];
	_ =	sdelay $0x2  }
0x2b2: {  	[hbm4b:s9+s14] =	stream.strided.scatter @!p2 [tilespmem:s14], [sflag:$0x7], $0x1000, s13, s14, $0x38;
	[tilespmem:$0x19080] =	vst v63  }
0x2b3: {  	s9 =	sld [smem:$0x7ED];
	_ =	sdelay $0x2  }
0x2b4: {  	[hbm4b:s9+s14] =	stream.strided.scatter @!p2 [tilespmem:s14], [sflag:$0x7], $0x1000, s13, s14, $0x38;
	[tilespmem:$0x19080] =	vst v63  }
0x2b5: {  	s9 =	sld [smem:$0x7EF];
	_ =	sdelay $0x2  }
0x2b6: {  	[hbm4b:s9+s14] =	stream.strided.scatter @!p2 [tilespmem:s14], [sflag:$0x7], $0x1000, s13, s14, $0x38;
	[tilespmem:$0x19080] =	vst v63  }
0x2b7: {  	s9 =	sld [smem:$0x7F0];
	_ =	sdelay $0x2  }
0x2b8: {  	[hbm4b:s9+s14] =	stream.strided.scatter @!p2 [tilespmem:s14], [sflag:$0x7], $0x1000, s13, s14, $0x38;
	[tilespmem:$0x19080] =	vst v63  }
0x2b9: {  	s9 =	sld [smem:$0x7F1];
	_ =	sdelay $0x2  }
0x2ba: {  	[hbm4b:s9+s14] =	stream.strided.scatter @!p2 [tilespmem:s14], [sflag:$0x7], $0x1000, s13, s14, $0x38;
	[tilespmem:$0x19080] =	vst v63  }
0x2bb: {  	s9 =	sld [smem:$0x7F2];
	_ =	sdelay $0x2  }
0x2bc: {  	[hbm4b:s9+s14] =	stream.strided.scatter @!p2 [tilespmem:s14], [sflag:$0x7], $0x1000, s13, s14, $0x38;
	[tilespmem:$0x19080] =	vst v63  }
0x2bd: {  	s9 =	sld [smem:$0x7F3];
	_ =	sdelay $0x2  }
0x2be: {  	[hbm4b:s9+s14] =	stream.strided.scatter @!p2 [tilespmem:s14], [sflag:$0x7], $0x1000, s13, s14, $0x38;
	[tilespmem:$0x19080] =	vst v63  }
0x2bf: {  	s9 =	sld [smem:$0x7F4];
	_ =	sdelay $0x2  }
0x2c0: {  	[hbm4b:s9+s14] =	stream.strided.scatter @!p2 [tilespmem:s14], [sflag:$0x7], $0x1000, s13, s14, $0x38;
	[tilespmem:$0x19080] =	vst v63  }
0x2c1: {  	s9 =	sld [smem:$0x7F5];
	_ =	sdelay $0x2  }
0x2c2: {  	[hbm4b:s9+s14] =	stream.strided.scatter @!p2 [tilespmem:s14], [sflag:$0x7], $0x1000, s13, s14, $0x38;
	[tilespmem:$0x19080] =	vst v63  }
0x2c3: {  	s9 =	sld [smem:$0x7F6];
	_ =	sdelay $0x2  }
0x2c4: {  	[hbm4b:s9+s14] =	stream.strided.scatter @!p2 [tilespmem:s14], [sflag:$0x7], $0x1000, s13, s14, $0x38;
	[tilespmem:$0x19080] =	vst v63  }
0x2c5: {  	s9 =	sld [smem:$0x7F7];
	_ =	sdelay $0x2  }
0x2c6: {  	[hbm4b:s9+s14] =	stream.strided.scatter @!p2 [tilespmem:s14], [sflag:$0x7], $0x1000, s13, s14, $0x38;
	[tilespmem:$0x19080] =	vst v63  }
0x2c7: {  	s9 =	sld [smem:$0x7F8];
	_ =	sdelay $0x2  }
0x2c8: {  	[hbm4b:s9+s14] =	stream.strided.scatter @!p2 [tilespmem:s14], [sflag:$0x7], $0x1000, s13, s14, $0x38;
	[tilespmem:$0x19080] =	vst v63  }
0x2c9: {  	s9 =	sld [smem:$0x7F9];
	_ =	sdelay $0x2  }
0x2ca: {  	[hbm4b:s9+s14] =	stream.strided.scatter @!p2 [tilespmem:s14], [sflag:$0x7], $0x1000, s13, s14, $0x38;
	[tilespmem:$0x19080] =	vst v63  }
0x2cb: {  	s9 =	sld [smem:$0x7FA];
	_ =	sdelay $0x2  }
0x2cc: {  	[hbm4b:s9+s14] =	stream.strided.scatter @!p2 [tilespmem:s14], [sflag:$0x7], $0x1000, s13, s14, $0x38;
	[tilespmem:$0x19080] =	vst v63  }
0x2cd: {  	s9 =	sld [smem:$0x7FB];
	_ =	sdelay $0x2  }
0x2ce: {  	[hbm4b:s9+s14] =	stream.strided.scatter @!p2 [tilespmem:s14], [sflag:$0x7], $0x1000, s13, s14, $0x38;
	[tilespmem:$0x19080] =	vst v63  }
0x2cf: {  	s9 =	simm.s32 @!p0 $0x7  }
0x2d0: {  	[hbm4b:s30+s14] =	stream.strided.scatter @!p2 [tilespmem:s14], [sflag:$0x7], $0x1000, s13, s14, $0x38;
	[tilespmem:$0x19080] =	vst v63  }
0x2d1: {  	_ =	swait.ge @!p0 [sflag:s9], $0x1000  }
0x2d2: {  	[sflag:s9] =	ssyncset.done @!p0 $0x0  }
0x2d3: {  	[sflag:s9] =	ssyncadd.s32 @!p0 $0xFFFFF000  }
0x2d4: {  	_ =	swait.ge @!p0 [sflag:s9], $0x1000  }
0x2d5: {  	[sflag:s9] =	ssyncset.done @!p0 $0x0  }
0x2d6: {  	[sflag:s9] =	ssyncadd.s32 @!p0 $0xFFFFF000  }
0x2d7: {  	_ =	swait.ge @!p0 [sflag:s9], $0x1000  }
0x2d8: {  	[sflag:s9] =	ssyncset.done @!p0 $0x0  }
0x2d9: {  	[sflag:s9] =	ssyncadd.s32 @!p0 $0xFFFFF000  }
0x2da: {  	_ =	swait.ge @!p0 [sflag:s9], $0x1000  }
0x2db: {  	[sflag:s9] =	ssyncset.done @!p0 $0x0  }
0x2dc: {  	[sflag:s9] =	ssyncadd.s32 @!p0 $0xFFFFF000  }
0x2dd: {  	_ =	swait.ge @!p0 [sflag:s9], $0x1000  }
0x2de: {  	[sflag:s9] =	ssyncset.done @!p0 $0x0  }
0x2df: {  	[sflag:s9] =	ssyncadd.s32 @!p0 $0xFFFFF000  }
0x2e0: {  	_ =	swait.ge @!p0 [sflag:s9], $0x1000  }
0x2e1: {  	[sflag:s9] =	ssyncset.done @!p0 $0x0  }
0x2e2: {  	[sflag:s9] =	ssyncadd.s32 @!p0 $0xFFFFF000  }
0x2e3: {  	_ =	swait.ge @!p0 [sflag:s9], $0x1000  }
0x2e4: {  	[sflag:s9] =	ssyncset.done @!p0 $0x0  }
0x2e5: {  	[sflag:s9] =	ssyncadd.s32 @!p0 $0xFFFFF000  }
0x2e6: {  	_ =	swait.ge @!p0 [sflag:s9], $0x1000  }
0x2e7: {  	[sflag:s9] =	ssyncset.done @!p0 $0x0  }
0x2e8: {  	[sflag:s9] =	ssyncadd.s32 @!p0 $0xFFFFF000  }
0x2e9: {  	_ =	swait.ge @!p0 [sflag:s9], $0x1000  }
0x2ea: {  	[sflag:s9] =	ssyncset.done @!p0 $0x0  }
0x2eb: {  	[sflag:s9] =	ssyncadd.s32 @!p0 $0xFFFFF000  }
0x2ec: {  	_ =	swait.ge @!p0 [sflag:s9], $0x1000  }
0x2ed: {  	[sflag:s9] =	ssyncset.done @!p0 $0x0  }
0x2ee: {  	[sflag:s9] =	ssyncadd.s32 @!p0 $0xFFFFF000  }
0x2ef: {  	_ =	swait.ge @!p0 [sflag:s9], $0x1000  }
0x2f0: {  	[sflag:s9] =	ssyncset.done @!p0 $0x0  }
0x2f1: {  	[sflag:s9] =	ssyncadd.s32 @!p0 $0xFFFFF000  }
0x2f2: {  	_ =	swait.ge @!p0 [sflag:s9], $0x1000  }
0x2f3: {  	[sflag:s9] =	ssyncset.done @!p0 $0x0  }
0x2f4: {  	[sflag:s9] =	ssyncadd.s32 @!p0 $0xFFFFF000  }
0x2f5: {  	_ =	swait.ge @!p0 [sflag:s9], $0x1000  }
0x2f6: {  	[sflag:s9] =	ssyncset.done @!p0 $0x0  }
0x2f7: {  	[sflag:s9] =	ssyncadd.s32 @!p0 $0xFFFFF000  }
0x2f8: {  	_ =	swait.ge @!p0 [sflag:s9], $0x1000  }
0x2f9: {  	[sflag:s9] =	ssyncset.done @!p0 $0x0  }
0x2fa: {  	[sflag:s9] =	ssyncadd.s32 @!p0 $0xFFFFF000  }
0x2fb: {  	_ =	swait.ge @!p0 [sflag:s9], $0x1000  }
0x2fc: {  	[sflag:s9] =	ssyncset.done @!p0 $0x0  }
0x2fd: {  	[sflag:s9] =	ssyncadd.s32 @!p0 $0xFFFFF000  }
0x2fe: {  	_ =	swait.ge @!p0 [sflag:s9], $0x1000  }
0x2ff: {  	[sflag:s9] =	ssyncset.done @!p0 $0x0  }
0x300: {  	[sflag:s9] =	ssyncadd.s32 @!p0 $0xFFFFF000;
	s9 =	simm.s32 @!p1 $0x7  }
0x301: {  	_ =	swait.ge @!p1 [sflag:s9], $0x1000  }
0x302: {  	[sflag:s9] =	ssyncset.done @!p1 $0x0  }
0x303: {  	[sflag:s9] =	ssyncadd.s32 @!p1 $0xFFFFF000  }
0x304: {  	_ =	swait.ge @!p1 [sflag:s9], $0x1000  }
0x305: {  	[sflag:s9] =	ssyncset.done @!p1 $0x0  }
0x306: {  	[sflag:s9] =	ssyncadd.s32 @!p1 $0xFFFFF000  }
0x307: {  	_ =	swait.ge @!p1 [sflag:s9], $0x1000  }
0x308: {  	[sflag:s9] =	ssyncset.done @!p1 $0x0  }
0x309: {  	[sflag:s9] =	ssyncadd.s32 @!p1 $0xFFFFF000  }
0x30a: {  	_ =	swait.ge @!p1 [sflag:s9], $0x1000  }
0x30b: {  	[sflag:s9] =	ssyncset.done @!p1 $0x0  }
0x30c: {  	[sflag:s9] =	ssyncadd.s32 @!p1 $0xFFFFF000  }
0x30d: {  	_ =	swait.ge @!p1 [sflag:s9], $0x1000  }
0x30e: {  	[sflag:s9] =	ssyncset.done @!p1 $0x0  }
0x30f: {  	[sflag:s9] =	ssyncadd.s32 @!p1 $0xFFFFF000  }
0x310: {  	_ =	swait.ge @!p1 [sflag:s9], $0x1000  }
0x311: {  	[sflag:s9] =	ssyncset.done @!p1 $0x0  }
0x312: {  	[sflag:s9] =	ssyncadd.s32 @!p1 $0xFFFFF000  }
0x313: {  	_ =	swait.ge @!p1 [sflag:s9], $0x1000  }
0x314: {  	[sflag:s9] =	ssyncset.done @!p1 $0x0  }
0x315: {  	[sflag:s9] =	ssyncadd.s32 @!p1 $0xFFFFF000  }
0x316: {  	_ =	swait.ge @!p1 [sflag:s9], $0x1000  }
0x317: {  	[sflag:s9] =	ssyncset.done @!p1 $0x0  }
0x318: {  	[sflag:s9] =	ssyncadd.s32 @!p1 $0xFFFFF000  }
0x319: {  	_ =	swait.ge @!p1 [sflag:s9], $0x1000  }
0x31a: {  	[sflag:s9] =	ssyncset.done @!p1 $0x0  }
0x31b: {  	[sflag:s9] =	ssyncadd.s32 @!p1 $0xFFFFF000  }
0x31c: {  	_ =	swait.ge @!p1 [sflag:s9], $0x1000  }
0x31d: {  	[sflag:s9] =	ssyncset.done @!p1 $0x0  }
0x31e: {  	[sflag:s9] =	ssyncadd.s32 @!p1 $0xFFFFF000  }
0x31f: {  	_ =	swait.ge @!p1 [sflag:s9], $0x1000  }
0x320: {  	[sflag:s9] =	ssyncset.done @!p1 $0x0  }
0x321: {  	[sflag:s9] =	ssyncadd.s32 @!p1 $0xFFFFF000  }
0x322: {  	_ =	swait.ge @!p1 [sflag:s9], $0x1000  }
0x323: {  	[sflag:s9] =	ssyncset.done @!p1 $0x0  }
0x324: {  	[sflag:s9] =	ssyncadd.s32 @!p1 $0xFFFFF000  }
0x325: {  	_ =	swait.ge @!p1 [sflag:s9], $0x1000  }
0x326: {  	[sflag:s9] =	ssyncset.done @!p1 $0x0  }
0x327: {  	[sflag:s9] =	ssyncadd.s32 @!p1 $0xFFFFF000  }
0x328: {  	_ =	swait.ge @!p1 [sflag:s9], $0x1000  }
0x329: {  	[sflag:s9] =	ssyncset.done @!p1 $0x0  }
0x32a: {  	[sflag:s9] =	ssyncadd.s32 @!p1 $0xFFFFF000  }
0x32b: {  	_ =	swait.ge @!p1 [sflag:s9], $0x1000  }
.Ltmp3:
0x32c: {  	[sflag:s9] =	ssyncset.done @!p1 $0x0;
	(pc) =	sbr.rel @p4 .LBB2_5-.Ltmp3, $4  }
0x32d: {  	[sflag:s9] =	ssyncadd.s32 @!p1 $0xFFFFF000  }
0x32e: {  	_ =	swait.ge @!p1 [sflag:s9], $0x1000  }
0x32f: {  	[sflag:s9] =	ssyncset.done @!p1 $0x0  }
0x330: {  	[sflag:s9] =	ssyncadd.s32 @!p1 $0xFFFFF000  }
0x331: {  	_ =	swait.ge [sflag:s10], $0x1000  }
0x332: {  	[sflag:s10] =	ssyncset.done $0x0  }
0x333: {  	[sflag:s10] =	ssyncadd.s32 $0xFFFFF000  }
0x334: {  	_ =	swait.ge [sflag:s10], $0x1000  }
0x335: {  	[sflag:s10] =	ssyncset.done $0x0  }
0x336: {  	[sflag:s10] =	ssyncadd.s32 $0xFFFFF000  }
0x337: {  	_ =	swait.ge [sflag:s10], $0x1000  }
0x338: {  	[sflag:s10] =	ssyncset.done $0x0  }
0x339: {  	[sflag:s10] =	ssyncadd.s32 $0xFFFFF000  }
0x33a: {  	_ =	swait.ge [sflag:s10], $0x1000  }
0x33b: {  	[sflag:s10] =	ssyncset.done $0x0  }
0x33c: {  	[sflag:s10] =	ssyncadd.s32 $0xFFFFF000  }
0x33d: {  	_ =	swait.ge [sflag:s10], $0x1000  }
0x33e: {  	[sflag:s10] =	ssyncset.done $0x0  }
0x33f: {  	[sflag:s10] =	ssyncadd.s32 $0xFFFFF000  }
0x340: {  	_ =	swait.ge [sflag:s10], $0x1000  }
0x341: {  	[sflag:s10] =	ssyncset.done $0x0  }
0x342: {  	[sflag:s10] =	ssyncadd.s32 $0xFFFFF000  }
0x343: {  	_ =	swait.ge [sflag:s10], $0x1000  }
0x344: {  	[sflag:s10] =	ssyncset.done $0x0  }
0x345: {  	[sflag:s10] =	ssyncadd.s32 $0xFFFFF000  }
0x346: {  	_ =	swait.ge [sflag:s10], $0x1000  }
0x347: {  	[sflag:s10] =	ssyncset.done $0x0  }
0x348: {  	[sflag:s10] =	ssyncadd.s32 $0xFFFFF000  }
0x349: {  	_ =	swait.ge [sflag:s10], $0x1000  }
0x34a: {  	[sflag:s10] =	ssyncset.done $0x0  }
0x34b: {  	[sflag:s10] =	ssyncadd.s32 $0xFFFFF000  }
0x34c: {  	_ =	swait.ge [sflag:s10], $0x1000  }
0x34d: {  	[sflag:s10] =	ssyncset.done $0x0  }
0x34e: {  	[sflag:s10] =	ssyncadd.s32 $0xFFFFF000  }
0x34f: {  	_ =	swait.ge [sflag:s10], $0x1000  }
0x350: {  	[sflag:s10] =	ssyncset.done $0x0  }
0x351: {  	[sflag:s10] =	ssyncadd.s32 $0xFFFFF000  }
0x352: {  	_ =	swait.ge [sflag:s10], $0x1000  }
0x353: {  	[sflag:s10] =	ssyncset.done $0x0  }
0x354: {  	[sflag:s10] =	ssyncadd.s32 $0xFFFFF000  }
0x355: {  	_ =	swait.ge [sflag:s10], $0x1000  }
0x356: {  	[sflag:s10] =	ssyncset.done $0x0  }
0x357: {  	[sflag:s10] =	ssyncadd.s32 $0xFFFFF000  }
0x358: {  	_ =	swait.ge [sflag:s10], $0x1000  }
0x359: {  	[sflag:s10] =	ssyncset.done $0x0  }
0x35a: {  	[sflag:s10] =	ssyncadd.s32 $0xFFFFF000  }
0x35b: {  	_ =	swait.ge [sflag:s10], $0x1000  }
0x35c: {  	[sflag:s10] =	ssyncset.done $0x0  }
0x35d: {  	[sflag:s10] =	ssyncadd.s32 $0xFFFFF000  }
0x35e: {  	_ =	swait.ge [sflag:s10], $0x1000  }
0x35f: {  	[sflag:s10] =	ssyncset.done $0x0  }
0x360: {  	[sflag:s10] =	ssyncadd.s32 $0xFFFFF000  }
0x361: {  	_ =	swait.ge [sflag:s10], $0x1000  }
0x362: {  	[sflag:s10] =	ssyncset.done $0x0  }
0x363: {  	[sflag:s10] =	ssyncadd.s32 $0xFFFFF000  }
0x364: {  	_ =	swait.ge [sflag:s10], $0x1000  }
0x365: {  	[sflag:s10] =	ssyncset.done $0x0  }
0x366: {  	[sflag:s10] =	ssyncadd.s32 $0xFFFFF000  }
0x367: {  	_ =	swait.ge [sflag:s10], $0x1000  }
0x368: {  	[sflag:s10] =	ssyncset.done $0x0  }
0x369: {  	[sflag:s10] =	ssyncadd.s32 $0xFFFFF000  }
0x36a: {  	_ =	swait.ge [sflag:s10], $0x1000  }
0x36b: {  	[sflag:s10] =	ssyncset.done $0x0  }
0x36c: {  	[sflag:s10] =	ssyncadd.s32 $0xFFFFF000  }
0x36d: {  	_ =	swait.ge [sflag:s10], $0x1000  }
0x36e: {  	[sflag:s10] =	ssyncset.done $0x0  }
0x36f: {  	[sflag:s10] =	ssyncadd.s32 $0xFFFFF000  }
0x370: {  	_ =	swait.ge [sflag:s10], $0x1000  }
0x371: {  	[sflag:s10] =	ssyncset.done $0x0  }
0x372: {  	[sflag:s10] =	ssyncadd.s32 $0xFFFFF000  }
0x373: {  	_ =	swait.ge [sflag:s10], $0x1000  }
0x374: {  	[sflag:s10] =	ssyncset.done $0x0  }
0x375: {  	[sflag:s10] =	ssyncadd.s32 $0xFFFFF000  }
0x376: {  	_ =	swait.ge [sflag:s10], $0x1000  }
0x377: {  	[sflag:s10] =	ssyncset.done $0x0  }
0x378: {  	[sflag:s10] =	ssyncadd.s32 $0xFFFFF000  }
0x379: {  	_ =	swait.ge [sflag:s10], $0x1000  }
0x37a: {  	[sflag:s10] =	ssyncset.done $0x0  }
0x37b: {  	[sflag:s10] =	ssyncadd.s32 $0xFFFFF000  }
0x37c: {  	_ =	swait.ge [sflag:s10], $0x1000  }
0x37d: {  	[sflag:s10] =	ssyncset.done $0x0  }
0x37e: {  	[sflag:s10] =	ssyncadd.s32 $0xFFFFF000  }
0x37f: {  	_ =	swait.ge [sflag:s10], $0x1000  }
0x380: {  	[sflag:s10] =	ssyncset.done $0x0  }
0x381: {  	[sflag:s10] =	ssyncadd.s32 $0xFFFFF000  }
0x382: {  	_ =	swait.ge [sflag:s10], $0x1000  }
0x383: {  	[sflag:s10] =	ssyncset.done $0x0  }
0x384: {  	[sflag:s10] =	ssyncadd.s32 $0xFFFFF000  }
0x385: {  	_ =	swait.ge [sflag:s10], $0x1000  }
0x386: {  	[sflag:s10] =	ssyncset.done $0x0  }
0x387: {  	[sflag:s10] =	ssyncadd.s32 $0xFFFFF000  }
0x388: {  	_ =	swait.ge [sflag:s10], $0x1000  }
0x389: {  	[sflag:s10] =	ssyncset.done $0x0  }
0x38a: {  	[sflag:s10] =	ssyncadd.s32 $0xFFFFF000  }
0x38b: {  	_ =	swait.ge [sflag:s10], $0x1000  }
0x38c: {  	[sflag:s10] =	ssyncset.done $0x0  }
0x38d: {  	[sflag:s10] =	ssyncadd.s32 $0xFFFFF000  }
0x38e: {  	_ =	swait.ge [sflag:s10], $0x1000  }
0x38f: {  	[sflag:s10] =	ssyncset.done $0x0  }
0x390: {  	[sflag:s10] =	ssyncadd.s32 $0xFFFFF000  }
.LBB2_5:
.Ltmp4:
0x391: {  	(pc) =	sbr.rel @p3 .LBB2_7-.Ltmp4, $1  }
0x392: {  	_ =	sdelay $0x3  }
0x393: {  	_ =	swait.ge [sflag:s10], $0x1000  }
0x394: {  	[sflag:s10] =	ssyncset.done $0x0  }
0x395: {  	[sflag:s10] =	ssyncadd.s32 $0xFFFFF000  }
0x396: {  	_ =	swait.ge [sflag:s10], $0x1000  }
0x397: {  	[sflag:s10] =	ssyncset.done $0x0  }
0x398: {  	[sflag:s10] =	ssyncadd.s32 $0xFFFFF000  }
0x399: {  	_ =	swait.ge [sflag:s10], $0x1000  }
0x39a: {  	[sflag:s10] =	ssyncset.done $0x0  }
0x39b: {  	[sflag:s10] =	ssyncadd.s32 $0xFFFFF000  }
0x39c: {  	_ =	swait.ge [sflag:s10], $0x1000  }
0x39d: {  	[sflag:s10] =	ssyncset.done $0x0  }
0x39e: {  	[sflag:s10] =	ssyncadd.s32 $0xFFFFF000  }
0x39f: {  	_ =	swait.ge [sflag:s10], $0x1000  }
0x3a0: {  	[sflag:s10] =	ssyncset.done $0x0  }
0x3a1: {  	[sflag:s10] =	ssyncadd.s32 $0xFFFFF000  }
0x3a2: {  	_ =	swait.ge [sflag:s10], $0x1000  }
0x3a3: {  	[sflag:s10] =	ssyncset.done $0x0  }
0x3a4: {  	[sflag:s10] =	ssyncadd.s32 $0xFFFFF000  }
0x3a5: {  	_ =	swait.ge [sflag:s10], $0x1000  }
0x3a6: {  	[sflag:s10] =	ssyncset.done $0x0  }
0x3a7: {  	[sflag:s10] =	ssyncadd.s32 $0xFFFFF000  }
0x3a8: {  	_ =	swait.ge [sflag:s10], $0x1000  }
0x3a9: {  	[sflag:s10] =	ssyncset.done $0x0  }
0x3aa: {  	[sflag:s10] =	ssyncadd.s32 $0xFFFFF000  }
0x3ab: {  	_ =	swait.ge [sflag:s10], $0x1000  }
0x3ac: {  	[sflag:s10] =	ssyncset.done $0x0  }
0x3ad: {  	[sflag:s10] =	ssyncadd.s32 $0xFFFFF000  }
0x3ae: {  	_ =	swait.ge [sflag:s10], $0x1000  }
0x3af: {  	[sflag:s10] =	ssyncset.done $0x0  }
0x3b0: {  	[sflag:s10] =	ssyncadd.s32 $0xFFFFF000  }
0x3b1: {  	_ =	swait.ge [sflag:s10], $0x1000  }
0x3b2: {  	[sflag:s10] =	ssyncset.done $0x0  }
0x3b3: {  	[sflag:s10] =	ssyncadd.s32 $0xFFFFF000  }
0x3b4: {  	_ =	swait.ge [sflag:s10], $0x1000  }
0x3b5: {  	[sflag:s10] =	ssyncset.done $0x0  }
0x3b6: {  	[sflag:s10] =	ssyncadd.s32 $0xFFFFF000  }
0x3b7: {  	_ =	swait.ge [sflag:s10], $0x1000  }
0x3b8: {  	[sflag:s10] =	ssyncset.done $0x0  }
0x3b9: {  	[sflag:s10] =	ssyncadd.s32 $0xFFFFF000  }
0x3ba: {  	_ =	swait.ge [sflag:s10], $0x1000  }
0x3bb: {  	[sflag:s10] =	ssyncset.done $0x0  }
0x3bc: {  	[sflag:s10] =	ssyncadd.s32 $0xFFFFF000  }
0x3bd: {  	_ =	swait.ge [sflag:s10], $0x1000  }
0x3be: {  	[sflag:s10] =	ssyncset.done $0x0  }
0x3bf: {  	[sflag:s10] =	ssyncadd.s32 $0xFFFFF000  }
0x3c0: {  	_ =	swait.ge [sflag:s10], $0x1000  }
0x3c1: {  	[sflag:s10] =	ssyncset.done $0x0  }
0x3c2: {  	[sflag:s10] =	ssyncadd.s32 $0xFFFFF000  }
0x3c3: {  	_ =	swait.ge [sflag:s10], $0x1000  }
0x3c4: {  	[sflag:s10] =	ssyncset.done $0x0  }
0x3c5: {  	[sflag:s10] =	ssyncadd.s32 $0xFFFFF000  }
0x3c6: {  	_ =	swait.ge [sflag:s10], $0x1000  }
0x3c7: {  	[sflag:s10] =	ssyncset.done $0x0  }
0x3c8: {  	[sflag:s10] =	ssyncadd.s32 $0xFFFFF000  }
0x3c9: {  	_ =	swait.ge [sflag:s10], $0x1000  }
0x3ca: {  	[sflag:s10] =	ssyncset.done $0x0  }
0x3cb: {  	[sflag:s10] =	ssyncadd.s32 $0xFFFFF000  }
0x3cc: {  	_ =	swait.ge [sflag:s10], $0x1000  }
0x3cd: {  	[sflag:s10] =	ssyncset.done $0x0  }
0x3ce: {  	[sflag:s10] =	ssyncadd.s32 $0xFFFFF000  }
0x3cf: {  	_ =	swait.ge [sflag:s10], $0x1000  }
0x3d0: {  	[sflag:s10] =	ssyncset.done $0x0  }
0x3d1: {  	[sflag:s10] =	ssyncadd.s32 $0xFFFFF000  }
0x3d2: {  	_ =	swait.ge [sflag:s10], $0x1000  }
0x3d3: {  	[sflag:s10] =	ssyncset.done $0x0  }
0x3d4: {  	[sflag:s10] =	ssyncadd.s32 $0xFFFFF000  }
0x3d5: {  	_ =	swait.ge [sflag:s10], $0x1000  }
0x3d6: {  	[sflag:s10] =	ssyncset.done $0x0  }
0x3d7: {  	[sflag:s10] =	ssyncadd.s32 $0xFFFFF000  }
0x3d8: {  	_ =	swait.ge [sflag:s10], $0x1000  }
0x3d9: {  	[sflag:s10] =	ssyncset.done $0x0  }
0x3da: {  	[sflag:s10] =	ssyncadd.s32 $0xFFFFF000  }
0x3db: {  	_ =	swait.ge [sflag:s10], $0x1000  }
0x3dc: {  	[sflag:s10] =	ssyncset.done $0x0  }
0x3dd: {  	[sflag:s10] =	ssyncadd.s32 $0xFFFFF000  }
0x3de: {  	_ =	swait.ge [sflag:s10], $0x1000  }
0x3df: {  	[sflag:s10] =	ssyncset.done $0x0  }
0x3e0: {  	[sflag:s10] =	ssyncadd.s32 $0xFFFFF000  }
0x3e1: {  	_ =	swait.ge [sflag:s10], $0x1000  }
0x3e2: {  	[sflag:s10] =	ssyncset.done $0x0  }
0x3e3: {  	[sflag:s10] =	ssyncadd.s32 $0xFFFFF000  }
0x3e4: {  	_ =	swait.ge [sflag:s10], $0x1000  }
0x3e5: {  	[sflag:s10] =	ssyncset.done $0x0  }
0x3e6: {  	[sflag:s10] =	ssyncadd.s32 $0xFFFFF000  }
0x3e7: {  	_ =	swait.ge [sflag:s10], $0x1000  }
0x3e8: {  	[sflag:s10] =	ssyncset.done $0x0  }
0x3e9: {  	[sflag:s10] =	ssyncadd.s32 $0xFFFFF000  }
0x3ea: {  	_ =	swait.ge [sflag:s10], $0x1000  }
0x3eb: {  	[sflag:s10] =	ssyncset.done $0x0  }
0x3ec: {  	[sflag:s10] =	ssyncadd.s32 $0xFFFFF000  }
0x3ed: {  	_ =	swait.ge [sflag:s10], $0x1000  }
0x3ee: {  	[sflag:s10] =	ssyncset.done $0x0  }
0x3ef: {  	[sflag:s10] =	ssyncadd.s32 $0xFFFFF000  }
0x3f0: {  	_ =	swait.ge [sflag:s10], $0x1000  }
0x3f1: {  	[sflag:s10] =	ssyncset.done $0x0  }
0x3f2: {  	[sflag:s10] =	ssyncadd.s32 $0xFFFFF000  }
.LBB2_7:
.Ltmp5:
0x3f3: {  	(pc) =	sbr.rel @p2 .LBB2_9-.Ltmp5, $1  }
0x3f4: {  	_ =	sdelay $0x3  }
0x3f5: {  	_ =	swait.ge [sflag:s10], $0x1000  }
0x3f6: {  	[sflag:s10] =	ssyncset.done $0x0  }
0x3f7: {  	[sflag:s10] =	ssyncadd.s32 $0xFFFFF000  }
0x3f8: {  	_ =	swait.ge [sflag:s10], $0x1000  }
0x3f9: {  	[sflag:s10] =	ssyncset.done $0x0  }
0x3fa: {  	[sflag:s10] =	ssyncadd.s32 $0xFFFFF000  }
0x3fb: {  	_ =	swait.ge [sflag:s10], $0x1000  }
0x3fc: {  	[sflag:s10] =	ssyncset.done $0x0  }
0x3fd: {  	[sflag:s10] =	ssyncadd.s32 $0xFFFFF000  }
0x3fe: {  	_ =	swait.ge [sflag:s10], $0x1000  }
0x3ff: {  	[sflag:s10] =	ssyncset.done $0x0  }
0x400: {  	[sflag:s10] =	ssyncadd.s32 $0xFFFFF000  }
0x401: {  	_ =	swait.ge [sflag:s10], $0x1000  }
0x402: {  	[sflag:s10] =	ssyncset.done $0x0  }
0x403: {  	[sflag:s10] =	ssyncadd.s32 $0xFFFFF000  }
0x404: {  	_ =	swait.ge [sflag:s10], $0x1000  }
0x405: {  	[sflag:s10] =	ssyncset.done $0x0  }
0x406: {  	[sflag:s10] =	ssyncadd.s32 $0xFFFFF000  }
0x407: {  	_ =	swait.ge [sflag:s10], $0x1000  }
0x408: {  	[sflag:s10] =	ssyncset.done $0x0  }
0x409: {  	[sflag:s10] =	ssyncadd.s32 $0xFFFFF000  }
0x40a: {  	_ =	swait.ge [sflag:s10], $0x1000  }
0x40b: {  	[sflag:s10] =	ssyncset.done $0x0  }
0x40c: {  	[sflag:s10] =	ssyncadd.s32 $0xFFFFF000  }
0x40d: {  	_ =	swait.ge [sflag:s10], $0x1000  }
0x40e: {  	[sflag:s10] =	ssyncset.done $0x0  }
0x40f: {  	[sflag:s10] =	ssyncadd.s32 $0xFFFFF000  }
0x410: {  	_ =	swait.ge [sflag:s10], $0x1000  }
0x411: {  	[sflag:s10] =	ssyncset.done $0x0  }
0x412: {  	[sflag:s10] =	ssyncadd.s32 $0xFFFFF000  }
0x413: {  	_ =	swait.ge [sflag:s10], $0x1000  }
0x414: {  	[sflag:s10] =	ssyncset.done $0x0  }
0x415: {  	[sflag:s10] =	ssyncadd.s32 $0xFFFFF000  }
0x416: {  	_ =	swait.ge [sflag:s10], $0x1000  }
0x417: {  	[sflag:s10] =	ssyncset.done $0x0  }
0x418: {  	[sflag:s10] =	ssyncadd.s32 $0xFFFFF000  }
0x419: {  	_ =	swait.ge [sflag:s10], $0x1000  }
0x41a: {  	[sflag:s10] =	ssyncset.done $0x0  }
0x41b: {  	[sflag:s10] =	ssyncadd.s32 $0xFFFFF000  }
0x41c: {  	_ =	swait.ge [sflag:s10], $0x1000  }
0x41d: {  	[sflag:s10] =	ssyncset.done $0x0  }
0x41e: {  	[sflag:s10] =	ssyncadd.s32 $0xFFFFF000  }
0x41f: {  	_ =	swait.ge [sflag:s10], $0x1000  }
0x420: {  	[sflag:s10] =	ssyncset.done $0x0  }
0x421: {  	[sflag:s10] =	ssyncadd.s32 $0xFFFFF000  }
0x422: {  	_ =	swait.ge [sflag:s10], $0x1000  }
0x423: {  	[sflag:s10] =	ssyncset.done $0x0  }
0x424: {  	[sflag:s10] =	ssyncadd.s32 $0xFFFFF000  }
0x425: {  	_ =	swait.ge [sflag:s10], $0x1000  }
0x426: {  	[sflag:s10] =	ssyncset.done $0x0  }
0x427: {  	[sflag:s10] =	ssyncadd.s32 $0xFFFFF000  }
0x428: {  	_ =	swait.ge [sflag:s10], $0x1000  }
0x429: {  	[sflag:s10] =	ssyncset.done $0x0  }
0x42a: {  	[sflag:s10] =	ssyncadd.s32 $0xFFFFF000  }
0x42b: {  	_ =	swait.ge [sflag:s10], $0x1000  }
0x42c: {  	[sflag:s10] =	ssyncset.done $0x0  }
0x42d: {  	[sflag:s10] =	ssyncadd.s32 $0xFFFFF000  }
0x42e: {  	_ =	swait.ge [sflag:s10], $0x1000  }
0x42f: {  	[sflag:s10] =	ssyncset.done $0x0  }
0x430: {  	[sflag:s10] =	ssyncadd.s32 $0xFFFFF000  }
0x431: {  	_ =	swait.ge [sflag:s10], $0x1000  }
0x432: {  	[sflag:s10] =	ssyncset.done $0x0  }
0x433: {  	[sflag:s10] =	ssyncadd.s32 $0xFFFFF000  }
0x434: {  	_ =	swait.ge [sflag:s10], $0x1000  }
0x435: {  	[sflag:s10] =	ssyncset.done $0x0  }
0x436: {  	[sflag:s10] =	ssyncadd.s32 $0xFFFFF000  }
0x437: {  	_ =	swait.ge [sflag:s10], $0x1000  }
0x438: {  	[sflag:s10] =	ssyncset.done $0x0  }
0x439: {  	[sflag:s10] =	ssyncadd.s32 $0xFFFFF000  }
0x43a: {  	_ =	swait.ge [sflag:s10], $0x1000  }
0x43b: {  	[sflag:s10] =	ssyncset.done $0x0  }
0x43c: {  	[sflag:s10] =	ssyncadd.s32 $0xFFFFF000  }
0x43d: {  	_ =	swait.ge [sflag:s10], $0x1000  }
0x43e: {  	[sflag:s10] =	ssyncset.done $0x0  }
0x43f: {  	[sflag:s10] =	ssyncadd.s32 $0xFFFFF000  }
0x440: {  	_ =	swait.ge [sflag:s10], $0x1000  }
0x441: {  	[sflag:s10] =	ssyncset.done $0x0  }
0x442: {  	[sflag:s10] =	ssyncadd.s32 $0xFFFFF000  }
0x443: {  	_ =	swait.ge [sflag:s10], $0x1000  }
0x444: {  	[sflag:s10] =	ssyncset.done $0x0  }
0x445: {  	[sflag:s10] =	ssyncadd.s32 $0xFFFFF000  }
0x446: {  	_ =	swait.ge [sflag:s10], $0x1000  }
0x447: {  	[sflag:s10] =	ssyncset.done $0x0  }
0x448: {  	[sflag:s10] =	ssyncadd.s32 $0xFFFFF000  }
0x449: {  	_ =	swait.ge [sflag:s10], $0x1000  }
0x44a: {  	[sflag:s10] =	ssyncset.done $0x0  }
0x44b: {  	[sflag:s10] =	ssyncadd.s32 $0xFFFFF000  }
0x44c: {  	_ =	swait.ge [sflag:s10], $0x1000  }
0x44d: {  	[sflag:s10] =	ssyncset.done $0x0  }
0x44e: {  	[sflag:s10] =	ssyncadd.s32 $0xFFFFF000  }
0x44f: {  	_ =	swait.ge [sflag:s10], $0x1000  }
.Ltmp6:
0x450: {  	[sflag:s10] =	ssyncset.done $0x0;
	(pc) =	sbr.rel .LBB2_9-.Ltmp6, $4  }
0x451: {  	[sflag:s10] =	ssyncadd.s32 $0xFFFFF000  }
0x452: {  	_ =	swait.ge [sflag:s10], $0x1000  }
0x453: {  	[sflag:s10] =	ssyncset.done $0x0  }
0x454: {  	[sflag:s10] =	ssyncadd.s32 $0xFFFFF000  }
.LBB2_10:
0x455: {  	_ =	sfence.sel $0x180000  }
0x456: {  	[bflag:$0x0] =	sbarrier.arrive $0xFFFF  }
0x457: {  	_ =	strace $0x90000047  }
0x458: {  	[bflag:$0x2] =	sbarrier.arrive $0xFFFF  }
0x459: {  	p0 =	sne.s32 s0, $0x0;
	s0 =	rddreg [dreg:$0x4]  }
0x45a: {  	s0 =	sadd.s32 @!p0 $0x100000, s0  }
0x45b: {  	[sflag:s0] =	ssyncadd.tile.s32 @!p0 $0x1;
	_ =	shalt  }
.Lfunc_end2:
_tile_overlayer_lowered:
.L_overlay_start_2:
0x45c: {  	(tag) =	ssettag $0x2  }
0x45d: {  	s0 =	rddreg [dreg:$0x0];
	s2 =	stileid.u32  }
0x45e: {  	s1 =	rddreg [dreg:$0x1];
	p0 =	sne.s32 s2, $0x0  }
0x45f: {  	s3 =	rddreg [dreg:$0x2];
	[bflag:$0x3] =	sbarrier.arrive $0xFFFF;
	s2 =	simm.s32 @!p0 $0x1C08  }
0x460: {  	[timem:s3], [sflag:s2] =	dma.local @!p0 [hbm:s0], s1  }
0x461: {  	s0 =	simm.s32 @!p0 $0x8  }
0x462: {  	_ =	swait.ge @!p0 [sflag:s0], s1  }
0x463: {  	s1 =	ssub.s32 @!p0 $0x0, s1;
	[sflag:s0] =	ssyncset.done @!p0 $0x0  }
0x464: {  	[sflag:s0] =	ssyncadd.s32 @!p0 s1  }
0x465: {  	[bflag:$0x3] =	sbarrier.arrive $0xFFFF  }
0x466: {  	_ =	shalt  }

</sc_bundles>
